<compile_context>
chip_gen: v7x
topology: tpu7x:2x2x1
jax: 0.10.2.dev20260603
libtpu: 0.0.44.dev20260713+nightly
codegen_flags: <defaults>
</compile_context>

<pallas_src>
import functools

import jax
import jax.numpy as jnp
from jax import lax
from jax.experimental import pallas as pl
from jax.experimental.pallas import tpu as pltpu
from jax.experimental.pallas import tpu_sc as plsc


def _sc_geometry():
    try:
        info = plsc.get_sparse_core_info()
        return info.num_cores, info.num_subcores, info.num_lanes
    except Exception:
        return 2, 16, 16


@functools.cache
def _build(B: int, T: int, D: int, A: int):
    NC, NS, L = _sc_geometry()
    NW = NC * NS
    assert B % (8 * NW) == 0, "batch must split 8-aligned across subcores"
    b_per_w = B // NW
    BATCH = 32
    n_batches = b_per_w // BATCH
    mesh = plsc.VectorSubcoreMesh(core_axis_name="c", subcore_axis_name="s")

    @functools.partial(
        pl.kernel,
        mesh=mesh,
        out_type=jax.ShapeDtypeStruct((D, B), jnp.float32),
        scratch_types=[
            pltpu.VMEM((b_per_w,), jnp.int32),
            pltpu.VMEM((b_per_w,), jnp.int32),
            pltpu.VMEM((b_per_w,), jnp.int32),
            pltpu.VMEM((-(-A // L) * L,), jnp.int32),
            pltpu.VMEM((BATCH, 8, D), jnp.float32),
            pltpu.VMEM((BATCH, 8, D), jnp.float32),
            pltpu.VMEM((BATCH, 8, D), jnp.float32),
            pltpu.VMEM((D, b_per_w), jnp.float32),
            pltpu.SemaphoreType.DMA,
            pltpu.SemaphoreType.DMA,
            pltpu.SemaphoreType.DMA,
        ],
        compiler_params=pltpu.CompilerParams(
            use_tc_tiling_on_sc=True, needs_layout_passes=False),
    )
    def k(a_hbm, s_hbm, off_hbm, tab_hbm, out_hbm,
          a_v, s_v, idx_v, off_v, buf_a, buf_b, buf_c, rows_v,
          sem0, sem1, sem2):
        wid = lax.axis_index("s") * NC + lax.axis_index("c")
        base = wid * b_per_w
        cp_a = pltpu.make_async_copy(a_hbm.at[pl.ds(base, b_per_w)], a_v, sem0)
        cp_s = pltpu.make_async_copy(s_hbm.at[pl.ds(base, b_per_w)], s_v, sem1)
        cp_o = pltpu.make_async_copy(off_hbm, off_v.at[pl.ds(0, A)], sem2)
        cp_a.start(); cp_s.start(); cp_o.start()
        cp_a.wait(); cp_s.wait(); cp_o.wait()
        for i in range(b_per_w // L):
            a = a_v[pl.ds(i * L, L)]
            off = plsc.load_gather(off_v, [a])
            idx_v[pl.ds(i * L, L)] = off + s_v[pl.ds(i * L, L)]

        bufs = (buf_a, buf_b, buf_c)
        sems = (sem0, sem1, sem2)
        DEPTH = len(bufs)
        row_ids = [lax.iota(jnp.int32, L) + kk * L for kk in range(D // L)]

        def fire(batch):
            buf, sem = bufs[batch % DEPTH], sems[batch % DEPTH]

            def body(g, carry):
                vec = idx_v[pl.ds(batch * BATCH + g * L, L)]
                for lane in range(L):
                    tid = vec[lane] >> 3
                    pltpu.make_async_copy(
                        tab_hbm.at[pl.ds(tid, 1)],
                        buf.at[pl.ds(g * L + lane, 1)], sem).start()
                return carry

            lax.fori_loop(0, BATCH // L, body, 0)

        def drain(batch):
            buf, sem = bufs[batch % DEPTH], sems[batch % DEPTH]
            pltpu.make_async_copy(tab_hbm.at[pl.ds(0, BATCH)], buf, sem).wait()

        def extract(batch):
            buf = bufs[batch % DEPTH]

            def body(g, carry):
                j0 = batch * BATCH + g * L
                vec = idx_v[pl.ds(j0, L)]
                for lane in range(L):
                    r = vec[lane] & 7
                    jj = g * L + lane
                    col = jnp.full((L,), j0 + lane, jnp.int32)
                    for kk in range(D // L):
                        x = buf[jj, r, pl.ds(kk * L, L)]
                        plsc.store_scatter(rows_v, [row_ids[kk], col], x)
                return carry

            lax.fori_loop(0, BATCH // L, body, 0)

        for batch in range(min(DEPTH, n_batches)):
            fire(batch)
        for batch in range(n_batches):
            drain(batch)
            if batch + DEPTH < n_batches:
                fire(batch + DEPTH)
            extract(batch)
        pltpu.sync_copy(rows_v, out_hbm.at[:, pl.ds(base, b_per_w)])

    return k


def kernel(asset_index, shape_index, sub_embedding_sizes, offsets, table):
    del sub_embedding_sizes
    B = asset_index.shape[0]
    V, D = table.shape
    A = offsets.shape[0]
    assert V % 8 == 0
    tab3 = table.reshape(V // 8, 8, D)
    out_t = _build(B, V // 8, D, A)(asset_index, shape_index, offsets, tab3)
    return out_t.T

# --- scband reference (transcript-rebuilt; emitter-appended) ---
"""Pipeline reference for scband-double-embedding-66864050864725 (READ-ONLY COPY).

The authoritative reference and input builder live on the scoring server;
editing this copy changes nothing except your own understanding.
"""

import jax, jax.numpy as jnp
import numpy as np

NUM_ASSETS = 100
SUB_SIZE = 1000
EMBED_DIM = 64
BATCH = 4096


def setup_inputs(seed: int = 0) -> dict:
    key = jax.random.key(seed)
    k1, k2, k3 = jax.random.split(key, 3)
    asset_index = jax.random.randint(k1, (BATCH,), 0, NUM_ASSETS, dtype=jnp.int32)
    shape_index = jax.random.randint(k2, (BATCH,), 0, SUB_SIZE, dtype=jnp.int32)
    # buffers from __init__: sub_embedding_sizes and offsets (exclusive cumsum)
    sub_embedding_sizes = jnp.full((NUM_ASSETS,), SUB_SIZE, dtype=jnp.int32)
    offsets = jnp.concatenate([jnp.zeros((1,), dtype=jnp.int32), jnp.cumsum(sub_embedding_sizes[:-1]).astype(jnp.int32)], axis=0)
    # learned parameter: the big embedding table of size sum(sub_embedding_sizes)
    table = jax.random.normal(k3, (NUM_ASSETS * SUB_SIZE, EMBED_DIM), dtype=jnp.float32)
    return {
        "asset_index": asset_index,
        "shape_index": shape_index,
        "sub_embedding_sizes": sub_embedding_sizes,
        "offsets": offsets,
        "table": table,
    }


def reference(asset_index, shape_index, sub_embedding_sizes, offsets, table):
    # assert (shape_index < sub_embedding_sizes[asset_index]).all()  -- guaranteed by construction
    # indices = F.embedding(asset_index, offsets) + shape_index
    per_asset_offset = jnp.take(offsets, asset_index, axis=0)
    indices = per_asset_offset + shape_index
    # embedding lookup into the concatenated table
    embedding = jnp.take(table, indices, axis=0)
    return embedding

if __name__ == "__main__":
    import jax
    _d = setup_inputs()
    print(jax.jit(kernel)(*tuple(_d.values())))

</pallas_src>

<mosaic_0001>
#map = affine_map<(d0, d1) -> (0)>
#map1 = affine_map<(d0, d1) -> (0, 0, 0)>
#map2 = affine_map<(d0, d1) -> (0, 0)>
module attributes {stable_mosaic.version = 14 : i64} {
  func.func @k(%arg0: i32, %arg1: i32, %arg2: memref<4096xi32, #tpu.memory_space<hbm>>, %arg3: memref<4096xi32, #tpu.memory_space<hbm>>, %arg4: memref<100xi32, #tpu.memory_space<hbm>>, %arg5: memref<12500x8x64xf32, #tpu.memory_space<hbm>>, %arg6: memref<64x4096xf32, #tpu.memory_space<hbm>>, %arg7: memref<128xi32, #tpu.memory_space<vmem>>, %arg8: memref<128xi32, #tpu.memory_space<vmem>>, %arg9: memref<128xi32, #tpu.memory_space<vmem>>, %arg10: memref<112xi32, #tpu.memory_space<vmem>>, %arg11: memref<32x8x64xf32, #tpu.memory_space<vmem>>, %arg12: memref<32x8x64xf32, #tpu.memory_space<vmem>>, %arg13: memref<32x8x64xf32, #tpu.memory_space<vmem>>, %arg14: memref<64x128xf32, #tpu.memory_space<vmem>>, %arg15: memref<!tpu.dma_semaphore, #tpu.memory_space<semaphore_mem>>, %arg16: memref<!tpu.dma_semaphore, #tpu.memory_space<semaphore_mem>>, %arg17: memref<!tpu.dma_semaphore, #tpu.memory_space<semaphore_mem>>) attributes {dimension_semantics = [#tpu.dimension_semantics<core_parallel>, #tpu.dimension_semantics<subcore_parallel>], iteration_bounds = array<i64: 2, 16>, scalar_prefetch = 0 : i64, scratch_operands = 11 : i64, tpu.core_type = #tpu.core_type<sc_vector_subcore>, window_params = [{transform_indices = #map}, {transform_indices = #map}, {transform_indices = #map}, {transform_indices = #map1}, {transform_indices = #map2}]} {
    %mul3A = arith.constant 2 : i32
    %mul3A_0 = arith.muli %arg1, %mul3A : i32
    %add3A = arith.addi %mul3A_0, %arg0 : i32
    %mul3A_1 = arith.constant 128 : i32
    %mul3A_2 = arith.muli %add3A, %mul3A_1 : i32
    %dma_start3A = tpu.memref_slice %arg2[%mul3A_2] : memref<4096xi32, #tpu.memory_space<hbm>> -> memref<128xi32, #tpu.memory_space<hbm>>
    %dma_start3A_3 = tpu.memref_slice %arg2[%mul3A_2] : memref<4096xi32, #tpu.memory_space<hbm>> -> memref<128xi32, #tpu.memory_space<hbm>>
    tpu.enqueue_dma source(%dma_start3A_3 : memref<128xi32, #tpu.memory_space<hbm>>) target(%arg7 : memref<128xi32, #tpu.memory_space<vmem>>) target_semaphore(%arg15 : memref<!tpu.dma_semaphore, #tpu.memory_space<semaphore_mem>>)
    %dma_start3A_4 = tpu.memref_slice %arg3[%mul3A_2] : memref<4096xi32, #tpu.memory_space<hbm>> -> memref<128xi32, #tpu.memory_space<hbm>>
    %dma_start3A_5 = tpu.memref_slice %arg3[%mul3A_2] : memref<4096xi32, #tpu.memory_space<hbm>> -> memref<128xi32, #tpu.memory_space<hbm>>
    tpu.enqueue_dma source(%dma_start3A_5 : memref<128xi32, #tpu.memory_space<hbm>>) target(%arg8 : memref<128xi32, #tpu.memory_space<vmem>>) target_semaphore(%arg16 : memref<!tpu.dma_semaphore, #tpu.memory_space<semaphore_mem>>)
    %dma_start3A_6 = arith.constant 0 : i32
    %dma_start3A_7 = tpu.memref_slice %arg10[%dma_start3A_6] : memref<112xi32, #tpu.memory_space<vmem>> -> memref<100xi32, #tpu.memory_space<vmem>>
    %dma_start3A_8 = arith.constant 0 : i32
    %dma_start3A_9 = tpu.memref_slice %arg10[%dma_start3A_8] : memref<112xi32, #tpu.memory_space<vmem>> -> memref<100xi32, #tpu.memory_space<vmem>>
    tpu.enqueue_dma source(%arg4 : memref<100xi32, #tpu.memory_space<hbm>>) target(%dma_start3A_9 : memref<100xi32, #tpu.memory_space<vmem>>) target_semaphore(%arg17 : memref<!tpu.dma_semaphore, #tpu.memory_space<semaphore_mem>>)
    %dma_wait3A = tpu.memref_slice %arg2[%mul3A_2] : memref<4096xi32, #tpu.memory_space<hbm>> -> memref<128xi32, #tpu.memory_space<hbm>>
    %dma_wait3A_10 = tpu.memref_slice %arg2[%mul3A_2] : memref<4096xi32, #tpu.memory_space<hbm>> -> memref<128xi32, #tpu.memory_space<hbm>>
    tpu.wait_dma2 semaphore(%arg15 : memref<!tpu.dma_semaphore, #tpu.memory_space<semaphore_mem>>) src(%dma_wait3A_10 : memref<128xi32, #tpu.memory_space<hbm>>) dst(%arg7 : memref<128xi32, #tpu.memory_space<vmem>>)
    %dma_wait3A_11 = tpu.memref_slice %arg3[%mul3A_2] : memref<4096xi32, #tpu.memory_space<hbm>> -> memref<128xi32, #tpu.memory_space<hbm>>
    %dma_wait3A_12 = tpu.memref_slice %arg3[%mul3A_2] : memref<4096xi32, #tpu.memory_space<hbm>> -> memref<128xi32, #tpu.memory_space<hbm>>
    tpu.wait_dma2 semaphore(%arg16 : memref<!tpu.dma_semaphore, #tpu.memory_space<semaphore_mem>>) src(%dma_wait3A_12 : memref<128xi32, #tpu.memory_space<hbm>>) dst(%arg8 : memref<128xi32, #tpu.memory_space<vmem>>)
    %dma_wait3A_13 = arith.constant 0 : i32
    %dma_wait3A_14 = tpu.memref_slice %arg10[%dma_wait3A_13] : memref<112xi32, #tpu.memory_space<vmem>> -> memref<100xi32, #tpu.memory_space<vmem>>
    %dma_wait3A_15 = arith.constant 0 : i32
    %dma_wait3A_16 = tpu.memref_slice %arg10[%dma_wait3A_15] : memref<112xi32, #tpu.memory_space<vmem>> -> memref<100xi32, #tpu.memory_space<vmem>>
    tpu.wait_dma2 semaphore(%arg17 : memref<!tpu.dma_semaphore, #tpu.memory_space<semaphore_mem>>) src(%arg4 : memref<100xi32, #tpu.memory_space<hbm>>) dst(%dma_wait3A_16 : memref<100xi32, #tpu.memory_space<vmem>>)
    %get3A = arith.constant 0 : index
    %get3A_17 = tpu.vector_load %arg7[%get3A] {strides = array<i32>} : memref<128xi32, #tpu.memory_space<vmem>>, vector<16xi32>,
    %gather3A = tpu.vector_load_idx %arg10[%get3A_17] : memref<112xi32, #tpu.memory_space<vmem>>[vector<16xi32>], vector<16xi32>,
    %get3A_18 = arith.constant 0 : index
    %get3A_19 = tpu.vector_load %arg8[%get3A_18] {strides = array<i32>} : memref<128xi32, #tpu.memory_space<vmem>>, vector<16xi32>,
    %add3A_20 = arith.addi %gather3A, %get3A_19 : vector<16xi32>
    %swap3A = arith.constant 0 : index
    %swap3A_21 = tpu.vector_load %arg9[%swap3A] {strides = array<i32>} : memref<128xi32, #tpu.memory_space<vmem>>, vector<16xi32>,
    tpu.vector_store %arg9[%swap3A], %add3A_20 {strides = array<i32>} : memref<128xi32, #tpu.memory_space<vmem>>, vector<16xi32>,
    %get3A_22 = arith.constant 16 : index
    %get3A_23 = tpu.vector_load %arg7[%get3A_22] {strides = array<i32>} : memref<128xi32, #tpu.memory_space<vmem>>, vector<16xi32>,
    %gather3A_24 = tpu.vector_load_idx %arg10[%get3A_23] : memref<112xi32, #tpu.memory_space<vmem>>[vector<16xi32>], vector<16xi32>,
    %get3A_25 = arith.constant 16 : index
    %get3A_26 = tpu.vector_load %arg8[%get3A_25] {strides = array<i32>} : memref<128xi32, #tpu.memory_space<vmem>>, vector<16xi32>,
    %add3A_27 = arith.addi %gather3A_24, %get3A_26 : vector<16xi32>
    %swap3A_28 = arith.constant 16 : index
    %swap3A_29 = tpu.vector_load %arg9[%swap3A_28] {strides = array<i32>} : memref<128xi32, #tpu.memory_space<vmem>>, vector<16xi32>,
    tpu.vector_store %arg9[%swap3A_28], %add3A_27 {strides = array<i32>} : memref<128xi32, #tpu.memory_space<vmem>>, vector<16xi32>,
    %get3A_30 = arith.constant 32 : index
    %get3A_31 = tpu.vector_load %arg7[%get3A_30] {strides = array<i32>} : memref<128xi32, #tpu.memory_space<vmem>>, vector<16xi32>,
    %gather3A_32 = tpu.vector_load_idx %arg10[%get3A_31] : memref<112xi32, #tpu.memory_space<vmem>>[vector<16xi32>], vector<16xi32>,
    %get3A_33 = arith.constant 32 : index
    %get3A_34 = tpu.vector_load %arg8[%get3A_33] {strides = array<i32>} : memref<128xi32, #tpu.memory_space<vmem>>, vector<16xi32>,
    %add3A_35 = arith.addi %gather3A_32, %get3A_34 : vector<16xi32>
    %swap3A_36 = arith.constant 32 : index
    %swap3A_37 = tpu.vector_load %arg9[%swap3A_36] {strides = array<i32>} : memref<128xi32, #tpu.memory_space<vmem>>, vector<16xi32>,
    tpu.vector_store %arg9[%swap3A_36], %add3A_35 {strides = array<i32>} : memref<128xi32, #tpu.memory_space<vmem>>, vector<16xi32>,
    %get3A_38 = arith.constant 48 : index
    %get3A_39 = tpu.vector_load %arg7[%get3A_38] {strides = array<i32>} : memref<128xi32, #tpu.memory_space<vmem>>, vector<16xi32>,
    %gather3A_40 = tpu.vector_load_idx %arg10[%get3A_39] : memref<112xi32, #tpu.memory_space<vmem>>[vector<16xi32>], vector<16xi32>,
    %get3A_41 = arith.constant 48 : index
    %get3A_42 = tpu.vector_load %arg8[%get3A_41] {strides = array<i32>} : memref<128xi32, #tpu.memory_space<vmem>>, vector<16xi32>,
    %add3A_43 = arith.addi %gather3A_40, %get3A_42 : vector<16xi32>
    %swap3A_44 = arith.constant 48 : index
    %swap3A_45 = tpu.vector_load %arg9[%swap3A_44] {strides = array<i32>} : memref<128xi32, #tpu.memory_space<vmem>>, vector<16xi32>,
    tpu.vector_store %arg9[%swap3A_44], %add3A_43 {strides = array<i32>} : memref<128xi32, #tpu.memory_space<vmem>>, vector<16xi32>,
    %get3A_46 = arith.constant 64 : index
    %get3A_47 = tpu.vector_load %arg7[%get3A_46] {strides = array<i32>} : memref<128xi32, #tpu.memory_space<vmem>>, vector<16xi32>,
    %gather3A_48 = tpu.vector_load_idx %arg10[%get3A_47] : memref<112xi32, #tpu.memory_space<vmem>>[vector<16xi32>], vector<16xi32>,
    %get3A_49 = arith.constant 64 : index
    %get3A_50 = tpu.vector_load %arg8[%get3A_49] {strides = array<i32>} : memref<128xi32, #tpu.memory_space<vmem>>, vector<16xi32>,
    %add3A_51 = arith.addi %gather3A_48, %get3A_50 : vector<16xi32>
    %swap3A_52 = arith.constant 64 : index
    %swap3A_53 = tpu.vector_load %arg9[%swap3A_52] {strides = array<i32>} : memref<128xi32, #tpu.memory_space<vmem>>, vector<16xi32>,
    tpu.vector_store %arg9[%swap3A_52], %add3A_51 {strides = array<i32>} : memref<128xi32, #tpu.memory_space<vmem>>, vector<16xi32>,
    %get3A_54 = arith.constant 80 : index
    %get3A_55 = tpu.vector_load %arg7[%get3A_54] {strides = array<i32>} : memref<128xi32, #tpu.memory_space<vmem>>, vector<16xi32>,
    %gather3A_56 = tpu.vector_load_idx %arg10[%get3A_55] : memref<112xi32, #tpu.memory_space<vmem>>[vector<16xi32>], vector<16xi32>,
    %get3A_57 = arith.constant 80 : index
    %get3A_58 = tpu.vector_load %arg8[%get3A_57] {strides = array<i32>} : memref<128xi32, #tpu.memory_space<vmem>>, vector<16xi32>,
    %add3A_59 = arith.addi %gather3A_56, %get3A_58 : vector<16xi32>
    %swap3A_60 = arith.constant 80 : index
    %swap3A_61 = tpu.vector_load %arg9[%swap3A_60] {strides = array<i32>} : memref<128xi32, #tpu.memory_space<vmem>>, vector<16xi32>,
    tpu.vector_store %arg9[%swap3A_60], %add3A_59 {strides = array<i32>} : memref<128xi32, #tpu.memory_space<vmem>>, vector<16xi32>,
    %get3A_62 = arith.constant 96 : index
    %get3A_63 = tpu.vector_load %arg7[%get3A_62] {strides = array<i32>} : memref<128xi32, #tpu.memory_space<vmem>>, vector<16xi32>,
    %gather3A_64 = tpu.vector_load_idx %arg10[%get3A_63] : memref<112xi32, #tpu.memory_space<vmem>>[vector<16xi32>], vector<16xi32>,
    %get3A_65 = arith.constant 96 : index
    %get3A_66 = tpu.vector_load %arg8[%get3A_65] {strides = array<i32>} : memref<128xi32, #tpu.memory_space<vmem>>, vector<16xi32>,
    %add3A_67 = arith.addi %gather3A_64, %get3A_66 : vector<16xi32>
    %swap3A_68 = arith.constant 96 : index
    %swap3A_69 = tpu.vector_load %arg9[%swap3A_68] {strides = array<i32>} : memref<128xi32, #tpu.memory_space<vmem>>, vector<16xi32>,
    tpu.vector_store %arg9[%swap3A_68], %add3A_67 {strides = array<i32>} : memref<128xi32, #tpu.memory_space<vmem>>, vector<16xi32>,
    %get3A_70 = arith.constant 112 : index
    %get3A_71 = tpu.vector_load %arg7[%get3A_70] {strides = array<i32>} : memref<128xi32, #tpu.memory_space<vmem>>, vector<16xi32>,
    %gather3A_72 = tpu.vector_load_idx %arg10[%get3A_71] : memref<112xi32, #tpu.memory_space<vmem>>[vector<16xi32>], vector<16xi32>,
    %get3A_73 = arith.constant 112 : index
    %get3A_74 = tpu.vector_load %arg8[%get3A_73] {strides = array<i32>} : memref<128xi32, #tpu.memory_space<vmem>>, vector<16xi32>,
    %add3A_75 = arith.addi %gather3A_72, %get3A_74 : vector<16xi32>
    %swap3A_76 = arith.constant 112 : index
    %swap3A_77 = tpu.vector_load %arg9[%swap3A_76] {strides = array<i32>} : memref<128xi32, #tpu.memory_space<vmem>>, vector<16xi32>,
    tpu.vector_store %arg9[%swap3A_76], %add3A_75 {strides = array<i32>} : memref<128xi32, #tpu.memory_space<vmem>>, vector<16xi32>,
    %iota3A = tpu.iota {dimensions = array<i32: 0>} : vector<16xi32>
    %add3A_78 = arith.constant 0 : i32
    %add3A_79 = vector.broadcast %add3A_78 : i32 to vector<16xi32>
    %add3A_80 = arith.addi %iota3A, %add3A_79 : vector<16xi32>
    %iota3A_81 = tpu.iota {dimensions = array<i32: 0>} : vector<16xi32>
    %add3A_82 = arith.constant 16 : i32
    %add3A_83 = vector.broadcast %add3A_82 : i32 to vector<16xi32>
    %add3A_84 = arith.addi %iota3A_81, %add3A_83 : vector<16xi32>
    %iota3A_85 = tpu.iota {dimensions = array<i32: 0>} : vector<16xi32>
    %add3A_86 = arith.constant 32 : i32
    %add3A_87 = vector.broadcast %add3A_86 : i32 to vector<16xi32>
    %add3A_88 = arith.addi %iota3A_85, %add3A_87 : vector<16xi32>
    %iota3A_89 = tpu.iota {dimensions = array<i32: 0>} : vector<16xi32>
    %add3A_90 = arith.constant 48 : i32
    %add3A_91 = vector.broadcast %add3A_90 : i32 to vector<16xi32>
    %add3A_92 = arith.addi %iota3A_89, %add3A_91 : vector<16xi32>
    %scan3A = arith.constant 0 : i32
    %scan3A_93 = arith.constant 0 : i32
    %scan3A_94 = arith.constant 2 : i32
    %scan3A_95 = arith.addi %scan3A_93, %scan3A_94 : i32
    %scan3A_96 = arith.constant 1 : i32
    scf.for %scan3A_172 = %scan3A_93 to %scan3A_95 step %scan3A_96  : i32 {
      %mul3A_173 = arith.constant 16 : i32
      %mul3A_174 = arith.muli %scan3A_172, %mul3A_173 : i32
      %add3A_175 = arith.constant 0 : i32
      %add3A_176 = arith.addi %add3A_175, %mul3A_174 : i32
      %get3A_177 = arith.index_cast %add3A_176 : i32 to index
      %get3A_178 = tpu.vector_load %arg9[%get3A_177] {strides = array<i32>} : memref<128xi32, #tpu.memory_space<vmem>>, vector<16xi32>,
      %slice3A = vector.extract_strided_slice %get3A_178 {offsets = [0], sizes = [1], strides = [1]} : vector<16xi32> to vector<1xi32>
      %squeeze3A = vector.extract %slice3A[0] : i32 from vector<1xi32>
      %shift_right_arithmetic3A = arith.constant 3 : i32
      %shift_right_arithmetic3A_179 = arith.shrsi %squeeze3A, %shift_right_arithmetic3A : i32
      %mul3A_180 = arith.constant 16 : i32
      %mul3A_181 = arith.muli %scan3A_172, %mul3A_180 : i32
      %add3A_182 = arith.constant 0 : i32
      %add3A_183 = arith.addi %mul3A_181, %add3A_182 : i32
      %dma_start3A_184 = arith.constant 0 : i32
      %dma_start3A_185 = arith.constant 0 : i32
      %dma_start3A_186 = tpu.memref_slice %arg11[%add3A_183, %dma_start3A_184, %dma_start3A_185] : memref<32x8x64xf32, #tpu.memory_space<vmem>> -> memref<1x8x64xf32, #tpu.memory_space<vmem>>
      %dma_start3A_187 = arith.constant 0 : i32
      %dma_start3A_188 = arith.constant 0 : i32
      %dma_start3A_189 = tpu.memref_slice %arg5[%shift_right_arithmetic3A_179, %dma_start3A_187, %dma_start3A_188] : memref<12500x8x64xf32, #tpu.memory_space<hbm>> -> memref<1x8x64xf32, #tpu.memory_space<hbm>>
      %dma_start3A_190 = arith.constant 0 : i32
      %dma_start3A_191 = arith.constant 0 : i32
      %dma_start3A_192 = tpu.memref_slice %arg11[%add3A_183, %dma_start3A_190, %dma_start3A_191] : memref<32x8x64xf32, #tpu.memory_space<vmem>> -> memref<1x8x64xf32, #tpu.memory_space<vmem>>
      %dma_start3A_193 = arith.constant 0 : i32
      %dma_start3A_194 = arith.constant 0 : i32
      %dma_start3A_195 = tpu.memref_slice %arg5[%shift_right_arithmetic3A_179, %dma_start3A_193, %dma_start3A_194] : memref<12500x8x64xf32, #tpu.memory_space<hbm>> -> memref<1x8x64xf32, #tpu.memory_space<hbm>>
      tpu.enqueue_dma source(%dma_start3A_195 : memref<1x8x64xf32, #tpu.memory_space<hbm>>) target(%dma_start3A_192 : memref<1x8x64xf32, #tpu.memory_space<vmem>>) target_semaphore(%arg15 : memref<!tpu.dma_semaphore, #tpu.memory_space<semaphore_mem>>)
      %slice3A_196 = vector.extract_strided_slice %get3A_178 {offsets = [1], sizes = [1], strides = [1]} : vector<16xi32> to vector<1xi32>
      %squeeze3A_197 = vector.extract %slice3A_196[0] : i32 from vector<1xi32>
      %shift_right_arithmetic3A_198 = arith.constant 3 : i32
      %shift_right_arithmetic3A_199 = arith.shrsi %squeeze3A_197, %shift_right_arithmetic3A_198 : i32
      %mul3A_200 = arith.constant 16 : i32
      %mul3A_201 = arith.muli %scan3A_172, %mul3A_200 : i32
      %add3A_202 = arith.constant 1 : i32
      %add3A_203 = arith.addi %mul3A_201, %add3A_202 : i32
      %dma_start3A_204 = arith.constant 0 : i32
      %dma_start3A_205 = arith.constant 0 : i32
      %dma_start3A_206 = tpu.memref_slice %arg11[%add3A_203, %dma_start3A_204, %dma_start3A_205] : memref<32x8x64xf32, #tpu.memory_space<vmem>> -> memref<1x8x64xf32, #tpu.memory_space<vmem>>
      %dma_start3A_207 = arith.constant 0 : i32
      %dma_start3A_208 = arith.constant 0 : i32
      %dma_start3A_209 = tpu.memref_slice %arg5[%shift_right_arithmetic3A_199, %dma_start3A_207, %dma_start3A_208] : memref<12500x8x64xf32, #tpu.memory_space<hbm>> -> memref<1x8x64xf32, #tpu.memory_space<hbm>>
      %dma_start3A_210 = arith.constant 0 : i32
      %dma_start3A_211 = arith.constant 0 : i32
      %dma_start3A_212 = tpu.memref_slice %arg11[%add3A_203, %dma_start3A_210, %dma_start3A_211] : memref<32x8x64xf32, #tpu.memory_space<vmem>> -> memref<1x8x64xf32, #tpu.memory_space<vmem>>
      %dma_start3A_213 = arith.constant 0 : i32
      %dma_start3A_214 = arith.constant 0 : i32
      %dma_start3A_215 = tpu.memref_slice %arg5[%shift_right_arithmetic3A_199, %dma_start3A_213, %dma_start3A_214] : memref<12500x8x64xf32, #tpu.memory_space<hbm>> -> memref<1x8x64xf32, #tpu.memory_space<hbm>>
      tpu.enqueue_dma source(%dma_start3A_215 : memref<1x8x64xf32, #tpu.memory_space<hbm>>) target(%dma_start3A_212 : memref<1x8x64xf32, #tpu.memory_space<vmem>>) target_semaphore(%arg15 : memref<!tpu.dma_semaphore, #tpu.memory_space<semaphore_mem>>)
      %slice3A_216 = vector.extract_strided_slice %get3A_178 {offsets = [2], sizes = [1], strides = [1]} : vector<16xi32> to vector<1xi32>
      %squeeze3A_217 = vector.extract %slice3A_216[0] : i32 from vector<1xi32>
      %shift_right_arithmetic3A_218 = arith.constant 3 : i32
      %shift_right_arithmetic3A_219 = arith.shrsi %squeeze3A_217, %shift_right_arithmetic3A_218 : i32
      %mul3A_220 = arith.constant 16 : i32
      %mul3A_221 = arith.muli %scan3A_172, %mul3A_220 : i32
      %add3A_222 = arith.constant 2 : i32
      %add3A_223 = arith.addi %mul3A_221, %add3A_222 : i32
      %dma_start3A_224 = arith.constant 0 : i32
      %dma_start3A_225 = arith.constant 0 : i32
      %dma_start3A_226 = tpu.memref_slice %arg11[%add3A_223, %dma_start3A_224, %dma_start3A_225] : memref<32x8x64xf32, #tpu.memory_space<vmem>> -> memref<1x8x64xf32, #tpu.memory_space<vmem>>
      %dma_start3A_227 = arith.constant 0 : i32
      %dma_start3A_228 = arith.constant 0 : i32
      %dma_start3A_229 = tpu.memref_slice %arg5[%shift_right_arithmetic3A_219, %dma_start3A_227, %dma_start3A_228] : memref<12500x8x64xf32, #tpu.memory_space<hbm>> -> memref<1x8x64xf32, #tpu.memory_space<hbm>>
      %dma_start3A_230 = arith.constant 0 : i32
      %dma_start3A_231 = arith.constant 0 : i32
      %dma_start3A_232 = tpu.memref_slice %arg11[%add3A_223, %dma_start3A_230, %dma_start3A_231] : memref<32x8x64xf32, #tpu.memory_space<vmem>> -> memref<1x8x64xf32, #tpu.memory_space<vmem>>
      %dma_start3A_233 = arith.constant 0 : i32
      %dma_start3A_234 = arith.constant 0 : i32
      %dma_start3A_235 = tpu.memref_slice %arg5[%shift_right_arithmetic3A_219, %dma_start3A_233, %dma_start3A_234] : memref<12500x8x64xf32, #tpu.memory_space<hbm>> -> memref<1x8x64xf32, #tpu.memory_space<hbm>>
      tpu.enqueue_dma source(%dma_start3A_235 : memref<1x8x64xf32, #tpu.memory_space<hbm>>) target(%dma_start3A_232 : memref<1x8x64xf32, #tpu.memory_space<vmem>>) target_semaphore(%arg15 : memref<!tpu.dma_semaphore, #tpu.memory_space<semaphore_mem>>)
      %slice3A_236 = vector.extract_strided_slice %get3A_178 {offsets = [3], sizes = [1], strides = [1]} : vector<16xi32> to vector<1xi32>
      %squeeze3A_237 = vector.extract %slice3A_236[0] : i32 from vector<1xi32>
      %shift_right_arithmetic3A_238 = arith.constant 3 : i32
      %shift_right_arithmetic3A_239 = arith.shrsi %squeeze3A_237, %shift_right_arithmetic3A_238 : i32
      %mul3A_240 = arith.constant 16 : i32
      %mul3A_241 = arith.muli %scan3A_172, %mul3A_240 : i32
      %add3A_242 = arith.constant 3 : i32
      %add3A_243 = arith.addi %mul3A_241, %add3A_242 : i32
      %dma_start3A_244 = arith.constant 0 : i32
      %dma_start3A_245 = arith.constant 0 : i32
      %dma_start3A_246 = tpu.memref_slice %arg11[%add3A_243, %dma_start3A_244, %dma_start3A_245] : memref<32x8x64xf32, #tpu.memory_space<vmem>> -> memref<1x8x64xf32, #tpu.memory_space<vmem>>
      %dma_start3A_247 = arith.constant 0 : i32
      %dma_start3A_248 = arith.constant 0 : i32
      %dma_start3A_249 = tpu.memref_slice %arg5[%shift_right_arithmetic3A_239, %dma_start3A_247, %dma_start3A_248] : memref<12500x8x64xf32, #tpu.memory_space<hbm>> -> memref<1x8x64xf32, #tpu.memory_space<hbm>>
      %dma_start3A_250 = arith.constant 0 : i32
      %dma_start3A_251 = arith.constant 0 : i32
      %dma_start3A_252 = tpu.memref_slice %arg11[%add3A_243, %dma_start3A_250, %dma_start3A_251] : memref<32x8x64xf32, #tpu.memory_space<vmem>> -> memref<1x8x64xf32, #tpu.memory_space<vmem>>
      %dma_start3A_253 = arith.constant 0 : i32
      %dma_start3A_254 = arith.constant 0 : i32
      %dma_start3A_255 = tpu.memref_slice %arg5[%shift_right_arithmetic3A_239, %dma_start3A_253, %dma_start3A_254] : memref<12500x8x64xf32, #tpu.memory_space<hbm>> -> memref<1x8x64xf32, #tpu.memory_space<hbm>>
      tpu.enqueue_dma source(%dma_start3A_255 : memref<1x8x64xf32, #tpu.memory_space<hbm>>) target(%dma_start3A_252 : memref<1x8x64xf32, #tpu.memory_space<vmem>>) target_semaphore(%arg15 : memref<!tpu.dma_semaphore, #tpu.memory_space<semaphore_mem>>)
      %slice3A_256 = vector.extract_strided_slice %get3A_178 {offsets = [4], sizes = [1], strides = [1]} : vector<16xi32> to vector<1xi32>
      %squeeze3A_257 = vector.extract %slice3A_256[0] : i32 from vector<1xi32>
      %shift_right_arithmetic3A_258 = arith.constant 3 : i32
      %shift_right_arithmetic3A_259 = arith.shrsi %squeeze3A_257, %shift_right_arithmetic3A_258 : i32
      %mul3A_260 = arith.constant 16 : i32
      %mul3A_261 = arith.muli %scan3A_172, %mul3A_260 : i32
      %add3A_262 = arith.constant 4 : i32
      %add3A_263 = arith.addi %mul3A_261, %add3A_262 : i32
      %dma_start3A_264 = arith.constant 0 : i32
      %dma_start3A_265 = arith.constant 0 : i32
      %dma_start3A_266 = tpu.memref_slice %arg11[%add3A_263, %dma_start3A_264, %dma_start3A_265] : memref<32x8x64xf32, #tpu.memory_space<vmem>> -> memref<1x8x64xf32, #tpu.memory_space<vmem>>
      %dma_start3A_267 = arith.constant 0 : i32
      %dma_start3A_268 = arith.constant 0 : i32
      %dma_start3A_269 = tpu.memref_slice %arg5[%shift_right_arithmetic3A_259, %dma_start3A_267, %dma_start3A_268] : memref<12500x8x64xf32, #tpu.memory_space<hbm>> -> memref<1x8x64xf32, #tpu.memory_space<hbm>>
      %dma_start3A_270 = arith.constant 0 : i32
      %dma_start3A_271 = arith.constant 0 : i32
      %dma_start3A_272 = tpu.memref_slice %arg11[%add3A_263, %dma_start3A_270, %dma_start3A_271] : memref<32x8x64xf32, #tpu.memory_space<vmem>> -> memref<1x8x64xf32, #tpu.memory_space<vmem>>
      %dma_start3A_273 = arith.constant 0 : i32
      %dma_start3A_274 = arith.constant 0 : i32
      %dma_start3A_275 = tpu.memref_slice %arg5[%shift_right_arithmetic3A_259, %dma_start3A_273, %dma_start3A_274] : memref<12500x8x64xf32, #tpu.memory_space<hbm>> -> memref<1x8x64xf32, #tpu.memory_space<hbm>>
      tpu.enqueue_dma source(%dma_start3A_275 : memref<1x8x64xf32, #tpu.memory_space<hbm>>) target(%dma_start3A_272 : memref<1x8x64xf32, #tpu.memory_space<vmem>>) target_semaphore(%arg15 : memref<!tpu.dma_semaphore, #tpu.memory_space<semaphore_mem>>)
      %slice3A_276 = vector.extract_strided_slice %get3A_178 {offsets = [5], sizes = [1], strides = [1]} : vector<16xi32> to vector<1xi32>
      %squeeze3A_277 = vector.extract %slice3A_276[0] : i32 from vector<1xi32>
      %shift_right_arithmetic3A_278 = arith.constant 3 : i32
      %shift_right_arithmetic3A_279 = arith.shrsi %squeeze3A_277, %shift_right_arithmetic3A_278 : i32
      %mul3A_280 = arith.constant 16 : i32
      %mul3A_281 = arith.muli %scan3A_172, %mul3A_280 : i32
      %add3A_282 = arith.constant 5 : i32
      %add3A_283 = arith.addi %mul3A_281, %add3A_282 : i32
      %dma_start3A_284 = arith.constant 0 : i32
      %dma_start3A_285 = arith.constant 0 : i32
      %dma_start3A_286 = tpu.memref_slice %arg11[%add3A_283, %dma_start3A_284, %dma_start3A_285] : memref<32x8x64xf32, #tpu.memory_space<vmem>> -> memref<1x8x64xf32, #tpu.memory_space<vmem>>
      %dma_start3A_287 = arith.constant 0 : i32
      %dma_start3A_288 = arith.constant 0 : i32
      %dma_start3A_289 = tpu.memref_slice %arg5[%shift_right_arithmetic3A_279, %dma_start3A_287, %dma_start3A_288] : memref<12500x8x64xf32, #tpu.memory_space<hbm>> -> memref<1x8x64xf32, #tpu.memory_space<hbm>>
      %dma_start3A_290 = arith.constant 0 : i32
      %dma_start3A_291 = arith.constant 0 : i32
      %dma_start3A_292 = tpu.memref_slice %arg11[%add3A_283, %dma_start3A_290, %dma_start3A_291] : memref<32x8x64xf32, #tpu.memory_space<vmem>> -> memref<1x8x64xf32, #tpu.memory_space<vmem>>
      %dma_start3A_293 = arith.constant 0 : i32
      %dma_start3A_294 = arith.constant 0 : i32
      %dma_start3A_295 = tpu.memref_slice %arg5[%shift_right_arithmetic3A_279, %dma_start3A_293, %dma_start3A_294] : memref<12500x8x64xf32, #tpu.memory_space<hbm>> -> memref<1x8x64xf32, #tpu.memory_space<hbm>>
      tpu.enqueue_dma source(%dma_start3A_295 : memref<1x8x64xf32, #tpu.memory_space<hbm>>) target(%dma_start3A_292 : memref<1x8x64xf32, #tpu.memory_space<vmem>>) target_semaphore(%arg15 : memref<!tpu.dma_semaphore, #tpu.memory_space<semaphore_mem>>)
      %slice3A_296 = vector.extract_strided_slice %get3A_178 {offsets = [6], sizes = [1], strides = [1]} : vector<16xi32> to vector<1xi32>
      %squeeze3A_297 = vector.extract %slice3A_296[0] : i32 from vector<1xi32>
      %shift_right_arithmetic3A_298 = arith.constant 3 : i32
      %shift_right_arithmetic3A_299 = arith.shrsi %squeeze3A_297, %shift_right_arithmetic3A_298 : i32
      %mul3A_300 = arith.constant 16 : i32
      %mul3A_301 = arith.muli %scan3A_172, %mul3A_300 : i32
      %add3A_302 = arith.constant 6 : i32
      %add3A_303 = arith.addi %mul3A_301, %add3A_302 : i32
      %dma_start3A_304 = arith.constant 0 : i32
      %dma_start3A_305 = arith.constant 0 : i32
      %dma_start3A_306 = tpu.memref_slice %arg11[%add3A_303, %dma_start3A_304, %dma_start3A_305] : memref<32x8x64xf32, #tpu.memory_space<vmem>> -> memref<1x8x64xf32, #tpu.memory_space<vmem>>
      %dma_start3A_307 = arith.constant 0 : i32
      %dma_start3A_308 = arith.constant 0 : i32
      %dma_start3A_309 = tpu.memref_slice %arg5[%shift_right_arithmetic3A_299, %dma_start3A_307, %dma_start3A_308] : memref<12500x8x64xf32, #tpu.memory_space<hbm>> -> memref<1x8x64xf32, #tpu.memory_space<hbm>>
      %dma_start3A_310 = arith.constant 0 : i32
      %dma_start3A_311 = arith.constant 0 : i32
      %dma_start3A_312 = tpu.memref_slice %arg11[%add3A_303, %dma_start3A_310, %dma_start3A_311] : memref<32x8x64xf32, #tpu.memory_space<vmem>> -> memref<1x8x64xf32, #tpu.memory_space<vmem>>
      %dma_start3A_313 = arith.constant 0 : i32
      %dma_start3A_314 = arith.constant 0 : i32
      %dma_start3A_315 = tpu.memref_slice %arg5[%shift_right_arithmetic3A_299, %dma_start3A_313, %dma_start3A_314] : memref<12500x8x64xf32, #tpu.memory_space<hbm>> -> memref<1x8x64xf32, #tpu.memory_space<hbm>>
      tpu.enqueue_dma source(%dma_start3A_315 : memref<1x8x64xf32, #tpu.memory_space<hbm>>) target(%dma_start3A_312 : memref<1x8x64xf32, #tpu.memory_space<vmem>>) target_semaphore(%arg15 : memref<!tpu.dma_semaphore, #tpu.memory_space<semaphore_mem>>)
      %slice3A_316 = vector.extract_strided_slice %get3A_178 {offsets = [7], sizes = [1], strides = [1]} : vector<16xi32> to vector<1xi32>
      %squeeze3A_317 = vector.extract %slice3A_316[0] : i32 from vector<1xi32>
      %shift_right_arithmetic3A_318 = arith.constant 3 : i32
      %shift_right_arithmetic3A_319 = arith.shrsi %squeeze3A_317, %shift_right_arithmetic3A_318 : i32
      %mul3A_320 = arith.constant 16 : i32
      %mul3A_321 = arith.muli %scan3A_172, %mul3A_320 : i32
      %add3A_322 = arith.constant 7 : i32
      %add3A_323 = arith.addi %mul3A_321, %add3A_322 : i32
      %dma_start3A_324 = arith.constant 0 : i32
      %dma_start3A_325 = arith.constant 0 : i32
      %dma_start3A_326 = tpu.memref_slice %arg11[%add3A_323, %dma_start3A_324, %dma_start3A_325] : memref<32x8x64xf32, #tpu.memory_space<vmem>> -> memref<1x8x64xf32, #tpu.memory_space<vmem>>
      %dma_start3A_327 = arith.constant 0 : i32
      %dma_start3A_328 = arith.constant 0 : i32
      %dma_start3A_329 = tpu.memref_slice %arg5[%shift_right_arithmetic3A_319, %dma_start3A_327, %dma_start3A_328] : memref<12500x8x64xf32, #tpu.memory_space<hbm>> -> memref<1x8x64xf32, #tpu.memory_space<hbm>>
      %dma_start3A_330 = arith.constant 0 : i32
      %dma_start3A_331 = arith.constant 0 : i32
      %dma_start3A_332 = tpu.memref_slice %arg11[%add3A_323, %dma_start3A_330, %dma_start3A_331] : memref<32x8x64xf32, #tpu.memory_space<vmem>> -> memref<1x8x64xf32, #tpu.memory_space<vmem>>
      %dma_start3A_333 = arith.constant 0 : i32
      %dma_start3A_334 = arith.constant 0 : i32
      %dma_start3A_335 = tpu.memref_slice %arg5[%shift_right_arithmetic3A_319, %dma_start3A_333, %dma_start3A_334] : memref<12500x8x64xf32, #tpu.memory_space<hbm>> -> memref<1x8x64xf32, #tpu.memory_space<hbm>>
      tpu.enqueue_dma source(%dma_start3A_335 : memref<1x8x64xf32, #tpu.memory_space<hbm>>) target(%dma_start3A_332 : memref<1x8x64xf32, #tpu.memory_space<vmem>>) target_semaphore(%arg15 : memref<!tpu.dma_semaphore, #tpu.memory_space<semaphore_mem>>)
      %slice3A_336 = vector.extract_strided_slice %get3A_178 {offsets = [8], sizes = [1], strides = [1]} : vector<16xi32> to vector<1xi32>
      %squeeze3A_337 = vector.extract %slice3A_336[0] : i32 from vector<1xi32>
      %shift_right_arithmetic3A_338 = arith.constant 3 : i32
      %shift_right_arithmetic3A_339 = arith.shrsi %squeeze3A_337, %shift_right_arithmetic3A_338 : i32
      %mul3A_340 = arith.constant 16 : i32
      %mul3A_341 = arith.muli %scan3A_172, %mul3A_340 : i32
      %add3A_342 = arith.constant 8 : i32
      %add3A_343 = arith.addi %mul3A_341, %add3A_342 : i32
      %dma_start3A_344 = arith.constant 0 : i32
      %dma_start3A_345 = arith.constant 0 : i32
      %dma_start3A_346 = tpu.memref_slice %arg11[%add3A_343, %dma_start3A_344, %dma_start3A_345] : memref<32x8x64xf32, #tpu.memory_space<vmem>> -> memref<1x8x64xf32, #tpu.memory_space<vmem>>
      %dma_start3A_347 = arith.constant 0 : i32
      %dma_start3A_348 = arith.constant 0 : i32
      %dma_start3A_349 = tpu.memref_slice %arg5[%shift_right_arithmetic3A_339, %dma_start3A_347, %dma_start3A_348] : memref<12500x8x64xf32, #tpu.memory_space<hbm>> -> memref<1x8x64xf32, #tpu.memory_space<hbm>>
      %dma_start3A_350 = arith.constant 0 : i32
      %dma_start3A_351 = arith.constant 0 : i32
      %dma_start3A_352 = tpu.memref_slice %arg11[%add3A_343, %dma_start3A_350, %dma_start3A_351] : memref<32x8x64xf32, #tpu.memory_space<vmem>> -> memref<1x8x64xf32, #tpu.memory_space<vmem>>
      %dma_start3A_353 = arith.constant 0 : i32
      %dma_start3A_354 = arith.constant 0 : i32
      %dma_start3A_355 = tpu.memref_slice %arg5[%shift_right_arithmetic3A_339, %dma_start3A_353, %dma_start3A_354] : memref<12500x8x64xf32, #tpu.memory_space<hbm>> -> memref<1x8x64xf32, #tpu.memory_space<hbm>>
      tpu.enqueue_dma source(%dma_start3A_355 : memref<1x8x64xf32, #tpu.memory_space<hbm>>) target(%dma_start3A_352 : memref<1x8x64xf32, #tpu.memory_space<vmem>>) target_semaphore(%arg15 : memref<!tpu.dma_semaphore, #tpu.memory_space<semaphore_mem>>)
      %slice3A_356 = vector.extract_strided_slice %get3A_178 {offsets = [9], sizes = [1], strides = [1]} : vector<16xi32> to vector<1xi32>
      %squeeze3A_357 = vector.extract %slice3A_356[0] : i32 from vector<1xi32>
      %shift_right_arithmetic3A_358 = arith.constant 3 : i32
      %shift_right_arithmetic3A_359 = arith.shrsi %squeeze3A_357, %shift_right_arithmetic3A_358 : i32
      %mul3A_360 = arith.constant 16 : i32
      %mul3A_361 = arith.muli %scan3A_172, %mul3A_360 : i32
      %add3A_362 = arith.constant 9 : i32
      %add3A_363 = arith.addi %mul3A_361, %add3A_362 : i32
      %dma_start3A_364 = arith.constant 0 : i32
      %dma_start3A_365 = arith.constant 0 : i32
      %dma_start3A_366 = tpu.memref_slice %arg11[%add3A_363, %dma_start3A_364, %dma_start3A_365] : memref<32x8x64xf32, #tpu.memory_space<vmem>> -> memref<1x8x64xf32, #tpu.memory_space<vmem>>
      %dma_start3A_367 = arith.constant 0 : i32
      %dma_start3A_368 = arith.constant 0 : i32
      %dma_start3A_369 = tpu.memref_slice %arg5[%shift_right_arithmetic3A_359, %dma_start3A_367, %dma_start3A_368] : memref<12500x8x64xf32, #tpu.memory_space<hbm>> -> memref<1x8x64xf32, #tpu.memory_space<hbm>>
      %dma_start3A_370 = arith.constant 0 : i32
      %dma_start3A_371 = arith.constant 0 : i32
      %dma_start3A_372 = tpu.memref_slice %arg11[%add3A_363, %dma_start3A_370, %dma_start3A_371] : memref<32x8x64xf32, #tpu.memory_space<vmem>> -> memref<1x8x64xf32, #tpu.memory_space<vmem>>
      %dma_start3A_373 = arith.constant 0 : i32
      %dma_start3A_374 = arith.constant 0 : i32
      %dma_start3A_375 = tpu.memref_slice %arg5[%shift_right_arithmetic3A_359, %dma_start3A_373, %dma_start3A_374] : memref<12500x8x64xf32, #tpu.memory_space<hbm>> -> memref<1x8x64xf32, #tpu.memory_space<hbm>>
      tpu.enqueue_dma source(%dma_start3A_375 : memref<1x8x64xf32, #tpu.memory_space<hbm>>) target(%dma_start3A_372 : memref<1x8x64xf32, #tpu.memory_space<vmem>>) target_semaphore(%arg15 : memref<!tpu.dma_semaphore, #tpu.memory_space<semaphore_mem>>)
      %slice3A_376 = vector.extract_strided_slice %get3A_178 {offsets = [10], sizes = [1], strides = [1]} : vector<16xi32> to vector<1xi32>
      %squeeze3A_377 = vector.extract %slice3A_376[0] : i32 from vector<1xi32>
      %shift_right_arithmetic3A_378 = arith.constant 3 : i32
      %shift_right_arithmetic3A_379 = arith.shrsi %squeeze3A_377, %shift_right_arithmetic3A_378 : i32
      %mul3A_380 = arith.constant 16 : i32
      %mul3A_381 = arith.muli %scan3A_172, %mul3A_380 : i32
      %add3A_382 = arith.constant 10 : i32
      %add3A_383 = arith.addi %mul3A_381, %add3A_382 : i32
      %dma_start3A_384 = arith.constant 0 : i32
      %dma_start3A_385 = arith.constant 0 : i32
      %dma_start3A_386 = tpu.memref_slice %arg11[%add3A_383, %dma_start3A_384, %dma_start3A_385] : memref<32x8x64xf32, #tpu.memory_space<vmem>> -> memref<1x8x64xf32, #tpu.memory_space<vmem>>
      %dma_start3A_387 = arith.constant 0 : i32
      %dma_start3A_388 = arith.constant 0 : i32
      %dma_start3A_389 = tpu.memref_slice %arg5[%shift_right_arithmetic3A_379, %dma_start3A_387, %dma_start3A_388] : memref<12500x8x64xf32, #tpu.memory_space<hbm>> -> memref<1x8x64xf32, #tpu.memory_space<hbm>>
      %dma_start3A_390 = arith.constant 0 : i32
      %dma_start3A_391 = arith.constant 0 : i32
      %dma_start3A_392 = tpu.memref_slice %arg11[%add3A_383, %dma_start3A_390, %dma_start3A_391] : memref<32x8x64xf32, #tpu.memory_space<vmem>> -> memref<1x8x64xf32, #tpu.memory_space<vmem>>
      %dma_start3A_393 = arith.constant 0 : i32
      %dma_start3A_394 = arith.constant 0 : i32
      %dma_start3A_395 = tpu.memref_slice %arg5[%shift_right_arithmetic3A_379, %dma_start3A_393, %dma_start3A_394] : memref<12500x8x64xf32, #tpu.memory_space<hbm>> -> memref<1x8x64xf32, #tpu.memory_space<hbm>>
      tpu.enqueue_dma source(%dma_start3A_395 : memref<1x8x64xf32, #tpu.memory_space<hbm>>) target(%dma_start3A_392 : memref<1x8x64xf32, #tpu.memory_space<vmem>>) target_semaphore(%arg15 : memref<!tpu.dma_semaphore, #tpu.memory_space<semaphore_mem>>)
      %slice3A_396 = vector.extract_strided_slice %get3A_178 {offsets = [11], sizes = [1], strides = [1]} : vector<16xi32> to vector<1xi32>
      %squeeze3A_397 = vector.extract %slice3A_396[0] : i32 from vector<1xi32>
      %shift_right_arithmetic3A_398 = arith.constant 3 : i32
      %shift_right_arithmetic3A_399 = arith.shrsi %squeeze3A_397, %shift_right_arithmetic3A_398 : i32
      %mul3A_400 = arith.constant 16 : i32
      %mul3A_401 = arith.muli %scan3A_172, %mul3A_400 : i32
      %add3A_402 = arith.constant 11 : i32
      %add3A_403 = arith.addi %mul3A_401, %add3A_402 : i32
      %dma_start3A_404 = arith.constant 0 : i32
      %dma_start3A_405 = arith.constant 0 : i32
      %dma_start3A_406 = tpu.memref_slice %arg11[%add3A_403, %dma_start3A_404, %dma_start3A_405] : memref<32x8x64xf32, #tpu.memory_space<vmem>> -> memref<1x8x64xf32, #tpu.memory_space<vmem>>
      %dma_start3A_407 = arith.constant 0 : i32
      %dma_start3A_408 = arith.constant 0 : i32
      %dma_start3A_409 = tpu.memref_slice %arg5[%shift_right_arithmetic3A_399, %dma_start3A_407, %dma_start3A_408] : memref<12500x8x64xf32, #tpu.memory_space<hbm>> -> memref<1x8x64xf32, #tpu.memory_space<hbm>>
      %dma_start3A_410 = arith.constant 0 : i32
      %dma_start3A_411 = arith.constant 0 : i32
      %dma_start3A_412 = tpu.memref_slice %arg11[%add3A_403, %dma_start3A_410, %dma_start3A_411] : memref<32x8x64xf32, #tpu.memory_space<vmem>> -> memref<1x8x64xf32, #tpu.memory_space<vmem>>
      %dma_start3A_413 = arith.constant 0 : i32
      %dma_start3A_414 = arith.constant 0 : i32
      %dma_start3A_415 = tpu.memref_slice %arg5[%shift_right_arithmetic3A_399, %dma_start3A_413, %dma_start3A_414] : memref<12500x8x64xf32, #tpu.memory_space<hbm>> -> memref<1x8x64xf32, #tpu.memory_space<hbm>>
      tpu.enqueue_dma source(%dma_start3A_415 : memref<1x8x64xf32, #tpu.memory_space<hbm>>) target(%dma_start3A_412 : memref<1x8x64xf32, #tpu.memory_space<vmem>>) target_semaphore(%arg15 : memref<!tpu.dma_semaphore, #tpu.memory_space<semaphore_mem>>)
      %slice3A_416 = vector.extract_strided_slice %get3A_178 {offsets = [12], sizes = [1], strides = [1]} : vector<16xi32> to vector<1xi32>
      %squeeze3A_417 = vector.extract %slice3A_416[0] : i32 from vector<1xi32>
      %shift_right_arithmetic3A_418 = arith.constant 3 : i32
      %shift_right_arithmetic3A_419 = arith.shrsi %squeeze3A_417, %shift_right_arithmetic3A_418 : i32
      %mul3A_420 = arith.constant 16 : i32
      %mul3A_421 = arith.muli %scan3A_172, %mul3A_420 : i32
      %add3A_422 = arith.constant 12 : i32
      %add3A_423 = arith.addi %mul3A_421, %add3A_422 : i32
      %dma_start3A_424 = arith.constant 0 : i32
      %dma_start3A_425 = arith.constant 0 : i32
      %dma_start3A_426 = tpu.memref_slice %arg11[%add3A_423, %dma_start3A_424, %dma_start3A_425] : memref<32x8x64xf32, #tpu.memory_space<vmem>> -> memref<1x8x64xf32, #tpu.memory_space<vmem>>
      %dma_start3A_427 = arith.constant 0 : i32
      %dma_start3A_428 = arith.constant 0 : i32
      %dma_start3A_429 = tpu.memref_slice %arg5[%shift_right_arithmetic3A_419, %dma_start3A_427, %dma_start3A_428] : memref<12500x8x64xf32, #tpu.memory_space<hbm>> -> memref<1x8x64xf32, #tpu.memory_space<hbm>>
      %dma_start3A_430 = arith.constant 0 : i32
      %dma_start3A_431 = arith.constant 0 : i32
      %dma_start3A_432 = tpu.memref_slice %arg11[%add3A_423, %dma_start3A_430, %dma_start3A_431] : memref<32x8x64xf32, #tpu.memory_space<vmem>> -> memref<1x8x64xf32, #tpu.memory_space<vmem>>
      %dma_start3A_433 = arith.constant 0 : i32
      %dma_start3A_434 = arith.constant 0 : i32
      %dma_start3A_435 = tpu.memref_slice %arg5[%shift_right_arithmetic3A_419, %dma_start3A_433, %dma_start3A_434] : memref<12500x8x64xf32, #tpu.memory_space<hbm>> -> memref<1x8x64xf32, #tpu.memory_space<hbm>>
      tpu.enqueue_dma source(%dma_start3A_435 : memref<1x8x64xf32, #tpu.memory_space<hbm>>) target(%dma_start3A_432 : memref<1x8x64xf32, #tpu.memory_space<vmem>>) target_semaphore(%arg15 : memref<!tpu.dma_semaphore, #tpu.memory_space<semaphore_mem>>)
      %slice3A_436 = vector.extract_strided_slice %get3A_178 {offsets = [13], sizes = [1], strides = [1]} : vector<16xi32> to vector<1xi32>
      %squeeze3A_437 = vector.extract %slice3A_436[0] : i32 from vector<1xi32>
      %shift_right_arithmetic3A_438 = arith.constant 3 : i32
      %shift_right_arithmetic3A_439 = arith.shrsi %squeeze3A_437, %shift_right_arithmetic3A_438 : i32
      %mul3A_440 = arith.constant 16 : i32
      %mul3A_441 = arith.muli %scan3A_172, %mul3A_440 : i32
      %add3A_442 = arith.constant 13 : i32
      %add3A_443 = arith.addi %mul3A_441, %add3A_442 : i32
      %dma_start3A_444 = arith.constant 0 : i32
      %dma_start3A_445 = arith.constant 0 : i32
      %dma_start3A_446 = tpu.memref_slice %arg11[%add3A_443, %dma_start3A_444, %dma_start3A_445] : memref<32x8x64xf32, #tpu.memory_space<vmem>> -> memref<1x8x64xf32, #tpu.memory_space<vmem>>
      %dma_start3A_447 = arith.constant 0 : i32
      %dma_start3A_448 = arith.constant 0 : i32
      %dma_start3A_449 = tpu.memref_slice %arg5[%shift_right_arithmetic3A_439, %dma_start3A_447, %dma_start3A_448] : memref<12500x8x64xf32, #tpu.memory_space<hbm>> -> memref<1x8x64xf32, #tpu.memory_space<hbm>>
      %dma_start3A_450 = arith.constant 0 : i32
      %dma_start3A_451 = arith.constant 0 : i32
      %dma_start3A_452 = tpu.memref_slice %arg11[%add3A_443, %dma_start3A_450, %dma_start3A_451] : memref<32x8x64xf32, #tpu.memory_space<vmem>> -> memref<1x8x64xf32, #tpu.memory_space<vmem>>
      %dma_start3A_453 = arith.constant 0 : i32
      %dma_start3A_454 = arith.constant 0 : i32
      %dma_start3A_455 = tpu.memref_slice %arg5[%shift_right_arithmetic3A_439, %dma_start3A_453, %dma_start3A_454] : memref<12500x8x64xf32, #tpu.memory_space<hbm>> -> memref<1x8x64xf32, #tpu.memory_space<hbm>>
      tpu.enqueue_dma source(%dma_start3A_455 : memref<1x8x64xf32, #tpu.memory_space<hbm>>) target(%dma_start3A_452 : memref<1x8x64xf32, #tpu.memory_space<vmem>>) target_semaphore(%arg15 : memref<!tpu.dma_semaphore, #tpu.memory_space<semaphore_mem>>)
      %slice3A_456 = vector.extract_strided_slice %get3A_178 {offsets = [14], sizes = [1], strides = [1]} : vector<16xi32> to vector<1xi32>
      %squeeze3A_457 = vector.extract %slice3A_456[0] : i32 from vector<1xi32>
      %shift_right_arithmetic3A_458 = arith.constant 3 : i32
      %shift_right_arithmetic3A_459 = arith.shrsi %squeeze3A_457, %shift_right_arithmetic3A_458 : i32
      %mul3A_460 = arith.constant 16 : i32
      %mul3A_461 = arith.muli %scan3A_172, %mul3A_460 : i32
      %add3A_462 = arith.constant 14 : i32
      %add3A_463 = arith.addi %mul3A_461, %add3A_462 : i32
      %dma_start3A_464 = arith.constant 0 : i32
      %dma_start3A_465 = arith.constant 0 : i32
      %dma_start3A_466 = tpu.memref_slice %arg11[%add3A_463, %dma_start3A_464, %dma_start3A_465] : memref<32x8x64xf32, #tpu.memory_space<vmem>> -> memref<1x8x64xf32, #tpu.memory_space<vmem>>
      %dma_start3A_467 = arith.constant 0 : i32
      %dma_start3A_468 = arith.constant 0 : i32
      %dma_start3A_469 = tpu.memref_slice %arg5[%shift_right_arithmetic3A_459, %dma_start3A_467, %dma_start3A_468] : memref<12500x8x64xf32, #tpu.memory_space<hbm>> -> memref<1x8x64xf32, #tpu.memory_space<hbm>>
      %dma_start3A_470 = arith.constant 0 : i32
      %dma_start3A_471 = arith.constant 0 : i32
      %dma_start3A_472 = tpu.memref_slice %arg11[%add3A_463, %dma_start3A_470, %dma_start3A_471] : memref<32x8x64xf32, #tpu.memory_space<vmem>> -> memref<1x8x64xf32, #tpu.memory_space<vmem>>
      %dma_start3A_473 = arith.constant 0 : i32
      %dma_start3A_474 = arith.constant 0 : i32
      %dma_start3A_475 = tpu.memref_slice %arg5[%shift_right_arithmetic3A_459, %dma_start3A_473, %dma_start3A_474] : memref<12500x8x64xf32, #tpu.memory_space<hbm>> -> memref<1x8x64xf32, #tpu.memory_space<hbm>>
      tpu.enqueue_dma source(%dma_start3A_475 : memref<1x8x64xf32, #tpu.memory_space<hbm>>) target(%dma_start3A_472 : memref<1x8x64xf32, #tpu.memory_space<vmem>>) target_semaphore(%arg15 : memref<!tpu.dma_semaphore, #tpu.memory_space<semaphore_mem>>)
      %slice3A_476 = vector.extract_strided_slice %get3A_178 {offsets = [15], sizes = [1], strides = [1]} : vector<16xi32> to vector<1xi32>
      %squeeze3A_477 = vector.extract %slice3A_476[0] : i32 from vector<1xi32>
      %shift_right_arithmetic3A_478 = arith.constant 3 : i32
      %shift_right_arithmetic3A_479 = arith.shrsi %squeeze3A_477, %shift_right_arithmetic3A_478 : i32
      %mul3A_480 = arith.constant 16 : i32
      %mul3A_481 = arith.muli %scan3A_172, %mul3A_480 : i32
      %add3A_482 = arith.constant 15 : i32
      %add3A_483 = arith.addi %mul3A_481, %add3A_482 : i32
      %dma_start3A_484 = arith.constant 0 : i32
      %dma_start3A_485 = arith.constant 0 : i32
      %dma_start3A_486 = tpu.memref_slice %arg11[%add3A_483, %dma_start3A_484, %dma_start3A_485] : memref<32x8x64xf32, #tpu.memory_space<vmem>> -> memref<1x8x64xf32, #tpu.memory_space<vmem>>
      %dma_start3A_487 = arith.constant 0 : i32
      %dma_start3A_488 = arith.constant 0 : i32
      %dma_start3A_489 = tpu.memref_slice %arg5[%shift_right_arithmetic3A_479, %dma_start3A_487, %dma_start3A_488] : memref<12500x8x64xf32, #tpu.memory_space<hbm>> -> memref<1x8x64xf32, #tpu.memory_space<hbm>>
      %dma_start3A_490 = arith.constant 0 : i32
      %dma_start3A_491 = arith.constant 0 : i32
      %dma_start3A_492 = tpu.memref_slice %arg11[%add3A_483, %dma_start3A_490, %dma_start3A_491] : memref<32x8x64xf32, #tpu.memory_space<vmem>> -> memref<1x8x64xf32, #tpu.memory_space<vmem>>
      %dma_start3A_493 = arith.constant 0 : i32
      %dma_start3A_494 = arith.constant 0 : i32
      %dma_start3A_495 = tpu.memref_slice %arg5[%shift_right_arithmetic3A_479, %dma_start3A_493, %dma_start3A_494] : memref<12500x8x64xf32, #tpu.memory_space<hbm>> -> memref<1x8x64xf32, #tpu.memory_space<hbm>>
      tpu.enqueue_dma source(%dma_start3A_495 : memref<1x8x64xf32, #tpu.memory_space<hbm>>) target(%dma_start3A_492 : memref<1x8x64xf32, #tpu.memory_space<vmem>>) target_semaphore(%arg15 : memref<!tpu.dma_semaphore, #tpu.memory_space<semaphore_mem>>)
    }
    %scan3A_97 = arith.constant 2 : i32
    %scan3A_98 = arith.constant 0 : i32
    %scan3A_99 = arith.constant 0 : i32
    %scan3A_100 = arith.constant 2 : i32
    %scan3A_101 = arith.addi %scan3A_99, %scan3A_100 : i32
    %scan3A_102 = arith.constant 1 : i32
    scf.for %scan3A_172 = %scan3A_99 to %scan3A_101 step %scan3A_102  : i32 {
      %mul3A_173 = arith.constant 16 : i32
      %mul3A_174 = arith.muli %scan3A_172, %mul3A_173 : i32
      %add3A_175 = arith.constant 32 : i32
      %add3A_176 = arith.addi %add3A_175, %mul3A_174 : i32
      %get3A_177 = arith.index_cast %add3A_176 : i32 to index
      %get3A_178 = tpu.vector_load %arg9[%get3A_177] {strides = array<i32>} : memref<128xi32, #tpu.memory_space<vmem>>, vector<16xi32>,
      %slice3A = vector.extract_strided_slice %get3A_178 {offsets = [0], sizes = [1], strides = [1]} : vector<16xi32> to vector<1xi32>
      %squeeze3A = vector.extract %slice3A[0] : i32 from vector<1xi32>
      %shift_right_arithmetic3A = arith.constant 3 : i32
      %shift_right_arithmetic3A_179 = arith.shrsi %squeeze3A, %shift_right_arithmetic3A : i32
      %mul3A_180 = arith.constant 16 : i32
      %mul3A_181 = arith.muli %scan3A_172, %mul3A_180 : i32
      %add3A_182 = arith.constant 0 : i32
      %add3A_183 = arith.addi %mul3A_181, %add3A_182 : i32
      %dma_start3A_184 = arith.constant 0 : i32
      %dma_start3A_185 = arith.constant 0 : i32
      %dma_start3A_186 = tpu.memref_slice %arg12[%add3A_183, %dma_start3A_184, %dma_start3A_185] : memref<32x8x64xf32, #tpu.memory_space<vmem>> -> memref<1x8x64xf32, #tpu.memory_space<vmem>>
      %dma_start3A_187 = arith.constant 0 : i32
      %dma_start3A_188 = arith.constant 0 : i32
      %dma_start3A_189 = tpu.memref_slice %arg5[%shift_right_arithmetic3A_179, %dma_start3A_187, %dma_start3A_188] : memref<12500x8x64xf32, #tpu.memory_space<hbm>> -> memref<1x8x64xf32, #tpu.memory_space<hbm>>
      %dma_start3A_190 = arith.constant 0 : i32
      %dma_start3A_191 = arith.constant 0 : i32
      %dma_start3A_192 = tpu.memref_slice %arg12[%add3A_183, %dma_start3A_190, %dma_start3A_191] : memref<32x8x64xf32, #tpu.memory_space<vmem>> -> memref<1x8x64xf32, #tpu.memory_space<vmem>>
      %dma_start3A_193 = arith.constant 0 : i32
      %dma_start3A_194 = arith.constant 0 : i32
      %dma_start3A_195 = tpu.memref_slice %arg5[%shift_right_arithmetic3A_179, %dma_start3A_193, %dma_start3A_194] : memref<12500x8x64xf32, #tpu.memory_space<hbm>> -> memref<1x8x64xf32, #tpu.memory_space<hbm>>
      tpu.enqueue_dma source(%dma_start3A_195 : memref<1x8x64xf32, #tpu.memory_space<hbm>>) target(%dma_start3A_192 : memref<1x8x64xf32, #tpu.memory_space<vmem>>) target_semaphore(%arg16 : memref<!tpu.dma_semaphore, #tpu.memory_space<semaphore_mem>>)
      %slice3A_196 = vector.extract_strided_slice %get3A_178 {offsets = [1], sizes = [1], strides = [1]} : vector<16xi32> to vector<1xi32>
      %squeeze3A_197 = vector.extract %slice3A_196[0] : i32 from vector<1xi32>
      %shift_right_arithmetic3A_198 = arith.constant 3 : i32
      %shift_right_arithmetic3A_199 = arith.shrsi %squeeze3A_197, %shift_right_arithmetic3A_198 : i32
      %mul3A_200 = arith.constant 16 : i32
      %mul3A_201 = arith.muli %scan3A_172, %mul3A_200 : i32
      %add3A_202 = arith.constant 1 : i32
      %add3A_203 = arith.addi %mul3A_201, %add3A_202 : i32
      %dma_start3A_204 = arith.constant 0 : i32
      %dma_start3A_205 = arith.constant 0 : i32
      %dma_start3A_206 = tpu.memref_slice %arg12[%add3A_203, %dma_start3A_204, %dma_start3A_205] : memref<32x8x64xf32, #tpu.memory_space<vmem>> -> memref<1x8x64xf32, #tpu.memory_space<vmem>>
      %dma_start3A_207 = arith.constant 0 : i32
      %dma_start3A_208 = arith.constant 0 : i32
      %dma_start3A_209 = tpu.memref_slice %arg5[%shift_right_arithmetic3A_199, %dma_start3A_207, %dma_start3A_208] : memref<12500x8x64xf32, #tpu.memory_space<hbm>> -> memref<1x8x64xf32, #tpu.memory_space<hbm>>
      %dma_start3A_210 = arith.constant 0 : i32
      %dma_start3A_211 = arith.constant 0 : i32
      %dma_start3A_212 = tpu.memref_slice %arg12[%add3A_203, %dma_start3A_210, %dma_start3A_211] : memref<32x8x64xf32, #tpu.memory_space<vmem>> -> memref<1x8x64xf32, #tpu.memory_space<vmem>>
      %dma_start3A_213 = arith.constant 0 : i32
      %dma_start3A_214 = arith.constant 0 : i32
      %dma_start3A_215 = tpu.memref_slice %arg5[%shift_right_arithmetic3A_199, %dma_start3A_213, %dma_start3A_214] : memref<12500x8x64xf32, #tpu.memory_space<hbm>> -> memref<1x8x64xf32, #tpu.memory_space<hbm>>
      tpu.enqueue_dma source(%dma_start3A_215 : memref<1x8x64xf32, #tpu.memory_space<hbm>>) target(%dma_start3A_212 : memref<1x8x64xf32, #tpu.memory_space<vmem>>) target_semaphore(%arg16 : memref<!tpu.dma_semaphore, #tpu.memory_space<semaphore_mem>>)
      %slice3A_216 = vector.extract_strided_slice %get3A_178 {offsets = [2], sizes = [1], strides = [1]} : vector<16xi32> to vector<1xi32>
      %squeeze3A_217 = vector.extract %slice3A_216[0] : i32 from vector<1xi32>
      %shift_right_arithmetic3A_218 = arith.constant 3 : i32
      %shift_right_arithmetic3A_219 = arith.shrsi %squeeze3A_217, %shift_right_arithmetic3A_218 : i32
      %mul3A_220 = arith.constant 16 : i32
      %mul3A_221 = arith.muli %scan3A_172, %mul3A_220 : i32
      %add3A_222 = arith.constant 2 : i32
      %add3A_223 = arith.addi %mul3A_221, %add3A_222 : i32
      %dma_start3A_224 = arith.constant 0 : i32
      %dma_start3A_225 = arith.constant 0 : i32
      %dma_start3A_226 = tpu.memref_slice %arg12[%add3A_223, %dma_start3A_224, %dma_start3A_225] : memref<32x8x64xf32, #tpu.memory_space<vmem>> -> memref<1x8x64xf32, #tpu.memory_space<vmem>>
      %dma_start3A_227 = arith.constant 0 : i32
      %dma_start3A_228 = arith.constant 0 : i32
      %dma_start3A_229 = tpu.memref_slice %arg5[%shift_right_arithmetic3A_219, %dma_start3A_227, %dma_start3A_228] : memref<12500x8x64xf32, #tpu.memory_space<hbm>> -> memref<1x8x64xf32, #tpu.memory_space<hbm>>
      %dma_start3A_230 = arith.constant 0 : i32
      %dma_start3A_231 = arith.constant 0 : i32
      %dma_start3A_232 = tpu.memref_slice %arg12[%add3A_223, %dma_start3A_230, %dma_start3A_231] : memref<32x8x64xf32, #tpu.memory_space<vmem>> -> memref<1x8x64xf32, #tpu.memory_space<vmem>>
      %dma_start3A_233 = arith.constant 0 : i32
      %dma_start3A_234 = arith.constant 0 : i32
      %dma_start3A_235 = tpu.memref_slice %arg5[%shift_right_arithmetic3A_219, %dma_start3A_233, %dma_start3A_234] : memref<12500x8x64xf32, #tpu.memory_space<hbm>> -> memref<1x8x64xf32, #tpu.memory_space<hbm>>
      tpu.enqueue_dma source(%dma_start3A_235 : memref<1x8x64xf32, #tpu.memory_space<hbm>>) target(%dma_start3A_232 : memref<1x8x64xf32, #tpu.memory_space<vmem>>) target_semaphore(%arg16 : memref<!tpu.dma_semaphore, #tpu.memory_space<semaphore_mem>>)
      %slice3A_236 = vector.extract_strided_slice %get3A_178 {offsets = [3], sizes = [1], strides = [1]} : vector<16xi32> to vector<1xi32>
      %squeeze3A_237 = vector.extract %slice3A_236[0] : i32 from vector<1xi32>
      %shift_right_arithmetic3A_238 = arith.constant 3 : i32
      %shift_right_arithmetic3A_239 = arith.shrsi %squeeze3A_237, %shift_right_arithmetic3A_238 : i32
      %mul3A_240 = arith.constant 16 : i32
      %mul3A_241 = arith.muli %scan3A_172, %mul3A_240 : i32
      %add3A_242 = arith.constant 3 : i32
      %add3A_243 = arith.addi %mul3A_241, %add3A_242 : i32
      %dma_start3A_244 = arith.constant 0 : i32
      %dma_start3A_245 = arith.constant 0 : i32
      %dma_start3A_246 = tpu.memref_slice %arg12[%add3A_243, %dma_start3A_244, %dma_start3A_245] : memref<32x8x64xf32, #tpu.memory_space<vmem>> -> memref<1x8x64xf32, #tpu.memory_space<vmem>>
      %dma_start3A_247 = arith.constant 0 : i32
      %dma_start3A_248 = arith.constant 0 : i32
      %dma_start3A_249 = tpu.memref_slice %arg5[%shift_right_arithmetic3A_239, %dma_start3A_247, %dma_start3A_248] : memref<12500x8x64xf32, #tpu.memory_space<hbm>> -> memref<1x8x64xf32, #tpu.memory_space<hbm>>
      %dma_start3A_250 = arith.constant 0 : i32
      %dma_start3A_251 = arith.constant 0 : i32
      %dma_start3A_252 = tpu.memref_slice %arg12[%add3A_243, %dma_start3A_250, %dma_start3A_251] : memref<32x8x64xf32, #tpu.memory_space<vmem>> -> memref<1x8x64xf32, #tpu.memory_space<vmem>>
      %dma_start3A_253 = arith.constant 0 : i32
      %dma_start3A_254 = arith.constant 0 : i32
      %dma_start3A_255 = tpu.memref_slice %arg5[%shift_right_arithmetic3A_239, %dma_start3A_253, %dma_start3A_254] : memref<12500x8x64xf32, #tpu.memory_space<hbm>> -> memref<1x8x64xf32, #tpu.memory_space<hbm>>
      tpu.enqueue_dma source(%dma_start3A_255 : memref<1x8x64xf32, #tpu.memory_space<hbm>>) target(%dma_start3A_252 : memref<1x8x64xf32, #tpu.memory_space<vmem>>) target_semaphore(%arg16 : memref<!tpu.dma_semaphore, #tpu.memory_space<semaphore_mem>>)
      %slice3A_256 = vector.extract_strided_slice %get3A_178 {offsets = [4], sizes = [1], strides = [1]} : vector<16xi32> to vector<1xi32>
      %squeeze3A_257 = vector.extract %slice3A_256[0] : i32 from vector<1xi32>
      %shift_right_arithmetic3A_258 = arith.constant 3 : i32
      %shift_right_arithmetic3A_259 = arith.shrsi %squeeze3A_257, %shift_right_arithmetic3A_258 : i32
      %mul3A_260 = arith.constant 16 : i32
      %mul3A_261 = arith.muli %scan3A_172, %mul3A_260 : i32
      %add3A_262 = arith.constant 4 : i32
      %add3A_263 = arith.addi %mul3A_261, %add3A_262 : i32
      %dma_start3A_264 = arith.constant 0 : i32
      %dma_start3A_265 = arith.constant 0 : i32
      %dma_start3A_266 = tpu.memref_slice %arg12[%add3A_263, %dma_start3A_264, %dma_start3A_265] : memref<32x8x64xf32, #tpu.memory_space<vmem>> -> memref<1x8x64xf32, #tpu.memory_space<vmem>>
      %dma_start3A_267 = arith.constant 0 : i32
      %dma_start3A_268 = arith.constant 0 : i32
      %dma_start3A_269 = tpu.memref_slice %arg5[%shift_right_arithmetic3A_259, %dma_start3A_267, %dma_start3A_268] : memref<12500x8x64xf32, #tpu.memory_space<hbm>> -> memref<1x8x64xf32, #tpu.memory_space<hbm>>
      %dma_start3A_270 = arith.constant 0 : i32
      %dma_start3A_271 = arith.constant 0 : i32
      %dma_start3A_272 = tpu.memref_slice %arg12[%add3A_263, %dma_start3A_270, %dma_start3A_271] : memref<32x8x64xf32, #tpu.memory_space<vmem>> -> memref<1x8x64xf32, #tpu.memory_space<vmem>>
      %dma_start3A_273 = arith.constant 0 : i32
      %dma_start3A_274 = arith.constant 0 : i32
      %dma_start3A_275 = tpu.memref_slice %arg5[%shift_right_arithmetic3A_259, %dma_start3A_273, %dma_start3A_274] : memref<12500x8x64xf32, #tpu.memory_space<hbm>> -> memref<1x8x64xf32, #tpu.memory_space<hbm>>
      tpu.enqueue_dma source(%dma_start3A_275 : memref<1x8x64xf32, #tpu.memory_space<hbm>>) target(%dma_start3A_272 : memref<1x8x64xf32, #tpu.memory_space<vmem>>) target_semaphore(%arg16 : memref<!tpu.dma_semaphore, #tpu.memory_space<semaphore_mem>>)
      %slice3A_276 = vector.extract_strided_slice %get3A_178 {offsets = [5], sizes = [1], strides = [1]} : vector<16xi32> to vector<1xi32>
      %squeeze3A_277 = vector.extract %slice3A_276[0] : i32 from vector<1xi32>
      %shift_right_arithmetic3A_278 = arith.constant 3 : i32
      %shift_right_arithmetic3A_279 = arith.shrsi %squeeze3A_277, %shift_right_arithmetic3A_278 : i32
      %mul3A_280 = arith.constant 16 : i32
      %mul3A_281 = arith.muli %scan3A_172, %mul3A_280 : i32
      %add3A_282 = arith.constant 5 : i32
      %add3A_283 = arith.addi %mul3A_281, %add3A_282 : i32
      %dma_start3A_284 = arith.constant 0 : i32
      %dma_start3A_285 = arith.constant 0 : i32
      %dma_start3A_286 = tpu.memref_slice %arg12[%add3A_283, %dma_start3A_284, %dma_start3A_285] : memref<32x8x64xf32, #tpu.memory_space<vmem>> -> memref<1x8x64xf32, #tpu.memory_space<vmem>>
      %dma_start3A_287 = arith.constant 0 : i32
      %dma_start3A_288 = arith.constant 0 : i32
      %dma_start3A_289 = tpu.memref_slice %arg5[%shift_right_arithmetic3A_279, %dma_start3A_287, %dma_start3A_288] : memref<12500x8x64xf32, #tpu.memory_space<hbm>> -> memref<1x8x64xf32, #tpu.memory_space<hbm>>
      %dma_start3A_290 = arith.constant 0 : i32
      %dma_start3A_291 = arith.constant 0 : i32
      %dma_start3A_292 = tpu.memref_slice %arg12[%add3A_283, %dma_start3A_290, %dma_start3A_291] : memref<32x8x64xf32, #tpu.memory_space<vmem>> -> memref<1x8x64xf32, #tpu.memory_space<vmem>>
      %dma_start3A_293 = arith.constant 0 : i32
      %dma_start3A_294 = arith.constant 0 : i32
      %dma_start3A_295 = tpu.memref_slice %arg5[%shift_right_arithmetic3A_279, %dma_start3A_293, %dma_start3A_294] : memref<12500x8x64xf32, #tpu.memory_space<hbm>> -> memref<1x8x64xf32, #tpu.memory_space<hbm>>
      tpu.enqueue_dma source(%dma_start3A_295 : memref<1x8x64xf32, #tpu.memory_space<hbm>>) target(%dma_start3A_292 : memref<1x8x64xf32, #tpu.memory_space<vmem>>) target_semaphore(%arg16 : memref<!tpu.dma_semaphore, #tpu.memory_space<semaphore_mem>>)
      %slice3A_296 = vector.extract_strided_slice %get3A_178 {offsets = [6], sizes = [1], strides = [1]} : vector<16xi32> to vector<1xi32>
      %squeeze3A_297 = vector.extract %slice3A_296[0] : i32 from vector<1xi32>
      %shift_right_arithmetic3A_298 = arith.constant 3 : i32
      %shift_right_arithmetic3A_299 = arith.shrsi %squeeze3A_297, %shift_right_arithmetic3A_298 : i32
      %mul3A_300 = arith.constant 16 : i32
      %mul3A_301 = arith.muli %scan3A_172, %mul3A_300 : i32
      %add3A_302 = arith.constant 6 : i32
      %add3A_303 = arith.addi %mul3A_301, %add3A_302 : i32
      %dma_start3A_304 = arith.constant 0 : i32
      %dma_start3A_305 = arith.constant 0 : i32
      %dma_start3A_306 = tpu.memref_slice %arg12[%add3A_303, %dma_start3A_304, %dma_start3A_305] : memref<32x8x64xf32, #tpu.memory_space<vmem>> -> memref<1x8x64xf32, #tpu.memory_space<vmem>>
      %dma_start3A_307 = arith.constant 0 : i32
      %dma_start3A_308 = arith.constant 0 : i32
      %dma_start3A_309 = tpu.memref_slice %arg5[%shift_right_arithmetic3A_299, %dma_start3A_307, %dma_start3A_308] : memref<12500x8x64xf32, #tpu.memory_space<hbm>> -> memref<1x8x64xf32, #tpu.memory_space<hbm>>
      %dma_start3A_310 = arith.constant 0 : i32
      %dma_start3A_311 = arith.constant 0 : i32
      %dma_start3A_312 = tpu.memref_slice %arg12[%add3A_303, %dma_start3A_310, %dma_start3A_311] : memref<32x8x64xf32, #tpu.memory_space<vmem>> -> memref<1x8x64xf32, #tpu.memory_space<vmem>>
      %dma_start3A_313 = arith.constant 0 : i32
      %dma_start3A_314 = arith.constant 0 : i32
      %dma_start3A_315 = tpu.memref_slice %arg5[%shift_right_arithmetic3A_299, %dma_start3A_313, %dma_start3A_314] : memref<12500x8x64xf32, #tpu.memory_space<hbm>> -> memref<1x8x64xf32, #tpu.memory_space<hbm>>
      tpu.enqueue_dma source(%dma_start3A_315 : memref<1x8x64xf32, #tpu.memory_space<hbm>>) target(%dma_start3A_312 : memref<1x8x64xf32, #tpu.memory_space<vmem>>) target_semaphore(%arg16 : memref<!tpu.dma_semaphore, #tpu.memory_space<semaphore_mem>>)
      %slice3A_316 = vector.extract_strided_slice %get3A_178 {offsets = [7], sizes = [1], strides = [1]} : vector<16xi32> to vector<1xi32>
      %squeeze3A_317 = vector.extract %slice3A_316[0] : i32 from vector<1xi32>
      %shift_right_arithmetic3A_318 = arith.constant 3 : i32
      %shift_right_arithmetic3A_319 = arith.shrsi %squeeze3A_317, %shift_right_arithmetic3A_318 : i32
      %mul3A_320 = arith.constant 16 : i32
      %mul3A_321 = arith.muli %scan3A_172, %mul3A_320 : i32
      %add3A_322 = arith.constant 7 : i32
      %add3A_323 = arith.addi %mul3A_321, %add3A_322 : i32
      %dma_start3A_324 = arith.constant 0 : i32
      %dma_start3A_325 = arith.constant 0 : i32
      %dma_start3A_326 = tpu.memref_slice %arg12[%add3A_323, %dma_start3A_324, %dma_start3A_325] : memref<32x8x64xf32, #tpu.memory_space<vmem>> -> memref<1x8x64xf32, #tpu.memory_space<vmem>>
      %dma_start3A_327 = arith.constant 0 : i32
      %dma_start3A_328 = arith.constant 0 : i32
      %dma_start3A_329 = tpu.memref_slice %arg5[%shift_right_arithmetic3A_319, %dma_start3A_327, %dma_start3A_328] : memref<12500x8x64xf32, #tpu.memory_space<hbm>> -> memref<1x8x64xf32, #tpu.memory_space<hbm>>
      %dma_start3A_330 = arith.constant 0 : i32
      %dma_start3A_331 = arith.constant 0 : i32
      %dma_start3A_332 = tpu.memref_slice %arg12[%add3A_323, %dma_start3A_330, %dma_start3A_331] : memref<32x8x64xf32, #tpu.memory_space<vmem>> -> memref<1x8x64xf32, #tpu.memory_space<vmem>>
      %dma_start3A_333 = arith.constant 0 : i32
      %dma_start3A_334 = arith.constant 0 : i32
      %dma_start3A_335 = tpu.memref_slice %arg5[%shift_right_arithmetic3A_319, %dma_start3A_333, %dma_start3A_334] : memref<12500x8x64xf32, #tpu.memory_space<hbm>> -> memref<1x8x64xf32, #tpu.memory_space<hbm>>
      tpu.enqueue_dma source(%dma_start3A_335 : memref<1x8x64xf32, #tpu.memory_space<hbm>>) target(%dma_start3A_332 : memref<1x8x64xf32, #tpu.memory_space<vmem>>) target_semaphore(%arg16 : memref<!tpu.dma_semaphore, #tpu.memory_space<semaphore_mem>>)
      %slice3A_336 = vector.extract_strided_slice %get3A_178 {offsets = [8], sizes = [1], strides = [1]} : vector<16xi32> to vector<1xi32>
      %squeeze3A_337 = vector.extract %slice3A_336[0] : i32 from vector<1xi32>
      %shift_right_arithmetic3A_338 = arith.constant 3 : i32
      %shift_right_arithmetic3A_339 = arith.shrsi %squeeze3A_337, %shift_right_arithmetic3A_338 : i32
      %mul3A_340 = arith.constant 16 : i32
      %mul3A_341 = arith.muli %scan3A_172, %mul3A_340 : i32
      %add3A_342 = arith.constant 8 : i32
      %add3A_343 = arith.addi %mul3A_341, %add3A_342 : i32
      %dma_start3A_344 = arith.constant 0 : i32
      %dma_start3A_345 = arith.constant 0 : i32
      %dma_start3A_346 = tpu.memref_slice %arg12[%add3A_343, %dma_start3A_344, %dma_start3A_345] : memref<32x8x64xf32, #tpu.memory_space<vmem>> -> memref<1x8x64xf32, #tpu.memory_space<vmem>>
      %dma_start3A_347 = arith.constant 0 : i32
      %dma_start3A_348 = arith.constant 0 : i32
      %dma_start3A_349 = tpu.memref_slice %arg5[%shift_right_arithmetic3A_339, %dma_start3A_347, %dma_start3A_348] : memref<12500x8x64xf32, #tpu.memory_space<hbm>> -> memref<1x8x64xf32, #tpu.memory_space<hbm>>
      %dma_start3A_350 = arith.constant 0 : i32
      %dma_start3A_351 = arith.constant 0 : i32
      %dma_start3A_352 = tpu.memref_slice %arg12[%add3A_343, %dma_start3A_350, %dma_start3A_351] : memref<32x8x64xf32, #tpu.memory_space<vmem>> -> memref<1x8x64xf32, #tpu.memory_space<vmem>>
      %dma_start3A_353 = arith.constant 0 : i32
      %dma_start3A_354 = arith.constant 0 : i32
      %dma_start3A_355 = tpu.memref_slice %arg5[%shift_right_arithmetic3A_339, %dma_start3A_353, %dma_start3A_354] : memref<12500x8x64xf32, #tpu.memory_space<hbm>> -> memref<1x8x64xf32, #tpu.memory_space<hbm>>
      tpu.enqueue_dma source(%dma_start3A_355 : memref<1x8x64xf32, #tpu.memory_space<hbm>>) target(%dma_start3A_352 : memref<1x8x64xf32, #tpu.memory_space<vmem>>) target_semaphore(%arg16 : memref<!tpu.dma_semaphore, #tpu.memory_space<semaphore_mem>>)
      %slice3A_356 = vector.extract_strided_slice %get3A_178 {offsets = [9], sizes = [1], strides = [1]} : vector<16xi32> to vector<1xi32>
      %squeeze3A_357 = vector.extract %slice3A_356[0] : i32 from vector<1xi32>
      %shift_right_arithmetic3A_358 = arith.constant 3 : i32
      %shift_right_arithmetic3A_359 = arith.shrsi %squeeze3A_357, %shift_right_arithmetic3A_358 : i32
      %mul3A_360 = arith.constant 16 : i32
      %mul3A_361 = arith.muli %scan3A_172, %mul3A_360 : i32
      %add3A_362 = arith.constant 9 : i32
      %add3A_363 = arith.addi %mul3A_361, %add3A_362 : i32
      %dma_start3A_364 = arith.constant 0 : i32
      %dma_start3A_365 = arith.constant 0 : i32
      %dma_start3A_366 = tpu.memref_slice %arg12[%add3A_363, %dma_start3A_364, %dma_start3A_365] : memref<32x8x64xf32, #tpu.memory_space<vmem>> -> memref<1x8x64xf32, #tpu.memory_space<vmem>>
      %dma_start3A_367 = arith.constant 0 : i32
      %dma_start3A_368 = arith.constant 0 : i32
      %dma_start3A_369 = tpu.memref_slice %arg5[%shift_right_arithmetic3A_359, %dma_start3A_367, %dma_start3A_368] : memref<12500x8x64xf32, #tpu.memory_space<hbm>> -> memref<1x8x64xf32, #tpu.memory_space<hbm>>
      %dma_start3A_370 = arith.constant 0 : i32
      %dma_start3A_371 = arith.constant 0 : i32
      %dma_start3A_372 = tpu.memref_slice %arg12[%add3A_363, %dma_start3A_370, %dma_start3A_371] : memref<32x8x64xf32, #tpu.memory_space<vmem>> -> memref<1x8x64xf32, #tpu.memory_space<vmem>>
      %dma_start3A_373 = arith.constant 0 : i32
      %dma_start3A_374 = arith.constant 0 : i32
      %dma_start3A_375 = tpu.memref_slice %arg5[%shift_right_arithmetic3A_359, %dma_start3A_373, %dma_start3A_374] : memref<12500x8x64xf32, #tpu.memory_space<hbm>> -> memref<1x8x64xf32, #tpu.memory_space<hbm>>
      tpu.enqueue_dma source(%dma_start3A_375 : memref<1x8x64xf32, #tpu.memory_space<hbm>>) target(%dma_start3A_372 : memref<1x8x64xf32, #tpu.memory_space<vmem>>) target_semaphore(%arg16 : memref<!tpu.dma_semaphore, #tpu.memory_space<semaphore_mem>>)
      %slice3A_376 = vector.extract_strided_slice %get3A_178 {offsets = [10], sizes = [1], strides = [1]} : vector<16xi32> to vector<1xi32>
      %squeeze3A_377 = vector.extract %slice3A_376[0] : i32 from vector<1xi32>
      %shift_right_arithmetic3A_378 = arith.constant 3 : i32
      %shift_right_arithmetic3A_379 = arith.shrsi %squeeze3A_377, %shift_right_arithmetic3A_378 : i32
      %mul3A_380 = arith.constant 16 : i32
      %mul3A_381 = arith.muli %scan3A_172, %mul3A_380 : i32
      %add3A_382 = arith.constant 10 : i32
      %add3A_383 = arith.addi %mul3A_381, %add3A_382 : i32
      %dma_start3A_384 = arith.constant 0 : i32
      %dma_start3A_385 = arith.constant 0 : i32
      %dma_start3A_386 = tpu.memref_slice %arg12[%add3A_383, %dma_start3A_384, %dma_start3A_385] : memref<32x8x64xf32, #tpu.memory_space<vmem>> -> memref<1x8x64xf32, #tpu.memory_space<vmem>>
      %dma_start3A_387 = arith.constant 0 : i32
      %dma_start3A_388 = arith.constant 0 : i32
      %dma_start3A_389 = tpu.memref_slice %arg5[%shift_right_arithmetic3A_379, %dma_start3A_387, %dma_start3A_388] : memref<12500x8x64xf32, #tpu.memory_space<hbm>> -> memref<1x8x64xf32, #tpu.memory_space<hbm>>
      %dma_start3A_390 = arith.constant 0 : i32
      %dma_start3A_391 = arith.constant 0 : i32
      %dma_start3A_392 = tpu.memref_slice %arg12[%add3A_383, %dma_start3A_390, %dma_start3A_391] : memref<32x8x64xf32, #tpu.memory_space<vmem>> -> memref<1x8x64xf32, #tpu.memory_space<vmem>>
      %dma_start3A_393 = arith.constant 0 : i32
      %dma_start3A_394 = arith.constant 0 : i32
      %dma_start3A_395 = tpu.memref_slice %arg5[%shift_right_arithmetic3A_379, %dma_start3A_393, %dma_start3A_394] : memref<12500x8x64xf32, #tpu.memory_space<hbm>> -> memref<1x8x64xf32, #tpu.memory_space<hbm>>
      tpu.enqueue_dma source(%dma_start3A_395 : memref<1x8x64xf32, #tpu.memory_space<hbm>>) target(%dma_start3A_392 : memref<1x8x64xf32, #tpu.memory_space<vmem>>) target_semaphore(%arg16 : memref<!tpu.dma_semaphore, #tpu.memory_space<semaphore_mem>>)
      %slice3A_396 = vector.extract_strided_slice %get3A_178 {offsets = [11], sizes = [1], strides = [1]} : vector<16xi32> to vector<1xi32>
      %squeeze3A_397 = vector.extract %slice3A_396[0] : i32 from vector<1xi32>
      %shift_right_arithmetic3A_398 = arith.constant 3 : i32
      %shift_right_arithmetic3A_399 = arith.shrsi %squeeze3A_397, %shift_right_arithmetic3A_398 : i32
      %mul3A_400 = arith.constant 16 : i32
      %mul3A_401 = arith.muli %scan3A_172, %mul3A_400 : i32
      %add3A_402 = arith.constant 11 : i32
      %add3A_403 = arith.addi %mul3A_401, %add3A_402 : i32
      %dma_start3A_404 = arith.constant 0 : i32
      %dma_start3A_405 = arith.constant 0 : i32
      %dma_start3A_406 = tpu.memref_slice %arg12[%add3A_403, %dma_start3A_404, %dma_start3A_405] : memref<32x8x64xf32, #tpu.memory_space<vmem>> -> memref<1x8x64xf32, #tpu.memory_space<vmem>>
      %dma_start3A_407 = arith.constant 0 : i32
      %dma_start3A_408 = arith.constant 0 : i32
      %dma_start3A_409 = tpu.memref_slice %arg5[%shift_right_arithmetic3A_399, %dma_start3A_407, %dma_start3A_408] : memref<12500x8x64xf32, #tpu.memory_space<hbm>> -> memref<1x8x64xf32, #tpu.memory_space<hbm>>
      %dma_start3A_410 = arith.constant 0 : i32
      %dma_start3A_411 = arith.constant 0 : i32
      %dma_start3A_412 = tpu.memref_slice %arg12[%add3A_403, %dma_start3A_410, %dma_start3A_411] : memref<32x8x64xf32, #tpu.memory_space<vmem>> -> memref<1x8x64xf32, #tpu.memory_space<vmem>>
      %dma_start3A_413 = arith.constant 0 : i32
      %dma_start3A_414 = arith.constant 0 : i32
      %dma_start3A_415 = tpu.memref_slice %arg5[%shift_right_arithmetic3A_399, %dma_start3A_413, %dma_start3A_414] : memref<12500x8x64xf32, #tpu.memory_space<hbm>> -> memref<1x8x64xf32, #tpu.memory_space<hbm>>
      tpu.enqueue_dma source(%dma_start3A_415 : memref<1x8x64xf32, #tpu.memory_space<hbm>>) target(%dma_start3A_412 : memref<1x8x64xf32, #tpu.memory_space<vmem>>) target_semaphore(%arg16 : memref<!tpu.dma_semaphore, #tpu.memory_space<semaphore_mem>>)
      %slice3A_416 = vector.extract_strided_slice %get3A_178 {offsets = [12], sizes = [1], strides = [1]} : vector<16xi32> to vector<1xi32>
      %squeeze3A_417 = vector.extract %slice3A_416[0] : i32 from vector<1xi32>
      %shift_right_arithmetic3A_418 = arith.constant 3 : i32
      %shift_right_arithmetic3A_419 = arith.shrsi %squeeze3A_417, %shift_right_arithmetic3A_418 : i32
      %mul3A_420 = arith.constant 16 : i32
      %mul3A_421 = arith.muli %scan3A_172, %mul3A_420 : i32
      %add3A_422 = arith.constant 12 : i32
      %add3A_423 = arith.addi %mul3A_421, %add3A_422 : i32
      %dma_start3A_424 = arith.constant 0 : i32
      %dma_start3A_425 = arith.constant 0 : i32
      %dma_start3A_426 = tpu.memref_slice %arg12[%add3A_423, %dma_start3A_424, %dma_start3A_425] : memref<32x8x64xf32, #tpu.memory_space<vmem>> -> memref<1x8x64xf32, #tpu.memory_space<vmem>>
      %dma_start3A_427 = arith.constant 0 : i32
      %dma_start3A_428 = arith.constant 0 : i32
      %dma_start3A_429 = tpu.memref_slice %arg5[%shift_right_arithmetic3A_419, %dma_start3A_427, %dma_start3A_428] : memref<12500x8x64xf32, #tpu.memory_space<hbm>> -> memref<1x8x64xf32, #tpu.memory_space<hbm>>
      %dma_start3A_430 = arith.constant 0 : i32
      %dma_start3A_431 = arith.constant 0 : i32
      %dma_start3A_432 = tpu.memref_slice %arg12[%add3A_423, %dma_start3A_430, %dma_start3A_431] : memref<32x8x64xf32, #tpu.memory_space<vmem>> -> memref<1x8x64xf32, #tpu.memory_space<vmem>>
      %dma_start3A_433 = arith.constant 0 : i32
      %dma_start3A_434 = arith.constant 0 : i32
      %dma_start3A_435 = tpu.memref_slice %arg5[%shift_right_arithmetic3A_419, %dma_start3A_433, %dma_start3A_434] : memref<12500x8x64xf32, #tpu.memory_space<hbm>> -> memref<1x8x64xf32, #tpu.memory_space<hbm>>
      tpu.enqueue_dma source(%dma_start3A_435 : memref<1x8x64xf32, #tpu.memory_space<hbm>>) target(%dma_start3A_432 : memref<1x8x64xf32, #tpu.memory_space<vmem>>) target_semaphore(%arg16 : memref<!tpu.dma_semaphore, #tpu.memory_space<semaphore_mem>>)
      %slice3A_436 = vector.extract_strided_slice %get3A_178 {offsets = [13], sizes = [1], strides = [1]} : vector<16xi32> to vector<1xi32>
      %squeeze3A_437 = vector.extract %slice3A_436[0] : i32 from vector<1xi32>
      %shift_right_arithmetic3A_438 = arith.constant 3 : i32
      %shift_right_arithmetic3A_439 = arith.shrsi %squeeze3A_437, %shift_right_arithmetic3A_438 : i32
      %mul3A_440 = arith.constant 16 : i32
      %mul3A_441 = arith.muli %scan3A_172, %mul3A_440 : i32
      %add3A_442 = arith.constant 13 : i32
      %add3A_443 = arith.addi %mul3A_441, %add3A_442 : i32
      %dma_start3A_444 = arith.constant 0 : i32
      %dma_start3A_445 = arith.constant 0 : i32
      %dma_start3A_446 = tpu.memref_slice %arg12[%add3A_443, %dma_start3A_444, %dma_start3A_445] : memref<32x8x64xf32, #tpu.memory_space<vmem>> -> memref<1x8x64xf32, #tpu.memory_space<vmem>>
      %dma_start3A_447 = arith.constant 0 : i32
      %dma_start3A_448 = arith.constant 0 : i32
      %dma_start3A_449 = tpu.memref_slice %arg5[%shift_right_arithmetic3A_439, %dma_start3A_447, %dma_start3A_448] : memref<12500x8x64xf32, #tpu.memory_space<hbm>> -> memref<1x8x64xf32, #tpu.memory_space<hbm>>
      %dma_start3A_450 = arith.constant 0 : i32
      %dma_start3A_451 = arith.constant 0 : i32
      %dma_start3A_452 = tpu.memref_slice %arg12[%add3A_443, %dma_start3A_450, %dma_start3A_451] : memref<32x8x64xf32, #tpu.memory_space<vmem>> -> memref<1x8x64xf32, #tpu.memory_space<vmem>>
      %dma_start3A_453 = arith.constant 0 : i32
      %dma_start3A_454 = arith.constant 0 : i32
      %dma_start3A_455 = tpu.memref_slice %arg5[%shift_right_arithmetic3A_439, %dma_start3A_453, %dma_start3A_454] : memref<12500x8x64xf32, #tpu.memory_space<hbm>> -> memref<1x8x64xf32, #tpu.memory_space<hbm>>
      tpu.enqueue_dma source(%dma_start3A_455 : memref<1x8x64xf32, #tpu.memory_space<hbm>>) target(%dma_start3A_452 : memref<1x8x64xf32, #tpu.memory_space<vmem>>) target_semaphore(%arg16 : memref<!tpu.dma_semaphore, #tpu.memory_space<semaphore_mem>>)
      %slice3A_456 = vector.extract_strided_slice %get3A_178 {offsets = [14], sizes = [1], strides = [1]} : vector<16xi32> to vector<1xi32>
      %squeeze3A_457 = vector.extract %slice3A_456[0] : i32 from vector<1xi32>
      %shift_right_arithmetic3A_458 = arith.constant 3 : i32
      %shift_right_arithmetic3A_459 = arith.shrsi %squeeze3A_457, %shift_right_arithmetic3A_458 : i32
      %mul3A_460 = arith.constant 16 : i32
      %mul3A_461 = arith.muli %scan3A_172, %mul3A_460 : i32
      %add3A_462 = arith.constant 14 : i32
      %add3A_463 = arith.addi %mul3A_461, %add3A_462 : i32
      %dma_start3A_464 = arith.constant 0 : i32
      %dma_start3A_465 = arith.constant 0 : i32
      %dma_start3A_466 = tpu.memref_slice %arg12[%add3A_463, %dma_start3A_464, %dma_start3A_465] : memref<32x8x64xf32, #tpu.memory_space<vmem>> -> memref<1x8x64xf32, #tpu.memory_space<vmem>>
      %dma_start3A_467 = arith.constant 0 : i32
      %dma_start3A_468 = arith.constant 0 : i32
      %dma_start3A_469 = tpu.memref_slice %arg5[%shift_right_arithmetic3A_459, %dma_start3A_467, %dma_start3A_468] : memref<12500x8x64xf32, #tpu.memory_space<hbm>> -> memref<1x8x64xf32, #tpu.memory_space<hbm>>
      %dma_start3A_470 = arith.constant 0 : i32
      %dma_start3A_471 = arith.constant 0 : i32
      %dma_start3A_472 = tpu.memref_slice %arg12[%add3A_463, %dma_start3A_470, %dma_start3A_471] : memref<32x8x64xf32, #tpu.memory_space<vmem>> -> memref<1x8x64xf32, #tpu.memory_space<vmem>>
      %dma_start3A_473 = arith.constant 0 : i32
      %dma_start3A_474 = arith.constant 0 : i32
      %dma_start3A_475 = tpu.memref_slice %arg5[%shift_right_arithmetic3A_459, %dma_start3A_473, %dma_start3A_474] : memref<12500x8x64xf32, #tpu.memory_space<hbm>> -> memref<1x8x64xf32, #tpu.memory_space<hbm>>
      tpu.enqueue_dma source(%dma_start3A_475 : memref<1x8x64xf32, #tpu.memory_space<hbm>>) target(%dma_start3A_472 : memref<1x8x64xf32, #tpu.memory_space<vmem>>) target_semaphore(%arg16 : memref<!tpu.dma_semaphore, #tpu.memory_space<semaphore_mem>>)
      %slice3A_476 = vector.extract_strided_slice %get3A_178 {offsets = [15], sizes = [1], strides = [1]} : vector<16xi32> to vector<1xi32>
      %squeeze3A_477 = vector.extract %slice3A_476[0] : i32 from vector<1xi32>
      %shift_right_arithmetic3A_478 = arith.constant 3 : i32
      %shift_right_arithmetic3A_479 = arith.shrsi %squeeze3A_477, %shift_right_arithmetic3A_478 : i32
      %mul3A_480 = arith.constant 16 : i32
      %mul3A_481 = arith.muli %scan3A_172, %mul3A_480 : i32
      %add3A_482 = arith.constant 15 : i32
      %add3A_483 = arith.addi %mul3A_481, %add3A_482 : i32
      %dma_start3A_484 = arith.constant 0 : i32
      %dma_start3A_485 = arith.constant 0 : i32
      %dma_start3A_486 = tpu.memref_slice %arg12[%add3A_483, %dma_start3A_484, %dma_start3A_485] : memref<32x8x64xf32, #tpu.memory_space<vmem>> -> memref<1x8x64xf32, #tpu.memory_space<vmem>>
      %dma_start3A_487 = arith.constant 0 : i32
      %dma_start3A_488 = arith.constant 0 : i32
      %dma_start3A_489 = tpu.memref_slice %arg5[%shift_right_arithmetic3A_479, %dma_start3A_487, %dma_start3A_488] : memref<12500x8x64xf32, #tpu.memory_space<hbm>> -> memref<1x8x64xf32, #tpu.memory_space<hbm>>
      %dma_start3A_490 = arith.constant 0 : i32
      %dma_start3A_491 = arith.constant 0 : i32
      %dma_start3A_492 = tpu.memref_slice %arg12[%add3A_483, %dma_start3A_490, %dma_start3A_491] : memref<32x8x64xf32, #tpu.memory_space<vmem>> -> memref<1x8x64xf32, #tpu.memory_space<vmem>>
      %dma_start3A_493 = arith.constant 0 : i32
      %dma_start3A_494 = arith.constant 0 : i32
      %dma_start3A_495 = tpu.memref_slice %arg5[%shift_right_arithmetic3A_479, %dma_start3A_493, %dma_start3A_494] : memref<12500x8x64xf32, #tpu.memory_space<hbm>> -> memref<1x8x64xf32, #tpu.memory_space<hbm>>
      tpu.enqueue_dma source(%dma_start3A_495 : memref<1x8x64xf32, #tpu.memory_space<hbm>>) target(%dma_start3A_492 : memref<1x8x64xf32, #tpu.memory_space<vmem>>) target_semaphore(%arg16 : memref<!tpu.dma_semaphore, #tpu.memory_space<semaphore_mem>>)
    }
    %scan3A_103 = arith.constant 2 : i32
    %scan3A_104 = arith.constant 0 : i32
    %scan3A_105 = arith.constant 0 : i32
    %scan3A_106 = arith.constant 2 : i32
    %scan3A_107 = arith.addi %scan3A_105, %scan3A_106 : i32
    %scan3A_108 = arith.constant 1 : i32
    scf.for %scan3A_172 = %scan3A_105 to %scan3A_107 step %scan3A_108  : i32 {
      %mul3A_173 = arith.constant 16 : i32
      %mul3A_174 = arith.muli %scan3A_172, %mul3A_173 : i32
      %add3A_175 = arith.constant 64 : i32
      %add3A_176 = arith.addi %add3A_175, %mul3A_174 : i32
      %get3A_177 = arith.index_cast %add3A_176 : i32 to index
      %get3A_178 = tpu.vector_load %arg9[%get3A_177] {strides = array<i32>} : memref<128xi32, #tpu.memory_space<vmem>>, vector<16xi32>,
      %slice3A = vector.extract_strided_slice %get3A_178 {offsets = [0], sizes = [1], strides = [1]} : vector<16xi32> to vector<1xi32>
      %squeeze3A = vector.extract %slice3A[0] : i32 from vector<1xi32>
      %shift_right_arithmetic3A = arith.constant 3 : i32
      %shift_right_arithmetic3A_179 = arith.shrsi %squeeze3A, %shift_right_arithmetic3A : i32
      %mul3A_180 = arith.constant 16 : i32
      %mul3A_181 = arith.muli %scan3A_172, %mul3A_180 : i32
      %add3A_182 = arith.constant 0 : i32
      %add3A_183 = arith.addi %mul3A_181, %add3A_182 : i32
      %dma_start3A_184 = arith.constant 0 : i32
      %dma_start3A_185 = arith.constant 0 : i32
      %dma_start3A_186 = tpu.memref_slice %arg13[%add3A_183, %dma_start3A_184, %dma_start3A_185] : memref<32x8x64xf32, #tpu.memory_space<vmem>> -> memref<1x8x64xf32, #tpu.memory_space<vmem>>
      %dma_start3A_187 = arith.constant 0 : i32
      %dma_start3A_188 = arith.constant 0 : i32
      %dma_start3A_189 = tpu.memref_slice %arg5[%shift_right_arithmetic3A_179, %dma_start3A_187, %dma_start3A_188] : memref<12500x8x64xf32, #tpu.memory_space<hbm>> -> memref<1x8x64xf32, #tpu.memory_space<hbm>>
      %dma_start3A_190 = arith.constant 0 : i32
      %dma_start3A_191 = arith.constant 0 : i32
      %dma_start3A_192 = tpu.memref_slice %arg13[%add3A_183, %dma_start3A_190, %dma_start3A_191] : memref<32x8x64xf32, #tpu.memory_space<vmem>> -> memref<1x8x64xf32, #tpu.memory_space<vmem>>
      %dma_start3A_193 = arith.constant 0 : i32
      %dma_start3A_194 = arith.constant 0 : i32
      %dma_start3A_195 = tpu.memref_slice %arg5[%shift_right_arithmetic3A_179, %dma_start3A_193, %dma_start3A_194] : memref<12500x8x64xf32, #tpu.memory_space<hbm>> -> memref<1x8x64xf32, #tpu.memory_space<hbm>>
      tpu.enqueue_dma source(%dma_start3A_195 : memref<1x8x64xf32, #tpu.memory_space<hbm>>) target(%dma_start3A_192 : memref<1x8x64xf32, #tpu.memory_space<vmem>>) target_semaphore(%arg17 : memref<!tpu.dma_semaphore, #tpu.memory_space<semaphore_mem>>)
      %slice3A_196 = vector.extract_strided_slice %get3A_178 {offsets = [1], sizes = [1], strides = [1]} : vector<16xi32> to vector<1xi32>
      %squeeze3A_197 = vector.extract %slice3A_196[0] : i32 from vector<1xi32>
      %shift_right_arithmetic3A_198 = arith.constant 3 : i32
      %shift_right_arithmetic3A_199 = arith.shrsi %squeeze3A_197, %shift_right_arithmetic3A_198 : i32
      %mul3A_200 = arith.constant 16 : i32
      %mul3A_201 = arith.muli %scan3A_172, %mul3A_200 : i32
      %add3A_202 = arith.constant 1 : i32
      %add3A_203 = arith.addi %mul3A_201, %add3A_202 : i32
      %dma_start3A_204 = arith.constant 0 : i32
      %dma_start3A_205 = arith.constant 0 : i32
      %dma_start3A_206 = tpu.memref_slice %arg13[%add3A_203, %dma_start3A_204, %dma_start3A_205] : memref<32x8x64xf32, #tpu.memory_space<vmem>> -> memref<1x8x64xf32, #tpu.memory_space<vmem>>
      %dma_start3A_207 = arith.constant 0 : i32
      %dma_start3A_208 = arith.constant 0 : i32
      %dma_start3A_209 = tpu.memref_slice %arg5[%shift_right_arithmetic3A_199, %dma_start3A_207, %dma_start3A_208] : memref<12500x8x64xf32, #tpu.memory_space<hbm>> -> memref<1x8x64xf32, #tpu.memory_space<hbm>>
      %dma_start3A_210 = arith.constant 0 : i32
      %dma_start3A_211 = arith.constant 0 : i32
      %dma_start3A_212 = tpu.memref_slice %arg13[%add3A_203, %dma_start3A_210, %dma_start3A_211] : memref<32x8x64xf32, #tpu.memory_space<vmem>> -> memref<1x8x64xf32, #tpu.memory_space<vmem>>
      %dma_start3A_213 = arith.constant 0 : i32
      %dma_start3A_214 = arith.constant 0 : i32
      %dma_start3A_215 = tpu.memref_slice %arg5[%shift_right_arithmetic3A_199, %dma_start3A_213, %dma_start3A_214] : memref<12500x8x64xf32, #tpu.memory_space<hbm>> -> memref<1x8x64xf32, #tpu.memory_space<hbm>>
      tpu.enqueue_dma source(%dma_start3A_215 : memref<1x8x64xf32, #tpu.memory_space<hbm>>) target(%dma_start3A_212 : memref<1x8x64xf32, #tpu.memory_space<vmem>>) target_semaphore(%arg17 : memref<!tpu.dma_semaphore, #tpu.memory_space<semaphore_mem>>)
      %slice3A_216 = vector.extract_strided_slice %get3A_178 {offsets = [2], sizes = [1], strides = [1]} : vector<16xi32> to vector<1xi32>
      %squeeze3A_217 = vector.extract %slice3A_216[0] : i32 from vector<1xi32>
      %shift_right_arithmetic3A_218 = arith.constant 3 : i32
      %shift_right_arithmetic3A_219 = arith.shrsi %squeeze3A_217, %shift_right_arithmetic3A_218 : i32
      %mul3A_220 = arith.constant 16 : i32
      %mul3A_221 = arith.muli %scan3A_172, %mul3A_220 : i32
      %add3A_222 = arith.constant 2 : i32
      %add3A_223 = arith.addi %mul3A_221, %add3A_222 : i32
      %dma_start3A_224 = arith.constant 0 : i32
      %dma_start3A_225 = arith.constant 0 : i32
      %dma_start3A_226 = tpu.memref_slice %arg13[%add3A_223, %dma_start3A_224, %dma_start3A_225] : memref<32x8x64xf32, #tpu.memory_space<vmem>> -> memref<1x8x64xf32, #tpu.memory_space<vmem>>
      %dma_start3A_227 = arith.constant 0 : i32
      %dma_start3A_228 = arith.constant 0 : i32
      %dma_start3A_229 = tpu.memref_slice %arg5[%shift_right_arithmetic3A_219, %dma_start3A_227, %dma_start3A_228] : memref<12500x8x64xf32, #tpu.memory_space<hbm>> -> memref<1x8x64xf32, #tpu.memory_space<hbm>>
      %dma_start3A_230 = arith.constant 0 : i32
      %dma_start3A_231 = arith.constant 0 : i32
      %dma_start3A_232 = tpu.memref_slice %arg13[%add3A_223, %dma_start3A_230, %dma_start3A_231] : memref<32x8x64xf32, #tpu.memory_space<vmem>> -> memref<1x8x64xf32, #tpu.memory_space<vmem>>
      %dma_start3A_233 = arith.constant 0 : i32
      %dma_start3A_234 = arith.constant 0 : i32
      %dma_start3A_235 = tpu.memref_slice %arg5[%shift_right_arithmetic3A_219, %dma_start3A_233, %dma_start3A_234] : memref<12500x8x64xf32, #tpu.memory_space<hbm>> -> memref<1x8x64xf32, #tpu.memory_space<hbm>>
      tpu.enqueue_dma source(%dma_start3A_235 : memref<1x8x64xf32, #tpu.memory_space<hbm>>) target(%dma_start3A_232 : memref<1x8x64xf32, #tpu.memory_space<vmem>>) target_semaphore(%arg17 : memref<!tpu.dma_semaphore, #tpu.memory_space<semaphore_mem>>)
      %slice3A_236 = vector.extract_strided_slice %get3A_178 {offsets = [3], sizes = [1], strides = [1]} : vector<16xi32> to vector<1xi32>
      %squeeze3A_237 = vector.extract %slice3A_236[0] : i32 from vector<1xi32>
      %shift_right_arithmetic3A_238 = arith.constant 3 : i32
      %shift_right_arithmetic3A_239 = arith.shrsi %squeeze3A_237, %shift_right_arithmetic3A_238 : i32
      %mul3A_240 = arith.constant 16 : i32
      %mul3A_241 = arith.muli %scan3A_172, %mul3A_240 : i32
      %add3A_242 = arith.constant 3 : i32
      %add3A_243 = arith.addi %mul3A_241, %add3A_242 : i32
      %dma_start3A_244 = arith.constant 0 : i32
      %dma_start3A_245 = arith.constant 0 : i32
      %dma_start3A_246 = tpu.memref_slice %arg13[%add3A_243, %dma_start3A_244, %dma_start3A_245] : memref<32x8x64xf32, #tpu.memory_space<vmem>> -> memref<1x8x64xf32, #tpu.memory_space<vmem>>
      %dma_start3A_247 = arith.constant 0 : i32
      %dma_start3A_248 = arith.constant 0 : i32
      %dma_start3A_249 = tpu.memref_slice %arg5[%shift_right_arithmetic3A_239, %dma_start3A_247, %dma_start3A_248] : memref<12500x8x64xf32, #tpu.memory_space<hbm>> -> memref<1x8x64xf32, #tpu.memory_space<hbm>>
      %dma_start3A_250 = arith.constant 0 : i32
      %dma_start3A_251 = arith.constant 0 : i32
      %dma_start3A_252 = tpu.memref_slice %arg13[%add3A_243, %dma_start3A_250, %dma_start3A_251] : memref<32x8x64xf32, #tpu.memory_space<vmem>> -> memref<1x8x64xf32, #tpu.memory_space<vmem>>
      %dma_start3A_253 = arith.constant 0 : i32
      %dma_start3A_254 = arith.constant 0 : i32
      %dma_start3A_255 = tpu.memref_slice %arg5[%shift_right_arithmetic3A_239, %dma_start3A_253, %dma_start3A_254] : memref<12500x8x64xf32, #tpu.memory_space<hbm>> -> memref<1x8x64xf32, #tpu.memory_space<hbm>>
      tpu.enqueue_dma source(%dma_start3A_255 : memref<1x8x64xf32, #tpu.memory_space<hbm>>) target(%dma_start3A_252 : memref<1x8x64xf32, #tpu.memory_space<vmem>>) target_semaphore(%arg17 : memref<!tpu.dma_semaphore, #tpu.memory_space<semaphore_mem>>)
      %slice3A_256 = vector.extract_strided_slice %get3A_178 {offsets = [4], sizes = [1], strides = [1]} : vector<16xi32> to vector<1xi32>
      %squeeze3A_257 = vector.extract %slice3A_256[0] : i32 from vector<1xi32>
      %shift_right_arithmetic3A_258 = arith.constant 3 : i32
      %shift_right_arithmetic3A_259 = arith.shrsi %squeeze3A_257, %shift_right_arithmetic3A_258 : i32
      %mul3A_260 = arith.constant 16 : i32
      %mul3A_261 = arith.muli %scan3A_172, %mul3A_260 : i32
      %add3A_262 = arith.constant 4 : i32
      %add3A_263 = arith.addi %mul3A_261, %add3A_262 : i32
      %dma_start3A_264 = arith.constant 0 : i32
      %dma_start3A_265 = arith.constant 0 : i32
      %dma_start3A_266 = tpu.memref_slice %arg13[%add3A_263, %dma_start3A_264, %dma_start3A_265] : memref<32x8x64xf32, #tpu.memory_space<vmem>> -> memref<1x8x64xf32, #tpu.memory_space<vmem>>
      %dma_start3A_267 = arith.constant 0 : i32
      %dma_start3A_268 = arith.constant 0 : i32
      %dma_start3A_269 = tpu.memref_slice %arg5[%shift_right_arithmetic3A_259, %dma_start3A_267, %dma_start3A_268] : memref<12500x8x64xf32, #tpu.memory_space<hbm>> -> memref<1x8x64xf32, #tpu.memory_space<hbm>>
      %dma_start3A_270 = arith.constant 0 : i32
      %dma_start3A_271 = arith.constant 0 : i32
      %dma_start3A_272 = tpu.memref_slice %arg13[%add3A_263, %dma_start3A_270, %dma_start3A_271] : memref<32x8x64xf32, #tpu.memory_space<vmem>> -> memref<1x8x64xf32, #tpu.memory_space<vmem>>
      %dma_start3A_273 = arith.constant 0 : i32
      %dma_start3A_274 = arith.constant 0 : i32
      %dma_start3A_275 = tpu.memref_slice %arg5[%shift_right_arithmetic3A_259, %dma_start3A_273, %dma_start3A_274] : memref<12500x8x64xf32, #tpu.memory_space<hbm>> -> memref<1x8x64xf32, #tpu.memory_space<hbm>>
      tpu.enqueue_dma source(%dma_start3A_275 : memref<1x8x64xf32, #tpu.memory_space<hbm>>) target(%dma_start3A_272 : memref<1x8x64xf32, #tpu.memory_space<vmem>>) target_semaphore(%arg17 : memref<!tpu.dma_semaphore, #tpu.memory_space<semaphore_mem>>)
      %slice3A_276 = vector.extract_strided_slice %get3A_178 {offsets = [5], sizes = [1], strides = [1]} : vector<16xi32> to vector<1xi32>
      %squeeze3A_277 = vector.extract %slice3A_276[0] : i32 from vector<1xi32>
      %shift_right_arithmetic3A_278 = arith.constant 3 : i32
      %shift_right_arithmetic3A_279 = arith.shrsi %squeeze3A_277, %shift_right_arithmetic3A_278 : i32
      %mul3A_280 = arith.constant 16 : i32
      %mul3A_281 = arith.muli %scan3A_172, %mul3A_280 : i32
      %add3A_282 = arith.constant 5 : i32
      %add3A_283 = arith.addi %mul3A_281, %add3A_282 : i32
      %dma_start3A_284 = arith.constant 0 : i32
      %dma_start3A_285 = arith.constant 0 : i32
      %dma_start3A_286 = tpu.memref_slice %arg13[%add3A_283, %dma_start3A_284, %dma_start3A_285] : memref<32x8x64xf32, #tpu.memory_space<vmem>> -> memref<1x8x64xf32, #tpu.memory_space<vmem>>
      %dma_start3A_287 = arith.constant 0 : i32
      %dma_start3A_288 = arith.constant 0 : i32
      %dma_start3A_289 = tpu.memref_slice %arg5[%shift_right_arithmetic3A_279, %dma_start3A_287, %dma_start3A_288] : memref<12500x8x64xf32, #tpu.memory_space<hbm>> -> memref<1x8x64xf32, #tpu.memory_space<hbm>>
      %dma_start3A_290 = arith.constant 0 : i32
      %dma_start3A_291 = arith.constant 0 : i32
      %dma_start3A_292 = tpu.memref_slice %arg13[%add3A_283, %dma_start3A_290, %dma_start3A_291] : memref<32x8x64xf32, #tpu.memory_space<vmem>> -> memref<1x8x64xf32, #tpu.memory_space<vmem>>
      %dma_start3A_293 = arith.constant 0 : i32
      %dma_start3A_294 = arith.constant 0 : i32
      %dma_start3A_295 = tpu.memref_slice %arg5[%shift_right_arithmetic3A_279, %dma_start3A_293, %dma_start3A_294] : memref<12500x8x64xf32, #tpu.memory_space<hbm>> -> memref<1x8x64xf32, #tpu.memory_space<hbm>>
      tpu.enqueue_dma source(%dma_start3A_295 : memref<1x8x64xf32, #tpu.memory_space<hbm>>) target(%dma_start3A_292 : memref<1x8x64xf32, #tpu.memory_space<vmem>>) target_semaphore(%arg17 : memref<!tpu.dma_semaphore, #tpu.memory_space<semaphore_mem>>)
      %slice3A_296 = vector.extract_strided_slice %get3A_178 {offsets = [6], sizes = [1], strides = [1]} : vector<16xi32> to vector<1xi32>
      %squeeze3A_297 = vector.extract %slice3A_296[0] : i32 from vector<1xi32>
      %shift_right_arithmetic3A_298 = arith.constant 3 : i32
      %shift_right_arithmetic3A_299 = arith.shrsi %squeeze3A_297, %shift_right_arithmetic3A_298 : i32
      %mul3A_300 = arith.constant 16 : i32
      %mul3A_301 = arith.muli %scan3A_172, %mul3A_300 : i32
      %add3A_302 = arith.constant 6 : i32
      %add3A_303 = arith.addi %mul3A_301, %add3A_302 : i32
      %dma_start3A_304 = arith.constant 0 : i32
      %dma_start3A_305 = arith.constant 0 : i32
      %dma_start3A_306 = tpu.memref_slice %arg13[%add3A_303, %dma_start3A_304, %dma_start3A_305] : memref<32x8x64xf32, #tpu.memory_space<vmem>> -> memref<1x8x64xf32, #tpu.memory_space<vmem>>
      %dma_start3A_307 = arith.constant 0 : i32
      %dma_start3A_308 = arith.constant 0 : i32
      %dma_start3A_309 = tpu.memref_slice %arg5[%shift_right_arithmetic3A_299, %dma_start3A_307, %dma_start3A_308] : memref<12500x8x64xf32, #tpu.memory_space<hbm>> -> memref<1x8x64xf32, #tpu.memory_space<hbm>>
      %dma_start3A_310 = arith.constant 0 : i32
      %dma_start3A_311 = arith.constant 0 : i32
      %dma_start3A_312 = tpu.memref_slice %arg13[%add3A_303, %dma_start3A_310, %dma_start3A_311] : memref<32x8x64xf32, #tpu.memory_space<vmem>> -> memref<1x8x64xf32, #tpu.memory_space<vmem>>
      %dma_start3A_313 = arith.constant 0 : i32
      %dma_start3A_314 = arith.constant 0 : i32
      %dma_start3A_315 = tpu.memref_slice %arg5[%shift_right_arithmetic3A_299, %dma_start3A_313, %dma_start3A_314] : memref<12500x8x64xf32, #tpu.memory_space<hbm>> -> memref<1x8x64xf32, #tpu.memory_space<hbm>>
      tpu.enqueue_dma source(%dma_start3A_315 : memref<1x8x64xf32, #tpu.memory_space<hbm>>) target(%dma_start3A_312 : memref<1x8x64xf32, #tpu.memory_space<vmem>>) target_semaphore(%arg17 : memref<!tpu.dma_semaphore, #tpu.memory_space<semaphore_mem>>)
      %slice3A_316 = vector.extract_strided_slice %get3A_178 {offsets = [7], sizes = [1], strides = [1]} : vector<16xi32> to vector<1xi32>
      %squeeze3A_317 = vector.extract %slice3A_316[0] : i32 from vector<1xi32>
      %shift_right_arithmetic3A_318 = arith.constant 3 : i32
      %shift_right_arithmetic3A_319 = arith.shrsi %squeeze3A_317, %shift_right_arithmetic3A_318 : i32
      %mul3A_320 = arith.constant 16 : i32
      %mul3A_321 = arith.muli %scan3A_172, %mul3A_320 : i32
      %add3A_322 = arith.constant 7 : i32
      %add3A_323 = arith.addi %mul3A_321, %add3A_322 : i32
      %dma_start3A_324 = arith.constant 0 : i32
      %dma_start3A_325 = arith.constant 0 : i32
      %dma_start3A_326 = tpu.memref_slice %arg13[%add3A_323, %dma_start3A_324, %dma_start3A_325] : memref<32x8x64xf32, #tpu.memory_space<vmem>> -> memref<1x8x64xf32, #tpu.memory_space<vmem>>
      %dma_start3A_327 = arith.constant 0 : i32
      %dma_start3A_328 = arith.constant 0 : i32
      %dma_start3A_329 = tpu.memref_slice %arg5[%shift_right_arithmetic3A_319, %dma_start3A_327, %dma_start3A_328] : memref<12500x8x64xf32, #tpu.memory_space<hbm>> -> memref<1x8x64xf32, #tpu.memory_space<hbm>>
      %dma_start3A_330 = arith.constant 0 : i32
      %dma_start3A_331 = arith.constant 0 : i32
      %dma_start3A_332 = tpu.memref_slice %arg13[%add3A_323, %dma_start3A_330, %dma_start3A_331] : memref<32x8x64xf32, #tpu.memory_space<vmem>> -> memref<1x8x64xf32, #tpu.memory_space<vmem>>
      %dma_start3A_333 = arith.constant 0 : i32
      %dma_start3A_334 = arith.constant 0 : i32
      %dma_start3A_335 = tpu.memref_slice %arg5[%shift_right_arithmetic3A_319, %dma_start3A_333, %dma_start3A_334] : memref<12500x8x64xf32, #tpu.memory_space<hbm>> -> memref<1x8x64xf32, #tpu.memory_space<hbm>>
      tpu.enqueue_dma source(%dma_start3A_335 : memref<1x8x64xf32, #tpu.memory_space<hbm>>) target(%dma_start3A_332 : memref<1x8x64xf32, #tpu.memory_space<vmem>>) target_semaphore(%arg17 : memref<!tpu.dma_semaphore, #tpu.memory_space<semaphore_mem>>)
      %slice3A_336 = vector.extract_strided_slice %get3A_178 {offsets = [8], sizes = [1], strides = [1]} : vector<16xi32> to vector<1xi32>
      %squeeze3A_337 = vector.extract %slice3A_336[0] : i32 from vector<1xi32>
      %shift_right_arithmetic3A_338 = arith.constant 3 : i32
      %shift_right_arithmetic3A_339 = arith.shrsi %squeeze3A_337, %shift_right_arithmetic3A_338 : i32
      %mul3A_340 = arith.constant 16 : i32
      %mul3A_341 = arith.muli %scan3A_172, %mul3A_340 : i32
      %add3A_342 = arith.constant 8 : i32
      %add3A_343 = arith.addi %mul3A_341, %add3A_342 : i32
      %dma_start3A_344 = arith.constant 0 : i32
      %dma_start3A_345 = arith.constant 0 : i32
      %dma_start3A_346 = tpu.memref_slice %arg13[%add3A_343, %dma_start3A_344, %dma_start3A_345] : memref<32x8x64xf32, #tpu.memory_space<vmem>> -> memref<1x8x64xf32, #tpu.memory_space<vmem>>
      %dma_start3A_347 = arith.constant 0 : i32
      %dma_start3A_348 = arith.constant 0 : i32
      %dma_start3A_349 = tpu.memref_slice %arg5[%shift_right_arithmetic3A_339, %dma_start3A_347, %dma_start3A_348] : memref<12500x8x64xf32, #tpu.memory_space<hbm>> -> memref<1x8x64xf32, #tpu.memory_space<hbm>>
      %dma_start3A_350 = arith.constant 0 : i32
      %dma_start3A_351 = arith.constant 0 : i32
      %dma_start3A_352 = tpu.memref_slice %arg13[%add3A_343, %dma_start3A_350, %dma_start3A_351] : memref<32x8x64xf32, #tpu.memory_space<vmem>> -> memref<1x8x64xf32, #tpu.memory_space<vmem>>
      %dma_start3A_353 = arith.constant 0 : i32
      %dma_start3A_354 = arith.constant 0 : i32
      %dma_start3A_355 = tpu.memref_slice %arg5[%shift_right_arithmetic3A_339, %dma_start3A_353, %dma_start3A_354] : memref<12500x8x64xf32, #tpu.memory_space<hbm>> -> memref<1x8x64xf32, #tpu.memory_space<hbm>>
      tpu.enqueue_dma source(%dma_start3A_355 : memref<1x8x64xf32, #tpu.memory_space<hbm>>) target(%dma_start3A_352 : memref<1x8x64xf32, #tpu.memory_space<vmem>>) target_semaphore(%arg17 : memref<!tpu.dma_semaphore, #tpu.memory_space<semaphore_mem>>)
      %slice3A_356 = vector.extract_strided_slice %get3A_178 {offsets = [9], sizes = [1], strides = [1]} : vector<16xi32> to vector<1xi32>
      %squeeze3A_357 = vector.extract %slice3A_356[0] : i32 from vector<1xi32>
      %shift_right_arithmetic3A_358 = arith.constant 3 : i32
      %shift_right_arithmetic3A_359 = arith.shrsi %squeeze3A_357, %shift_right_arithmetic3A_358 : i32
      %mul3A_360 = arith.constant 16 : i32
      %mul3A_361 = arith.muli %scan3A_172, %mul3A_360 : i32
      %add3A_362 = arith.constant 9 : i32
      %add3A_363 = arith.addi %mul3A_361, %add3A_362 : i32
      %dma_start3A_364 = arith.constant 0 : i32
      %dma_start3A_365 = arith.constant 0 : i32
      %dma_start3A_366 = tpu.memref_slice %arg13[%add3A_363, %dma_start3A_364, %dma_start3A_365] : memref<32x8x64xf32, #tpu.memory_space<vmem>> -> memref<1x8x64xf32, #tpu.memory_space<vmem>>
      %dma_start3A_367 = arith.constant 0 : i32
      %dma_start3A_368 = arith.constant 0 : i32
      %dma_start3A_369 = tpu.memref_slice %arg5[%shift_right_arithmetic3A_359, %dma_start3A_367, %dma_start3A_368] : memref<12500x8x64xf32, #tpu.memory_space<hbm>> -> memref<1x8x64xf32, #tpu.memory_space<hbm>>
      %dma_start3A_370 = arith.constant 0 : i32
      %dma_start3A_371 = arith.constant 0 : i32
      %dma_start3A_372 = tpu.memref_slice %arg13[%add3A_363, %dma_start3A_370, %dma_start3A_371] : memref<32x8x64xf32, #tpu.memory_space<vmem>> -> memref<1x8x64xf32, #tpu.memory_space<vmem>>
      %dma_start3A_373 = arith.constant 0 : i32
      %dma_start3A_374 = arith.constant 0 : i32
      %dma_start3A_375 = tpu.memref_slice %arg5[%shift_right_arithmetic3A_359, %dma_start3A_373, %dma_start3A_374] : memref<12500x8x64xf32, #tpu.memory_space<hbm>> -> memref<1x8x64xf32, #tpu.memory_space<hbm>>
      tpu.enqueue_dma source(%dma_start3A_375 : memref<1x8x64xf32, #tpu.memory_space<hbm>>) target(%dma_start3A_372 : memref<1x8x64xf32, #tpu.memory_space<vmem>>) target_semaphore(%arg17 : memref<!tpu.dma_semaphore, #tpu.memory_space<semaphore_mem>>)
      %slice3A_376 = vector.extract_strided_slice %get3A_178 {offsets = [10], sizes = [1], strides = [1]} : vector<16xi32> to vector<1xi32>
      %squeeze3A_377 = vector.extract %slice3A_376[0] : i32 from vector<1xi32>
      %shift_right_arithmetic3A_378 = arith.constant 3 : i32
      %shift_right_arithmetic3A_379 = arith.shrsi %squeeze3A_377, %shift_right_arithmetic3A_378 : i32
      %mul3A_380 = arith.constant 16 : i32
      %mul3A_381 = arith.muli %scan3A_172, %mul3A_380 : i32
      %add3A_382 = arith.constant 10 : i32
      %add3A_383 = arith.addi %mul3A_381, %add3A_382 : i32
      %dma_start3A_384 = arith.constant 0 : i32
      %dma_start3A_385 = arith.constant 0 : i32
      %dma_start3A_386 = tpu.memref_slice %arg13[%add3A_383, %dma_start3A_384, %dma_start3A_385] : memref<32x8x64xf32, #tpu.memory_space<vmem>> -> memref<1x8x64xf32, #tpu.memory_space<vmem>>
      %dma_start3A_387 = arith.constant 0 : i32
      %dma_start3A_388 = arith.constant 0 : i32
      %dma_start3A_389 = tpu.memref_slice %arg5[%shift_right_arithmetic3A_379, %dma_start3A_387, %dma_start3A_388] : memref<12500x8x64xf32, #tpu.memory_space<hbm>> -> memref<1x8x64xf32, #tpu.memory_space<hbm>>
      %dma_start3A_390 = arith.constant 0 : i32
      %dma_start3A_391 = arith.constant 0 : i32
      %dma_start3A_392 = tpu.memref_slice %arg13[%add3A_383, %dma_start3A_390, %dma_start3A_391] : memref<32x8x64xf32, #tpu.memory_space<vmem>> -> memref<1x8x64xf32, #tpu.memory_space<vmem>>
      %dma_start3A_393 = arith.constant 0 : i32
      %dma_start3A_394 = arith.constant 0 : i32
      %dma_start3A_395 = tpu.memref_slice %arg5[%shift_right_arithmetic3A_379, %dma_start3A_393, %dma_start3A_394] : memref<12500x8x64xf32, #tpu.memory_space<hbm>> -> memref<1x8x64xf32, #tpu.memory_space<hbm>>
      tpu.enqueue_dma source(%dma_start3A_395 : memref<1x8x64xf32, #tpu.memory_space<hbm>>) target(%dma_start3A_392 : memref<1x8x64xf32, #tpu.memory_space<vmem>>) target_semaphore(%arg17 : memref<!tpu.dma_semaphore, #tpu.memory_space<semaphore_mem>>)
      %slice3A_396 = vector.extract_strided_slice %get3A_178 {offsets = [11], sizes = [1], strides = [1]} : vector<16xi32> to vector<1xi32>
      %squeeze3A_397 = vector.extract %slice3A_396[0] : i32 from vector<1xi32>
      %shift_right_arithmetic3A_398 = arith.constant 3 : i32
      %shift_right_arithmetic3A_399 = arith.shrsi %squeeze3A_397, %shift_right_arithmetic3A_398 : i32
      %mul3A_400 = arith.constant 16 : i32
      %mul3A_401 = arith.muli %scan3A_172, %mul3A_400 : i32
      %add3A_402 = arith.constant 11 : i32
      %add3A_403 = arith.addi %mul3A_401, %add3A_402 : i32
      %dma_start3A_404 = arith.constant 0 : i32
      %dma_start3A_405 = arith.constant 0 : i32
      %dma_start3A_406 = tpu.memref_slice %arg13[%add3A_403, %dma_start3A_404, %dma_start3A_405] : memref<32x8x64xf32, #tpu.memory_space<vmem>> -> memref<1x8x64xf32, #tpu.memory_space<vmem>>
      %dma_start3A_407 = arith.constant 0 : i32
      %dma_start3A_408 = arith.constant 0 : i32
      %dma_start3A_409 = tpu.memref_slice %arg5[%shift_right_arithmetic3A_399, %dma_start3A_407, %dma_start3A_408] : memref<12500x8x64xf32, #tpu.memory_space<hbm>> -> memref<1x8x64xf32, #tpu.memory_space<hbm>>
      %dma_start3A_410 = arith.constant 0 : i32
      %dma_start3A_411 = arith.constant 0 : i32
      %dma_start3A_412 = tpu.memref_slice %arg13[%add3A_403, %dma_start3A_410, %dma_start3A_411] : memref<32x8x64xf32, #tpu.memory_space<vmem>> -> memref<1x8x64xf32, #tpu.memory_space<vmem>>
      %dma_start3A_413 = arith.constant 0 : i32
      %dma_start3A_414 = arith.constant 0 : i32
      %dma_start3A_415 = tpu.memref_slice %arg5[%shift_right_arithmetic3A_399, %dma_start3A_413, %dma_start3A_414] : memref<12500x8x64xf32, #tpu.memory_space<hbm>> -> memref<1x8x64xf32, #tpu.memory_space<hbm>>
      tpu.enqueue_dma source(%dma_start3A_415 : memref<1x8x64xf32, #tpu.memory_space<hbm>>) target(%dma_start3A_412 : memref<1x8x64xf32, #tpu.memory_space<vmem>>) target_semaphore(%arg17 : memref<!tpu.dma_semaphore, #tpu.memory_space<semaphore_mem>>)
      %slice3A_416 = vector.extract_strided_slice %get3A_178 {offsets = [12], sizes = [1], strides = [1]} : vector<16xi32> to vector<1xi32>
      %squeeze3A_417 = vector.extract %slice3A_416[0] : i32 from vector<1xi32>
      %shift_right_arithmetic3A_418 = arith.constant 3 : i32
      %shift_right_arithmetic3A_419 = arith.shrsi %squeeze3A_417, %shift_right_arithmetic3A_418 : i32
      %mul3A_420 = arith.constant 16 : i32
      %mul3A_421 = arith.muli %scan3A_172, %mul3A_420 : i32
      %add3A_422 = arith.constant 12 : i32
      %add3A_423 = arith.addi %mul3A_421, %add3A_422 : i32
      %dma_start3A_424 = arith.constant 0 : i32
      %dma_start3A_425 = arith.constant 0 : i32
      %dma_start3A_426 = tpu.memref_slice %arg13[%add3A_423, %dma_start3A_424, %dma_start3A_425] : memref<32x8x64xf32, #tpu.memory_space<vmem>> -> memref<1x8x64xf32, #tpu.memory_space<vmem>>
      %dma_start3A_427 = arith.constant 0 : i32
      %dma_start3A_428 = arith.constant 0 : i32
      %dma_start3A_429 = tpu.memref_slice %arg5[%shift_right_arithmetic3A_419, %dma_start3A_427, %dma_start3A_428] : memref<12500x8x64xf32, #tpu.memory_space<hbm>> -> memref<1x8x64xf32, #tpu.memory_space<hbm>>
      %dma_start3A_430 = arith.constant 0 : i32
      %dma_start3A_431 = arith.constant 0 : i32
      %dma_start3A_432 = tpu.memref_slice %arg13[%add3A_423, %dma_start3A_430, %dma_start3A_431] : memref<32x8x64xf32, #tpu.memory_space<vmem>> -> memref<1x8x64xf32, #tpu.memory_space<vmem>>
      %dma_start3A_433 = arith.constant 0 : i32
      %dma_start3A_434 = arith.constant 0 : i32
      %dma_start3A_435 = tpu.memref_slice %arg5[%shift_right_arithmetic3A_419, %dma_start3A_433, %dma_start3A_434] : memref<12500x8x64xf32, #tpu.memory_space<hbm>> -> memref<1x8x64xf32, #tpu.memory_space<hbm>>
      tpu.enqueue_dma source(%dma_start3A_435 : memref<1x8x64xf32, #tpu.memory_space<hbm>>) target(%dma_start3A_432 : memref<1x8x64xf32, #tpu.memory_space<vmem>>) target_semaphore(%arg17 : memref<!tpu.dma_semaphore, #tpu.memory_space<semaphore_mem>>)
      %slice3A_436 = vector.extract_strided_slice %get3A_178 {offsets = [13], sizes = [1], strides = [1]} : vector<16xi32> to vector<1xi32>
      %squeeze3A_437 = vector.extract %slice3A_436[0] : i32 from vector<1xi32>
      %shift_right_arithmetic3A_438 = arith.constant 3 : i32
      %shift_right_arithmetic3A_439 = arith.shrsi %squeeze3A_437, %shift_right_arithmetic3A_438 : i32
      %mul3A_440 = arith.constant 16 : i32
      %mul3A_441 = arith.muli %scan3A_172, %mul3A_440 : i32
      %add3A_442 = arith.constant 13 : i32
      %add3A_443 = arith.addi %mul3A_441, %add3A_442 : i32
      %dma_start3A_444 = arith.constant 0 : i32
      %dma_start3A_445 = arith.constant 0 : i32
      %dma_start3A_446 = tpu.memref_slice %arg13[%add3A_443, %dma_start3A_444, %dma_start3A_445] : memref<32x8x64xf32, #tpu.memory_space<vmem>> -> memref<1x8x64xf32, #tpu.memory_space<vmem>>
      %dma_start3A_447 = arith.constant 0 : i32
      %dma_start3A_448 = arith.constant 0 : i32
      %dma_start3A_449 = tpu.memref_slice %arg5[%shift_right_arithmetic3A_439, %dma_start3A_447, %dma_start3A_448] : memref<12500x8x64xf32, #tpu.memory_space<hbm>> -> memref<1x8x64xf32, #tpu.memory_space<hbm>>
      %dma_start3A_450 = arith.constant 0 : i32
      %dma_start3A_451 = arith.constant 0 : i32
      %dma_start3A_452 = tpu.memref_slice %arg13[%add3A_443, %dma_start3A_450, %dma_start3A_451] : memref<32x8x64xf32, #tpu.memory_space<vmem>> -> memref<1x8x64xf32, #tpu.memory_space<vmem>>
      %dma_start3A_453 = arith.constant 0 : i32
      %dma_start3A_454 = arith.constant 0 : i32
      %dma_start3A_455 = tpu.memref_slice %arg5[%shift_right_arithmetic3A_439, %dma_start3A_453, %dma_start3A_454] : memref<12500x8x64xf32, #tpu.memory_space<hbm>> -> memref<1x8x64xf32, #tpu.memory_space<hbm>>
      tpu.enqueue_dma source(%dma_start3A_455 : memref<1x8x64xf32, #tpu.memory_space<hbm>>) target(%dma_start3A_452 : memref<1x8x64xf32, #tpu.memory_space<vmem>>) target_semaphore(%arg17 : memref<!tpu.dma_semaphore, #tpu.memory_space<semaphore_mem>>)
      %slice3A_456 = vector.extract_strided_slice %get3A_178 {offsets = [14], sizes = [1], strides = [1]} : vector<16xi32> to vector<1xi32>
      %squeeze3A_457 = vector.extract %slice3A_456[0] : i32 from vector<1xi32>
      %shift_right_arithmetic3A_458 = arith.constant 3 : i32
      %shift_right_arithmetic3A_459 = arith.shrsi %squeeze3A_457, %shift_right_arithmetic3A_458 : i32
      %mul3A_460 = arith.constant 16 : i32
      %mul3A_461 = arith.muli %scan3A_172, %mul3A_460 : i32
      %add3A_462 = arith.constant 14 : i32
      %add3A_463 = arith.addi %mul3A_461, %add3A_462 : i32
      %dma_start3A_464 = arith.constant 0 : i32
      %dma_start3A_465 = arith.constant 0 : i32
      %dma_start3A_466 = tpu.memref_slice %arg13[%add3A_463, %dma_start3A_464, %dma_start3A_465] : memref<32x8x64xf32, #tpu.memory_space<vmem>> -> memref<1x8x64xf32, #tpu.memory_space<vmem>>
      %dma_start3A_467 = arith.constant 0 : i32
      %dma_start3A_468 = arith.constant 0 : i32
      %dma_start3A_469 = tpu.memref_slice %arg5[%shift_right_arithmetic3A_459, %dma_start3A_467, %dma_start3A_468] : memref<12500x8x64xf32, #tpu.memory_space<hbm>> -> memref<1x8x64xf32, #tpu.memory_space<hbm>>
      %dma_start3A_470 = arith.constant 0 : i32
      %dma_start3A_471 = arith.constant 0 : i32
      %dma_start3A_472 = tpu.memref_slice %arg13[%add3A_463, %dma_start3A_470, %dma_start3A_471] : memref<32x8x64xf32, #tpu.memory_space<vmem>> -> memref<1x8x64xf32, #tpu.memory_space<vmem>>
      %dma_start3A_473 = arith.constant 0 : i32
      %dma_start3A_474 = arith.constant 0 : i32
      %dma_start3A_475 = tpu.memref_slice %arg5[%shift_right_arithmetic3A_459, %dma_start3A_473, %dma_start3A_474] : memref<12500x8x64xf32, #tpu.memory_space<hbm>> -> memref<1x8x64xf32, #tpu.memory_space<hbm>>
      tpu.enqueue_dma source(%dma_start3A_475 : memref<1x8x64xf32, #tpu.memory_space<hbm>>) target(%dma_start3A_472 : memref<1x8x64xf32, #tpu.memory_space<vmem>>) target_semaphore(%arg17 : memref<!tpu.dma_semaphore, #tpu.memory_space<semaphore_mem>>)
      %slice3A_476 = vector.extract_strided_slice %get3A_178 {offsets = [15], sizes = [1], strides = [1]} : vector<16xi32> to vector<1xi32>
      %squeeze3A_477 = vector.extract %slice3A_476[0] : i32 from vector<1xi32>
      %shift_right_arithmetic3A_478 = arith.constant 3 : i32
      %shift_right_arithmetic3A_479 = arith.shrsi %squeeze3A_477, %shift_right_arithmetic3A_478 : i32
      %mul3A_480 = arith.constant 16 : i32
      %mul3A_481 = arith.muli %scan3A_172, %mul3A_480 : i32
      %add3A_482 = arith.constant 15 : i32
      %add3A_483 = arith.addi %mul3A_481, %add3A_482 : i32
      %dma_start3A_484 = arith.constant 0 : i32
      %dma_start3A_485 = arith.constant 0 : i32
      %dma_start3A_486 = tpu.memref_slice %arg13[%add3A_483, %dma_start3A_484, %dma_start3A_485] : memref<32x8x64xf32, #tpu.memory_space<vmem>> -> memref<1x8x64xf32, #tpu.memory_space<vmem>>
      %dma_start3A_487 = arith.constant 0 : i32
      %dma_start3A_488 = arith.constant 0 : i32
      %dma_start3A_489 = tpu.memref_slice %arg5[%shift_right_arithmetic3A_479, %dma_start3A_487, %dma_start3A_488] : memref<12500x8x64xf32, #tpu.memory_space<hbm>> -> memref<1x8x64xf32, #tpu.memory_space<hbm>>
      %dma_start3A_490 = arith.constant 0 : i32
      %dma_start3A_491 = arith.constant 0 : i32
      %dma_start3A_492 = tpu.memref_slice %arg13[%add3A_483, %dma_start3A_490, %dma_start3A_491] : memref<32x8x64xf32, #tpu.memory_space<vmem>> -> memref<1x8x64xf32, #tpu.memory_space<vmem>>
      %dma_start3A_493 = arith.constant 0 : i32
      %dma_start3A_494 = arith.constant 0 : i32
      %dma_start3A_495 = tpu.memref_slice %arg5[%shift_right_arithmetic3A_479, %dma_start3A_493, %dma_start3A_494] : memref<12500x8x64xf32, #tpu.memory_space<hbm>> -> memref<1x8x64xf32, #tpu.memory_space<hbm>>
      tpu.enqueue_dma source(%dma_start3A_495 : memref<1x8x64xf32, #tpu.memory_space<hbm>>) target(%dma_start3A_492 : memref<1x8x64xf32, #tpu.memory_space<vmem>>) target_semaphore(%arg17 : memref<!tpu.dma_semaphore, #tpu.memory_space<semaphore_mem>>)
    }
    %scan3A_109 = arith.constant 2 : i32
    %dma_wait3A_110 = arith.constant 0 : i32
    %dma_wait3A_111 = arith.constant 0 : i32
    %dma_wait3A_112 = arith.constant 0 : i32
    %dma_wait3A_113 = tpu.memref_slice %arg5[%dma_wait3A_110, %dma_wait3A_111, %dma_wait3A_112] : memref<12500x8x64xf32, #tpu.memory_space<hbm>> -> memref<32x8x64xf32, #tpu.memory_space<hbm>>
    %dma_wait3A_114 = arith.constant 0 : i32
    %dma_wait3A_115 = arith.constant 0 : i32
    %dma_wait3A_116 = arith.constant 0 : i32
    %dma_wait3A_117 = tpu.memref_slice %arg5[%dma_wait3A_114, %dma_wait3A_115, %dma_wait3A_116] : memref<12500x8x64xf32, #tpu.memory_space<hbm>> -> memref<32x8x64xf32, #tpu.memory_space<hbm>>
    tpu.wait_dma2 semaphore(%arg15 : memref<!tpu.dma_semaphore, #tpu.memory_space<semaphore_mem>>) src(%dma_wait3A_117 : memref<32x8x64xf32, #tpu.memory_space<hbm>>) dst(%arg11 : memref<32x8x64xf32, #tpu.memory_space<vmem>>)
    %scan3A_118 = arith.constant 0 : i32
    %scan3A_119 = arith.constant 0 : i32
    %scan3A_120 = arith.constant 2 : i32
    %scan3A_121 = arith.addi %scan3A_119, %scan3A_120 : i32
    %scan3A_122 = arith.constant 1 : i32
    scf.for %scan3A_172 = %scan3A_119 to %scan3A_121 step %scan3A_122  : i32 {
      %mul3A_173 = arith.constant 16 : i32
      %mul3A_174 = arith.muli %scan3A_172, %mul3A_173 : i32
      %add3A_175 = arith.constant 96 : i32
      %add3A_176 = arith.addi %add3A_175, %mul3A_174 : i32
      %get3A_177 = arith.index_cast %add3A_176 : i32 to index
      %get3A_178 = tpu.vector_load %arg9[%get3A_177] {strides = array<i32>} : memref<128xi32, #tpu.memory_space<vmem>>, vector<16xi32>,
      %slice3A = vector.extract_strided_slice %get3A_178 {offsets = [0], sizes = [1], strides = [1]} : vector<16xi32> to vector<1xi32>
      %squeeze3A = vector.extract %slice3A[0] : i32 from vector<1xi32>
      %shift_right_arithmetic3A = arith.constant 3 : i32
      %shift_right_arithmetic3A_179 = arith.shrsi %squeeze3A, %shift_right_arithmetic3A : i32
      %mul3A_180 = arith.constant 16 : i32
      %mul3A_181 = arith.muli %scan3A_172, %mul3A_180 : i32
      %add3A_182 = arith.constant 0 : i32
      %add3A_183 = arith.addi %mul3A_181, %add3A_182 : i32
      %dma_start3A_184 = arith.constant 0 : i32
      %dma_start3A_185 = arith.constant 0 : i32
      %dma_start3A_186 = tpu.memref_slice %arg11[%add3A_183, %dma_start3A_184, %dma_start3A_185] : memref<32x8x64xf32, #tpu.memory_space<vmem>> -> memref<1x8x64xf32, #tpu.memory_space<vmem>>
      %dma_start3A_187 = arith.constant 0 : i32
      %dma_start3A_188 = arith.constant 0 : i32
      %dma_start3A_189 = tpu.memref_slice %arg5[%shift_right_arithmetic3A_179, %dma_start3A_187, %dma_start3A_188] : memref<12500x8x64xf32, #tpu.memory_space<hbm>> -> memref<1x8x64xf32, #tpu.memory_space<hbm>>
      %dma_start3A_190 = arith.constant 0 : i32
      %dma_start3A_191 = arith.constant 0 : i32
      %dma_start3A_192 = tpu.memref_slice %arg11[%add3A_183, %dma_start3A_190, %dma_start3A_191] : memref<32x8x64xf32, #tpu.memory_space<vmem>> -> memref<1x8x64xf32, #tpu.memory_space<vmem>>
      %dma_start3A_193 = arith.constant 0 : i32
      %dma_start3A_194 = arith.constant 0 : i32
      %dma_start3A_195 = tpu.memref_slice %arg5[%shift_right_arithmetic3A_179, %dma_start3A_193, %dma_start3A_194] : memref<12500x8x64xf32, #tpu.memory_space<hbm>> -> memref<1x8x64xf32, #tpu.memory_space<hbm>>
      tpu.enqueue_dma source(%dma_start3A_195 : memref<1x8x64xf32, #tpu.memory_space<hbm>>) target(%dma_start3A_192 : memref<1x8x64xf32, #tpu.memory_space<vmem>>) target_semaphore(%arg15 : memref<!tpu.dma_semaphore, #tpu.memory_space<semaphore_mem>>)
      %slice3A_196 = vector.extract_strided_slice %get3A_178 {offsets = [1], sizes = [1], strides = [1]} : vector<16xi32> to vector<1xi32>
      %squeeze3A_197 = vector.extract %slice3A_196[0] : i32 from vector<1xi32>
      %shift_right_arithmetic3A_198 = arith.constant 3 : i32
      %shift_right_arithmetic3A_199 = arith.shrsi %squeeze3A_197, %shift_right_arithmetic3A_198 : i32
      %mul3A_200 = arith.constant 16 : i32
      %mul3A_201 = arith.muli %scan3A_172, %mul3A_200 : i32
      %add3A_202 = arith.constant 1 : i32
      %add3A_203 = arith.addi %mul3A_201, %add3A_202 : i32
      %dma_start3A_204 = arith.constant 0 : i32
      %dma_start3A_205 = arith.constant 0 : i32
      %dma_start3A_206 = tpu.memref_slice %arg11[%add3A_203, %dma_start3A_204, %dma_start3A_205] : memref<32x8x64xf32, #tpu.memory_space<vmem>> -> memref<1x8x64xf32, #tpu.memory_space<vmem>>
      %dma_start3A_207 = arith.constant 0 : i32
      %dma_start3A_208 = arith.constant 0 : i32
      %dma_start3A_209 = tpu.memref_slice %arg5[%shift_right_arithmetic3A_199, %dma_start3A_207, %dma_start3A_208] : memref<12500x8x64xf32, #tpu.memory_space<hbm>> -> memref<1x8x64xf32, #tpu.memory_space<hbm>>
      %dma_start3A_210 = arith.constant 0 : i32
      %dma_start3A_211 = arith.constant 0 : i32
      %dma_start3A_212 = tpu.memref_slice %arg11[%add3A_203, %dma_start3A_210, %dma_start3A_211] : memref<32x8x64xf32, #tpu.memory_space<vmem>> -> memref<1x8x64xf32, #tpu.memory_space<vmem>>
      %dma_start3A_213 = arith.constant 0 : i32
      %dma_start3A_214 = arith.constant 0 : i32
      %dma_start3A_215 = tpu.memref_slice %arg5[%shift_right_arithmetic3A_199, %dma_start3A_213, %dma_start3A_214] : memref<12500x8x64xf32, #tpu.memory_space<hbm>> -> memref<1x8x64xf32, #tpu.memory_space<hbm>>
      tpu.enqueue_dma source(%dma_start3A_215 : memref<1x8x64xf32, #tpu.memory_space<hbm>>) target(%dma_start3A_212 : memref<1x8x64xf32, #tpu.memory_space<vmem>>) target_semaphore(%arg15 : memref<!tpu.dma_semaphore, #tpu.memory_space<semaphore_mem>>)
      %slice3A_216 = vector.extract_strided_slice %get3A_178 {offsets = [2], sizes = [1], strides = [1]} : vector<16xi32> to vector<1xi32>
      %squeeze3A_217 = vector.extract %slice3A_216[0] : i32 from vector<1xi32>
      %shift_right_arithmetic3A_218 = arith.constant 3 : i32
      %shift_right_arithmetic3A_219 = arith.shrsi %squeeze3A_217, %shift_right_arithmetic3A_218 : i32
      %mul3A_220 = arith.constant 16 : i32
      %mul3A_221 = arith.muli %scan3A_172, %mul3A_220 : i32
      %add3A_222 = arith.constant 2 : i32
      %add3A_223 = arith.addi %mul3A_221, %add3A_222 : i32
      %dma_start3A_224 = arith.constant 0 : i32
      %dma_start3A_225 = arith.constant 0 : i32
      %dma_start3A_226 = tpu.memref_slice %arg11[%add3A_223, %dma_start3A_224, %dma_start3A_225] : memref<32x8x64xf32, #tpu.memory_space<vmem>> -> memref<1x8x64xf32, #tpu.memory_space<vmem>>
      %dma_start3A_227 = arith.constant 0 : i32
      %dma_start3A_228 = arith.constant 0 : i32
      %dma_start3A_229 = tpu.memref_slice %arg5[%shift_right_arithmetic3A_219, %dma_start3A_227, %dma_start3A_228] : memref<12500x8x64xf32, #tpu.memory_space<hbm>> -> memref<1x8x64xf32, #tpu.memory_space<hbm>>
      %dma_start3A_230 = arith.constant 0 : i32
      %dma_start3A_231 = arith.constant 0 : i32
      %dma_start3A_232 = tpu.memref_slice %arg11[%add3A_223, %dma_start3A_230, %dma_start3A_231] : memref<32x8x64xf32, #tpu.memory_space<vmem>> -> memref<1x8x64xf32, #tpu.memory_space<vmem>>
      %dma_start3A_233 = arith.constant 0 : i32
      %dma_start3A_234 = arith.constant 0 : i32
      %dma_start3A_235 = tpu.memref_slice %arg5[%shift_right_arithmetic3A_219, %dma_start3A_233, %dma_start3A_234] : memref<12500x8x64xf32, #tpu.memory_space<hbm>> -> memref<1x8x64xf32, #tpu.memory_space<hbm>>
      tpu.enqueue_dma source(%dma_start3A_235 : memref<1x8x64xf32, #tpu.memory_space<hbm>>) target(%dma_start3A_232 : memref<1x8x64xf32, #tpu.memory_space<vmem>>) target_semaphore(%arg15 : memref<!tpu.dma_semaphore, #tpu.memory_space<semaphore_mem>>)
      %slice3A_236 = vector.extract_strided_slice %get3A_178 {offsets = [3], sizes = [1], strides = [1]} : vector<16xi32> to vector<1xi32>
      %squeeze3A_237 = vector.extract %slice3A_236[0] : i32 from vector<1xi32>
      %shift_right_arithmetic3A_238 = arith.constant 3 : i32
      %shift_right_arithmetic3A_239 = arith.shrsi %squeeze3A_237, %shift_right_arithmetic3A_238 : i32
      %mul3A_240 = arith.constant 16 : i32
      %mul3A_241 = arith.muli %scan3A_172, %mul3A_240 : i32
      %add3A_242 = arith.constant 3 : i32
      %add3A_243 = arith.addi %mul3A_241, %add3A_242 : i32
      %dma_start3A_244 = arith.constant 0 : i32
      %dma_start3A_245 = arith.constant 0 : i32
      %dma_start3A_246 = tpu.memref_slice %arg11[%add3A_243, %dma_start3A_244, %dma_start3A_245] : memref<32x8x64xf32, #tpu.memory_space<vmem>> -> memref<1x8x64xf32, #tpu.memory_space<vmem>>
      %dma_start3A_247 = arith.constant 0 : i32
      %dma_start3A_248 = arith.constant 0 : i32
      %dma_start3A_249 = tpu.memref_slice %arg5[%shift_right_arithmetic3A_239, %dma_start3A_247, %dma_start3A_248] : memref<12500x8x64xf32, #tpu.memory_space<hbm>> -> memref<1x8x64xf32, #tpu.memory_space<hbm>>
      %dma_start3A_250 = arith.constant 0 : i32
      %dma_start3A_251 = arith.constant 0 : i32
      %dma_start3A_252 = tpu.memref_slice %arg11[%add3A_243, %dma_start3A_250, %dma_start3A_251] : memref<32x8x64xf32, #tpu.memory_space<vmem>> -> memref<1x8x64xf32, #tpu.memory_space<vmem>>
      %dma_start3A_253 = arith.constant 0 : i32
      %dma_start3A_254 = arith.constant 0 : i32
      %dma_start3A_255 = tpu.memref_slice %arg5[%shift_right_arithmetic3A_239, %dma_start3A_253, %dma_start3A_254] : memref<12500x8x64xf32, #tpu.memory_space<hbm>> -> memref<1x8x64xf32, #tpu.memory_space<hbm>>
      tpu.enqueue_dma source(%dma_start3A_255 : memref<1x8x64xf32, #tpu.memory_space<hbm>>) target(%dma_start3A_252 : memref<1x8x64xf32, #tpu.memory_space<vmem>>) target_semaphore(%arg15 : memref<!tpu.dma_semaphore, #tpu.memory_space<semaphore_mem>>)
      %slice3A_256 = vector.extract_strided_slice %get3A_178 {offsets = [4], sizes = [1], strides = [1]} : vector<16xi32> to vector<1xi32>
      %squeeze3A_257 = vector.extract %slice3A_256[0] : i32 from vector<1xi32>
      %shift_right_arithmetic3A_258 = arith.constant 3 : i32
      %shift_right_arithmetic3A_259 = arith.shrsi %squeeze3A_257, %shift_right_arithmetic3A_258 : i32
      %mul3A_260 = arith.constant 16 : i32
      %mul3A_261 = arith.muli %scan3A_172, %mul3A_260 : i32
      %add3A_262 = arith.constant 4 : i32
      %add3A_263 = arith.addi %mul3A_261, %add3A_262 : i32
      %dma_start3A_264 = arith.constant 0 : i32
      %dma_start3A_265 = arith.constant 0 : i32
      %dma_start3A_266 = tpu.memref_slice %arg11[%add3A_263, %dma_start3A_264, %dma_start3A_265] : memref<32x8x64xf32, #tpu.memory_space<vmem>> -> memref<1x8x64xf32, #tpu.memory_space<vmem>>
      %dma_start3A_267 = arith.constant 0 : i32
      %dma_start3A_268 = arith.constant 0 : i32
      %dma_start3A_269 = tpu.memref_slice %arg5[%shift_right_arithmetic3A_259, %dma_start3A_267, %dma_start3A_268] : memref<12500x8x64xf32, #tpu.memory_space<hbm>> -> memref<1x8x64xf32, #tpu.memory_space<hbm>>
      %dma_start3A_270 = arith.constant 0 : i32
      %dma_start3A_271 = arith.constant 0 : i32
      %dma_start3A_272 = tpu.memref_slice %arg11[%add3A_263, %dma_start3A_270, %dma_start3A_271] : memref<32x8x64xf32, #tpu.memory_space<vmem>> -> memref<1x8x64xf32, #tpu.memory_space<vmem>>
      %dma_start3A_273 = arith.constant 0 : i32
      %dma_start3A_274 = arith.constant 0 : i32
      %dma_start3A_275 = tpu.memref_slice %arg5[%shift_right_arithmetic3A_259, %dma_start3A_273, %dma_start3A_274] : memref<12500x8x64xf32, #tpu.memory_space<hbm>> -> memref<1x8x64xf32, #tpu.memory_space<hbm>>
      tpu.enqueue_dma source(%dma_start3A_275 : memref<1x8x64xf32, #tpu.memory_space<hbm>>) target(%dma_start3A_272 : memref<1x8x64xf32, #tpu.memory_space<vmem>>) target_semaphore(%arg15 : memref<!tpu.dma_semaphore, #tpu.memory_space<semaphore_mem>>)
      %slice3A_276 = vector.extract_strided_slice %get3A_178 {offsets = [5], sizes = [1], strides = [1]} : vector<16xi32> to vector<1xi32>
      %squeeze3A_277 = vector.extract %slice3A_276[0] : i32 from vector<1xi32>
      %shift_right_arithmetic3A_278 = arith.constant 3 : i32
      %shift_right_arithmetic3A_279 = arith.shrsi %squeeze3A_277, %shift_right_arithmetic3A_278 : i32
      %mul3A_280 = arith.constant 16 : i32
      %mul3A_281 = arith.muli %scan3A_172, %mul3A_280 : i32
      %add3A_282 = arith.constant 5 : i32
      %add3A_283 = arith.addi %mul3A_281, %add3A_282 : i32
      %dma_start3A_284 = arith.constant 0 : i32
      %dma_start3A_285 = arith.constant 0 : i32
      %dma_start3A_286 = tpu.memref_slice %arg11[%add3A_283, %dma_start3A_284, %dma_start3A_285] : memref<32x8x64xf32, #tpu.memory_space<vmem>> -> memref<1x8x64xf32, #tpu.memory_space<vmem>>
      %dma_start3A_287 = arith.constant 0 : i32
      %dma_start3A_288 = arith.constant 0 : i32
      %dma_start3A_289 = tpu.memref_slice %arg5[%shift_right_arithmetic3A_279, %dma_start3A_287, %dma_start3A_288] : memref<12500x8x64xf32, #tpu.memory_space<hbm>> -> memref<1x8x64xf32, #tpu.memory_space<hbm>>
      %dma_start3A_290 = arith.constant 0 : i32
      %dma_start3A_291 = arith.constant 0 : i32
      %dma_start3A_292 = tpu.memref_slice %arg11[%add3A_283, %dma_start3A_290, %dma_start3A_291] : memref<32x8x64xf32, #tpu.memory_space<vmem>> -> memref<1x8x64xf32, #tpu.memory_space<vmem>>
      %dma_start3A_293 = arith.constant 0 : i32
      %dma_start3A_294 = arith.constant 0 : i32
      %dma_start3A_295 = tpu.memref_slice %arg5[%shift_right_arithmetic3A_279, %dma_start3A_293, %dma_start3A_294] : memref<12500x8x64xf32, #tpu.memory_space<hbm>> -> memref<1x8x64xf32, #tpu.memory_space<hbm>>
      tpu.enqueue_dma source(%dma_start3A_295 : memref<1x8x64xf32, #tpu.memory_space<hbm>>) target(%dma_start3A_292 : memref<1x8x64xf32, #tpu.memory_space<vmem>>) target_semaphore(%arg15 : memref<!tpu.dma_semaphore, #tpu.memory_space<semaphore_mem>>)
      %slice3A_296 = vector.extract_strided_slice %get3A_178 {offsets = [6], sizes = [1], strides = [1]} : vector<16xi32> to vector<1xi32>
      %squeeze3A_297 = vector.extract %slice3A_296[0] : i32 from vector<1xi32>
      %shift_right_arithmetic3A_298 = arith.constant 3 : i32
      %shift_right_arithmetic3A_299 = arith.shrsi %squeeze3A_297, %shift_right_arithmetic3A_298 : i32
      %mul3A_300 = arith.constant 16 : i32
      %mul3A_301 = arith.muli %scan3A_172, %mul3A_300 : i32
      %add3A_302 = arith.constant 6 : i32
      %add3A_303 = arith.addi %mul3A_301, %add3A_302 : i32
      %dma_start3A_304 = arith.constant 0 : i32
      %dma_start3A_305 = arith.constant 0 : i32
      %dma_start3A_306 = tpu.memref_slice %arg11[%add3A_303, %dma_start3A_304, %dma_start3A_305] : memref<32x8x64xf32, #tpu.memory_space<vmem>> -> memref<1x8x64xf32, #tpu.memory_space<vmem>>
      %dma_start3A_307 = arith.constant 0 : i32
      %dma_start3A_308 = arith.constant 0 : i32
      %dma_start3A_309 = tpu.memref_slice %arg5[%shift_right_arithmetic3A_299, %dma_start3A_307, %dma_start3A_308] : memref<12500x8x64xf32, #tpu.memory_space<hbm>> -> memref<1x8x64xf32, #tpu.memory_space<hbm>>
      %dma_start3A_310 = arith.constant 0 : i32
      %dma_start3A_311 = arith.constant 0 : i32
      %dma_start3A_312 = tpu.memref_slice %arg11[%add3A_303, %dma_start3A_310, %dma_start3A_311] : memref<32x8x64xf32, #tpu.memory_space<vmem>> -> memref<1x8x64xf32, #tpu.memory_space<vmem>>
      %dma_start3A_313 = arith.constant 0 : i32
      %dma_start3A_314 = arith.constant 0 : i32
      %dma_start3A_315 = tpu.memref_slice %arg5[%shift_right_arithmetic3A_299, %dma_start3A_313, %dma_start3A_314] : memref<12500x8x64xf32, #tpu.memory_space<hbm>> -> memref<1x8x64xf32, #tpu.memory_space<hbm>>
      tpu.enqueue_dma source(%dma_start3A_315 : memref<1x8x64xf32, #tpu.memory_space<hbm>>) target(%dma_start3A_312 : memref<1x8x64xf32, #tpu.memory_space<vmem>>) target_semaphore(%arg15 : memref<!tpu.dma_semaphore, #tpu.memory_space<semaphore_mem>>)
      %slice3A_316 = vector.extract_strided_slice %get3A_178 {offsets = [7], sizes = [1], strides = [1]} : vector<16xi32> to vector<1xi32>
      %squeeze3A_317 = vector.extract %slice3A_316[0] : i32 from vector<1xi32>
      %shift_right_arithmetic3A_318 = arith.constant 3 : i32
      %shift_right_arithmetic3A_319 = arith.shrsi %squeeze3A_317, %shift_right_arithmetic3A_318 : i32
      %mul3A_320 = arith.constant 16 : i32
      %mul3A_321 = arith.muli %scan3A_172, %mul3A_320 : i32
      %add3A_322 = arith.constant 7 : i32
      %add3A_323 = arith.addi %mul3A_321, %add3A_322 : i32
      %dma_start3A_324 = arith.constant 0 : i32
      %dma_start3A_325 = arith.constant 0 : i32
      %dma_start3A_326 = tpu.memref_slice %arg11[%add3A_323, %dma_start3A_324, %dma_start3A_325] : memref<32x8x64xf32, #tpu.memory_space<vmem>> -> memref<1x8x64xf32, #tpu.memory_space<vmem>>
      %dma_start3A_327 = arith.constant 0 : i32
      %dma_start3A_328 = arith.constant 0 : i32
      %dma_start3A_329 = tpu.memref_slice %arg5[%shift_right_arithmetic3A_319, %dma_start3A_327, %dma_start3A_328] : memref<12500x8x64xf32, #tpu.memory_space<hbm>> -> memref<1x8x64xf32, #tpu.memory_space<hbm>>
      %dma_start3A_330 = arith.constant 0 : i32
      %dma_start3A_331 = arith.constant 0 : i32
      %dma_start3A_332 = tpu.memref_slice %arg11[%add3A_323, %dma_start3A_330, %dma_start3A_331] : memref<32x8x64xf32, #tpu.memory_space<vmem>> -> memref<1x8x64xf32, #tpu.memory_space<vmem>>
      %dma_start3A_333 = arith.constant 0 : i32
      %dma_start3A_334 = arith.constant 0 : i32
      %dma_start3A_335 = tpu.memref_slice %arg5[%shift_right_arithmetic3A_319, %dma_start3A_333, %dma_start3A_334] : memref<12500x8x64xf32, #tpu.memory_space<hbm>> -> memref<1x8x64xf32, #tpu.memory_space<hbm>>
      tpu.enqueue_dma source(%dma_start3A_335 : memref<1x8x64xf32, #tpu.memory_space<hbm>>) target(%dma_start3A_332 : memref<1x8x64xf32, #tpu.memory_space<vmem>>) target_semaphore(%arg15 : memref<!tpu.dma_semaphore, #tpu.memory_space<semaphore_mem>>)
      %slice3A_336 = vector.extract_strided_slice %get3A_178 {offsets = [8], sizes = [1], strides = [1]} : vector<16xi32> to vector<1xi32>
      %squeeze3A_337 = vector.extract %slice3A_336[0] : i32 from vector<1xi32>
      %shift_right_arithmetic3A_338 = arith.constant 3 : i32
      %shift_right_arithmetic3A_339 = arith.shrsi %squeeze3A_337, %shift_right_arithmetic3A_338 : i32
      %mul3A_340 = arith.constant 16 : i32
      %mul3A_341 = arith.muli %scan3A_172, %mul3A_340 : i32
      %add3A_342 = arith.constant 8 : i32
      %add3A_343 = arith.addi %mul3A_341, %add3A_342 : i32
      %dma_start3A_344 = arith.constant 0 : i32
      %dma_start3A_345 = arith.constant 0 : i32
      %dma_start3A_346 = tpu.memref_slice %arg11[%add3A_343, %dma_start3A_344, %dma_start3A_345] : memref<32x8x64xf32, #tpu.memory_space<vmem>> -> memref<1x8x64xf32, #tpu.memory_space<vmem>>
      %dma_start3A_347 = arith.constant 0 : i32
      %dma_start3A_348 = arith.constant 0 : i32
      %dma_start3A_349 = tpu.memref_slice %arg5[%shift_right_arithmetic3A_339, %dma_start3A_347, %dma_start3A_348] : memref<12500x8x64xf32, #tpu.memory_space<hbm>> -> memref<1x8x64xf32, #tpu.memory_space<hbm>>
      %dma_start3A_350 = arith.constant 0 : i32
      %dma_start3A_351 = arith.constant 0 : i32
      %dma_start3A_352 = tpu.memref_slice %arg11[%add3A_343, %dma_start3A_350, %dma_start3A_351] : memref<32x8x64xf32, #tpu.memory_space<vmem>> -> memref<1x8x64xf32, #tpu.memory_space<vmem>>
      %dma_start3A_353 = arith.constant 0 : i32
      %dma_start3A_354 = arith.constant 0 : i32
      %dma_start3A_355 = tpu.memref_slice %arg5[%shift_right_arithmetic3A_339, %dma_start3A_353, %dma_start3A_354] : memref<12500x8x64xf32, #tpu.memory_space<hbm>> -> memref<1x8x64xf32, #tpu.memory_space<hbm>>
      tpu.enqueue_dma source(%dma_start3A_355 : memref<1x8x64xf32, #tpu.memory_space<hbm>>) target(%dma_start3A_352 : memref<1x8x64xf32, #tpu.memory_space<vmem>>) target_semaphore(%arg15 : memref<!tpu.dma_semaphore, #tpu.memory_space<semaphore_mem>>)
      %slice3A_356 = vector.extract_strided_slice %get3A_178 {offsets = [9], sizes = [1], strides = [1]} : vector<16xi32> to vector<1xi32>
      %squeeze3A_357 = vector.extract %slice3A_356[0] : i32 from vector<1xi32>
      %shift_right_arithmetic3A_358 = arith.constant 3 : i32
      %shift_right_arithmetic3A_359 = arith.shrsi %squeeze3A_357, %shift_right_arithmetic3A_358 : i32
      %mul3A_360 = arith.constant 16 : i32
      %mul3A_361 = arith.muli %scan3A_172, %mul3A_360 : i32
      %add3A_362 = arith.constant 9 : i32
      %add3A_363 = arith.addi %mul3A_361, %add3A_362 : i32
      %dma_start3A_364 = arith.constant 0 : i32
      %dma_start3A_365 = arith.constant 0 : i32
      %dma_start3A_366 = tpu.memref_slice %arg11[%add3A_363, %dma_start3A_364, %dma_start3A_365] : memref<32x8x64xf32, #tpu.memory_space<vmem>> -> memref<1x8x64xf32, #tpu.memory_space<vmem>>
      %dma_start3A_367 = arith.constant 0 : i32
      %dma_start3A_368 = arith.constant 0 : i32
      %dma_start3A_369 = tpu.memref_slice %arg5[%shift_right_arithmetic3A_359, %dma_start3A_367, %dma_start3A_368] : memref<12500x8x64xf32, #tpu.memory_space<hbm>> -> memref<1x8x64xf32, #tpu.memory_space<hbm>>
      %dma_start3A_370 = arith.constant 0 : i32
      %dma_start3A_371 = arith.constant 0 : i32
      %dma_start3A_372 = tpu.memref_slice %arg11[%add3A_363, %dma_start3A_370, %dma_start3A_371] : memref<32x8x64xf32, #tpu.memory_space<vmem>> -> memref<1x8x64xf32, #tpu.memory_space<vmem>>
      %dma_start3A_373 = arith.constant 0 : i32
      %dma_start3A_374 = arith.constant 0 : i32
      %dma_start3A_375 = tpu.memref_slice %arg5[%shift_right_arithmetic3A_359, %dma_start3A_373, %dma_start3A_374] : memref<12500x8x64xf32, #tpu.memory_space<hbm>> -> memref<1x8x64xf32, #tpu.memory_space<hbm>>
      tpu.enqueue_dma source(%dma_start3A_375 : memref<1x8x64xf32, #tpu.memory_space<hbm>>) target(%dma_start3A_372 : memref<1x8x64xf32, #tpu.memory_space<vmem>>) target_semaphore(%arg15 : memref<!tpu.dma_semaphore, #tpu.memory_space<semaphore_mem>>)
      %slice3A_376 = vector.extract_strided_slice %get3A_178 {offsets = [10], sizes = [1], strides = [1]} : vector<16xi32> to vector<1xi32>
      %squeeze3A_377 = vector.extract %slice3A_376[0] : i32 from vector<1xi32>
      %shift_right_arithmetic3A_378 = arith.constant 3 : i32
      %shift_right_arithmetic3A_379 = arith.shrsi %squeeze3A_377, %shift_right_arithmetic3A_378 : i32
      %mul3A_380 = arith.constant 16 : i32
      %mul3A_381 = arith.muli %scan3A_172, %mul3A_380 : i32
      %add3A_382 = arith.constant 10 : i32
      %add3A_383 = arith.addi %mul3A_381, %add3A_382 : i32
      %dma_start3A_384 = arith.constant 0 : i32
      %dma_start3A_385 = arith.constant 0 : i32
      %dma_start3A_386 = tpu.memref_slice %arg11[%add3A_383, %dma_start3A_384, %dma_start3A_385] : memref<32x8x64xf32, #tpu.memory_space<vmem>> -> memref<1x8x64xf32, #tpu.memory_space<vmem>>
      %dma_start3A_387 = arith.constant 0 : i32
      %dma_start3A_388 = arith.constant 0 : i32
      %dma_start3A_389 = tpu.memref_slice %arg5[%shift_right_arithmetic3A_379, %dma_start3A_387, %dma_start3A_388] : memref<12500x8x64xf32, #tpu.memory_space<hbm>> -> memref<1x8x64xf32, #tpu.memory_space<hbm>>
      %dma_start3A_390 = arith.constant 0 : i32
      %dma_start3A_391 = arith.constant 0 : i32
      %dma_start3A_392 = tpu.memref_slice %arg11[%add3A_383, %dma_start3A_390, %dma_start3A_391] : memref<32x8x64xf32, #tpu.memory_space<vmem>> -> memref<1x8x64xf32, #tpu.memory_space<vmem>>
      %dma_start3A_393 = arith.constant 0 : i32
      %dma_start3A_394 = arith.constant 0 : i32
      %dma_start3A_395 = tpu.memref_slice %arg5[%shift_right_arithmetic3A_379, %dma_start3A_393, %dma_start3A_394] : memref<12500x8x64xf32, #tpu.memory_space<hbm>> -> memref<1x8x64xf32, #tpu.memory_space<hbm>>
      tpu.enqueue_dma source(%dma_start3A_395 : memref<1x8x64xf32, #tpu.memory_space<hbm>>) target(%dma_start3A_392 : memref<1x8x64xf32, #tpu.memory_space<vmem>>) target_semaphore(%arg15 : memref<!tpu.dma_semaphore, #tpu.memory_space<semaphore_mem>>)
      %slice3A_396 = vector.extract_strided_slice %get3A_178 {offsets = [11], sizes = [1], strides = [1]} : vector<16xi32> to vector<1xi32>
      %squeeze3A_397 = vector.extract %slice3A_396[0] : i32 from vector<1xi32>
      %shift_right_arithmetic3A_398 = arith.constant 3 : i32
      %shift_right_arithmetic3A_399 = arith.shrsi %squeeze3A_397, %shift_right_arithmetic3A_398 : i32
      %mul3A_400 = arith.constant 16 : i32
      %mul3A_401 = arith.muli %scan3A_172, %mul3A_400 : i32
      %add3A_402 = arith.constant 11 : i32
      %add3A_403 = arith.addi %mul3A_401, %add3A_402 : i32
      %dma_start3A_404 = arith.constant 0 : i32
      %dma_start3A_405 = arith.constant 0 : i32
      %dma_start3A_406 = tpu.memref_slice %arg11[%add3A_403, %dma_start3A_404, %dma_start3A_405] : memref<32x8x64xf32, #tpu.memory_space<vmem>> -> memref<1x8x64xf32, #tpu.memory_space<vmem>>
      %dma_start3A_407 = arith.constant 0 : i32
      %dma_start3A_408 = arith.constant 0 : i32
      %dma_start3A_409 = tpu.memref_slice %arg5[%shift_right_arithmetic3A_399, %dma_start3A_407, %dma_start3A_408] : memref<12500x8x64xf32, #tpu.memory_space<hbm>> -> memref<1x8x64xf32, #tpu.memory_space<hbm>>
      %dma_start3A_410 = arith.constant 0 : i32
      %dma_start3A_411 = arith.constant 0 : i32
      %dma_start3A_412 = tpu.memref_slice %arg11[%add3A_403, %dma_start3A_410, %dma_start3A_411] : memref<32x8x64xf32, #tpu.memory_space<vmem>> -> memref<1x8x64xf32, #tpu.memory_space<vmem>>
      %dma_start3A_413 = arith.constant 0 : i32
      %dma_start3A_414 = arith.constant 0 : i32
      %dma_start3A_415 = tpu.memref_slice %arg5[%shift_right_arithmetic3A_399, %dma_start3A_413, %dma_start3A_414] : memref<12500x8x64xf32, #tpu.memory_space<hbm>> -> memref<1x8x64xf32, #tpu.memory_space<hbm>>
      tpu.enqueue_dma source(%dma_start3A_415 : memref<1x8x64xf32, #tpu.memory_space<hbm>>) target(%dma_start3A_412 : memref<1x8x64xf32, #tpu.memory_space<vmem>>) target_semaphore(%arg15 : memref<!tpu.dma_semaphore, #tpu.memory_space<semaphore_mem>>)
      %slice3A_416 = vector.extract_strided_slice %get3A_178 {offsets = [12], sizes = [1], strides = [1]} : vector<16xi32> to vector<1xi32>
      %squeeze3A_417 = vector.extract %slice3A_416[0] : i32 from vector<1xi32>
      %shift_right_arithmetic3A_418 = arith.constant 3 : i32
      %shift_right_arithmetic3A_419 = arith.shrsi %squeeze3A_417, %shift_right_arithmetic3A_418 : i32
      %mul3A_420 = arith.constant 16 : i32
      %mul3A_421 = arith.muli %scan3A_172, %mul3A_420 : i32
      %add3A_422 = arith.constant 12 : i32
      %add3A_423 = arith.addi %mul3A_421, %add3A_422 : i32
      %dma_start3A_424 = arith.constant 0 : i32
      %dma_start3A_425 = arith.constant 0 : i32
      %dma_start3A_426 = tpu.memref_slice %arg11[%add3A_423, %dma_start3A_424, %dma_start3A_425] : memref<32x8x64xf32, #tpu.memory_space<vmem>> -> memref<1x8x64xf32, #tpu.memory_space<vmem>>
      %dma_start3A_427 = arith.constant 0 : i32
      %dma_start3A_428 = arith.constant 0 : i32
      %dma_start3A_429 = tpu.memref_slice %arg5[%shift_right_arithmetic3A_419, %dma_start3A_427, %dma_start3A_428] : memref<12500x8x64xf32, #tpu.memory_space<hbm>> -> memref<1x8x64xf32, #tpu.memory_space<hbm>>
      %dma_start3A_430 = arith.constant 0 : i32
      %dma_start3A_431 = arith.constant 0 : i32
      %dma_start3A_432 = tpu.memref_slice %arg11[%add3A_423, %dma_start3A_430, %dma_start3A_431] : memref<32x8x64xf32, #tpu.memory_space<vmem>> -> memref<1x8x64xf32, #tpu.memory_space<vmem>>
      %dma_start3A_433 = arith.constant 0 : i32
      %dma_start3A_434 = arith.constant 0 : i32
      %dma_start3A_435 = tpu.memref_slice %arg5[%shift_right_arithmetic3A_419, %dma_start3A_433, %dma_start3A_434] : memref<12500x8x64xf32, #tpu.memory_space<hbm>> -> memref<1x8x64xf32, #tpu.memory_space<hbm>>
      tpu.enqueue_dma source(%dma_start3A_435 : memref<1x8x64xf32, #tpu.memory_space<hbm>>) target(%dma_start3A_432 : memref<1x8x64xf32, #tpu.memory_space<vmem>>) target_semaphore(%arg15 : memref<!tpu.dma_semaphore, #tpu.memory_space<semaphore_mem>>)
      %slice3A_436 = vector.extract_strided_slice %get3A_178 {offsets = [13], sizes = [1], strides = [1]} : vector<16xi32> to vector<1xi32>
      %squeeze3A_437 = vector.extract %slice3A_436[0] : i32 from vector<1xi32>
      %shift_right_arithmetic3A_438 = arith.constant 3 : i32
      %shift_right_arithmetic3A_439 = arith.shrsi %squeeze3A_437, %shift_right_arithmetic3A_438 : i32
      %mul3A_440 = arith.constant 16 : i32
      %mul3A_441 = arith.muli %scan3A_172, %mul3A_440 : i32
      %add3A_442 = arith.constant 13 : i32
      %add3A_443 = arith.addi %mul3A_441, %add3A_442 : i32
      %dma_start3A_444 = arith.constant 0 : i32
      %dma_start3A_445 = arith.constant 0 : i32
      %dma_start3A_446 = tpu.memref_slice %arg11[%add3A_443, %dma_start3A_444, %dma_start3A_445] : memref<32x8x64xf32, #tpu.memory_space<vmem>> -> memref<1x8x64xf32, #tpu.memory_space<vmem>>
      %dma_start3A_447 = arith.constant 0 : i32
      %dma_start3A_448 = arith.constant 0 : i32
      %dma_start3A_449 = tpu.memref_slice %arg5[%shift_right_arithmetic3A_439, %dma_start3A_447, %dma_start3A_448] : memref<12500x8x64xf32, #tpu.memory_space<hbm>> -> memref<1x8x64xf32, #tpu.memory_space<hbm>>
      %dma_start3A_450 = arith.constant 0 : i32
      %dma_start3A_451 = arith.constant 0 : i32
      %dma_start3A_452 = tpu.memref_slice %arg11[%add3A_443, %dma_start3A_450, %dma_start3A_451] : memref<32x8x64xf32, #tpu.memory_space<vmem>> -> memref<1x8x64xf32, #tpu.memory_space<vmem>>
      %dma_start3A_453 = arith.constant 0 : i32
      %dma_start3A_454 = arith.constant 0 : i32
      %dma_start3A_455 = tpu.memref_slice %arg5[%shift_right_arithmetic3A_439, %dma_start3A_453, %dma_start3A_454] : memref<12500x8x64xf32, #tpu.memory_space<hbm>> -> memref<1x8x64xf32, #tpu.memory_space<hbm>>
      tpu.enqueue_dma source(%dma_start3A_455 : memref<1x8x64xf32, #tpu.memory_space<hbm>>) target(%dma_start3A_452 : memref<1x8x64xf32, #tpu.memory_space<vmem>>) target_semaphore(%arg15 : memref<!tpu.dma_semaphore, #tpu.memory_space<semaphore_mem>>)
      %slice3A_456 = vector.extract_strided_slice %get3A_178 {offsets = [14], sizes = [1], strides = [1]} : vector<16xi32> to vector<1xi32>
      %squeeze3A_457 = vector.extract %slice3A_456[0] : i32 from vector<1xi32>
      %shift_right_arithmetic3A_458 = arith.constant 3 : i32
      %shift_right_arithmetic3A_459 = arith.shrsi %squeeze3A_457, %shift_right_arithmetic3A_458 : i32
      %mul3A_460 = arith.constant 16 : i32
      %mul3A_461 = arith.muli %scan3A_172, %mul3A_460 : i32
      %add3A_462 = arith.constant 14 : i32
      %add3A_463 = arith.addi %mul3A_461, %add3A_462 : i32
      %dma_start3A_464 = arith.constant 0 : i32
      %dma_start3A_465 = arith.constant 0 : i32
      %dma_start3A_466 = tpu.memref_slice %arg11[%add3A_463, %dma_start3A_464, %dma_start3A_465] : memref<32x8x64xf32, #tpu.memory_space<vmem>> -> memref<1x8x64xf32, #tpu.memory_space<vmem>>
      %dma_start3A_467 = arith.constant 0 : i32
      %dma_start3A_468 = arith.constant 0 : i32
      %dma_start3A_469 = tpu.memref_slice %arg5[%shift_right_arithmetic3A_459, %dma_start3A_467, %dma_start3A_468] : memref<12500x8x64xf32, #tpu.memory_space<hbm>> -> memref<1x8x64xf32, #tpu.memory_space<hbm>>
      %dma_start3A_470 = arith.constant 0 : i32
      %dma_start3A_471 = arith.constant 0 : i32
      %dma_start3A_472 = tpu.memref_slice %arg11[%add3A_463, %dma_start3A_470, %dma_start3A_471] : memref<32x8x64xf32, #tpu.memory_space<vmem>> -> memref<1x8x64xf32, #tpu.memory_space<vmem>>
      %dma_start3A_473 = arith.constant 0 : i32
      %dma_start3A_474 = arith.constant 0 : i32
      %dma_start3A_475 = tpu.memref_slice %arg5[%shift_right_arithmetic3A_459, %dma_start3A_473, %dma_start3A_474] : memref<12500x8x64xf32, #tpu.memory_space<hbm>> -> memref<1x8x64xf32, #tpu.memory_space<hbm>>
      tpu.enqueue_dma source(%dma_start3A_475 : memref<1x8x64xf32, #tpu.memory_space<hbm>>) target(%dma_start3A_472 : memref<1x8x64xf32, #tpu.memory_space<vmem>>) target_semaphore(%arg15 : memref<!tpu.dma_semaphore, #tpu.memory_space<semaphore_mem>>)
      %slice3A_476 = vector.extract_strided_slice %get3A_178 {offsets = [15], sizes = [1], strides = [1]} : vector<16xi32> to vector<1xi32>
      %squeeze3A_477 = vector.extract %slice3A_476[0] : i32 from vector<1xi32>
      %shift_right_arithmetic3A_478 = arith.constant 3 : i32
      %shift_right_arithmetic3A_479 = arith.shrsi %squeeze3A_477, %shift_right_arithmetic3A_478 : i32
      %mul3A_480 = arith.constant 16 : i32
      %mul3A_481 = arith.muli %scan3A_172, %mul3A_480 : i32
      %add3A_482 = arith.constant 15 : i32
      %add3A_483 = arith.addi %mul3A_481, %add3A_482 : i32
      %dma_start3A_484 = arith.constant 0 : i32
      %dma_start3A_485 = arith.constant 0 : i32
      %dma_start3A_486 = tpu.memref_slice %arg11[%add3A_483, %dma_start3A_484, %dma_start3A_485] : memref<32x8x64xf32, #tpu.memory_space<vmem>> -> memref<1x8x64xf32, #tpu.memory_space<vmem>>
      %dma_start3A_487 = arith.constant 0 : i32
      %dma_start3A_488 = arith.constant 0 : i32
      %dma_start3A_489 = tpu.memref_slice %arg5[%shift_right_arithmetic3A_479, %dma_start3A_487, %dma_start3A_488] : memref<12500x8x64xf32, #tpu.memory_space<hbm>> -> memref<1x8x64xf32, #tpu.memory_space<hbm>>
      %dma_start3A_490 = arith.constant 0 : i32
      %dma_start3A_491 = arith.constant 0 : i32
      %dma_start3A_492 = tpu.memref_slice %arg11[%add3A_483, %dma_start3A_490, %dma_start3A_491] : memref<32x8x64xf32, #tpu.memory_space<vmem>> -> memref<1x8x64xf32, #tpu.memory_space<vmem>>
      %dma_start3A_493 = arith.constant 0 : i32
      %dma_start3A_494 = arith.constant 0 : i32
      %dma_start3A_495 = tpu.memref_slice %arg5[%shift_right_arithmetic3A_479, %dma_start3A_493, %dma_start3A_494] : memref<12500x8x64xf32, #tpu.memory_space<hbm>> -> memref<1x8x64xf32, #tpu.memory_space<hbm>>
      tpu.enqueue_dma source(%dma_start3A_495 : memref<1x8x64xf32, #tpu.memory_space<hbm>>) target(%dma_start3A_492 : memref<1x8x64xf32, #tpu.memory_space<vmem>>) target_semaphore(%arg15 : memref<!tpu.dma_semaphore, #tpu.memory_space<semaphore_mem>>)
    }
    %scan3A_123 = arith.constant 2 : i32
    %scan3A_124 = arith.constant 0 : i32
    %scan3A_125 = arith.constant 0 : i32
    %scan3A_126 = arith.constant 2 : i32
    %scan3A_127 = arith.addi %scan3A_125, %scan3A_126 : i32
    %scan3A_128 = arith.constant 1 : i32
    scf.for %scan3A_172 = %scan3A_125 to %scan3A_127 step %scan3A_128  : i32 {
      %mul3A_173 = arith.constant 16 : i32
      %mul3A_174 = arith.muli %scan3A_172, %mul3A_173 : i32
      %add3A_175 = arith.constant 0 : i32
      %add3A_176 = arith.addi %add3A_175, %mul3A_174 : i32
      %get3A_177 = arith.index_cast %add3A_176 : i32 to index
      %get3A_178 = tpu.vector_load %arg9[%get3A_177] {strides = array<i32>} : memref<128xi32, #tpu.memory_space<vmem>>, vector<16xi32>,
      %slice3A = vector.extract_strided_slice %get3A_178 {offsets = [0], sizes = [1], strides = [1]} : vector<16xi32> to vector<1xi32>
      %squeeze3A = vector.extract %slice3A[0] : i32 from vector<1xi32>
      %and3A = arith.constant 7 : i32
      %and3A_179 = arith.andi %squeeze3A, %and3A : i32
      %mul3A_180 = arith.constant 16 : i32
      %mul3A_181 = arith.muli %scan3A_172, %mul3A_180 : i32
      %add3A_182 = arith.constant 0 : i32
      %add3A_183 = arith.addi %mul3A_181, %add3A_182 : i32
      %add3A_184 = arith.constant 0 : i32
      %add3A_185 = arith.addi %add3A_176, %add3A_184 : i32
      %broadcast_in_dim3A = vector.broadcast %add3A_185 : i32 to vector<16xi32>
      %get3A_186 = arith.index_cast %add3A_183 : i32 to index
      %get3A_187 = arith.index_cast %and3A_179 : i32 to index
      %get3A_188 = arith.constant 0 : index
      %get3A_189 = tpu.vector_load %arg11[%get3A_186, %get3A_187, %get3A_188] {strides = array<i32>} : memref<32x8x64xf32, #tpu.memory_space<vmem>>, vector<16xf32>,
      tpu.vector_store_idx %arg14[%add3A_80, %broadcast_in_dim3A], %get3A_189 : memref<64x128xf32, #tpu.memory_space<vmem>>[vector<16xi32>, vector<16xi32>], vector<16xf32>,
      %get3A_190 = arith.index_cast %add3A_183 : i32 to index
      %get3A_191 = arith.index_cast %and3A_179 : i32 to index
      %get3A_192 = arith.constant 16 : index
      %get3A_193 = tpu.vector_load %arg11[%get3A_190, %get3A_191, %get3A_192] {strides = array<i32>} : memref<32x8x64xf32, #tpu.memory_space<vmem>>, vector<16xf32>,
      tpu.vector_store_idx %arg14[%add3A_84, %broadcast_in_dim3A], %get3A_193 : memref<64x128xf32, #tpu.memory_space<vmem>>[vector<16xi32>, vector<16xi32>], vector<16xf32>,
      %get3A_194 = arith.index_cast %add3A_183 : i32 to index
      %get3A_195 = arith.index_cast %and3A_179 : i32 to index
      %get3A_196 = arith.constant 32 : index
      %get3A_197 = tpu.vector_load %arg11[%get3A_194, %get3A_195, %get3A_196] {strides = array<i32>} : memref<32x8x64xf32, #tpu.memory_space<vmem>>, vector<16xf32>,
      tpu.vector_store_idx %arg14[%add3A_88, %broadcast_in_dim3A], %get3A_197 : memref<64x128xf32, #tpu.memory_space<vmem>>[vector<16xi32>, vector<16xi32>], vector<16xf32>,
      %get3A_198 = arith.index_cast %add3A_183 : i32 to index
      %get3A_199 = arith.index_cast %and3A_179 : i32 to index
      %get3A_200 = arith.constant 48 : index
      %get3A_201 = tpu.vector_load %arg11[%get3A_198, %get3A_199, %get3A_200] {strides = array<i32>} : memref<32x8x64xf32, #tpu.memory_space<vmem>>, vector<16xf32>,
      tpu.vector_store_idx %arg14[%add3A_92, %broadcast_in_dim3A], %get3A_201 : memref<64x128xf32, #tpu.memory_space<vmem>>[vector<16xi32>, vector<16xi32>], vector<16xf32>,
      %slice3A_202 = vector.extract_strided_slice %get3A_178 {offsets = [1], sizes = [1], strides = [1]} : vector<16xi32> to vector<1xi32>
      %squeeze3A_203 = vector.extract %slice3A_202[0] : i32 from vector<1xi32>
      %and3A_204 = arith.constant 7 : i32
      %and3A_205 = arith.andi %squeeze3A_203, %and3A_204 : i32
      %mul3A_206 = arith.constant 16 : i32
      %mul3A_207 = arith.muli %scan3A_172, %mul3A_206 : i32
      %add3A_208 = arith.constant 1 : i32
      %add3A_209 = arith.addi %mul3A_207, %add3A_208 : i32
      %add3A_210 = arith.constant 1 : i32
      %add3A_211 = arith.addi %add3A_176, %add3A_210 : i32
      %broadcast_in_dim3A_212 = vector.broadcast %add3A_211 : i32 to vector<16xi32>
      %get3A_213 = arith.index_cast %add3A_209 : i32 to index
      %get3A_214 = arith.index_cast %and3A_205 : i32 to index
      %get3A_215 = arith.constant 0 : index
      %get3A_216 = tpu.vector_load %arg11[%get3A_213, %get3A_214, %get3A_215] {strides = array<i32>} : memref<32x8x64xf32, #tpu.memory_space<vmem>>, vector<16xf32>,
      tpu.vector_store_idx %arg14[%add3A_80, %broadcast_in_dim3A_212], %get3A_216 : memref<64x128xf32, #tpu.memory_space<vmem>>[vector<16xi32>, vector<16xi32>], vector<16xf32>,
      %get3A_217 = arith.index_cast %add3A_209 : i32 to index
      %get3A_218 = arith.index_cast %and3A_205 : i32 to index
      %get3A_219 = arith.constant 16 : index
      %get3A_220 = tpu.vector_load %arg11[%get3A_217, %get3A_218, %get3A_219] {strides = array<i32>} : memref<32x8x64xf32, #tpu.memory_space<vmem>>, vector<16xf32>,
      tpu.vector_store_idx %arg14[%add3A_84, %broadcast_in_dim3A_212], %get3A_220 : memref<64x128xf32, #tpu.memory_space<vmem>>[vector<16xi32>, vector<16xi32>], vector<16xf32>,
      %get3A_221 = arith.index_cast %add3A_209 : i32 to index
      %get3A_222 = arith.index_cast %and3A_205 : i32 to index
      %get3A_223 = arith.constant 32 : index
      %get3A_224 = tpu.vector_load %arg11[%get3A_221, %get3A_222, %get3A_223] {strides = array<i32>} : memref<32x8x64xf32, #tpu.memory_space<vmem>>, vector<16xf32>,
      tpu.vector_store_idx %arg14[%add3A_88, %broadcast_in_dim3A_212], %get3A_224 : memref<64x128xf32, #tpu.memory_space<vmem>>[vector<16xi32>, vector<16xi32>], vector<16xf32>,
      %get3A_225 = arith.index_cast %add3A_209 : i32 to index
      %get3A_226 = arith.index_cast %and3A_205 : i32 to index
      %get3A_227 = arith.constant 48 : index
      %get3A_228 = tpu.vector_load %arg11[%get3A_225, %get3A_226, %get3A_227] {strides = array<i32>} : memref<32x8x64xf32, #tpu.memory_space<vmem>>, vector<16xf32>,
      tpu.vector_store_idx %arg14[%add3A_92, %broadcast_in_dim3A_212], %get3A_228 : memref<64x128xf32, #tpu.memory_space<vmem>>[vector<16xi32>, vector<16xi32>], vector<16xf32>,
      %slice3A_229 = vector.extract_strided_slice %get3A_178 {offsets = [2], sizes = [1], strides = [1]} : vector<16xi32> to vector<1xi32>
      %squeeze3A_230 = vector.extract %slice3A_229[0] : i32 from vector<1xi32>
      %and3A_231 = arith.constant 7 : i32
      %and3A_232 = arith.andi %squeeze3A_230, %and3A_231 : i32
      %mul3A_233 = arith.constant 16 : i32
      %mul3A_234 = arith.muli %scan3A_172, %mul3A_233 : i32
      %add3A_235 = arith.constant 2 : i32
      %add3A_236 = arith.addi %mul3A_234, %add3A_235 : i32
      %add3A_237 = arith.constant 2 : i32
      %add3A_238 = arith.addi %add3A_176, %add3A_237 : i32
      %broadcast_in_dim3A_239 = vector.broadcast %add3A_238 : i32 to vector<16xi32>
      %get3A_240 = arith.index_cast %add3A_236 : i32 to index
      %get3A_241 = arith.index_cast %and3A_232 : i32 to index
      %get3A_242 = arith.constant 0 : index
      %get3A_243 = tpu.vector_load %arg11[%get3A_240, %get3A_241, %get3A_242] {strides = array<i32>} : memref<32x8x64xf32, #tpu.memory_space<vmem>>, vector<16xf32>,
      tpu.vector_store_idx %arg14[%add3A_80, %broadcast_in_dim3A_239], %get3A_243 : memref<64x128xf32, #tpu.memory_space<vmem>>[vector<16xi32>, vector<16xi32>], vector<16xf32>,
      %get3A_244 = arith.index_cast %add3A_236 : i32 to index
      %get3A_245 = arith.index_cast %and3A_232 : i32 to index
      %get3A_246 = arith.constant 16 : index
      %get3A_247 = tpu.vector_load %arg11[%get3A_244, %get3A_245, %get3A_246] {strides = array<i32>} : memref<32x8x64xf32, #tpu.memory_space<vmem>>, vector<16xf32>,
      tpu.vector_store_idx %arg14[%add3A_84, %broadcast_in_dim3A_239], %get3A_247 : memref<64x128xf32, #tpu.memory_space<vmem>>[vector<16xi32>, vector<16xi32>], vector<16xf32>,
      %get3A_248 = arith.index_cast %add3A_236 : i32 to index
      %get3A_249 = arith.index_cast %and3A_232 : i32 to index
      %get3A_250 = arith.constant 32 : index
      %get3A_251 = tpu.vector_load %arg11[%get3A_248, %get3A_249, %get3A_250] {strides = array<i32>} : memref<32x8x64xf32, #tpu.memory_space<vmem>>, vector<16xf32>,
      tpu.vector_store_idx %arg14[%add3A_88, %broadcast_in_dim3A_239], %get3A_251 : memref<64x128xf32, #tpu.memory_space<vmem>>[vector<16xi32>, vector<16xi32>], vector<16xf32>,
      %get3A_252 = arith.index_cast %add3A_236 : i32 to index
      %get3A_253 = arith.index_cast %and3A_232 : i32 to index
      %get3A_254 = arith.constant 48 : index
      %get3A_255 = tpu.vector_load %arg11[%get3A_252, %get3A_253, %get3A_254] {strides = array<i32>} : memref<32x8x64xf32, #tpu.memory_space<vmem>>, vector<16xf32>,
      tpu.vector_store_idx %arg14[%add3A_92, %broadcast_in_dim3A_239], %get3A_255 : memref<64x128xf32, #tpu.memory_space<vmem>>[vector<16xi32>, vector<16xi32>], vector<16xf32>,
      %slice3A_256 = vector.extract_strided_slice %get3A_178 {offsets = [3], sizes = [1], strides = [1]} : vector<16xi32> to vector<1xi32>
      %squeeze3A_257 = vector.extract %slice3A_256[0] : i32 from vector<1xi32>
      %and3A_258 = arith.constant 7 : i32
      %and3A_259 = arith.andi %squeeze3A_257, %and3A_258 : i32
      %mul3A_260 = arith.constant 16 : i32
      %mul3A_261 = arith.muli %scan3A_172, %mul3A_260 : i32
      %add3A_262 = arith.constant 3 : i32
      %add3A_263 = arith.addi %mul3A_261, %add3A_262 : i32
      %add3A_264 = arith.constant 3 : i32
      %add3A_265 = arith.addi %add3A_176, %add3A_264 : i32
      %broadcast_in_dim3A_266 = vector.broadcast %add3A_265 : i32 to vector<16xi32>
      %get3A_267 = arith.index_cast %add3A_263 : i32 to index
      %get3A_268 = arith.index_cast %and3A_259 : i32 to index
      %get3A_269 = arith.constant 0 : index
      %get3A_270 = tpu.vector_load %arg11[%get3A_267, %get3A_268, %get3A_269] {strides = array<i32>} : memref<32x8x64xf32, #tpu.memory_space<vmem>>, vector<16xf32>,
      tpu.vector_store_idx %arg14[%add3A_80, %broadcast_in_dim3A_266], %get3A_270 : memref<64x128xf32, #tpu.memory_space<vmem>>[vector<16xi32>, vector<16xi32>], vector<16xf32>,
      %get3A_271 = arith.index_cast %add3A_263 : i32 to index
      %get3A_272 = arith.index_cast %and3A_259 : i32 to index
      %get3A_273 = arith.constant 16 : index
      %get3A_274 = tpu.vector_load %arg11[%get3A_271, %get3A_272, %get3A_273] {strides = array<i32>} : memref<32x8x64xf32, #tpu.memory_space<vmem>>, vector<16xf32>,
      tpu.vector_store_idx %arg14[%add3A_84, %broadcast_in_dim3A_266], %get3A_274 : memref<64x128xf32, #tpu.memory_space<vmem>>[vector<16xi32>, vector<16xi32>], vector<16xf32>,
      %get3A_275 = arith.index_cast %add3A_263 : i32 to index
      %get3A_276 = arith.index_cast %and3A_259 : i32 to index
      %get3A_277 = arith.constant 32 : index
      %get3A_278 = tpu.vector_load %arg11[%get3A_275, %get3A_276, %get3A_277] {strides = array<i32>} : memref<32x8x64xf32, #tpu.memory_space<vmem>>, vector<16xf32>,
      tpu.vector_store_idx %arg14[%add3A_88, %broadcast_in_dim3A_266], %get3A_278 : memref<64x128xf32, #tpu.memory_space<vmem>>[vector<16xi32>, vector<16xi32>], vector<16xf32>,
      %get3A_279 = arith.index_cast %add3A_263 : i32 to index
      %get3A_280 = arith.index_cast %and3A_259 : i32 to index
      %get3A_281 = arith.constant 48 : index
      %get3A_282 = tpu.vector_load %arg11[%get3A_279, %get3A_280, %get3A_281] {strides = array<i32>} : memref<32x8x64xf32, #tpu.memory_space<vmem>>, vector<16xf32>,
      tpu.vector_store_idx %arg14[%add3A_92, %broadcast_in_dim3A_266], %get3A_282 : memref<64x128xf32, #tpu.memory_space<vmem>>[vector<16xi32>, vector<16xi32>], vector<16xf32>,
      %slice3A_283 = vector.extract_strided_slice %get3A_178 {offsets = [4], sizes = [1], strides = [1]} : vector<16xi32> to vector<1xi32>
      %squeeze3A_284 = vector.extract %slice3A_283[0] : i32 from vector<1xi32>
      %and3A_285 = arith.constant 7 : i32
      %and3A_286 = arith.andi %squeeze3A_284, %and3A_285 : i32
      %mul3A_287 = arith.constant 16 : i32
      %mul3A_288 = arith.muli %scan3A_172, %mul3A_287 : i32
      %add3A_289 = arith.constant 4 : i32
      %add3A_290 = arith.addi %mul3A_288, %add3A_289 : i32
      %add3A_291 = arith.constant 4 : i32
      %add3A_292 = arith.addi %add3A_176, %add3A_291 : i32
      %broadcast_in_dim3A_293 = vector.broadcast %add3A_292 : i32 to vector<16xi32>
      %get3A_294 = arith.index_cast %add3A_290 : i32 to index
      %get3A_295 = arith.index_cast %and3A_286 : i32 to index
      %get3A_296 = arith.constant 0 : index
      %get3A_297 = tpu.vector_load %arg11[%get3A_294, %get3A_295, %get3A_296] {strides = array<i32>} : memref<32x8x64xf32, #tpu.memory_space<vmem>>, vector<16xf32>,
      tpu.vector_store_idx %arg14[%add3A_80, %broadcast_in_dim3A_293], %get3A_297 : memref<64x128xf32, #tpu.memory_space<vmem>>[vector<16xi32>, vector<16xi32>], vector<16xf32>,
      %get3A_298 = arith.index_cast %add3A_290 : i32 to index
      %get3A_299 = arith.index_cast %and3A_286 : i32 to index
      %get3A_300 = arith.constant 16 : index
      %get3A_301 = tpu.vector_load %arg11[%get3A_298, %get3A_299, %get3A_300] {strides = array<i32>} : memref<32x8x64xf32, #tpu.memory_space<vmem>>, vector<16xf32>,
      tpu.vector_store_idx %arg14[%add3A_84, %broadcast_in_dim3A_293], %get3A_301 : memref<64x128xf32, #tpu.memory_space<vmem>>[vector<16xi32>, vector<16xi32>], vector<16xf32>,
      %get3A_302 = arith.index_cast %add3A_290 : i32 to index
      %get3A_303 = arith.index_cast %and3A_286 : i32 to index
      %get3A_304 = arith.constant 32 : index
      %get3A_305 = tpu.vector_load %arg11[%get3A_302, %get3A_303, %get3A_304] {strides = array<i32>} : memref<32x8x64xf32, #tpu.memory_space<vmem>>, vector<16xf32>,
      tpu.vector_store_idx %arg14[%add3A_88, %broadcast_in_dim3A_293], %get3A_305 : memref<64x128xf32, #tpu.memory_space<vmem>>[vector<16xi32>, vector<16xi32>], vector<16xf32>,
      %get3A_306 = arith.index_cast %add3A_290 : i32 to index
      %get3A_307 = arith.index_cast %and3A_286 : i32 to index
      %get3A_308 = arith.constant 48 : index
      %get3A_309 = tpu.vector_load %arg11[%get3A_306, %get3A_307, %get3A_308] {strides = array<i32>} : memref<32x8x64xf32, #tpu.memory_space<vmem>>, vector<16xf32>,
      tpu.vector_store_idx %arg14[%add3A_92, %broadcast_in_dim3A_293], %get3A_309 : memref<64x128xf32, #tpu.memory_space<vmem>>[vector<16xi32>, vector<16xi32>], vector<16xf32>,
      %slice3A_310 = vector.extract_strided_slice %get3A_178 {offsets = [5], sizes = [1], strides = [1]} : vector<16xi32> to vector<1xi32>
      %squeeze3A_311 = vector.extract %slice3A_310[0] : i32 from vector<1xi32>
      %and3A_312 = arith.constant 7 : i32
      %and3A_313 = arith.andi %squeeze3A_311, %and3A_312 : i32
      %mul3A_314 = arith.constant 16 : i32
      %mul3A_315 = arith.muli %scan3A_172, %mul3A_314 : i32
      %add3A_316 = arith.constant 5 : i32
      %add3A_317 = arith.addi %mul3A_315, %add3A_316 : i32
      %add3A_318 = arith.constant 5 : i32
      %add3A_319 = arith.addi %add3A_176, %add3A_318 : i32
      %broadcast_in_dim3A_320 = vector.broadcast %add3A_319 : i32 to vector<16xi32>
      %get3A_321 = arith.index_cast %add3A_317 : i32 to index
      %get3A_322 = arith.index_cast %and3A_313 : i32 to index
      %get3A_323 = arith.constant 0 : index
      %get3A_324 = tpu.vector_load %arg11[%get3A_321, %get3A_322, %get3A_323] {strides = array<i32>} : memref<32x8x64xf32, #tpu.memory_space<vmem>>, vector<16xf32>,
      tpu.vector_store_idx %arg14[%add3A_80, %broadcast_in_dim3A_320], %get3A_324 : memref<64x128xf32, #tpu.memory_space<vmem>>[vector<16xi32>, vector<16xi32>], vector<16xf32>,
      %get3A_325 = arith.index_cast %add3A_317 : i32 to index
      %get3A_326 = arith.index_cast %and3A_313 : i32 to index
      %get3A_327 = arith.constant 16 : index
      %get3A_328 = tpu.vector_load %arg11[%get3A_325, %get3A_326, %get3A_327] {strides = array<i32>} : memref<32x8x64xf32, #tpu.memory_space<vmem>>, vector<16xf32>,
      tpu.vector_store_idx %arg14[%add3A_84, %broadcast_in_dim3A_320], %get3A_328 : memref<64x128xf32, #tpu.memory_space<vmem>>[vector<16xi32>, vector<16xi32>], vector<16xf32>,
      %get3A_329 = arith.index_cast %add3A_317 : i32 to index
      %get3A_330 = arith.index_cast %and3A_313 : i32 to index
      %get3A_331 = arith.constant 32 : index
      %get3A_332 = tpu.vector_load %arg11[%get3A_329, %get3A_330, %get3A_331] {strides = array<i32>} : memref<32x8x64xf32, #tpu.memory_space<vmem>>, vector<16xf32>,
      tpu.vector_store_idx %arg14[%add3A_88, %broadcast_in_dim3A_320], %get3A_332 : memref<64x128xf32, #tpu.memory_space<vmem>>[vector<16xi32>, vector<16xi32>], vector<16xf32>,
      %get3A_333 = arith.index_cast %add3A_317 : i32 to index
      %get3A_334 = arith.index_cast %and3A_313 : i32 to index
      %get3A_335 = arith.constant 48 : index
      %get3A_336 = tpu.vector_load %arg11[%get3A_333, %get3A_334, %get3A_335] {strides = array<i32>} : memref<32x8x64xf32, #tpu.memory_space<vmem>>, vector<16xf32>,
      tpu.vector_store_idx %arg14[%add3A_92, %broadcast_in_dim3A_320], %get3A_336 : memref<64x128xf32, #tpu.memory_space<vmem>>[vector<16xi32>, vector<16xi32>], vector<16xf32>,
      %slice3A_337 = vector.extract_strided_slice %get3A_178 {offsets = [6], sizes = [1], strides = [1]} : vector<16xi32> to vector<1xi32>
      %squeeze3A_338 = vector.extract %slice3A_337[0] : i32 from vector<1xi32>
      %and3A_339 = arith.constant 7 : i32
      %and3A_340 = arith.andi %squeeze3A_338, %and3A_339 : i32
      %mul3A_341 = arith.constant 16 : i32
      %mul3A_342 = arith.muli %scan3A_172, %mul3A_341 : i32
      %add3A_343 = arith.constant 6 : i32
      %add3A_344 = arith.addi %mul3A_342, %add3A_343 : i32
      %add3A_345 = arith.constant 6 : i32
      %add3A_346 = arith.addi %add3A_176, %add3A_345 : i32
      %broadcast_in_dim3A_347 = vector.broadcast %add3A_346 : i32 to vector<16xi32>
      %get3A_348 = arith.index_cast %add3A_344 : i32 to index
      %get3A_349 = arith.index_cast %and3A_340 : i32 to index
      %get3A_350 = arith.constant 0 : index
      %get3A_351 = tpu.vector_load %arg11[%get3A_348, %get3A_349, %get3A_350] {strides = array<i32>} : memref<32x8x64xf32, #tpu.memory_space<vmem>>, vector<16xf32>,
      tpu.vector_store_idx %arg14[%add3A_80, %broadcast_in_dim3A_347], %get3A_351 : memref<64x128xf32, #tpu.memory_space<vmem>>[vector<16xi32>, vector<16xi32>], vector<16xf32>,
      %get3A_352 = arith.index_cast %add3A_344 : i32 to index
      %get3A_353 = arith.index_cast %and3A_340 : i32 to index
      %get3A_354 = arith.constant 16 : index
      %get3A_355 = tpu.vector_load %arg11[%get3A_352, %get3A_353, %get3A_354] {strides = array<i32>} : memref<32x8x64xf32, #tpu.memory_space<vmem>>, vector<16xf32>,
      tpu.vector_store_idx %arg14[%add3A_84, %broadcast_in_dim3A_347], %get3A_355 : memref<64x128xf32, #tpu.memory_space<vmem>>[vector<16xi32>, vector<16xi32>], vector<16xf32>,
      %get3A_356 = arith.index_cast %add3A_344 : i32 to index
      %get3A_357 = arith.index_cast %and3A_340 : i32 to index
      %get3A_358 = arith.constant 32 : index
      %get3A_359 = tpu.vector_load %arg11[%get3A_356, %get3A_357, %get3A_358] {strides = array<i32>} : memref<32x8x64xf32, #tpu.memory_space<vmem>>, vector<16xf32>,
      tpu.vector_store_idx %arg14[%add3A_88, %broadcast_in_dim3A_347], %get3A_359 : memref<64x128xf32, #tpu.memory_space<vmem>>[vector<16xi32>, vector<16xi32>], vector<16xf32>,
      %get3A_360 = arith.index_cast %add3A_344 : i32 to index
      %get3A_361 = arith.index_cast %and3A_340 : i32 to index
      %get3A_362 = arith.constant 48 : index
      %get3A_363 = tpu.vector_load %arg11[%get3A_360, %get3A_361, %get3A_362] {strides = array<i32>} : memref<32x8x64xf32, #tpu.memory_space<vmem>>, vector<16xf32>,
      tpu.vector_store_idx %arg14[%add3A_92, %broadcast_in_dim3A_347], %get3A_363 : memref<64x128xf32, #tpu.memory_space<vmem>>[vector<16xi32>, vector<16xi32>], vector<16xf32>,
      %slice3A_364 = vector.extract_strided_slice %get3A_178 {offsets = [7], sizes = [1], strides = [1]} : vector<16xi32> to vector<1xi32>
      %squeeze3A_365 = vector.extract %slice3A_364[0] : i32 from vector<1xi32>
      %and3A_366 = arith.constant 7 : i32
      %and3A_367 = arith.andi %squeeze3A_365, %and3A_366 : i32
      %mul3A_368 = arith.constant 16 : i32
      %mul3A_369 = arith.muli %scan3A_172, %mul3A_368 : i32
      %add3A_370 = arith.constant 7 : i32
      %add3A_371 = arith.addi %mul3A_369, %add3A_370 : i32
      %add3A_372 = arith.constant 7 : i32
      %add3A_373 = arith.addi %add3A_176, %add3A_372 : i32
      %broadcast_in_dim3A_374 = vector.broadcast %add3A_373 : i32 to vector<16xi32>
      %get3A_375 = arith.index_cast %add3A_371 : i32 to index
      %get3A_376 = arith.index_cast %and3A_367 : i32 to index
      %get3A_377 = arith.constant 0 : index
      %get3A_378 = tpu.vector_load %arg11[%get3A_375, %get3A_376, %get3A_377] {strides = array<i32>} : memref<32x8x64xf32, #tpu.memory_space<vmem>>, vector<16xf32>,
      tpu.vector_store_idx %arg14[%add3A_80, %broadcast_in_dim3A_374], %get3A_378 : memref<64x128xf32, #tpu.memory_space<vmem>>[vector<16xi32>, vector<16xi32>], vector<16xf32>,
      %get3A_379 = arith.index_cast %add3A_371 : i32 to index
      %get3A_380 = arith.index_cast %and3A_367 : i32 to index
      %get3A_381 = arith.constant 16 : index
      %get3A_382 = tpu.vector_load %arg11[%get3A_379, %get3A_380, %get3A_381] {strides = array<i32>} : memref<32x8x64xf32, #tpu.memory_space<vmem>>, vector<16xf32>,
      tpu.vector_store_idx %arg14[%add3A_84, %broadcast_in_dim3A_374], %get3A_382 : memref<64x128xf32, #tpu.memory_space<vmem>>[vector<16xi32>, vector<16xi32>], vector<16xf32>,
      %get3A_383 = arith.index_cast %add3A_371 : i32 to index
      %get3A_384 = arith.index_cast %and3A_367 : i32 to index
      %get3A_385 = arith.constant 32 : index
      %get3A_386 = tpu.vector_load %arg11[%get3A_383, %get3A_384, %get3A_385] {strides = array<i32>} : memref<32x8x64xf32, #tpu.memory_space<vmem>>, vector<16xf32>,
      tpu.vector_store_idx %arg14[%add3A_88, %broadcast_in_dim3A_374], %get3A_386 : memref<64x128xf32, #tpu.memory_space<vmem>>[vector<16xi32>, vector<16xi32>], vector<16xf32>,
      %get3A_387 = arith.index_cast %add3A_371 : i32 to index
      %get3A_388 = arith.index_cast %and3A_367 : i32 to index
      %get3A_389 = arith.constant 48 : index
      %get3A_390 = tpu.vector_load %arg11[%get3A_387, %get3A_388, %get3A_389] {strides = array<i32>} : memref<32x8x64xf32, #tpu.memory_space<vmem>>, vector<16xf32>,
      tpu.vector_store_idx %arg14[%add3A_92, %broadcast_in_dim3A_374], %get3A_390 : memref<64x128xf32, #tpu.memory_space<vmem>>[vector<16xi32>, vector<16xi32>], vector<16xf32>,
      %slice3A_391 = vector.extract_strided_slice %get3A_178 {offsets = [8], sizes = [1], strides = [1]} : vector<16xi32> to vector<1xi32>
      %squeeze3A_392 = vector.extract %slice3A_391[0] : i32 from vector<1xi32>
      %and3A_393 = arith.constant 7 : i32
      %and3A_394 = arith.andi %squeeze3A_392, %and3A_393 : i32
      %mul3A_395 = arith.constant 16 : i32
      %mul3A_396 = arith.muli %scan3A_172, %mul3A_395 : i32
      %add3A_397 = arith.constant 8 : i32
      %add3A_398 = arith.addi %mul3A_396, %add3A_397 : i32
      %add3A_399 = arith.constant 8 : i32
      %add3A_400 = arith.addi %add3A_176, %add3A_399 : i32
      %broadcast_in_dim3A_401 = vector.broadcast %add3A_400 : i32 to vector<16xi32>
      %get3A_402 = arith.index_cast %add3A_398 : i32 to index
      %get3A_403 = arith.index_cast %and3A_394 : i32 to index
      %get3A_404 = arith.constant 0 : index
      %get3A_405 = tpu.vector_load %arg11[%get3A_402, %get3A_403, %get3A_404] {strides = array<i32>} : memref<32x8x64xf32, #tpu.memory_space<vmem>>, vector<16xf32>,
      tpu.vector_store_idx %arg14[%add3A_80, %broadcast_in_dim3A_401], %get3A_405 : memref<64x128xf32, #tpu.memory_space<vmem>>[vector<16xi32>, vector<16xi32>], vector<16xf32>,
      %get3A_406 = arith.index_cast %add3A_398 : i32 to index
      %get3A_407 = arith.index_cast %and3A_394 : i32 to index
      %get3A_408 = arith.constant 16 : index
      %get3A_409 = tpu.vector_load %arg11[%get3A_406, %get3A_407, %get3A_408] {strides = array<i32>} : memref<32x8x64xf32, #tpu.memory_space<vmem>>, vector<16xf32>,
      tpu.vector_store_idx %arg14[%add3A_84, %broadcast_in_dim3A_401], %get3A_409 : memref<64x128xf32, #tpu.memory_space<vmem>>[vector<16xi32>, vector<16xi32>], vector<16xf32>,
      %get3A_410 = arith.index_cast %add3A_398 : i32 to index
      %get3A_411 = arith.index_cast %and3A_394 : i32 to index
      %get3A_412 = arith.constant 32 : index
      %get3A_413 = tpu.vector_load %arg11[%get3A_410, %get3A_411, %get3A_412] {strides = array<i32>} : memref<32x8x64xf32, #tpu.memory_space<vmem>>, vector<16xf32>,
      tpu.vector_store_idx %arg14[%add3A_88, %broadcast_in_dim3A_401], %get3A_413 : memref<64x128xf32, #tpu.memory_space<vmem>>[vector<16xi32>, vector<16xi32>], vector<16xf32>,
      %get3A_414 = arith.index_cast %add3A_398 : i32 to index
      %get3A_415 = arith.index_cast %and3A_394 : i32 to index
      %get3A_416 = arith.constant 48 : index
      %get3A_417 = tpu.vector_load %arg11[%get3A_414, %get3A_415, %get3A_416] {strides = array<i32>} : memref<32x8x64xf32, #tpu.memory_space<vmem>>, vector<16xf32>,
      tpu.vector_store_idx %arg14[%add3A_92, %broadcast_in_dim3A_401], %get3A_417 : memref<64x128xf32, #tpu.memory_space<vmem>>[vector<16xi32>, vector<16xi32>], vector<16xf32>,
      %slice3A_418 = vector.extract_strided_slice %get3A_178 {offsets = [9], sizes = [1], strides = [1]} : vector<16xi32> to vector<1xi32>
      %squeeze3A_419 = vector.extract %slice3A_418[0] : i32 from vector<1xi32>
      %and3A_420 = arith.constant 7 : i32
      %and3A_421 = arith.andi %squeeze3A_419, %and3A_420 : i32
      %mul3A_422 = arith.constant 16 : i32
      %mul3A_423 = arith.muli %scan3A_172, %mul3A_422 : i32
      %add3A_424 = arith.constant 9 : i32
      %add3A_425 = arith.addi %mul3A_423, %add3A_424 : i32
      %add3A_426 = arith.constant 9 : i32
      %add3A_427 = arith.addi %add3A_176, %add3A_426 : i32
      %broadcast_in_dim3A_428 = vector.broadcast %add3A_427 : i32 to vector<16xi32>
      %get3A_429 = arith.index_cast %add3A_425 : i32 to index
      %get3A_430 = arith.index_cast %and3A_421 : i32 to index
      %get3A_431 = arith.constant 0 : index
      %get3A_432 = tpu.vector_load %arg11[%get3A_429, %get3A_430, %get3A_431] {strides = array<i32>} : memref<32x8x64xf32, #tpu.memory_space<vmem>>, vector<16xf32>,
      tpu.vector_store_idx %arg14[%add3A_80, %broadcast_in_dim3A_428], %get3A_432 : memref<64x128xf32, #tpu.memory_space<vmem>>[vector<16xi32>, vector<16xi32>], vector<16xf32>,
      %get3A_433 = arith.index_cast %add3A_425 : i32 to index
      %get3A_434 = arith.index_cast %and3A_421 : i32 to index
      %get3A_435 = arith.constant 16 : index
      %get3A_436 = tpu.vector_load %arg11[%get3A_433, %get3A_434, %get3A_435] {strides = array<i32>} : memref<32x8x64xf32, #tpu.memory_space<vmem>>, vector<16xf32>,
      tpu.vector_store_idx %arg14[%add3A_84, %broadcast_in_dim3A_428], %get3A_436 : memref<64x128xf32, #tpu.memory_space<vmem>>[vector<16xi32>, vector<16xi32>], vector<16xf32>,
      %get3A_437 = arith.index_cast %add3A_425 : i32 to index
      %get3A_438 = arith.index_cast %and3A_421 : i32 to index
      %get3A_439 = arith.constant 32 : index
      %get3A_440 = tpu.vector_load %arg11[%get3A_437, %get3A_438, %get3A_439] {strides = array<i32>} : memref<32x8x64xf32, #tpu.memory_space<vmem>>, vector<16xf32>,
      tpu.vector_store_idx %arg14[%add3A_88, %broadcast_in_dim3A_428], %get3A_440 : memref<64x128xf32, #tpu.memory_space<vmem>>[vector<16xi32>, vector<16xi32>], vector<16xf32>,
      %get3A_441 = arith.index_cast %add3A_425 : i32 to index
      %get3A_442 = arith.index_cast %and3A_421 : i32 to index
      %get3A_443 = arith.constant 48 : index
      %get3A_444 = tpu.vector_load %arg11[%get3A_441, %get3A_442, %get3A_443] {strides = array<i32>} : memref<32x8x64xf32, #tpu.memory_space<vmem>>, vector<16xf32>,
      tpu.vector_store_idx %arg14[%add3A_92, %broadcast_in_dim3A_428], %get3A_444 : memref<64x128xf32, #tpu.memory_space<vmem>>[vector<16xi32>, vector<16xi32>], vector<16xf32>,
      %slice3A_445 = vector.extract_strided_slice %get3A_178 {offsets = [10], sizes = [1], strides = [1]} : vector<16xi32> to vector<1xi32>
      %squeeze3A_446 = vector.extract %slice3A_445[0] : i32 from vector<1xi32>
      %and3A_447 = arith.constant 7 : i32
      %and3A_448 = arith.andi %squeeze3A_446, %and3A_447 : i32
      %mul3A_449 = arith.constant 16 : i32
      %mul3A_450 = arith.muli %scan3A_172, %mul3A_449 : i32
      %add3A_451 = arith.constant 10 : i32
      %add3A_452 = arith.addi %mul3A_450, %add3A_451 : i32
      %add3A_453 = arith.constant 10 : i32
      %add3A_454 = arith.addi %add3A_176, %add3A_453 : i32
      %broadcast_in_dim3A_455 = vector.broadcast %add3A_454 : i32 to vector<16xi32>
      %get3A_456 = arith.index_cast %add3A_452 : i32 to index
      %get3A_457 = arith.index_cast %and3A_448 : i32 to index
      %get3A_458 = arith.constant 0 : index
      %get3A_459 = tpu.vector_load %arg11[%get3A_456, %get3A_457, %get3A_458] {strides = array<i32>} : memref<32x8x64xf32, #tpu.memory_space<vmem>>, vector<16xf32>,
      tpu.vector_store_idx %arg14[%add3A_80, %broadcast_in_dim3A_455], %get3A_459 : memref<64x128xf32, #tpu.memory_space<vmem>>[vector<16xi32>, vector<16xi32>], vector<16xf32>,
      %get3A_460 = arith.index_cast %add3A_452 : i32 to index
      %get3A_461 = arith.index_cast %and3A_448 : i32 to index
      %get3A_462 = arith.constant 16 : index
      %get3A_463 = tpu.vector_load %arg11[%get3A_460, %get3A_461, %get3A_462] {strides = array<i32>} : memref<32x8x64xf32, #tpu.memory_space<vmem>>, vector<16xf32>,
      tpu.vector_store_idx %arg14[%add3A_84, %broadcast_in_dim3A_455], %get3A_463 : memref<64x128xf32, #tpu.memory_space<vmem>>[vector<16xi32>, vector<16xi32>], vector<16xf32>,
      %get3A_464 = arith.index_cast %add3A_452 : i32 to index
      %get3A_465 = arith.index_cast %and3A_448 : i32 to index
      %get3A_466 = arith.constant 32 : index
      %get3A_467 = tpu.vector_load %arg11[%get3A_464, %get3A_465, %get3A_466] {strides = array<i32>} : memref<32x8x64xf32, #tpu.memory_space<vmem>>, vector<16xf32>,
      tpu.vector_store_idx %arg14[%add3A_88, %broadcast_in_dim3A_455], %get3A_467 : memref<64x128xf32, #tpu.memory_space<vmem>>[vector<16xi32>, vector<16xi32>], vector<16xf32>,
      %get3A_468 = arith.index_cast %add3A_452 : i32 to index
      %get3A_469 = arith.index_cast %and3A_448 : i32 to index
      %get3A_470 = arith.constant 48 : index
      %get3A_471 = tpu.vector_load %arg11[%get3A_468, %get3A_469, %get3A_470] {strides = array<i32>} : memref<32x8x64xf32, #tpu.memory_space<vmem>>, vector<16xf32>,
      tpu.vector_store_idx %arg14[%add3A_92, %broadcast_in_dim3A_455], %get3A_471 : memref<64x128xf32, #tpu.memory_space<vmem>>[vector<16xi32>, vector<16xi32>], vector<16xf32>,
      %slice3A_472 = vector.extract_strided_slice %get3A_178 {offsets = [11], sizes = [1], strides = [1]} : vector<16xi32> to vector<1xi32>
      %squeeze3A_473 = vector.extract %slice3A_472[0] : i32 from vector<1xi32>
      %and3A_474 = arith.constant 7 : i32
      %and3A_475 = arith.andi %squeeze3A_473, %and3A_474 : i32
      %mul3A_476 = arith.constant 16 : i32
      %mul3A_477 = arith.muli %scan3A_172, %mul3A_476 : i32
      %add3A_478 = arith.constant 11 : i32
      %add3A_479 = arith.addi %mul3A_477, %add3A_478 : i32
      %add3A_480 = arith.constant 11 : i32
      %add3A_481 = arith.addi %add3A_176, %add3A_480 : i32
      %broadcast_in_dim3A_482 = vector.broadcast %add3A_481 : i32 to vector<16xi32>
      %get3A_483 = arith.index_cast %add3A_479 : i32 to index
      %get3A_484 = arith.index_cast %and3A_475 : i32 to index
      %get3A_485 = arith.constant 0 : index
      %get3A_486 = tpu.vector_load %arg11[%get3A_483, %get3A_484, %get3A_485] {strides = array<i32>} : memref<32x8x64xf32, #tpu.memory_space<vmem>>, vector<16xf32>,
      tpu.vector_store_idx %arg14[%add3A_80, %broadcast_in_dim3A_482], %get3A_486 : memref<64x128xf32, #tpu.memory_space<vmem>>[vector<16xi32>, vector<16xi32>], vector<16xf32>,
      %get3A_487 = arith.index_cast %add3A_479 : i32 to index
      %get3A_488 = arith.index_cast %and3A_475 : i32 to index
      %get3A_489 = arith.constant 16 : index
      %get3A_490 = tpu.vector_load %arg11[%get3A_487, %get3A_488, %get3A_489] {strides = array<i32>} : memref<32x8x64xf32, #tpu.memory_space<vmem>>, vector<16xf32>,
      tpu.vector_store_idx %arg14[%add3A_84, %broadcast_in_dim3A_482], %get3A_490 : memref<64x128xf32, #tpu.memory_space<vmem>>[vector<16xi32>, vector<16xi32>], vector<16xf32>,
      %get3A_491 = arith.index_cast %add3A_479 : i32 to index
      %get3A_492 = arith.index_cast %and3A_475 : i32 to index
      %get3A_493 = arith.constant 32 : index
      %get3A_494 = tpu.vector_load %arg11[%get3A_491, %get3A_492, %get3A_493] {strides = array<i32>} : memref<32x8x64xf32, #tpu.memory_space<vmem>>, vector<16xf32>,
      tpu.vector_store_idx %arg14[%add3A_88, %broadcast_in_dim3A_482], %get3A_494 : memref<64x128xf32, #tpu.memory_space<vmem>>[vector<16xi32>, vector<16xi32>], vector<16xf32>,
      %get3A_495 = arith.index_cast %add3A_479 : i32 to index
      %get3A_496 = arith.index_cast %and3A_475 : i32 to index
      %get3A_497 = arith.constant 48 : index
      %get3A_498 = tpu.vector_load %arg11[%get3A_495, %get3A_496, %get3A_497] {strides = array<i32>} : memref<32x8x64xf32, #tpu.memory_space<vmem>>, vector<16xf32>,
      tpu.vector_store_idx %arg14[%add3A_92, %broadcast_in_dim3A_482], %get3A_498 : memref<64x128xf32, #tpu.memory_space<vmem>>[vector<16xi32>, vector<16xi32>], vector<16xf32>,
      %slice3A_499 = vector.extract_strided_slice %get3A_178 {offsets = [12], sizes = [1], strides = [1]} : vector<16xi32> to vector<1xi32>
      %squeeze3A_500 = vector.extract %slice3A_499[0] : i32 from vector<1xi32>
      %and3A_501 = arith.constant 7 : i32
      %and3A_502 = arith.andi %squeeze3A_500, %and3A_501 : i32
      %mul3A_503 = arith.constant 16 : i32
      %mul3A_504 = arith.muli %scan3A_172, %mul3A_503 : i32
      %add3A_505 = arith.constant 12 : i32
      %add3A_506 = arith.addi %mul3A_504, %add3A_505 : i32
      %add3A_507 = arith.constant 12 : i32
      %add3A_508 = arith.addi %add3A_176, %add3A_507 : i32
      %broadcast_in_dim3A_509 = vector.broadcast %add3A_508 : i32 to vector<16xi32>
      %get3A_510 = arith.index_cast %add3A_506 : i32 to index
      %get3A_511 = arith.index_cast %and3A_502 : i32 to index
      %get3A_512 = arith.constant 0 : index
      %get3A_513 = tpu.vector_load %arg11[%get3A_510, %get3A_511, %get3A_512] {strides = array<i32>} : memref<32x8x64xf32, #tpu.memory_space<vmem>>, vector<16xf32>,
      tpu.vector_store_idx %arg14[%add3A_80, %broadcast_in_dim3A_509], %get3A_513 : memref<64x128xf32, #tpu.memory_space<vmem>>[vector<16xi32>, vector<16xi32>], vector<16xf32>,
      %get3A_514 = arith.index_cast %add3A_506 : i32 to index
      %get3A_515 = arith.index_cast %and3A_502 : i32 to index
      %get3A_516 = arith.constant 16 : index
      %get3A_517 = tpu.vector_load %arg11[%get3A_514, %get3A_515, %get3A_516] {strides = array<i32>} : memref<32x8x64xf32, #tpu.memory_space<vmem>>, vector<16xf32>,
      tpu.vector_store_idx %arg14[%add3A_84, %broadcast_in_dim3A_509], %get3A_517 : memref<64x128xf32, #tpu.memory_space<vmem>>[vector<16xi32>, vector<16xi32>], vector<16xf32>,
      %get3A_518 = arith.index_cast %add3A_506 : i32 to index
      %get3A_519 = arith.index_cast %and3A_502 : i32 to index
      %get3A_520 = arith.constant 32 : index
      %get3A_521 = tpu.vector_load %arg11[%get3A_518, %get3A_519, %get3A_520] {strides = array<i32>} : memref<32x8x64xf32, #tpu.memory_space<vmem>>, vector<16xf32>,
      tpu.vector_store_idx %arg14[%add3A_88, %broadcast_in_dim3A_509], %get3A_521 : memref<64x128xf32, #tpu.memory_space<vmem>>[vector<16xi32>, vector<16xi32>], vector<16xf32>,
      %get3A_522 = arith.index_cast %add3A_506 : i32 to index
      %get3A_523 = arith.index_cast %and3A_502 : i32 to index
      %get3A_524 = arith.constant 48 : index
      %get3A_525 = tpu.vector_load %arg11[%get3A_522, %get3A_523, %get3A_524] {strides = array<i32>} : memref<32x8x64xf32, #tpu.memory_space<vmem>>, vector<16xf32>,
      tpu.vector_store_idx %arg14[%add3A_92, %broadcast_in_dim3A_509], %get3A_525 : memref<64x128xf32, #tpu.memory_space<vmem>>[vector<16xi32>, vector<16xi32>], vector<16xf32>,
      %slice3A_526 = vector.extract_strided_slice %get3A_178 {offsets = [13], sizes = [1], strides = [1]} : vector<16xi32> to vector<1xi32>
      %squeeze3A_527 = vector.extract %slice3A_526[0] : i32 from vector<1xi32>
      %and3A_528 = arith.constant 7 : i32
      %and3A_529 = arith.andi %squeeze3A_527, %and3A_528 : i32
      %mul3A_530 = arith.constant 16 : i32
      %mul3A_531 = arith.muli %scan3A_172, %mul3A_530 : i32
      %add3A_532 = arith.constant 13 : i32
      %add3A_533 = arith.addi %mul3A_531, %add3A_532 : i32
      %add3A_534 = arith.constant 13 : i32
      %add3A_535 = arith.addi %add3A_176, %add3A_534 : i32
      %broadcast_in_dim3A_536 = vector.broadcast %add3A_535 : i32 to vector<16xi32>
      %get3A_537 = arith.index_cast %add3A_533 : i32 to index
      %get3A_538 = arith.index_cast %and3A_529 : i32 to index
      %get3A_539 = arith.constant 0 : index
      %get3A_540 = tpu.vector_load %arg11[%get3A_537, %get3A_538, %get3A_539] {strides = array<i32>} : memref<32x8x64xf32, #tpu.memory_space<vmem>>, vector<16xf32>,
      tpu.vector_store_idx %arg14[%add3A_80, %broadcast_in_dim3A_536], %get3A_540 : memref<64x128xf32, #tpu.memory_space<vmem>>[vector<16xi32>, vector<16xi32>], vector<16xf32>,
      %get3A_541 = arith.index_cast %add3A_533 : i32 to index
      %get3A_542 = arith.index_cast %and3A_529 : i32 to index
      %get3A_543 = arith.constant 16 : index
      %get3A_544 = tpu.vector_load %arg11[%get3A_541, %get3A_542, %get3A_543] {strides = array<i32>} : memref<32x8x64xf32, #tpu.memory_space<vmem>>, vector<16xf32>,
      tpu.vector_store_idx %arg14[%add3A_84, %broadcast_in_dim3A_536], %get3A_544 : memref<64x128xf32, #tpu.memory_space<vmem>>[vector<16xi32>, vector<16xi32>], vector<16xf32>,
      %get3A_545 = arith.index_cast %add3A_533 : i32 to index
      %get3A_546 = arith.index_cast %and3A_529 : i32 to index
      %get3A_547 = arith.constant 32 : index
      %get3A_548 = tpu.vector_load %arg11[%get3A_545, %get3A_546, %get3A_547] {strides = array<i32>} : memref<32x8x64xf32, #tpu.memory_space<vmem>>, vector<16xf32>,
      tpu.vector_store_idx %arg14[%add3A_88, %broadcast_in_dim3A_536], %get3A_548 : memref<64x128xf32, #tpu.memory_space<vmem>>[vector<16xi32>, vector<16xi32>], vector<16xf32>,
      %get3A_549 = arith.index_cast %add3A_533 : i32 to index
      %get3A_550 = arith.index_cast %and3A_529 : i32 to index
      %get3A_551 = arith.constant 48 : index
      %get3A_552 = tpu.vector_load %arg11[%get3A_549, %get3A_550, %get3A_551] {strides = array<i32>} : memref<32x8x64xf32, #tpu.memory_space<vmem>>, vector<16xf32>,
      tpu.vector_store_idx %arg14[%add3A_92, %broadcast_in_dim3A_536], %get3A_552 : memref<64x128xf32, #tpu.memory_space<vmem>>[vector<16xi32>, vector<16xi32>], vector<16xf32>,
      %slice3A_553 = vector.extract_strided_slice %get3A_178 {offsets = [14], sizes = [1], strides = [1]} : vector<16xi32> to vector<1xi32>
      %squeeze3A_554 = vector.extract %slice3A_553[0] : i32 from vector<1xi32>
      %and3A_555 = arith.constant 7 : i32
      %and3A_556 = arith.andi %squeeze3A_554, %and3A_555 : i32
      %mul3A_557 = arith.constant 16 : i32
      %mul3A_558 = arith.muli %scan3A_172, %mul3A_557 : i32
      %add3A_559 = arith.constant 14 : i32
      %add3A_560 = arith.addi %mul3A_558, %add3A_559 : i32
      %add3A_561 = arith.constant 14 : i32
      %add3A_562 = arith.addi %add3A_176, %add3A_561 : i32
      %broadcast_in_dim3A_563 = vector.broadcast %add3A_562 : i32 to vector<16xi32>
      %get3A_564 = arith.index_cast %add3A_560 : i32 to index
      %get3A_565 = arith.index_cast %and3A_556 : i32 to index
      %get3A_566 = arith.constant 0 : index
      %get3A_567 = tpu.vector_load %arg11[%get3A_564, %get3A_565, %get3A_566] {strides = array<i32>} : memref<32x8x64xf32, #tpu.memory_space<vmem>>, vector<16xf32>,
      tpu.vector_store_idx %arg14[%add3A_80, %broadcast_in_dim3A_563], %get3A_567 : memref<64x128xf32, #tpu.memory_space<vmem>>[vector<16xi32>, vector<16xi32>], vector<16xf32>,
      %get3A_568 = arith.index_cast %add3A_560 : i32 to index
      %get3A_569 = arith.index_cast %and3A_556 : i32 to index
      %get3A_570 = arith.constant 16 : index
      %get3A_571 = tpu.vector_load %arg11[%get3A_568, %get3A_569, %get3A_570] {strides = array<i32>} : memref<32x8x64xf32, #tpu.memory_space<vmem>>, vector<16xf32>,
      tpu.vector_store_idx %arg14[%add3A_84, %broadcast_in_dim3A_563], %get3A_571 : memref<64x128xf32, #tpu.memory_space<vmem>>[vector<16xi32>, vector<16xi32>], vector<16xf32>,
      %get3A_572 = arith.index_cast %add3A_560 : i32 to index
      %get3A_573 = arith.index_cast %and3A_556 : i32 to index
      %get3A_574 = arith.constant 32 : index
      %get3A_575 = tpu.vector_load %arg11[%get3A_572, %get3A_573, %get3A_574] {strides = array<i32>} : memref<32x8x64xf32, #tpu.memory_space<vmem>>, vector<16xf32>,
      tpu.vector_store_idx %arg14[%add3A_88, %broadcast_in_dim3A_563], %get3A_575 : memref<64x128xf32, #tpu.memory_space<vmem>>[vector<16xi32>, vector<16xi32>], vector<16xf32>,
      %get3A_576 = arith.index_cast %add3A_560 : i32 to index
      %get3A_577 = arith.index_cast %and3A_556 : i32 to index
      %get3A_578 = arith.constant 48 : index
      %get3A_579 = tpu.vector_load %arg11[%get3A_576, %get3A_577, %get3A_578] {strides = array<i32>} : memref<32x8x64xf32, #tpu.memory_space<vmem>>, vector<16xf32>,
      tpu.vector_store_idx %arg14[%add3A_92, %broadcast_in_dim3A_563], %get3A_579 : memref<64x128xf32, #tpu.memory_space<vmem>>[vector<16xi32>, vector<16xi32>], vector<16xf32>,
      %slice3A_580 = vector.extract_strided_slice %get3A_178 {offsets = [15], sizes = [1], strides = [1]} : vector<16xi32> to vector<1xi32>
      %squeeze3A_581 = vector.extract %slice3A_580[0] : i32 from vector<1xi32>
      %and3A_582 = arith.constant 7 : i32
      %and3A_583 = arith.andi %squeeze3A_581, %and3A_582 : i32
      %mul3A_584 = arith.constant 16 : i32
      %mul3A_585 = arith.muli %scan3A_172, %mul3A_584 : i32
      %add3A_586 = arith.constant 15 : i32
      %add3A_587 = arith.addi %mul3A_585, %add3A_586 : i32
      %add3A_588 = arith.constant 15 : i32
      %add3A_589 = arith.addi %add3A_176, %add3A_588 : i32
      %broadcast_in_dim3A_590 = vector.broadcast %add3A_589 : i32 to vector<16xi32>
      %get3A_591 = arith.index_cast %add3A_587 : i32 to index
      %get3A_592 = arith.index_cast %and3A_583 : i32 to index
      %get3A_593 = arith.constant 0 : index
      %get3A_594 = tpu.vector_load %arg11[%get3A_591, %get3A_592, %get3A_593] {strides = array<i32>} : memref<32x8x64xf32, #tpu.memory_space<vmem>>, vector<16xf32>,
      tpu.vector_store_idx %arg14[%add3A_80, %broadcast_in_dim3A_590], %get3A_594 : memref<64x128xf32, #tpu.memory_space<vmem>>[vector<16xi32>, vector<16xi32>], vector<16xf32>,
      %get3A_595 = arith.index_cast %add3A_587 : i32 to index
      %get3A_596 = arith.index_cast %and3A_583 : i32 to index
      %get3A_597 = arith.constant 16 : index
      %get3A_598 = tpu.vector_load %arg11[%get3A_595, %get3A_596, %get3A_597] {strides = array<i32>} : memref<32x8x64xf32, #tpu.memory_space<vmem>>, vector<16xf32>,
      tpu.vector_store_idx %arg14[%add3A_84, %broadcast_in_dim3A_590], %get3A_598 : memref<64x128xf32, #tpu.memory_space<vmem>>[vector<16xi32>, vector<16xi32>], vector<16xf32>,
      %get3A_599 = arith.index_cast %add3A_587 : i32 to index
      %get3A_600 = arith.index_cast %and3A_583 : i32 to index
      %get3A_601 = arith.constant 32 : index
      %get3A_602 = tpu.vector_load %arg11[%get3A_599, %get3A_600, %get3A_601] {strides = array<i32>} : memref<32x8x64xf32, #tpu.memory_space<vmem>>, vector<16xf32>,
      tpu.vector_store_idx %arg14[%add3A_88, %broadcast_in_dim3A_590], %get3A_602 : memref<64x128xf32, #tpu.memory_space<vmem>>[vector<16xi32>, vector<16xi32>], vector<16xf32>,
      %get3A_603 = arith.index_cast %add3A_587 : i32 to index
      %get3A_604 = arith.index_cast %and3A_583 : i32 to index
      %get3A_605 = arith.constant 48 : index
      %get3A_606 = tpu.vector_load %arg11[%get3A_603, %get3A_604, %get3A_605] {strides = array<i32>} : memref<32x8x64xf32, #tpu.memory_space<vmem>>, vector<16xf32>,
      tpu.vector_store_idx %arg14[%add3A_92, %broadcast_in_dim3A_590], %get3A_606 : memref<64x128xf32, #tpu.memory_space<vmem>>[vector<16xi32>, vector<16xi32>], vector<16xf32>,
    }
    %scan3A_129 = arith.constant 2 : i32
    %dma_wait3A_130 = arith.constant 0 : i32
    %dma_wait3A_131 = arith.constant 0 : i32
    %dma_wait3A_132 = arith.constant 0 : i32
    %dma_wait3A_133 = tpu.memref_slice %arg5[%dma_wait3A_130, %dma_wait3A_131, %dma_wait3A_132] : memref<12500x8x64xf32, #tpu.memory_space<hbm>> -> memref<32x8x64xf32, #tpu.memory_space<hbm>>
    %dma_wait3A_134 = arith.constant 0 : i32
    %dma_wait3A_135 = arith.constant 0 : i32
    %dma_wait3A_136 = arith.constant 0 : i32
    %dma_wait3A_137 = tpu.memref_slice %arg5[%dma_wait3A_134, %dma_wait3A_135, %dma_wait3A_136] : memref<12500x8x64xf32, #tpu.memory_space<hbm>> -> memref<32x8x64xf32, #tpu.memory_space<hbm>>
    tpu.wait_dma2 semaphore(%arg16 : memref<!tpu.dma_semaphore, #tpu.memory_space<semaphore_mem>>) src(%dma_wait3A_137 : memref<32x8x64xf32, #tpu.memory_space<hbm>>) dst(%arg12 : memref<32x8x64xf32, #tpu.memory_space<vmem>>)
    %scan3A_138 = arith.constant 0 : i32
    %scan3A_139 = arith.constant 0 : i32
    %scan3A_140 = arith.constant 2 : i32
    %scan3A_141 = arith.addi %scan3A_139, %scan3A_140 : i32
    %scan3A_142 = arith.constant 1 : i32
    scf.for %scan3A_172 = %scan3A_139 to %scan3A_141 step %scan3A_142  : i32 {
      %mul3A_173 = arith.constant 16 : i32
      %mul3A_174 = arith.muli %scan3A_172, %mul3A_173 : i32
      %add3A_175 = arith.constant 32 : i32
      %add3A_176 = arith.addi %add3A_175, %mul3A_174 : i32
      %get3A_177 = arith.index_cast %add3A_176 : i32 to index
      %get3A_178 = tpu.vector_load %arg9[%get3A_177] {strides = array<i32>} : memref<128xi32, #tpu.memory_space<vmem>>, vector<16xi32>,
      %slice3A = vector.extract_strided_slice %get3A_178 {offsets = [0], sizes = [1], strides = [1]} : vector<16xi32> to vector<1xi32>
      %squeeze3A = vector.extract %slice3A[0] : i32 from vector<1xi32>
      %and3A = arith.constant 7 : i32
      %and3A_179 = arith.andi %squeeze3A, %and3A : i32
      %mul3A_180 = arith.constant 16 : i32
      %mul3A_181 = arith.muli %scan3A_172, %mul3A_180 : i32
      %add3A_182 = arith.constant 0 : i32
      %add3A_183 = arith.addi %mul3A_181, %add3A_182 : i32
      %add3A_184 = arith.constant 0 : i32
      %add3A_185 = arith.addi %add3A_176, %add3A_184 : i32
      %broadcast_in_dim3A = vector.broadcast %add3A_185 : i32 to vector<16xi32>
      %get3A_186 = arith.index_cast %add3A_183 : i32 to index
      %get3A_187 = arith.index_cast %and3A_179 : i32 to index
      %get3A_188 = arith.constant 0 : index
      %get3A_189 = tpu.vector_load %arg12[%get3A_186, %get3A_187, %get3A_188] {strides = array<i32>} : memref<32x8x64xf32, #tpu.memory_space<vmem>>, vector<16xf32>,
      tpu.vector_store_idx %arg14[%add3A_80, %broadcast_in_dim3A], %get3A_189 : memref<64x128xf32, #tpu.memory_space<vmem>>[vector<16xi32>, vector<16xi32>], vector<16xf32>,
      %get3A_190 = arith.index_cast %add3A_183 : i32 to index
      %get3A_191 = arith.index_cast %and3A_179 : i32 to index
      %get3A_192 = arith.constant 16 : index
      %get3A_193 = tpu.vector_load %arg12[%get3A_190, %get3A_191, %get3A_192] {strides = array<i32>} : memref<32x8x64xf32, #tpu.memory_space<vmem>>, vector<16xf32>,
      tpu.vector_store_idx %arg14[%add3A_84, %broadcast_in_dim3A], %get3A_193 : memref<64x128xf32, #tpu.memory_space<vmem>>[vector<16xi32>, vector<16xi32>], vector<16xf32>,
      %get3A_194 = arith.index_cast %add3A_183 : i32 to index
      %get3A_195 = arith.index_cast %and3A_179 : i32 to index
      %get3A_196 = arith.constant 32 : index
      %get3A_197 = tpu.vector_load %arg12[%get3A_194, %get3A_195, %get3A_196] {strides = array<i32>} : memref<32x8x64xf32, #tpu.memory_space<vmem>>, vector<16xf32>,
      tpu.vector_store_idx %arg14[%add3A_88, %broadcast_in_dim3A], %get3A_197 : memref<64x128xf32, #tpu.memory_space<vmem>>[vector<16xi32>, vector<16xi32>], vector<16xf32>,
      %get3A_198 = arith.index_cast %add3A_183 : i32 to index
      %get3A_199 = arith.index_cast %and3A_179 : i32 to index
      %get3A_200 = arith.constant 48 : index
      %get3A_201 = tpu.vector_load %arg12[%get3A_198, %get3A_199, %get3A_200] {strides = array<i32>} : memref<32x8x64xf32, #tpu.memory_space<vmem>>, vector<16xf32>,
      tpu.vector_store_idx %arg14[%add3A_92, %broadcast_in_dim3A], %get3A_201 : memref<64x128xf32, #tpu.memory_space<vmem>>[vector<16xi32>, vector<16xi32>], vector<16xf32>,
      %slice3A_202 = vector.extract_strided_slice %get3A_178 {offsets = [1], sizes = [1], strides = [1]} : vector<16xi32> to vector<1xi32>
      %squeeze3A_203 = vector.extract %slice3A_202[0] : i32 from vector<1xi32>
      %and3A_204 = arith.constant 7 : i32
      %and3A_205 = arith.andi %squeeze3A_203, %and3A_204 : i32
      %mul3A_206 = arith.constant 16 : i32
      %mul3A_207 = arith.muli %scan3A_172, %mul3A_206 : i32
      %add3A_208 = arith.constant 1 : i32
      %add3A_209 = arith.addi %mul3A_207, %add3A_208 : i32
      %add3A_210 = arith.constant 1 : i32
      %add3A_211 = arith.addi %add3A_176, %add3A_210 : i32
      %broadcast_in_dim3A_212 = vector.broadcast %add3A_211 : i32 to vector<16xi32>
      %get3A_213 = arith.index_cast %add3A_209 : i32 to index
      %get3A_214 = arith.index_cast %and3A_205 : i32 to index
      %get3A_215 = arith.constant 0 : index
      %get3A_216 = tpu.vector_load %arg12[%get3A_213, %get3A_214, %get3A_215] {strides = array<i32>} : memref<32x8x64xf32, #tpu.memory_space<vmem>>, vector<16xf32>,
      tpu.vector_store_idx %arg14[%add3A_80, %broadcast_in_dim3A_212], %get3A_216 : memref<64x128xf32, #tpu.memory_space<vmem>>[vector<16xi32>, vector<16xi32>], vector<16xf32>,
      %get3A_217 = arith.index_cast %add3A_209 : i32 to index
      %get3A_218 = arith.index_cast %and3A_205 : i32 to index
      %get3A_219 = arith.constant 16 : index
      %get3A_220 = tpu.vector_load %arg12[%get3A_217, %get3A_218, %get3A_219] {strides = array<i32>} : memref<32x8x64xf32, #tpu.memory_space<vmem>>, vector<16xf32>,
      tpu.vector_store_idx %arg14[%add3A_84, %broadcast_in_dim3A_212], %get3A_220 : memref<64x128xf32, #tpu.memory_space<vmem>>[vector<16xi32>, vector<16xi32>], vector<16xf32>,
      %get3A_221 = arith.index_cast %add3A_209 : i32 to index
      %get3A_222 = arith.index_cast %and3A_205 : i32 to index
      %get3A_223 = arith.constant 32 : index
      %get3A_224 = tpu.vector_load %arg12[%get3A_221, %get3A_222, %get3A_223] {strides = array<i32>} : memref<32x8x64xf32, #tpu.memory_space<vmem>>, vector<16xf32>,
      tpu.vector_store_idx %arg14[%add3A_88, %broadcast_in_dim3A_212], %get3A_224 : memref<64x128xf32, #tpu.memory_space<vmem>>[vector<16xi32>, vector<16xi32>], vector<16xf32>,
      %get3A_225 = arith.index_cast %add3A_209 : i32 to index
      %get3A_226 = arith.index_cast %and3A_205 : i32 to index
      %get3A_227 = arith.constant 48 : index
      %get3A_228 = tpu.vector_load %arg12[%get3A_225, %get3A_226, %get3A_227] {strides = array<i32>} : memref<32x8x64xf32, #tpu.memory_space<vmem>>, vector<16xf32>,
      tpu.vector_store_idx %arg14[%add3A_92, %broadcast_in_dim3A_212], %get3A_228 : memref<64x128xf32, #tpu.memory_space<vmem>>[vector<16xi32>, vector<16xi32>], vector<16xf32>,
      %slice3A_229 = vector.extract_strided_slice %get3A_178 {offsets = [2], sizes = [1], strides = [1]} : vector<16xi32> to vector<1xi32>
      %squeeze3A_230 = vector.extract %slice3A_229[0] : i32 from vector<1xi32>
      %and3A_231 = arith.constant 7 : i32
      %and3A_232 = arith.andi %squeeze3A_230, %and3A_231 : i32
      %mul3A_233 = arith.constant 16 : i32
      %mul3A_234 = arith.muli %scan3A_172, %mul3A_233 : i32
      %add3A_235 = arith.constant 2 : i32
      %add3A_236 = arith.addi %mul3A_234, %add3A_235 : i32
      %add3A_237 = arith.constant 2 : i32
      %add3A_238 = arith.addi %add3A_176, %add3A_237 : i32
      %broadcast_in_dim3A_239 = vector.broadcast %add3A_238 : i32 to vector<16xi32>
      %get3A_240 = arith.index_cast %add3A_236 : i32 to index
      %get3A_241 = arith.index_cast %and3A_232 : i32 to index
      %get3A_242 = arith.constant 0 : index
      %get3A_243 = tpu.vector_load %arg12[%get3A_240, %get3A_241, %get3A_242] {strides = array<i32>} : memref<32x8x64xf32, #tpu.memory_space<vmem>>, vector<16xf32>,
      tpu.vector_store_idx %arg14[%add3A_80, %broadcast_in_dim3A_239], %get3A_243 : memref<64x128xf32, #tpu.memory_space<vmem>>[vector<16xi32>, vector<16xi32>], vector<16xf32>,
      %get3A_244 = arith.index_cast %add3A_236 : i32 to index
      %get3A_245 = arith.index_cast %and3A_232 : i32 to index
      %get3A_246 = arith.constant 16 : index
      %get3A_247 = tpu.vector_load %arg12[%get3A_244, %get3A_245, %get3A_246] {strides = array<i32>} : memref<32x8x64xf32, #tpu.memory_space<vmem>>, vector<16xf32>,
      tpu.vector_store_idx %arg14[%add3A_84, %broadcast_in_dim3A_239], %get3A_247 : memref<64x128xf32, #tpu.memory_space<vmem>>[vector<16xi32>, vector<16xi32>], vector<16xf32>,
      %get3A_248 = arith.index_cast %add3A_236 : i32 to index
      %get3A_249 = arith.index_cast %and3A_232 : i32 to index
      %get3A_250 = arith.constant 32 : index
      %get3A_251 = tpu.vector_load %arg12[%get3A_248, %get3A_249, %get3A_250] {strides = array<i32>} : memref<32x8x64xf32, #tpu.memory_space<vmem>>, vector<16xf32>,
      tpu.vector_store_idx %arg14[%add3A_88, %broadcast_in_dim3A_239], %get3A_251 : memref<64x128xf32, #tpu.memory_space<vmem>>[vector<16xi32>, vector<16xi32>], vector<16xf32>,
      %get3A_252 = arith.index_cast %add3A_236 : i32 to index
      %get3A_253 = arith.index_cast %and3A_232 : i32 to index
      %get3A_254 = arith.constant 48 : index
      %get3A_255 = tpu.vector_load %arg12[%get3A_252, %get3A_253, %get3A_254] {strides = array<i32>} : memref<32x8x64xf32, #tpu.memory_space<vmem>>, vector<16xf32>,
      tpu.vector_store_idx %arg14[%add3A_92, %broadcast_in_dim3A_239], %get3A_255 : memref<64x128xf32, #tpu.memory_space<vmem>>[vector<16xi32>, vector<16xi32>], vector<16xf32>,
      %slice3A_256 = vector.extract_strided_slice %get3A_178 {offsets = [3], sizes = [1], strides = [1]} : vector<16xi32> to vector<1xi32>
      %squeeze3A_257 = vector.extract %slice3A_256[0] : i32 from vector<1xi32>
      %and3A_258 = arith.constant 7 : i32
      %and3A_259 = arith.andi %squeeze3A_257, %and3A_258 : i32
      %mul3A_260 = arith.constant 16 : i32
      %mul3A_261 = arith.muli %scan3A_172, %mul3A_260 : i32
      %add3A_262 = arith.constant 3 : i32
      %add3A_263 = arith.addi %mul3A_261, %add3A_262 : i32
      %add3A_264 = arith.constant 3 : i32
      %add3A_265 = arith.addi %add3A_176, %add3A_264 : i32
      %broadcast_in_dim3A_266 = vector.broadcast %add3A_265 : i32 to vector<16xi32>
      %get3A_267 = arith.index_cast %add3A_263 : i32 to index
      %get3A_268 = arith.index_cast %and3A_259 : i32 to index
      %get3A_269 = arith.constant 0 : index
      %get3A_270 = tpu.vector_load %arg12[%get3A_267, %get3A_268, %get3A_269] {strides = array<i32>} : memref<32x8x64xf32, #tpu.memory_space<vmem>>, vector<16xf32>,
      tpu.vector_store_idx %arg14[%add3A_80, %broadcast_in_dim3A_266], %get3A_270 : memref<64x128xf32, #tpu.memory_space<vmem>>[vector<16xi32>, vector<16xi32>], vector<16xf32>,
      %get3A_271 = arith.index_cast %add3A_263 : i32 to index
      %get3A_272 = arith.index_cast %and3A_259 : i32 to index
      %get3A_273 = arith.constant 16 : index
      %get3A_274 = tpu.vector_load %arg12[%get3A_271, %get3A_272, %get3A_273] {strides = array<i32>} : memref<32x8x64xf32, #tpu.memory_space<vmem>>, vector<16xf32>,
      tpu.vector_store_idx %arg14[%add3A_84, %broadcast_in_dim3A_266], %get3A_274 : memref<64x128xf32, #tpu.memory_space<vmem>>[vector<16xi32>, vector<16xi32>], vector<16xf32>,
      %get3A_275 = arith.index_cast %add3A_263 : i32 to index
      %get3A_276 = arith.index_cast %and3A_259 : i32 to index
      %get3A_277 = arith.constant 32 : index
      %get3A_278 = tpu.vector_load %arg12[%get3A_275, %get3A_276, %get3A_277] {strides = array<i32>} : memref<32x8x64xf32, #tpu.memory_space<vmem>>, vector<16xf32>,
      tpu.vector_store_idx %arg14[%add3A_88, %broadcast_in_dim3A_266], %get3A_278 : memref<64x128xf32, #tpu.memory_space<vmem>>[vector<16xi32>, vector<16xi32>], vector<16xf32>,
      %get3A_279 = arith.index_cast %add3A_263 : i32 to index
      %get3A_280 = arith.index_cast %and3A_259 : i32 to index
      %get3A_281 = arith.constant 48 : index
      %get3A_282 = tpu.vector_load %arg12[%get3A_279, %get3A_280, %get3A_281] {strides = array<i32>} : memref<32x8x64xf32, #tpu.memory_space<vmem>>, vector<16xf32>,
      tpu.vector_store_idx %arg14[%add3A_92, %broadcast_in_dim3A_266], %get3A_282 : memref<64x128xf32, #tpu.memory_space<vmem>>[vector<16xi32>, vector<16xi32>], vector<16xf32>,
      %slice3A_283 = vector.extract_strided_slice %get3A_178 {offsets = [4], sizes = [1], strides = [1]} : vector<16xi32> to vector<1xi32>
      %squeeze3A_284 = vector.extract %slice3A_283[0] : i32 from vector<1xi32>
      %and3A_285 = arith.constant 7 : i32
      %and3A_286 = arith.andi %squeeze3A_284, %and3A_285 : i32
      %mul3A_287 = arith.constant 16 : i32
      %mul3A_288 = arith.muli %scan3A_172, %mul3A_287 : i32
      %add3A_289 = arith.constant 4 : i32
      %add3A_290 = arith.addi %mul3A_288, %add3A_289 : i32
      %add3A_291 = arith.constant 4 : i32
      %add3A_292 = arith.addi %add3A_176, %add3A_291 : i32
      %broadcast_in_dim3A_293 = vector.broadcast %add3A_292 : i32 to vector<16xi32>
      %get3A_294 = arith.index_cast %add3A_290 : i32 to index
      %get3A_295 = arith.index_cast %and3A_286 : i32 to index
      %get3A_296 = arith.constant 0 : index
      %get3A_297 = tpu.vector_load %arg12[%get3A_294, %get3A_295, %get3A_296] {strides = array<i32>} : memref<32x8x64xf32, #tpu.memory_space<vmem>>, vector<16xf32>,
      tpu.vector_store_idx %arg14[%add3A_80, %broadcast_in_dim3A_293], %get3A_297 : memref<64x128xf32, #tpu.memory_space<vmem>>[vector<16xi32>, vector<16xi32>], vector<16xf32>,
      %get3A_298 = arith.index_cast %add3A_290 : i32 to index
      %get3A_299 = arith.index_cast %and3A_286 : i32 to index
      %get3A_300 = arith.constant 16 : index
      %get3A_301 = tpu.vector_load %arg12[%get3A_298, %get3A_299, %get3A_300] {strides = array<i32>} : memref<32x8x64xf32, #tpu.memory_space<vmem>>, vector<16xf32>,
      tpu.vector_store_idx %arg14[%add3A_84, %broadcast_in_dim3A_293], %get3A_301 : memref<64x128xf32, #tpu.memory_space<vmem>>[vector<16xi32>, vector<16xi32>], vector<16xf32>,
      %get3A_302 = arith.index_cast %add3A_290 : i32 to index
      %get3A_303 = arith.index_cast %and3A_286 : i32 to index
      %get3A_304 = arith.constant 32 : index
      %get3A_305 = tpu.vector_load %arg12[%get3A_302, %get3A_303, %get3A_304] {strides = array<i32>} : memref<32x8x64xf32, #tpu.memory_space<vmem>>, vector<16xf32>,
      tpu.vector_store_idx %arg14[%add3A_88, %broadcast_in_dim3A_293], %get3A_305 : memref<64x128xf32, #tpu.memory_space<vmem>>[vector<16xi32>, vector<16xi32>], vector<16xf32>,
      %get3A_306 = arith.index_cast %add3A_290 : i32 to index
      %get3A_307 = arith.index_cast %and3A_286 : i32 to index
      %get3A_308 = arith.constant 48 : index
      %get3A_309 = tpu.vector_load %arg12[%get3A_306, %get3A_307, %get3A_308] {strides = array<i32>} : memref<32x8x64xf32, #tpu.memory_space<vmem>>, vector<16xf32>,
      tpu.vector_store_idx %arg14[%add3A_92, %broadcast_in_dim3A_293], %get3A_309 : memref<64x128xf32, #tpu.memory_space<vmem>>[vector<16xi32>, vector<16xi32>], vector<16xf32>,
      %slice3A_310 = vector.extract_strided_slice %get3A_178 {offsets = [5], sizes = [1], strides = [1]} : vector<16xi32> to vector<1xi32>
      %squeeze3A_311 = vector.extract %slice3A_310[0] : i32 from vector<1xi32>
      %and3A_312 = arith.constant 7 : i32
      %and3A_313 = arith.andi %squeeze3A_311, %and3A_312 : i32
      %mul3A_314 = arith.constant 16 : i32
      %mul3A_315 = arith.muli %scan3A_172, %mul3A_314 : i32
      %add3A_316 = arith.constant 5 : i32
      %add3A_317 = arith.addi %mul3A_315, %add3A_316 : i32
      %add3A_318 = arith.constant 5 : i32
      %add3A_319 = arith.addi %add3A_176, %add3A_318 : i32
      %broadcast_in_dim3A_320 = vector.broadcast %add3A_319 : i32 to vector<16xi32>
      %get3A_321 = arith.index_cast %add3A_317 : i32 to index
      %get3A_322 = arith.index_cast %and3A_313 : i32 to index
      %get3A_323 = arith.constant 0 : index
      %get3A_324 = tpu.vector_load %arg12[%get3A_321, %get3A_322, %get3A_323] {strides = array<i32>} : memref<32x8x64xf32, #tpu.memory_space<vmem>>, vector<16xf32>,
      tpu.vector_store_idx %arg14[%add3A_80, %broadcast_in_dim3A_320], %get3A_324 : memref<64x128xf32, #tpu.memory_space<vmem>>[vector<16xi32>, vector<16xi32>], vector<16xf32>,
      %get3A_325 = arith.index_cast %add3A_317 : i32 to index
      %get3A_326 = arith.index_cast %and3A_313 : i32 to index
      %get3A_327 = arith.constant 16 : index
      %get3A_328 = tpu.vector_load %arg12[%get3A_325, %get3A_326, %get3A_327] {strides = array<i32>} : memref<32x8x64xf32, #tpu.memory_space<vmem>>, vector<16xf32>,
      tpu.vector_store_idx %arg14[%add3A_84, %broadcast_in_dim3A_320], %get3A_328 : memref<64x128xf32, #tpu.memory_space<vmem>>[vector<16xi32>, vector<16xi32>], vector<16xf32>,
      %get3A_329 = arith.index_cast %add3A_317 : i32 to index
      %get3A_330 = arith.index_cast %and3A_313 : i32 to index
      %get3A_331 = arith.constant 32 : index
      %get3A_332 = tpu.vector_load %arg12[%get3A_329, %get3A_330, %get3A_331] {strides = array<i32>} : memref<32x8x64xf32, #tpu.memory_space<vmem>>, vector<16xf32>,
      tpu.vector_store_idx %arg14[%add3A_88, %broadcast_in_dim3A_320], %get3A_332 : memref<64x128xf32, #tpu.memory_space<vmem>>[vector<16xi32>, vector<16xi32>], vector<16xf32>,
      %get3A_333 = arith.index_cast %add3A_317 : i32 to index
      %get3A_334 = arith.index_cast %and3A_313 : i32 to index
      %get3A_335 = arith.constant 48 : index
      %get3A_336 = tpu.vector_load %arg12[%get3A_333, %get3A_334, %get3A_335] {strides = array<i32>} : memref<32x8x64xf32, #tpu.memory_space<vmem>>, vector<16xf32>,
      tpu.vector_store_idx %arg14[%add3A_92, %broadcast_in_dim3A_320], %get3A_336 : memref<64x128xf32, #tpu.memory_space<vmem>>[vector<16xi32>, vector<16xi32>], vector<16xf32>,
      %slice3A_337 = vector.extract_strided_slice %get3A_178 {offsets = [6], sizes = [1], strides = [1]} : vector<16xi32> to vector<1xi32>
      %squeeze3A_338 = vector.extract %slice3A_337[0] : i32 from vector<1xi32>
      %and3A_339 = arith.constant 7 : i32
      %and3A_340 = arith.andi %squeeze3A_338, %and3A_339 : i32
      %mul3A_341 = arith.constant 16 : i32
      %mul3A_342 = arith.muli %scan3A_172, %mul3A_341 : i32
      %add3A_343 = arith.constant 6 : i32
      %add3A_344 = arith.addi %mul3A_342, %add3A_343 : i32
      %add3A_345 = arith.constant 6 : i32
      %add3A_346 = arith.addi %add3A_176, %add3A_345 : i32
      %broadcast_in_dim3A_347 = vector.broadcast %add3A_346 : i32 to vector<16xi32>
      %get3A_348 = arith.index_cast %add3A_344 : i32 to index
      %get3A_349 = arith.index_cast %and3A_340 : i32 to index
      %get3A_350 = arith.constant 0 : index
      %get3A_351 = tpu.vector_load %arg12[%get3A_348, %get3A_349, %get3A_350] {strides = array<i32>} : memref<32x8x64xf32, #tpu.memory_space<vmem>>, vector<16xf32>,
      tpu.vector_store_idx %arg14[%add3A_80, %broadcast_in_dim3A_347], %get3A_351 : memref<64x128xf32, #tpu.memory_space<vmem>>[vector<16xi32>, vector<16xi32>], vector<16xf32>,
      %get3A_352 = arith.index_cast %add3A_344 : i32 to index
      %get3A_353 = arith.index_cast %and3A_340 : i32 to index
      %get3A_354 = arith.constant 16 : index
      %get3A_355 = tpu.vector_load %arg12[%get3A_352, %get3A_353, %get3A_354] {strides = array<i32>} : memref<32x8x64xf32, #tpu.memory_space<vmem>>, vector<16xf32>,
      tpu.vector_store_idx %arg14[%add3A_84, %broadcast_in_dim3A_347], %get3A_355 : memref<64x128xf32, #tpu.memory_space<vmem>>[vector<16xi32>, vector<16xi32>], vector<16xf32>,
      %get3A_356 = arith.index_cast %add3A_344 : i32 to index
      %get3A_357 = arith.index_cast %and3A_340 : i32 to index
      %get3A_358 = arith.constant 32 : index
      %get3A_359 = tpu.vector_load %arg12[%get3A_356, %get3A_357, %get3A_358] {strides = array<i32>} : memref<32x8x64xf32, #tpu.memory_space<vmem>>, vector<16xf32>,
      tpu.vector_store_idx %arg14[%add3A_88, %broadcast_in_dim3A_347], %get3A_359 : memref<64x128xf32, #tpu.memory_space<vmem>>[vector<16xi32>, vector<16xi32>], vector<16xf32>,
      %get3A_360 = arith.index_cast %add3A_344 : i32 to index
      %get3A_361 = arith.index_cast %and3A_340 : i32 to index
      %get3A_362 = arith.constant 48 : index
      %get3A_363 = tpu.vector_load %arg12[%get3A_360, %get3A_361, %get3A_362] {strides = array<i32>} : memref<32x8x64xf32, #tpu.memory_space<vmem>>, vector<16xf32>,
      tpu.vector_store_idx %arg14[%add3A_92, %broadcast_in_dim3A_347], %get3A_363 : memref<64x128xf32, #tpu.memory_space<vmem>>[vector<16xi32>, vector<16xi32>], vector<16xf32>,
      %slice3A_364 = vector.extract_strided_slice %get3A_178 {offsets = [7], sizes = [1], strides = [1]} : vector<16xi32> to vector<1xi32>
      %squeeze3A_365 = vector.extract %slice3A_364[0] : i32 from vector<1xi32>
      %and3A_366 = arith.constant 7 : i32
      %and3A_367 = arith.andi %squeeze3A_365, %and3A_366 : i32
      %mul3A_368 = arith.constant 16 : i32
      %mul3A_369 = arith.muli %scan3A_172, %mul3A_368 : i32
      %add3A_370 = arith.constant 7 : i32
      %add3A_371 = arith.addi %mul3A_369, %add3A_370 : i32
      %add3A_372 = arith.constant 7 : i32
      %add3A_373 = arith.addi %add3A_176, %add3A_372 : i32
      %broadcast_in_dim3A_374 = vector.broadcast %add3A_373 : i32 to vector<16xi32>
      %get3A_375 = arith.index_cast %add3A_371 : i32 to index
      %get3A_376 = arith.index_cast %and3A_367 : i32 to index
      %get3A_377 = arith.constant 0 : index
      %get3A_378 = tpu.vector_load %arg12[%get3A_375, %get3A_376, %get3A_377] {strides = array<i32>} : memref<32x8x64xf32, #tpu.memory_space<vmem>>, vector<16xf32>,
      tpu.vector_store_idx %arg14[%add3A_80, %broadcast_in_dim3A_374], %get3A_378 : memref<64x128xf32, #tpu.memory_space<vmem>>[vector<16xi32>, vector<16xi32>], vector<16xf32>,
      %get3A_379 = arith.index_cast %add3A_371 : i32 to index
      %get3A_380 = arith.index_cast %and3A_367 : i32 to index
      %get3A_381 = arith.constant 16 : index
      %get3A_382 = tpu.vector_load %arg12[%get3A_379, %get3A_380, %get3A_381] {strides = array<i32>} : memref<32x8x64xf32, #tpu.memory_space<vmem>>, vector<16xf32>,
      tpu.vector_store_idx %arg14[%add3A_84, %broadcast_in_dim3A_374], %get3A_382 : memref<64x128xf32, #tpu.memory_space<vmem>>[vector<16xi32>, vector<16xi32>], vector<16xf32>,
      %get3A_383 = arith.index_cast %add3A_371 : i32 to index
      %get3A_384 = arith.index_cast %and3A_367 : i32 to index
      %get3A_385 = arith.constant 32 : index
      %get3A_386 = tpu.vector_load %arg12[%get3A_383, %get3A_384, %get3A_385] {strides = array<i32>} : memref<32x8x64xf32, #tpu.memory_space<vmem>>, vector<16xf32>,
      tpu.vector_store_idx %arg14[%add3A_88, %broadcast_in_dim3A_374], %get3A_386 : memref<64x128xf32, #tpu.memory_space<vmem>>[vector<16xi32>, vector<16xi32>], vector<16xf32>,
      %get3A_387 = arith.index_cast %add3A_371 : i32 to index
      %get3A_388 = arith.index_cast %and3A_367 : i32 to index
      %get3A_389 = arith.constant 48 : index
      %get3A_390 = tpu.vector_load %arg12[%get3A_387, %get3A_388, %get3A_389] {strides = array<i32>} : memref<32x8x64xf32, #tpu.memory_space<vmem>>, vector<16xf32>,
      tpu.vector_store_idx %arg14[%add3A_92, %broadcast_in_dim3A_374], %get3A_390 : memref<64x128xf32, #tpu.memory_space<vmem>>[vector<16xi32>, vector<16xi32>], vector<16xf32>,
      %slice3A_391 = vector.extract_strided_slice %get3A_178 {offsets = [8], sizes = [1], strides = [1]} : vector<16xi32> to vector<1xi32>
      %squeeze3A_392 = vector.extract %slice3A_391[0] : i32 from vector<1xi32>
      %and3A_393 = arith.constant 7 : i32
      %and3A_394 = arith.andi %squeeze3A_392, %and3A_393 : i32
      %mul3A_395 = arith.constant 16 : i32
      %mul3A_396 = arith.muli %scan3A_172, %mul3A_395 : i32
      %add3A_397 = arith.constant 8 : i32
      %add3A_398 = arith.addi %mul3A_396, %add3A_397 : i32
      %add3A_399 = arith.constant 8 : i32
      %add3A_400 = arith.addi %add3A_176, %add3A_399 : i32
      %broadcast_in_dim3A_401 = vector.broadcast %add3A_400 : i32 to vector<16xi32>
      %get3A_402 = arith.index_cast %add3A_398 : i32 to index
      %get3A_403 = arith.index_cast %and3A_394 : i32 to index
      %get3A_404 = arith.constant 0 : index
      %get3A_405 = tpu.vector_load %arg12[%get3A_402, %get3A_403, %get3A_404] {strides = array<i32>} : memref<32x8x64xf32, #tpu.memory_space<vmem>>, vector<16xf32>,
      tpu.vector_store_idx %arg14[%add3A_80, %broadcast_in_dim3A_401], %get3A_405 : memref<64x128xf32, #tpu.memory_space<vmem>>[vector<16xi32>, vector<16xi32>], vector<16xf32>,
      %get3A_406 = arith.index_cast %add3A_398 : i32 to index
      %get3A_407 = arith.index_cast %and3A_394 : i32 to index
      %get3A_408 = arith.constant 16 : index
      %get3A_409 = tpu.vector_load %arg12[%get3A_406, %get3A_407, %get3A_408] {strides = array<i32>} : memref<32x8x64xf32, #tpu.memory_space<vmem>>, vector<16xf32>,
      tpu.vector_store_idx %arg14[%add3A_84, %broadcast_in_dim3A_401], %get3A_409 : memref<64x128xf32, #tpu.memory_space<vmem>>[vector<16xi32>, vector<16xi32>], vector<16xf32>,
      %get3A_410 = arith.index_cast %add3A_398 : i32 to index
      %get3A_411 = arith.index_cast %and3A_394 : i32 to index
      %get3A_412 = arith.constant 32 : index
      %get3A_413 = tpu.vector_load %arg12[%get3A_410, %get3A_411, %get3A_412] {strides = array<i32>} : memref<32x8x64xf32, #tpu.memory_space<vmem>>, vector<16xf32>,
      tpu.vector_store_idx %arg14[%add3A_88, %broadcast_in_dim3A_401], %get3A_413 : memref<64x128xf32, #tpu.memory_space<vmem>>[vector<16xi32>, vector<16xi32>], vector<16xf32>,
      %get3A_414 = arith.index_cast %add3A_398 : i32 to index
      %get3A_415 = arith.index_cast %and3A_394 : i32 to index
      %get3A_416 = arith.constant 48 : index
      %get3A_417 = tpu.vector_load %arg12[%get3A_414, %get3A_415, %get3A_416] {strides = array<i32>} : memref<32x8x64xf32, #tpu.memory_space<vmem>>, vector<16xf32>,
      tpu.vector_store_idx %arg14[%add3A_92, %broadcast_in_dim3A_401], %get3A_417 : memref<64x128xf32, #tpu.memory_space<vmem>>[vector<16xi32>, vector<16xi32>], vector<16xf32>,
      %slice3A_418 = vector.extract_strided_slice %get3A_178 {offsets = [9], sizes = [1], strides = [1]} : vector<16xi32> to vector<1xi32>
      %squeeze3A_419 = vector.extract %slice3A_418[0] : i32 from vector<1xi32>
      %and3A_420 = arith.constant 7 : i32
      %and3A_421 = arith.andi %squeeze3A_419, %and3A_420 : i32
      %mul3A_422 = arith.constant 16 : i32
      %mul3A_423 = arith.muli %scan3A_172, %mul3A_422 : i32
      %add3A_424 = arith.constant 9 : i32
      %add3A_425 = arith.addi %mul3A_423, %add3A_424 : i32
      %add3A_426 = arith.constant 9 : i32
      %add3A_427 = arith.addi %add3A_176, %add3A_426 : i32
      %broadcast_in_dim3A_428 = vector.broadcast %add3A_427 : i32 to vector<16xi32>
      %get3A_429 = arith.index_cast %add3A_425 : i32 to index
      %get3A_430 = arith.index_cast %and3A_421 : i32 to index
      %get3A_431 = arith.constant 0 : index
      %get3A_432 = tpu.vector_load %arg12[%get3A_429, %get3A_430, %get3A_431] {strides = array<i32>} : memref<32x8x64xf32, #tpu.memory_space<vmem>>, vector<16xf32>,
      tpu.vector_store_idx %arg14[%add3A_80, %broadcast_in_dim3A_428], %get3A_432 : memref<64x128xf32, #tpu.memory_space<vmem>>[vector<16xi32>, vector<16xi32>], vector<16xf32>,
      %get3A_433 = arith.index_cast %add3A_425 : i32 to index
      %get3A_434 = arith.index_cast %and3A_421 : i32 to index
      %get3A_435 = arith.constant 16 : index
      %get3A_436 = tpu.vector_load %arg12[%get3A_433, %get3A_434, %get3A_435] {strides = array<i32>} : memref<32x8x64xf32, #tpu.memory_space<vmem>>, vector<16xf32>,
      tpu.vector_store_idx %arg14[%add3A_84, %broadcast_in_dim3A_428], %get3A_436 : memref<64x128xf32, #tpu.memory_space<vmem>>[vector<16xi32>, vector<16xi32>], vector<16xf32>,
      %get3A_437 = arith.index_cast %add3A_425 : i32 to index
      %get3A_438 = arith.index_cast %and3A_421 : i32 to index
      %get3A_439 = arith.constant 32 : index
      %get3A_440 = tpu.vector_load %arg12[%get3A_437, %get3A_438, %get3A_439] {strides = array<i32>} : memref<32x8x64xf32, #tpu.memory_space<vmem>>, vector<16xf32>,
      tpu.vector_store_idx %arg14[%add3A_88, %broadcast_in_dim3A_428], %get3A_440 : memref<64x128xf32, #tpu.memory_space<vmem>>[vector<16xi32>, vector<16xi32>], vector<16xf32>,
      %get3A_441 = arith.index_cast %add3A_425 : i32 to index
      %get3A_442 = arith.index_cast %and3A_421 : i32 to index
      %get3A_443 = arith.constant 48 : index
      %get3A_444 = tpu.vector_load %arg12[%get3A_441, %get3A_442, %get3A_443] {strides = array<i32>} : memref<32x8x64xf32, #tpu.memory_space<vmem>>, vector<16xf32>,
      tpu.vector_store_idx %arg14[%add3A_92, %broadcast_in_dim3A_428], %get3A_444 : memref<64x128xf32, #tpu.memory_space<vmem>>[vector<16xi32>, vector<16xi32>], vector<16xf32>,
      %slice3A_445 = vector.extract_strided_slice %get3A_178 {offsets = [10], sizes = [1], strides = [1]} : vector<16xi32> to vector<1xi32>
      %squeeze3A_446 = vector.extract %slice3A_445[0] : i32 from vector<1xi32>
      %and3A_447 = arith.constant 7 : i32
      %and3A_448 = arith.andi %squeeze3A_446, %and3A_447 : i32
      %mul3A_449 = arith.constant 16 : i32
      %mul3A_450 = arith.muli %scan3A_172, %mul3A_449 : i32
      %add3A_451 = arith.constant 10 : i32
      %add3A_452 = arith.addi %mul3A_450, %add3A_451 : i32
      %add3A_453 = arith.constant 10 : i32
      %add3A_454 = arith.addi %add3A_176, %add3A_453 : i32
      %broadcast_in_dim3A_455 = vector.broadcast %add3A_454 : i32 to vector<16xi32>
      %get3A_456 = arith.index_cast %add3A_452 : i32 to index
      %get3A_457 = arith.index_cast %and3A_448 : i32 to index
      %get3A_458 = arith.constant 0 : index
      %get3A_459 = tpu.vector_load %arg12[%get3A_456, %get3A_457, %get3A_458] {strides = array<i32>} : memref<32x8x64xf32, #tpu.memory_space<vmem>>, vector<16xf32>,
      tpu.vector_store_idx %arg14[%add3A_80, %broadcast_in_dim3A_455], %get3A_459 : memref<64x128xf32, #tpu.memory_space<vmem>>[vector<16xi32>, vector<16xi32>], vector<16xf32>,
      %get3A_460 = arith.index_cast %add3A_452 : i32 to index
      %get3A_461 = arith.index_cast %and3A_448 : i32 to index
      %get3A_462 = arith.constant 16 : index
      %get3A_463 = tpu.vector_load %arg12[%get3A_460, %get3A_461, %get3A_462] {strides = array<i32>} : memref<32x8x64xf32, #tpu.memory_space<vmem>>, vector<16xf32>,
      tpu.vector_store_idx %arg14[%add3A_84, %broadcast_in_dim3A_455], %get3A_463 : memref<64x128xf32, #tpu.memory_space<vmem>>[vector<16xi32>, vector<16xi32>], vector<16xf32>,
      %get3A_464 = arith.index_cast %add3A_452 : i32 to index
      %get3A_465 = arith.index_cast %and3A_448 : i32 to index
      %get3A_466 = arith.constant 32 : index
      %get3A_467 = tpu.vector_load %arg12[%get3A_464, %get3A_465, %get3A_466] {strides = array<i32>} : memref<32x8x64xf32, #tpu.memory_space<vmem>>, vector<16xf32>,
      tpu.vector_store_idx %arg14[%add3A_88, %broadcast_in_dim3A_455], %get3A_467 : memref<64x128xf32, #tpu.memory_space<vmem>>[vector<16xi32>, vector<16xi32>], vector<16xf32>,
      %get3A_468 = arith.index_cast %add3A_452 : i32 to index
      %get3A_469 = arith.index_cast %and3A_448 : i32 to index
      %get3A_470 = arith.constant 48 : index
      %get3A_471 = tpu.vector_load %arg12[%get3A_468, %get3A_469, %get3A_470] {strides = array<i32>} : memref<32x8x64xf32, #tpu.memory_space<vmem>>, vector<16xf32>,
      tpu.vector_store_idx %arg14[%add3A_92, %broadcast_in_dim3A_455], %get3A_471 : memref<64x128xf32, #tpu.memory_space<vmem>>[vector<16xi32>, vector<16xi32>], vector<16xf32>,
      %slice3A_472 = vector.extract_strided_slice %get3A_178 {offsets = [11], sizes = [1], strides = [1]} : vector<16xi32> to vector<1xi32>
      %squeeze3A_473 = vector.extract %slice3A_472[0] : i32 from vector<1xi32>
      %and3A_474 = arith.constant 7 : i32
      %and3A_475 = arith.andi %squeeze3A_473, %and3A_474 : i32
      %mul3A_476 = arith.constant 16 : i32
      %mul3A_477 = arith.muli %scan3A_172, %mul3A_476 : i32
      %add3A_478 = arith.constant 11 : i32
      %add3A_479 = arith.addi %mul3A_477, %add3A_478 : i32
      %add3A_480 = arith.constant 11 : i32
      %add3A_481 = arith.addi %add3A_176, %add3A_480 : i32
      %broadcast_in_dim3A_482 = vector.broadcast %add3A_481 : i32 to vector<16xi32>
      %get3A_483 = arith.index_cast %add3A_479 : i32 to index
      %get3A_484 = arith.index_cast %and3A_475 : i32 to index
      %get3A_485 = arith.constant 0 : index
      %get3A_486 = tpu.vector_load %arg12[%get3A_483, %get3A_484, %get3A_485] {strides = array<i32>} : memref<32x8x64xf32, #tpu.memory_space<vmem>>, vector<16xf32>,
      tpu.vector_store_idx %arg14[%add3A_80, %broadcast_in_dim3A_482], %get3A_486 : memref<64x128xf32, #tpu.memory_space<vmem>>[vector<16xi32>, vector<16xi32>], vector<16xf32>,
      %get3A_487 = arith.index_cast %add3A_479 : i32 to index
      %get3A_488 = arith.index_cast %and3A_475 : i32 to index
      %get3A_489 = arith.constant 16 : index
      %get3A_490 = tpu.vector_load %arg12[%get3A_487, %get3A_488, %get3A_489] {strides = array<i32>} : memref<32x8x64xf32, #tpu.memory_space<vmem>>, vector<16xf32>,
      tpu.vector_store_idx %arg14[%add3A_84, %broadcast_in_dim3A_482], %get3A_490 : memref<64x128xf32, #tpu.memory_space<vmem>>[vector<16xi32>, vector<16xi32>], vector<16xf32>,
      %get3A_491 = arith.index_cast %add3A_479 : i32 to index
      %get3A_492 = arith.index_cast %and3A_475 : i32 to index
      %get3A_493 = arith.constant 32 : index
      %get3A_494 = tpu.vector_load %arg12[%get3A_491, %get3A_492, %get3A_493] {strides = array<i32>} : memref<32x8x64xf32, #tpu.memory_space<vmem>>, vector<16xf32>,
      tpu.vector_store_idx %arg14[%add3A_88, %broadcast_in_dim3A_482], %get3A_494 : memref<64x128xf32, #tpu.memory_space<vmem>>[vector<16xi32>, vector<16xi32>], vector<16xf32>,
      %get3A_495 = arith.index_cast %add3A_479 : i32 to index
      %get3A_496 = arith.index_cast %and3A_475 : i32 to index
      %get3A_497 = arith.constant 48 : index
      %get3A_498 = tpu.vector_load %arg12[%get3A_495, %get3A_496, %get3A_497] {strides = array<i32>} : memref<32x8x64xf32, #tpu.memory_space<vmem>>, vector<16xf32>,
      tpu.vector_store_idx %arg14[%add3A_92, %broadcast_in_dim3A_482], %get3A_498 : memref<64x128xf32, #tpu.memory_space<vmem>>[vector<16xi32>, vector<16xi32>], vector<16xf32>,
      %slice3A_499 = vector.extract_strided_slice %get3A_178 {offsets = [12], sizes = [1], strides = [1]} : vector<16xi32> to vector<1xi32>
      %squeeze3A_500 = vector.extract %slice3A_499[0] : i32 from vector<1xi32>
      %and3A_501 = arith.constant 7 : i32
      %and3A_502 = arith.andi %squeeze3A_500, %and3A_501 : i32
      %mul3A_503 = arith.constant 16 : i32
      %mul3A_504 = arith.muli %scan3A_172, %mul3A_503 : i32
      %add3A_505 = arith.constant 12 : i32
      %add3A_506 = arith.addi %mul3A_504, %add3A_505 : i32
      %add3A_507 = arith.constant 12 : i32
      %add3A_508 = arith.addi %add3A_176, %add3A_507 : i32
      %broadcast_in_dim3A_509 = vector.broadcast %add3A_508 : i32 to vector<16xi32>
      %get3A_510 = arith.index_cast %add3A_506 : i32 to index
      %get3A_511 = arith.index_cast %and3A_502 : i32 to index
      %get3A_512 = arith.constant 0 : index
      %get3A_513 = tpu.vector_load %arg12[%get3A_510, %get3A_511, %get3A_512] {strides = array<i32>} : memref<32x8x64xf32, #tpu.memory_space<vmem>>, vector<16xf32>,
      tpu.vector_store_idx %arg14[%add3A_80, %broadcast_in_dim3A_509], %get3A_513 : memref<64x128xf32, #tpu.memory_space<vmem>>[vector<16xi32>, vector<16xi32>], vector<16xf32>,
      %get3A_514 = arith.index_cast %add3A_506 : i32 to index
      %get3A_515 = arith.index_cast %and3A_502 : i32 to index
      %get3A_516 = arith.constant 16 : index
      %get3A_517 = tpu.vector_load %arg12[%get3A_514, %get3A_515, %get3A_516] {strides = array<i32>} : memref<32x8x64xf32, #tpu.memory_space<vmem>>, vector<16xf32>,
      tpu.vector_store_idx %arg14[%add3A_84, %broadcast_in_dim3A_509], %get3A_517 : memref<64x128xf32, #tpu.memory_space<vmem>>[vector<16xi32>, vector<16xi32>], vector<16xf32>,
      %get3A_518 = arith.index_cast %add3A_506 : i32 to index
      %get3A_519 = arith.index_cast %and3A_502 : i32 to index
      %get3A_520 = arith.constant 32 : index
      %get3A_521 = tpu.vector_load %arg12[%get3A_518, %get3A_519, %get3A_520] {strides = array<i32>} : memref<32x8x64xf32, #tpu.memory_space<vmem>>, vector<16xf32>,
      tpu.vector_store_idx %arg14[%add3A_88, %broadcast_in_dim3A_509], %get3A_521 : memref<64x128xf32, #tpu.memory_space<vmem>>[vector<16xi32>, vector<16xi32>], vector<16xf32>,
      %get3A_522 = arith.index_cast %add3A_506 : i32 to index
      %get3A_523 = arith.index_cast %and3A_502 : i32 to index
      %get3A_524 = arith.constant 48 : index
      %get3A_525 = tpu.vector_load %arg12[%get3A_522, %get3A_523, %get3A_524] {strides = array<i32>} : memref<32x8x64xf32, #tpu.memory_space<vmem>>, vector<16xf32>,
      tpu.vector_store_idx %arg14[%add3A_92, %broadcast_in_dim3A_509], %get3A_525 : memref<64x128xf32, #tpu.memory_space<vmem>>[vector<16xi32>, vector<16xi32>], vector<16xf32>,
      %slice3A_526 = vector.extract_strided_slice %get3A_178 {offsets = [13], sizes = [1], strides = [1]} : vector<16xi32> to vector<1xi32>
      %squeeze3A_527 = vector.extract %slice3A_526[0] : i32 from vector<1xi32>
      %and3A_528 = arith.constant 7 : i32
      %and3A_529 = arith.andi %squeeze3A_527, %and3A_528 : i32
      %mul3A_530 = arith.constant 16 : i32
      %mul3A_531 = arith.muli %scan3A_172, %mul3A_530 : i32
      %add3A_532 = arith.constant 13 : i32
      %add3A_533 = arith.addi %mul3A_531, %add3A_532 : i32
      %add3A_534 = arith.constant 13 : i32
      %add3A_535 = arith.addi %add3A_176, %add3A_534 : i32
      %broadcast_in_dim3A_536 = vector.broadcast %add3A_535 : i32 to vector<16xi32>
      %get3A_537 = arith.index_cast %add3A_533 : i32 to index
      %get3A_538 = arith.index_cast %and3A_529 : i32 to index
      %get3A_539 = arith.constant 0 : index
      %get3A_540 = tpu.vector_load %arg12[%get3A_537, %get3A_538, %get3A_539] {strides = array<i32>} : memref<32x8x64xf32, #tpu.memory_space<vmem>>, vector<16xf32>,
      tpu.vector_store_idx %arg14[%add3A_80, %broadcast_in_dim3A_536], %get3A_540 : memref<64x128xf32, #tpu.memory_space<vmem>>[vector<16xi32>, vector<16xi32>], vector<16xf32>,
      %get3A_541 = arith.index_cast %add3A_533 : i32 to index
      %get3A_542 = arith.index_cast %and3A_529 : i32 to index
      %get3A_543 = arith.constant 16 : index
      %get3A_544 = tpu.vector_load %arg12[%get3A_541, %get3A_542, %get3A_543] {strides = array<i32>} : memref<32x8x64xf32, #tpu.memory_space<vmem>>, vector<16xf32>,
      tpu.vector_store_idx %arg14[%add3A_84, %broadcast_in_dim3A_536], %get3A_544 : memref<64x128xf32, #tpu.memory_space<vmem>>[vector<16xi32>, vector<16xi32>], vector<16xf32>,
      %get3A_545 = arith.index_cast %add3A_533 : i32 to index
      %get3A_546 = arith.index_cast %and3A_529 : i32 to index
      %get3A_547 = arith.constant 32 : index
      %get3A_548 = tpu.vector_load %arg12[%get3A_545, %get3A_546, %get3A_547] {strides = array<i32>} : memref<32x8x64xf32, #tpu.memory_space<vmem>>, vector<16xf32>,
      tpu.vector_store_idx %arg14[%add3A_88, %broadcast_in_dim3A_536], %get3A_548 : memref<64x128xf32, #tpu.memory_space<vmem>>[vector<16xi32>, vector<16xi32>], vector<16xf32>,
      %get3A_549 = arith.index_cast %add3A_533 : i32 to index
      %get3A_550 = arith.index_cast %and3A_529 : i32 to index
      %get3A_551 = arith.constant 48 : index
      %get3A_552 = tpu.vector_load %arg12[%get3A_549, %get3A_550, %get3A_551] {strides = array<i32>} : memref<32x8x64xf32, #tpu.memory_space<vmem>>, vector<16xf32>,
      tpu.vector_store_idx %arg14[%add3A_92, %broadcast_in_dim3A_536], %get3A_552 : memref<64x128xf32, #tpu.memory_space<vmem>>[vector<16xi32>, vector<16xi32>], vector<16xf32>,
      %slice3A_553 = vector.extract_strided_slice %get3A_178 {offsets = [14], sizes = [1], strides = [1]} : vector<16xi32> to vector<1xi32>
      %squeeze3A_554 = vector.extract %slice3A_553[0] : i32 from vector<1xi32>
      %and3A_555 = arith.constant 7 : i32
      %and3A_556 = arith.andi %squeeze3A_554, %and3A_555 : i32
      %mul3A_557 = arith.constant 16 : i32
      %mul3A_558 = arith.muli %scan3A_172, %mul3A_557 : i32
      %add3A_559 = arith.constant 14 : i32
      %add3A_560 = arith.addi %mul3A_558, %add3A_559 : i32
      %add3A_561 = arith.constant 14 : i32
      %add3A_562 = arith.addi %add3A_176, %add3A_561 : i32
      %broadcast_in_dim3A_563 = vector.broadcast %add3A_562 : i32 to vector<16xi32>
      %get3A_564 = arith.index_cast %add3A_560 : i32 to index
      %get3A_565 = arith.index_cast %and3A_556 : i32 to index
      %get3A_566 = arith.constant 0 : index
      %get3A_567 = tpu.vector_load %arg12[%get3A_564, %get3A_565, %get3A_566] {strides = array<i32>} : memref<32x8x64xf32, #tpu.memory_space<vmem>>, vector<16xf32>,
      tpu.vector_store_idx %arg14[%add3A_80, %broadcast_in_dim3A_563], %get3A_567 : memref<64x128xf32, #tpu.memory_space<vmem>>[vector<16xi32>, vector<16xi32>], vector<16xf32>,
      %get3A_568 = arith.index_cast %add3A_560 : i32 to index
      %get3A_569 = arith.index_cast %and3A_556 : i32 to index
      %get3A_570 = arith.constant 16 : index
      %get3A_571 = tpu.vector_load %arg12[%get3A_568, %get3A_569, %get3A_570] {strides = array<i32>} : memref<32x8x64xf32, #tpu.memory_space<vmem>>, vector<16xf32>,
      tpu.vector_store_idx %arg14[%add3A_84, %broadcast_in_dim3A_563], %get3A_571 : memref<64x128xf32, #tpu.memory_space<vmem>>[vector<16xi32>, vector<16xi32>], vector<16xf32>,
      %get3A_572 = arith.index_cast %add3A_560 : i32 to index
      %get3A_573 = arith.index_cast %and3A_556 : i32 to index
      %get3A_574 = arith.constant 32 : index
      %get3A_575 = tpu.vector_load %arg12[%get3A_572, %get3A_573, %get3A_574] {strides = array<i32>} : memref<32x8x64xf32, #tpu.memory_space<vmem>>, vector<16xf32>,
      tpu.vector_store_idx %arg14[%add3A_88, %broadcast_in_dim3A_563], %get3A_575 : memref<64x128xf32, #tpu.memory_space<vmem>>[vector<16xi32>, vector<16xi32>], vector<16xf32>,
      %get3A_576 = arith.index_cast %add3A_560 : i32 to index
      %get3A_577 = arith.index_cast %and3A_556 : i32 to index
      %get3A_578 = arith.constant 48 : index
      %get3A_579 = tpu.vector_load %arg12[%get3A_576, %get3A_577, %get3A_578] {strides = array<i32>} : memref<32x8x64xf32, #tpu.memory_space<vmem>>, vector<16xf32>,
      tpu.vector_store_idx %arg14[%add3A_92, %broadcast_in_dim3A_563], %get3A_579 : memref<64x128xf32, #tpu.memory_space<vmem>>[vector<16xi32>, vector<16xi32>], vector<16xf32>,
      %slice3A_580 = vector.extract_strided_slice %get3A_178 {offsets = [15], sizes = [1], strides = [1]} : vector<16xi32> to vector<1xi32>
      %squeeze3A_581 = vector.extract %slice3A_580[0] : i32 from vector<1xi32>
      %and3A_582 = arith.constant 7 : i32
      %and3A_583 = arith.andi %squeeze3A_581, %and3A_582 : i32
      %mul3A_584 = arith.constant 16 : i32
      %mul3A_585 = arith.muli %scan3A_172, %mul3A_584 : i32
      %add3A_586 = arith.constant 15 : i32
      %add3A_587 = arith.addi %mul3A_585, %add3A_586 : i32
      %add3A_588 = arith.constant 15 : i32
      %add3A_589 = arith.addi %add3A_176, %add3A_588 : i32
      %broadcast_in_dim3A_590 = vector.broadcast %add3A_589 : i32 to vector<16xi32>
      %get3A_591 = arith.index_cast %add3A_587 : i32 to index
      %get3A_592 = arith.index_cast %and3A_583 : i32 to index
      %get3A_593 = arith.constant 0 : index
      %get3A_594 = tpu.vector_load %arg12[%get3A_591, %get3A_592, %get3A_593] {strides = array<i32>} : memref<32x8x64xf32, #tpu.memory_space<vmem>>, vector<16xf32>,
      tpu.vector_store_idx %arg14[%add3A_80, %broadcast_in_dim3A_590], %get3A_594 : memref<64x128xf32, #tpu.memory_space<vmem>>[vector<16xi32>, vector<16xi32>], vector<16xf32>,
      %get3A_595 = arith.index_cast %add3A_587 : i32 to index
      %get3A_596 = arith.index_cast %and3A_583 : i32 to index
      %get3A_597 = arith.constant 16 : index
      %get3A_598 = tpu.vector_load %arg12[%get3A_595, %get3A_596, %get3A_597] {strides = array<i32>} : memref<32x8x64xf32, #tpu.memory_space<vmem>>, vector<16xf32>,
      tpu.vector_store_idx %arg14[%add3A_84, %broadcast_in_dim3A_590], %get3A_598 : memref<64x128xf32, #tpu.memory_space<vmem>>[vector<16xi32>, vector<16xi32>], vector<16xf32>,
      %get3A_599 = arith.index_cast %add3A_587 : i32 to index
      %get3A_600 = arith.index_cast %and3A_583 : i32 to index
      %get3A_601 = arith.constant 32 : index
      %get3A_602 = tpu.vector_load %arg12[%get3A_599, %get3A_600, %get3A_601] {strides = array<i32>} : memref<32x8x64xf32, #tpu.memory_space<vmem>>, vector<16xf32>,
      tpu.vector_store_idx %arg14[%add3A_88, %broadcast_in_dim3A_590], %get3A_602 : memref<64x128xf32, #tpu.memory_space<vmem>>[vector<16xi32>, vector<16xi32>], vector<16xf32>,
      %get3A_603 = arith.index_cast %add3A_587 : i32 to index
      %get3A_604 = arith.index_cast %and3A_583 : i32 to index
      %get3A_605 = arith.constant 48 : index
      %get3A_606 = tpu.vector_load %arg12[%get3A_603, %get3A_604, %get3A_605] {strides = array<i32>} : memref<32x8x64xf32, #tpu.memory_space<vmem>>, vector<16xf32>,
      tpu.vector_store_idx %arg14[%add3A_92, %broadcast_in_dim3A_590], %get3A_606 : memref<64x128xf32, #tpu.memory_space<vmem>>[vector<16xi32>, vector<16xi32>], vector<16xf32>,
    }
    %scan3A_143 = arith.constant 2 : i32
    %dma_wait3A_144 = arith.constant 0 : i32
    %dma_wait3A_145 = arith.constant 0 : i32
    %dma_wait3A_146 = arith.constant 0 : i32
    %dma_wait3A_147 = tpu.memref_slice %arg5[%dma_wait3A_144, %dma_wait3A_145, %dma_wait3A_146] : memref<12500x8x64xf32, #tpu.memory_space<hbm>> -> memref<32x8x64xf32, #tpu.memory_space<hbm>>
    %dma_wait3A_148 = arith.constant 0 : i32
    %dma_wait3A_149 = arith.constant 0 : i32
    %dma_wait3A_150 = arith.constant 0 : i32
    %dma_wait3A_151 = tpu.memref_slice %arg5[%dma_wait3A_148, %dma_wait3A_149, %dma_wait3A_150] : memref<12500x8x64xf32, #tpu.memory_space<hbm>> -> memref<32x8x64xf32, #tpu.memory_space<hbm>>
    tpu.wait_dma2 semaphore(%arg17 : memref<!tpu.dma_semaphore, #tpu.memory_space<semaphore_mem>>) src(%dma_wait3A_151 : memref<32x8x64xf32, #tpu.memory_space<hbm>>) dst(%arg13 : memref<32x8x64xf32, #tpu.memory_space<vmem>>)
    %scan3A_152 = arith.constant 0 : i32
    %scan3A_153 = arith.constant 0 : i32
    %scan3A_154 = arith.constant 2 : i32
    %scan3A_155 = arith.addi %scan3A_153, %scan3A_154 : i32
    %scan3A_156 = arith.constant 1 : i32
    scf.for %scan3A_172 = %scan3A_153 to %scan3A_155 step %scan3A_156  : i32 {
      %mul3A_173 = arith.constant 16 : i32
      %mul3A_174 = arith.muli %scan3A_172, %mul3A_173 : i32
      %add3A_175 = arith.constant 64 : i32
      %add3A_176 = arith.addi %add3A_175, %mul3A_174 : i32
      %get3A_177 = arith.index_cast %add3A_176 : i32 to index
      %get3A_178 = tpu.vector_load %arg9[%get3A_177] {strides = array<i32>} : memref<128xi32, #tpu.memory_space<vmem>>, vector<16xi32>,
      %slice3A = vector.extract_strided_slice %get3A_178 {offsets = [0], sizes = [1], strides = [1]} : vector<16xi32> to vector<1xi32>
      %squeeze3A = vector.extract %slice3A[0] : i32 from vector<1xi32>
      %and3A = arith.constant 7 : i32
      %and3A_179 = arith.andi %squeeze3A, %and3A : i32
      %mul3A_180 = arith.constant 16 : i32
      %mul3A_181 = arith.muli %scan3A_172, %mul3A_180 : i32
      %add3A_182 = arith.constant 0 : i32
      %add3A_183 = arith.addi %mul3A_181, %add3A_182 : i32
      %add3A_184 = arith.constant 0 : i32
      %add3A_185 = arith.addi %add3A_176, %add3A_184 : i32
      %broadcast_in_dim3A = vector.broadcast %add3A_185 : i32 to vector<16xi32>
      %get3A_186 = arith.index_cast %add3A_183 : i32 to index
      %get3A_187 = arith.index_cast %and3A_179 : i32 to index
      %get3A_188 = arith.constant 0 : index
      %get3A_189 = tpu.vector_load %arg13[%get3A_186, %get3A_187, %get3A_188] {strides = array<i32>} : memref<32x8x64xf32, #tpu.memory_space<vmem>>, vector<16xf32>,
      tpu.vector_store_idx %arg14[%add3A_80, %broadcast_in_dim3A], %get3A_189 : memref<64x128xf32, #tpu.memory_space<vmem>>[vector<16xi32>, vector<16xi32>], vector<16xf32>,
      %get3A_190 = arith.index_cast %add3A_183 : i32 to index
      %get3A_191 = arith.index_cast %and3A_179 : i32 to index
      %get3A_192 = arith.constant 16 : index
      %get3A_193 = tpu.vector_load %arg13[%get3A_190, %get3A_191, %get3A_192] {strides = array<i32>} : memref<32x8x64xf32, #tpu.memory_space<vmem>>, vector<16xf32>,
      tpu.vector_store_idx %arg14[%add3A_84, %broadcast_in_dim3A], %get3A_193 : memref<64x128xf32, #tpu.memory_space<vmem>>[vector<16xi32>, vector<16xi32>], vector<16xf32>,
      %get3A_194 = arith.index_cast %add3A_183 : i32 to index
      %get3A_195 = arith.index_cast %and3A_179 : i32 to index
      %get3A_196 = arith.constant 32 : index
      %get3A_197 = tpu.vector_load %arg13[%get3A_194, %get3A_195, %get3A_196] {strides = array<i32>} : memref<32x8x64xf32, #tpu.memory_space<vmem>>, vector<16xf32>,
      tpu.vector_store_idx %arg14[%add3A_88, %broadcast_in_dim3A], %get3A_197 : memref<64x128xf32, #tpu.memory_space<vmem>>[vector<16xi32>, vector<16xi32>], vector<16xf32>,
      %get3A_198 = arith.index_cast %add3A_183 : i32 to index
      %get3A_199 = arith.index_cast %and3A_179 : i32 to index
      %get3A_200 = arith.constant 48 : index
      %get3A_201 = tpu.vector_load %arg13[%get3A_198, %get3A_199, %get3A_200] {strides = array<i32>} : memref<32x8x64xf32, #tpu.memory_space<vmem>>, vector<16xf32>,
      tpu.vector_store_idx %arg14[%add3A_92, %broadcast_in_dim3A], %get3A_201 : memref<64x128xf32, #tpu.memory_space<vmem>>[vector<16xi32>, vector<16xi32>], vector<16xf32>,
      %slice3A_202 = vector.extract_strided_slice %get3A_178 {offsets = [1], sizes = [1], strides = [1]} : vector<16xi32> to vector<1xi32>
      %squeeze3A_203 = vector.extract %slice3A_202[0] : i32 from vector<1xi32>
      %and3A_204 = arith.constant 7 : i32
      %and3A_205 = arith.andi %squeeze3A_203, %and3A_204 : i32
      %mul3A_206 = arith.constant 16 : i32
      %mul3A_207 = arith.muli %scan3A_172, %mul3A_206 : i32
      %add3A_208 = arith.constant 1 : i32
      %add3A_209 = arith.addi %mul3A_207, %add3A_208 : i32
      %add3A_210 = arith.constant 1 : i32
      %add3A_211 = arith.addi %add3A_176, %add3A_210 : i32
      %broadcast_in_dim3A_212 = vector.broadcast %add3A_211 : i32 to vector<16xi32>
      %get3A_213 = arith.index_cast %add3A_209 : i32 to index
      %get3A_214 = arith.index_cast %and3A_205 : i32 to index
      %get3A_215 = arith.constant 0 : index
      %get3A_216 = tpu.vector_load %arg13[%get3A_213, %get3A_214, %get3A_215] {strides = array<i32>} : memref<32x8x64xf32, #tpu.memory_space<vmem>>, vector<16xf32>,
      tpu.vector_store_idx %arg14[%add3A_80, %broadcast_in_dim3A_212], %get3A_216 : memref<64x128xf32, #tpu.memory_space<vmem>>[vector<16xi32>, vector<16xi32>], vector<16xf32>,
      %get3A_217 = arith.index_cast %add3A_209 : i32 to index
      %get3A_218 = arith.index_cast %and3A_205 : i32 to index
      %get3A_219 = arith.constant 16 : index
      %get3A_220 = tpu.vector_load %arg13[%get3A_217, %get3A_218, %get3A_219] {strides = array<i32>} : memref<32x8x64xf32, #tpu.memory_space<vmem>>, vector<16xf32>,
      tpu.vector_store_idx %arg14[%add3A_84, %broadcast_in_dim3A_212], %get3A_220 : memref<64x128xf32, #tpu.memory_space<vmem>>[vector<16xi32>, vector<16xi32>], vector<16xf32>,
      %get3A_221 = arith.index_cast %add3A_209 : i32 to index
      %get3A_222 = arith.index_cast %and3A_205 : i32 to index
      %get3A_223 = arith.constant 32 : index
      %get3A_224 = tpu.vector_load %arg13[%get3A_221, %get3A_222, %get3A_223] {strides = array<i32>} : memref<32x8x64xf32, #tpu.memory_space<vmem>>, vector<16xf32>,
      tpu.vector_store_idx %arg14[%add3A_88, %broadcast_in_dim3A_212], %get3A_224 : memref<64x128xf32, #tpu.memory_space<vmem>>[vector<16xi32>, vector<16xi32>], vector<16xf32>,
      %get3A_225 = arith.index_cast %add3A_209 : i32 to index
      %get3A_226 = arith.index_cast %and3A_205 : i32 to index
      %get3A_227 = arith.constant 48 : index
      %get3A_228 = tpu.vector_load %arg13[%get3A_225, %get3A_226, %get3A_227] {strides = array<i32>} : memref<32x8x64xf32, #tpu.memory_space<vmem>>, vector<16xf32>,
      tpu.vector_store_idx %arg14[%add3A_92, %broadcast_in_dim3A_212], %get3A_228 : memref<64x128xf32, #tpu.memory_space<vmem>>[vector<16xi32>, vector<16xi32>], vector<16xf32>,
      %slice3A_229 = vector.extract_strided_slice %get3A_178 {offsets = [2], sizes = [1], strides = [1]} : vector<16xi32> to vector<1xi32>
      %squeeze3A_230 = vector.extract %slice3A_229[0] : i32 from vector<1xi32>
      %and3A_231 = arith.constant 7 : i32
      %and3A_232 = arith.andi %squeeze3A_230, %and3A_231 : i32
      %mul3A_233 = arith.constant 16 : i32
      %mul3A_234 = arith.muli %scan3A_172, %mul3A_233 : i32
      %add3A_235 = arith.constant 2 : i32
      %add3A_236 = arith.addi %mul3A_234, %add3A_235 : i32
      %add3A_237 = arith.constant 2 : i32
      %add3A_238 = arith.addi %add3A_176, %add3A_237 : i32
      %broadcast_in_dim3A_239 = vector.broadcast %add3A_238 : i32 to vector<16xi32>
      %get3A_240 = arith.index_cast %add3A_236 : i32 to index
      %get3A_241 = arith.index_cast %and3A_232 : i32 to index
      %get3A_242 = arith.constant 0 : index
      %get3A_243 = tpu.vector_load %arg13[%get3A_240, %get3A_241, %get3A_242] {strides = array<i32>} : memref<32x8x64xf32, #tpu.memory_space<vmem>>, vector<16xf32>,
      tpu.vector_store_idx %arg14[%add3A_80, %broadcast_in_dim3A_239], %get3A_243 : memref<64x128xf32, #tpu.memory_space<vmem>>[vector<16xi32>, vector<16xi32>], vector<16xf32>,
      %get3A_244 = arith.index_cast %add3A_236 : i32 to index
      %get3A_245 = arith.index_cast %and3A_232 : i32 to index
      %get3A_246 = arith.constant 16 : index
      %get3A_247 = tpu.vector_load %arg13[%get3A_244, %get3A_245, %get3A_246] {strides = array<i32>} : memref<32x8x64xf32, #tpu.memory_space<vmem>>, vector<16xf32>,
      tpu.vector_store_idx %arg14[%add3A_84, %broadcast_in_dim3A_239], %get3A_247 : memref<64x128xf32, #tpu.memory_space<vmem>>[vector<16xi32>, vector<16xi32>], vector<16xf32>,
      %get3A_248 = arith.index_cast %add3A_236 : i32 to index
      %get3A_249 = arith.index_cast %and3A_232 : i32 to index
      %get3A_250 = arith.constant 32 : index
      %get3A_251 = tpu.vector_load %arg13[%get3A_248, %get3A_249, %get3A_250] {strides = array<i32>} : memref<32x8x64xf32, #tpu.memory_space<vmem>>, vector<16xf32>,
      tpu.vector_store_idx %arg14[%add3A_88, %broadcast_in_dim3A_239], %get3A_251 : memref<64x128xf32, #tpu.memory_space<vmem>>[vector<16xi32>, vector<16xi32>], vector<16xf32>,
      %get3A_252 = arith.index_cast %add3A_236 : i32 to index
      %get3A_253 = arith.index_cast %and3A_232 : i32 to index
      %get3A_254 = arith.constant 48 : index
      %get3A_255 = tpu.vector_load %arg13[%get3A_252, %get3A_253, %get3A_254] {strides = array<i32>} : memref<32x8x64xf32, #tpu.memory_space<vmem>>, vector<16xf32>,
      tpu.vector_store_idx %arg14[%add3A_92, %broadcast_in_dim3A_239], %get3A_255 : memref<64x128xf32, #tpu.memory_space<vmem>>[vector<16xi32>, vector<16xi32>], vector<16xf32>,
      %slice3A_256 = vector.extract_strided_slice %get3A_178 {offsets = [3], sizes = [1], strides = [1]} : vector<16xi32> to vector<1xi32>
      %squeeze3A_257 = vector.extract %slice3A_256[0] : i32 from vector<1xi32>
      %and3A_258 = arith.constant 7 : i32
      %and3A_259 = arith.andi %squeeze3A_257, %and3A_258 : i32
      %mul3A_260 = arith.constant 16 : i32
      %mul3A_261 = arith.muli %scan3A_172, %mul3A_260 : i32
      %add3A_262 = arith.constant 3 : i32
      %add3A_263 = arith.addi %mul3A_261, %add3A_262 : i32
      %add3A_264 = arith.constant 3 : i32
      %add3A_265 = arith.addi %add3A_176, %add3A_264 : i32
      %broadcast_in_dim3A_266 = vector.broadcast %add3A_265 : i32 to vector<16xi32>
      %get3A_267 = arith.index_cast %add3A_263 : i32 to index
      %get3A_268 = arith.index_cast %and3A_259 : i32 to index
      %get3A_269 = arith.constant 0 : index
      %get3A_270 = tpu.vector_load %arg13[%get3A_267, %get3A_268, %get3A_269] {strides = array<i32>} : memref<32x8x64xf32, #tpu.memory_space<vmem>>, vector<16xf32>,
      tpu.vector_store_idx %arg14[%add3A_80, %broadcast_in_dim3A_266], %get3A_270 : memref<64x128xf32, #tpu.memory_space<vmem>>[vector<16xi32>, vector<16xi32>], vector<16xf32>,
      %get3A_271 = arith.index_cast %add3A_263 : i32 to index
      %get3A_272 = arith.index_cast %and3A_259 : i32 to index
      %get3A_273 = arith.constant 16 : index
      %get3A_274 = tpu.vector_load %arg13[%get3A_271, %get3A_272, %get3A_273] {strides = array<i32>} : memref<32x8x64xf32, #tpu.memory_space<vmem>>, vector<16xf32>,
      tpu.vector_store_idx %arg14[%add3A_84, %broadcast_in_dim3A_266], %get3A_274 : memref<64x128xf32, #tpu.memory_space<vmem>>[vector<16xi32>, vector<16xi32>], vector<16xf32>,
      %get3A_275 = arith.index_cast %add3A_263 : i32 to index
      %get3A_276 = arith.index_cast %and3A_259 : i32 to index
      %get3A_277 = arith.constant 32 : index
      %get3A_278 = tpu.vector_load %arg13[%get3A_275, %get3A_276, %get3A_277] {strides = array<i32>} : memref<32x8x64xf32, #tpu.memory_space<vmem>>, vector<16xf32>,
      tpu.vector_store_idx %arg14[%add3A_88, %broadcast_in_dim3A_266], %get3A_278 : memref<64x128xf32, #tpu.memory_space<vmem>>[vector<16xi32>, vector<16xi32>], vector<16xf32>,
      %get3A_279 = arith.index_cast %add3A_263 : i32 to index
      %get3A_280 = arith.index_cast %and3A_259 : i32 to index
      %get3A_281 = arith.constant 48 : index
      %get3A_282 = tpu.vector_load %arg13[%get3A_279, %get3A_280, %get3A_281] {strides = array<i32>} : memref<32x8x64xf32, #tpu.memory_space<vmem>>, vector<16xf32>,
      tpu.vector_store_idx %arg14[%add3A_92, %broadcast_in_dim3A_266], %get3A_282 : memref<64x128xf32, #tpu.memory_space<vmem>>[vector<16xi32>, vector<16xi32>], vector<16xf32>,
      %slice3A_283 = vector.extract_strided_slice %get3A_178 {offsets = [4], sizes = [1], strides = [1]} : vector<16xi32> to vector<1xi32>
      %squeeze3A_284 = vector.extract %slice3A_283[0] : i32 from vector<1xi32>
      %and3A_285 = arith.constant 7 : i32
      %and3A_286 = arith.andi %squeeze3A_284, %and3A_285 : i32
      %mul3A_287 = arith.constant 16 : i32
      %mul3A_288 = arith.muli %scan3A_172, %mul3A_287 : i32
      %add3A_289 = arith.constant 4 : i32
      %add3A_290 = arith.addi %mul3A_288, %add3A_289 : i32
      %add3A_291 = arith.constant 4 : i32
      %add3A_292 = arith.addi %add3A_176, %add3A_291 : i32
      %broadcast_in_dim3A_293 = vector.broadcast %add3A_292 : i32 to vector<16xi32>
      %get3A_294 = arith.index_cast %add3A_290 : i32 to index
      %get3A_295 = arith.index_cast %and3A_286 : i32 to index
      %get3A_296 = arith.constant 0 : index
      %get3A_297 = tpu.vector_load %arg13[%get3A_294, %get3A_295, %get3A_296] {strides = array<i32>} : memref<32x8x64xf32, #tpu.memory_space<vmem>>, vector<16xf32>,
      tpu.vector_store_idx %arg14[%add3A_80, %broadcast_in_dim3A_293], %get3A_297 : memref<64x128xf32, #tpu.memory_space<vmem>>[vector<16xi32>, vector<16xi32>], vector<16xf32>,
      %get3A_298 = arith.index_cast %add3A_290 : i32 to index
      %get3A_299 = arith.index_cast %and3A_286 : i32 to index
      %get3A_300 = arith.constant 16 : index
      %get3A_301 = tpu.vector_load %arg13[%get3A_298, %get3A_299, %get3A_300] {strides = array<i32>} : memref<32x8x64xf32, #tpu.memory_space<vmem>>, vector<16xf32>,
      tpu.vector_store_idx %arg14[%add3A_84, %broadcast_in_dim3A_293], %get3A_301 : memref<64x128xf32, #tpu.memory_space<vmem>>[vector<16xi32>, vector<16xi32>], vector<16xf32>,
      %get3A_302 = arith.index_cast %add3A_290 : i32 to index
      %get3A_303 = arith.index_cast %and3A_286 : i32 to index
      %get3A_304 = arith.constant 32 : index
      %get3A_305 = tpu.vector_load %arg13[%get3A_302, %get3A_303, %get3A_304] {strides = array<i32>} : memref<32x8x64xf32, #tpu.memory_space<vmem>>, vector<16xf32>,
      tpu.vector_store_idx %arg14[%add3A_88, %broadcast_in_dim3A_293], %get3A_305 : memref<64x128xf32, #tpu.memory_space<vmem>>[vector<16xi32>, vector<16xi32>], vector<16xf32>,
      %get3A_306 = arith.index_cast %add3A_290 : i32 to index
      %get3A_307 = arith.index_cast %and3A_286 : i32 to index
      %get3A_308 = arith.constant 48 : index
      %get3A_309 = tpu.vector_load %arg13[%get3A_306, %get3A_307, %get3A_308] {strides = array<i32>} : memref<32x8x64xf32, #tpu.memory_space<vmem>>, vector<16xf32>,
      tpu.vector_store_idx %arg14[%add3A_92, %broadcast_in_dim3A_293], %get3A_309 : memref<64x128xf32, #tpu.memory_space<vmem>>[vector<16xi32>, vector<16xi32>], vector<16xf32>,
      %slice3A_310 = vector.extract_strided_slice %get3A_178 {offsets = [5], sizes = [1], strides = [1]} : vector<16xi32> to vector<1xi32>
      %squeeze3A_311 = vector.extract %slice3A_310[0] : i32 from vector<1xi32>
      %and3A_312 = arith.constant 7 : i32
      %and3A_313 = arith.andi %squeeze3A_311, %and3A_312 : i32
      %mul3A_314 = arith.constant 16 : i32
      %mul3A_315 = arith.muli %scan3A_172, %mul3A_314 : i32
      %add3A_316 = arith.constant 5 : i32
      %add3A_317 = arith.addi %mul3A_315, %add3A_316 : i32
      %add3A_318 = arith.constant 5 : i32
      %add3A_319 = arith.addi %add3A_176, %add3A_318 : i32
      %broadcast_in_dim3A_320 = vector.broadcast %add3A_319 : i32 to vector<16xi32>
      %get3A_321 = arith.index_cast %add3A_317 : i32 to index
      %get3A_322 = arith.index_cast %and3A_313 : i32 to index
      %get3A_323 = arith.constant 0 : index
      %get3A_324 = tpu.vector_load %arg13[%get3A_321, %get3A_322, %get3A_323] {strides = array<i32>} : memref<32x8x64xf32, #tpu.memory_space<vmem>>, vector<16xf32>,
      tpu.vector_store_idx %arg14[%add3A_80, %broadcast_in_dim3A_320], %get3A_324 : memref<64x128xf32, #tpu.memory_space<vmem>>[vector<16xi32>, vector<16xi32>], vector<16xf32>,
      %get3A_325 = arith.index_cast %add3A_317 : i32 to index
      %get3A_326 = arith.index_cast %and3A_313 : i32 to index
      %get3A_327 = arith.constant 16 : index
      %get3A_328 = tpu.vector_load %arg13[%get3A_325, %get3A_326, %get3A_327] {strides = array<i32>} : memref<32x8x64xf32, #tpu.memory_space<vmem>>, vector<16xf32>,
      tpu.vector_store_idx %arg14[%add3A_84, %broadcast_in_dim3A_320], %get3A_328 : memref<64x128xf32, #tpu.memory_space<vmem>>[vector<16xi32>, vector<16xi32>], vector<16xf32>,
      %get3A_329 = arith.index_cast %add3A_317 : i32 to index
      %get3A_330 = arith.index_cast %and3A_313 : i32 to index
      %get3A_331 = arith.constant 32 : index
      %get3A_332 = tpu.vector_load %arg13[%get3A_329, %get3A_330, %get3A_331] {strides = array<i32>} : memref<32x8x64xf32, #tpu.memory_space<vmem>>, vector<16xf32>,
      tpu.vector_store_idx %arg14[%add3A_88, %broadcast_in_dim3A_320], %get3A_332 : memref<64x128xf32, #tpu.memory_space<vmem>>[vector<16xi32>, vector<16xi32>], vector<16xf32>,
      %get3A_333 = arith.index_cast %add3A_317 : i32 to index
      %get3A_334 = arith.index_cast %and3A_313 : i32 to index
      %get3A_335 = arith.constant 48 : index
      %get3A_336 = tpu.vector_load %arg13[%get3A_333, %get3A_334, %get3A_335] {strides = array<i32>} : memref<32x8x64xf32, #tpu.memory_space<vmem>>, vector<16xf32>,
      tpu.vector_store_idx %arg14[%add3A_92, %broadcast_in_dim3A_320], %get3A_336 : memref<64x128xf32, #tpu.memory_space<vmem>>[vector<16xi32>, vector<16xi32>], vector<16xf32>,
      %slice3A_337 = vector.extract_strided_slice %get3A_178 {offsets = [6], sizes = [1], strides = [1]} : vector<16xi32> to vector<1xi32>
      %squeeze3A_338 = vector.extract %slice3A_337[0] : i32 from vector<1xi32>
      %and3A_339 = arith.constant 7 : i32
      %and3A_340 = arith.andi %squeeze3A_338, %and3A_339 : i32
      %mul3A_341 = arith.constant 16 : i32
      %mul3A_342 = arith.muli %scan3A_172, %mul3A_341 : i32
      %add3A_343 = arith.constant 6 : i32
      %add3A_344 = arith.addi %mul3A_342, %add3A_343 : i32
      %add3A_345 = arith.constant 6 : i32
      %add3A_346 = arith.addi %add3A_176, %add3A_345 : i32
      %broadcast_in_dim3A_347 = vector.broadcast %add3A_346 : i32 to vector<16xi32>
      %get3A_348 = arith.index_cast %add3A_344 : i32 to index
      %get3A_349 = arith.index_cast %and3A_340 : i32 to index
      %get3A_350 = arith.constant 0 : index
      %get3A_351 = tpu.vector_load %arg13[%get3A_348, %get3A_349, %get3A_350] {strides = array<i32>} : memref<32x8x64xf32, #tpu.memory_space<vmem>>, vector<16xf32>,
      tpu.vector_store_idx %arg14[%add3A_80, %broadcast_in_dim3A_347], %get3A_351 : memref<64x128xf32, #tpu.memory_space<vmem>>[vector<16xi32>, vector<16xi32>], vector<16xf32>,
      %get3A_352 = arith.index_cast %add3A_344 : i32 to index
      %get3A_353 = arith.index_cast %and3A_340 : i32 to index
      %get3A_354 = arith.constant 16 : index
      %get3A_355 = tpu.vector_load %arg13[%get3A_352, %get3A_353, %get3A_354] {strides = array<i32>} : memref<32x8x64xf32, #tpu.memory_space<vmem>>, vector<16xf32>,
      tpu.vector_store_idx %arg14[%add3A_84, %broadcast_in_dim3A_347], %get3A_355 : memref<64x128xf32, #tpu.memory_space<vmem>>[vector<16xi32>, vector<16xi32>], vector<16xf32>,
      %get3A_356 = arith.index_cast %add3A_344 : i32 to index
      %get3A_357 = arith.index_cast %and3A_340 : i32 to index
      %get3A_358 = arith.constant 32 : index
      %get3A_359 = tpu.vector_load %arg13[%get3A_356, %get3A_357, %get3A_358] {strides = array<i32>} : memref<32x8x64xf32, #tpu.memory_space<vmem>>, vector<16xf32>,
      tpu.vector_store_idx %arg14[%add3A_88, %broadcast_in_dim3A_347], %get3A_359 : memref<64x128xf32, #tpu.memory_space<vmem>>[vector<16xi32>, vector<16xi32>], vector<16xf32>,
      %get3A_360 = arith.index_cast %add3A_344 : i32 to index
      %get3A_361 = arith.index_cast %and3A_340 : i32 to index
      %get3A_362 = arith.constant 48 : index
      %get3A_363 = tpu.vector_load %arg13[%get3A_360, %get3A_361, %get3A_362] {strides = array<i32>} : memref<32x8x64xf32, #tpu.memory_space<vmem>>, vector<16xf32>,
      tpu.vector_store_idx %arg14[%add3A_92, %broadcast_in_dim3A_347], %get3A_363 : memref<64x128xf32, #tpu.memory_space<vmem>>[vector<16xi32>, vector<16xi32>], vector<16xf32>,
      %slice3A_364 = vector.extract_strided_slice %get3A_178 {offsets = [7], sizes = [1], strides = [1]} : vector<16xi32> to vector<1xi32>
      %squeeze3A_365 = vector.extract %slice3A_364[0] : i32 from vector<1xi32>
      %and3A_366 = arith.constant 7 : i32
      %and3A_367 = arith.andi %squeeze3A_365, %and3A_366 : i32
      %mul3A_368 = arith.constant 16 : i32
      %mul3A_369 = arith.muli %scan3A_172, %mul3A_368 : i32
      %add3A_370 = arith.constant 7 : i32
      %add3A_371 = arith.addi %mul3A_369, %add3A_370 : i32
      %add3A_372 = arith.constant 7 : i32
      %add3A_373 = arith.addi %add3A_176, %add3A_372 : i32
      %broadcast_in_dim3A_374 = vector.broadcast %add3A_373 : i32 to vector<16xi32>
      %get3A_375 = arith.index_cast %add3A_371 : i32 to index
      %get3A_376 = arith.index_cast %and3A_367 : i32 to index
      %get3A_377 = arith.constant 0 : index
      %get3A_378 = tpu.vector_load %arg13[%get3A_375, %get3A_376, %get3A_377] {strides = array<i32>} : memref<32x8x64xf32, #tpu.memory_space<vmem>>, vector<16xf32>,
      tpu.vector_store_idx %arg14[%add3A_80, %broadcast_in_dim3A_374], %get3A_378 : memref<64x128xf32, #tpu.memory_space<vmem>>[vector<16xi32>, vector<16xi32>], vector<16xf32>,
      %get3A_379 = arith.index_cast %add3A_371 : i32 to index
      %get3A_380 = arith.index_cast %and3A_367 : i32 to index
      %get3A_381 = arith.constant 16 : index
      %get3A_382 = tpu.vector_load %arg13[%get3A_379, %get3A_380, %get3A_381] {strides = array<i32>} : memref<32x8x64xf32, #tpu.memory_space<vmem>>, vector<16xf32>,
      tpu.vector_store_idx %arg14[%add3A_84, %broadcast_in_dim3A_374], %get3A_382 : memref<64x128xf32, #tpu.memory_space<vmem>>[vector<16xi32>, vector<16xi32>], vector<16xf32>,
      %get3A_383 = arith.index_cast %add3A_371 : i32 to index
      %get3A_384 = arith.index_cast %and3A_367 : i32 to index
      %get3A_385 = arith.constant 32 : index
      %get3A_386 = tpu.vector_load %arg13[%get3A_383, %get3A_384, %get3A_385] {strides = array<i32>} : memref<32x8x64xf32, #tpu.memory_space<vmem>>, vector<16xf32>,
      tpu.vector_store_idx %arg14[%add3A_88, %broadcast_in_dim3A_374], %get3A_386 : memref<64x128xf32, #tpu.memory_space<vmem>>[vector<16xi32>, vector<16xi32>], vector<16xf32>,
      %get3A_387 = arith.index_cast %add3A_371 : i32 to index
      %get3A_388 = arith.index_cast %and3A_367 : i32 to index
      %get3A_389 = arith.constant 48 : index
      %get3A_390 = tpu.vector_load %arg13[%get3A_387, %get3A_388, %get3A_389] {strides = array<i32>} : memref<32x8x64xf32, #tpu.memory_space<vmem>>, vector<16xf32>,
      tpu.vector_store_idx %arg14[%add3A_92, %broadcast_in_dim3A_374], %get3A_390 : memref<64x128xf32, #tpu.memory_space<vmem>>[vector<16xi32>, vector<16xi32>], vector<16xf32>,
      %slice3A_391 = vector.extract_strided_slice %get3A_178 {offsets = [8], sizes = [1], strides = [1]} : vector<16xi32> to vector<1xi32>
      %squeeze3A_392 = vector.extract %slice3A_391[0] : i32 from vector<1xi32>
      %and3A_393 = arith.constant 7 : i32
      %and3A_394 = arith.andi %squeeze3A_392, %and3A_393 : i32
      %mul3A_395 = arith.constant 16 : i32
      %mul3A_396 = arith.muli %scan3A_172, %mul3A_395 : i32
      %add3A_397 = arith.constant 8 : i32
      %add3A_398 = arith.addi %mul3A_396, %add3A_397 : i32
      %add3A_399 = arith.constant 8 : i32
      %add3A_400 = arith.addi %add3A_176, %add3A_399 : i32
      %broadcast_in_dim3A_401 = vector.broadcast %add3A_400 : i32 to vector<16xi32>
      %get3A_402 = arith.index_cast %add3A_398 : i32 to index
      %get3A_403 = arith.index_cast %and3A_394 : i32 to index
      %get3A_404 = arith.constant 0 : index
      %get3A_405 = tpu.vector_load %arg13[%get3A_402, %get3A_403, %get3A_404] {strides = array<i32>} : memref<32x8x64xf32, #tpu.memory_space<vmem>>, vector<16xf32>,
      tpu.vector_store_idx %arg14[%add3A_80, %broadcast_in_dim3A_401], %get3A_405 : memref<64x128xf32, #tpu.memory_space<vmem>>[vector<16xi32>, vector<16xi32>], vector<16xf32>,
      %get3A_406 = arith.index_cast %add3A_398 : i32 to index
      %get3A_407 = arith.index_cast %and3A_394 : i32 to index
      %get3A_408 = arith.constant 16 : index
      %get3A_409 = tpu.vector_load %arg13[%get3A_406, %get3A_407, %get3A_408] {strides = array<i32>} : memref<32x8x64xf32, #tpu.memory_space<vmem>>, vector<16xf32>,
      tpu.vector_store_idx %arg14[%add3A_84, %broadcast_in_dim3A_401], %get3A_409 : memref<64x128xf32, #tpu.memory_space<vmem>>[vector<16xi32>, vector<16xi32>], vector<16xf32>,
      %get3A_410 = arith.index_cast %add3A_398 : i32 to index
      %get3A_411 = arith.index_cast %and3A_394 : i32 to index
      %get3A_412 = arith.constant 32 : index
      %get3A_413 = tpu.vector_load %arg13[%get3A_410, %get3A_411, %get3A_412] {strides = array<i32>} : memref<32x8x64xf32, #tpu.memory_space<vmem>>, vector<16xf32>,
      tpu.vector_store_idx %arg14[%add3A_88, %broadcast_in_dim3A_401], %get3A_413 : memref<64x128xf32, #tpu.memory_space<vmem>>[vector<16xi32>, vector<16xi32>], vector<16xf32>,
      %get3A_414 = arith.index_cast %add3A_398 : i32 to index
      %get3A_415 = arith.index_cast %and3A_394 : i32 to index
      %get3A_416 = arith.constant 48 : index
      %get3A_417 = tpu.vector_load %arg13[%get3A_414, %get3A_415, %get3A_416] {strides = array<i32>} : memref<32x8x64xf32, #tpu.memory_space<vmem>>, vector<16xf32>,
      tpu.vector_store_idx %arg14[%add3A_92, %broadcast_in_dim3A_401], %get3A_417 : memref<64x128xf32, #tpu.memory_space<vmem>>[vector<16xi32>, vector<16xi32>], vector<16xf32>,
      %slice3A_418 = vector.extract_strided_slice %get3A_178 {offsets = [9], sizes = [1], strides = [1]} : vector<16xi32> to vector<1xi32>
      %squeeze3A_419 = vector.extract %slice3A_418[0] : i32 from vector<1xi32>
      %and3A_420 = arith.constant 7 : i32
      %and3A_421 = arith.andi %squeeze3A_419, %and3A_420 : i32
      %mul3A_422 = arith.constant 16 : i32
      %mul3A_423 = arith.muli %scan3A_172, %mul3A_422 : i32
      %add3A_424 = arith.constant 9 : i32
      %add3A_425 = arith.addi %mul3A_423, %add3A_424 : i32
      %add3A_426 = arith.constant 9 : i32
      %add3A_427 = arith.addi %add3A_176, %add3A_426 : i32
      %broadcast_in_dim3A_428 = vector.broadcast %add3A_427 : i32 to vector<16xi32>
      %get3A_429 = arith.index_cast %add3A_425 : i32 to index
      %get3A_430 = arith.index_cast %and3A_421 : i32 to index
      %get3A_431 = arith.constant 0 : index
      %get3A_432 = tpu.vector_load %arg13[%get3A_429, %get3A_430, %get3A_431] {strides = array<i32>} : memref<32x8x64xf32, #tpu.memory_space<vmem>>, vector<16xf32>,
      tpu.vector_store_idx %arg14[%add3A_80, %broadcast_in_dim3A_428], %get3A_432 : memref<64x128xf32, #tpu.memory_space<vmem>>[vector<16xi32>, vector<16xi32>], vector<16xf32>,
      %get3A_433 = arith.index_cast %add3A_425 : i32 to index
      %get3A_434 = arith.index_cast %and3A_421 : i32 to index
      %get3A_435 = arith.constant 16 : index
      %get3A_436 = tpu.vector_load %arg13[%get3A_433, %get3A_434, %get3A_435] {strides = array<i32>} : memref<32x8x64xf32, #tpu.memory_space<vmem>>, vector<16xf32>,
      tpu.vector_store_idx %arg14[%add3A_84, %broadcast_in_dim3A_428], %get3A_436 : memref<64x128xf32, #tpu.memory_space<vmem>>[vector<16xi32>, vector<16xi32>], vector<16xf32>,
      %get3A_437 = arith.index_cast %add3A_425 : i32 to index
      %get3A_438 = arith.index_cast %and3A_421 : i32 to index
      %get3A_439 = arith.constant 32 : index
      %get3A_440 = tpu.vector_load %arg13[%get3A_437, %get3A_438, %get3A_439] {strides = array<i32>} : memref<32x8x64xf32, #tpu.memory_space<vmem>>, vector<16xf32>,
      tpu.vector_store_idx %arg14[%add3A_88, %broadcast_in_dim3A_428], %get3A_440 : memref<64x128xf32, #tpu.memory_space<vmem>>[vector<16xi32>, vector<16xi32>], vector<16xf32>,
      %get3A_441 = arith.index_cast %add3A_425 : i32 to index
      %get3A_442 = arith.index_cast %and3A_421 : i32 to index
      %get3A_443 = arith.constant 48 : index
      %get3A_444 = tpu.vector_load %arg13[%get3A_441, %get3A_442, %get3A_443] {strides = array<i32>} : memref<32x8x64xf32, #tpu.memory_space<vmem>>, vector<16xf32>,
      tpu.vector_store_idx %arg14[%add3A_92, %broadcast_in_dim3A_428], %get3A_444 : memref<64x128xf32, #tpu.memory_space<vmem>>[vector<16xi32>, vector<16xi32>], vector<16xf32>,
      %slice3A_445 = vector.extract_strided_slice %get3A_178 {offsets = [10], sizes = [1], strides = [1]} : vector<16xi32> to vector<1xi32>
      %squeeze3A_446 = vector.extract %slice3A_445[0] : i32 from vector<1xi32>
      %and3A_447 = arith.constant 7 : i32
      %and3A_448 = arith.andi %squeeze3A_446, %and3A_447 : i32
      %mul3A_449 = arith.constant 16 : i32
      %mul3A_450 = arith.muli %scan3A_172, %mul3A_449 : i32
      %add3A_451 = arith.constant 10 : i32
      %add3A_452 = arith.addi %mul3A_450, %add3A_451 : i32
      %add3A_453 = arith.constant 10 : i32
      %add3A_454 = arith.addi %add3A_176, %add3A_453 : i32
      %broadcast_in_dim3A_455 = vector.broadcast %add3A_454 : i32 to vector<16xi32>
      %get3A_456 = arith.index_cast %add3A_452 : i32 to index
      %get3A_457 = arith.index_cast %and3A_448 : i32 to index
      %get3A_458 = arith.constant 0 : index
      %get3A_459 = tpu.vector_load %arg13[%get3A_456, %get3A_457, %get3A_458] {strides = array<i32>} : memref<32x8x64xf32, #tpu.memory_space<vmem>>, vector<16xf32>,
      tpu.vector_store_idx %arg14[%add3A_80, %broadcast_in_dim3A_455], %get3A_459 : memref<64x128xf32, #tpu.memory_space<vmem>>[vector<16xi32>, vector<16xi32>], vector<16xf32>,
      %get3A_460 = arith.index_cast %add3A_452 : i32 to index
      %get3A_461 = arith.index_cast %and3A_448 : i32 to index
      %get3A_462 = arith.constant 16 : index
      %get3A_463 = tpu.vector_load %arg13[%get3A_460, %get3A_461, %get3A_462] {strides = array<i32>} : memref<32x8x64xf32, #tpu.memory_space<vmem>>, vector<16xf32>,
      tpu.vector_store_idx %arg14[%add3A_84, %broadcast_in_dim3A_455], %get3A_463 : memref<64x128xf32, #tpu.memory_space<vmem>>[vector<16xi32>, vector<16xi32>], vector<16xf32>,
      %get3A_464 = arith.index_cast %add3A_452 : i32 to index
      %get3A_465 = arith.index_cast %and3A_448 : i32 to index
      %get3A_466 = arith.constant 32 : index
      %get3A_467 = tpu.vector_load %arg13[%get3A_464, %get3A_465, %get3A_466] {strides = array<i32>} : memref<32x8x64xf32, #tpu.memory_space<vmem>>, vector<16xf32>,
      tpu.vector_store_idx %arg14[%add3A_88, %broadcast_in_dim3A_455], %get3A_467 : memref<64x128xf32, #tpu.memory_space<vmem>>[vector<16xi32>, vector<16xi32>], vector<16xf32>,
      %get3A_468 = arith.index_cast %add3A_452 : i32 to index
      %get3A_469 = arith.index_cast %and3A_448 : i32 to index
      %get3A_470 = arith.constant 48 : index
      %get3A_471 = tpu.vector_load %arg13[%get3A_468, %get3A_469, %get3A_470] {strides = array<i32>} : memref<32x8x64xf32, #tpu.memory_space<vmem>>, vector<16xf32>,
      tpu.vector_store_idx %arg14[%add3A_92, %broadcast_in_dim3A_455], %get3A_471 : memref<64x128xf32, #tpu.memory_space<vmem>>[vector<16xi32>, vector<16xi32>], vector<16xf32>,
      %slice3A_472 = vector.extract_strided_slice %get3A_178 {offsets = [11], sizes = [1], strides = [1]} : vector<16xi32> to vector<1xi32>
      %squeeze3A_473 = vector.extract %slice3A_472[0] : i32 from vector<1xi32>
      %and3A_474 = arith.constant 7 : i32
      %and3A_475 = arith.andi %squeeze3A_473, %and3A_474 : i32
      %mul3A_476 = arith.constant 16 : i32
      %mul3A_477 = arith.muli %scan3A_172, %mul3A_476 : i32
      %add3A_478 = arith.constant 11 : i32
      %add3A_479 = arith.addi %mul3A_477, %add3A_478 : i32
      %add3A_480 = arith.constant 11 : i32
      %add3A_481 = arith.addi %add3A_176, %add3A_480 : i32
      %broadcast_in_dim3A_482 = vector.broadcast %add3A_481 : i32 to vector<16xi32>
      %get3A_483 = arith.index_cast %add3A_479 : i32 to index
      %get3A_484 = arith.index_cast %and3A_475 : i32 to index
      %get3A_485 = arith.constant 0 : index
      %get3A_486 = tpu.vector_load %arg13[%get3A_483, %get3A_484, %get3A_485] {strides = array<i32>} : memref<32x8x64xf32, #tpu.memory_space<vmem>>, vector<16xf32>,
      tpu.vector_store_idx %arg14[%add3A_80, %broadcast_in_dim3A_482], %get3A_486 : memref<64x128xf32, #tpu.memory_space<vmem>>[vector<16xi32>, vector<16xi32>], vector<16xf32>,
      %get3A_487 = arith.index_cast %add3A_479 : i32 to index
      %get3A_488 = arith.index_cast %and3A_475 : i32 to index
      %get3A_489 = arith.constant 16 : index
      %get3A_490 = tpu.vector_load %arg13[%get3A_487, %get3A_488, %get3A_489] {strides = array<i32>} : memref<32x8x64xf32, #tpu.memory_space<vmem>>, vector<16xf32>,
      tpu.vector_store_idx %arg14[%add3A_84, %broadcast_in_dim3A_482], %get3A_490 : memref<64x128xf32, #tpu.memory_space<vmem>>[vector<16xi32>, vector<16xi32>], vector<16xf32>,
      %get3A_491 = arith.index_cast %add3A_479 : i32 to index
      %get3A_492 = arith.index_cast %and3A_475 : i32 to index
      %get3A_493 = arith.constant 32 : index
      %get3A_494 = tpu.vector_load %arg13[%get3A_491, %get3A_492, %get3A_493] {strides = array<i32>} : memref<32x8x64xf32, #tpu.memory_space<vmem>>, vector<16xf32>,
      tpu.vector_store_idx %arg14[%add3A_88, %broadcast_in_dim3A_482], %get3A_494 : memref<64x128xf32, #tpu.memory_space<vmem>>[vector<16xi32>, vector<16xi32>], vector<16xf32>,
      %get3A_495 = arith.index_cast %add3A_479 : i32 to index
      %get3A_496 = arith.index_cast %and3A_475 : i32 to index
      %get3A_497 = arith.constant 48 : index
      %get3A_498 = tpu.vector_load %arg13[%get3A_495, %get3A_496, %get3A_497] {strides = array<i32>} : memref<32x8x64xf32, #tpu.memory_space<vmem>>, vector<16xf32>,
      tpu.vector_store_idx %arg14[%add3A_92, %broadcast_in_dim3A_482], %get3A_498 : memref<64x128xf32, #tpu.memory_space<vmem>>[vector<16xi32>, vector<16xi32>], vector<16xf32>,
      %slice3A_499 = vector.extract_strided_slice %get3A_178 {offsets = [12], sizes = [1], strides = [1]} : vector<16xi32> to vector<1xi32>
      %squeeze3A_500 = vector.extract %slice3A_499[0] : i32 from vector<1xi32>
      %and3A_501 = arith.constant 7 : i32
      %and3A_502 = arith.andi %squeeze3A_500, %and3A_501 : i32
      %mul3A_503 = arith.constant 16 : i32
      %mul3A_504 = arith.muli %scan3A_172, %mul3A_503 : i32
      %add3A_505 = arith.constant 12 : i32
      %add3A_506 = arith.addi %mul3A_504, %add3A_505 : i32
      %add3A_507 = arith.constant 12 : i32
      %add3A_508 = arith.addi %add3A_176, %add3A_507 : i32
      %broadcast_in_dim3A_509 = vector.broadcast %add3A_508 : i32 to vector<16xi32>
      %get3A_510 = arith.index_cast %add3A_506 : i32 to index
      %get3A_511 = arith.index_cast %and3A_502 : i32 to index
      %get3A_512 = arith.constant 0 : index
      %get3A_513 = tpu.vector_load %arg13[%get3A_510, %get3A_511, %get3A_512] {strides = array<i32>} : memref<32x8x64xf32, #tpu.memory_space<vmem>>, vector<16xf32>,
      tpu.vector_store_idx %arg14[%add3A_80, %broadcast_in_dim3A_509], %get3A_513 : memref<64x128xf32, #tpu.memory_space<vmem>>[vector<16xi32>, vector<16xi32>], vector<16xf32>,
      %get3A_514 = arith.index_cast %add3A_506 : i32 to index
      %get3A_515 = arith.index_cast %and3A_502 : i32 to index
      %get3A_516 = arith.constant 16 : index
      %get3A_517 = tpu.vector_load %arg13[%get3A_514, %get3A_515, %get3A_516] {strides = array<i32>} : memref<32x8x64xf32, #tpu.memory_space<vmem>>, vector<16xf32>,
      tpu.vector_store_idx %arg14[%add3A_84, %broadcast_in_dim3A_509], %get3A_517 : memref<64x128xf32, #tpu.memory_space<vmem>>[vector<16xi32>, vector<16xi32>], vector<16xf32>,
      %get3A_518 = arith.index_cast %add3A_506 : i32 to index
      %get3A_519 = arith.index_cast %and3A_502 : i32 to index
      %get3A_520 = arith.constant 32 : index
      %get3A_521 = tpu.vector_load %arg13[%get3A_518, %get3A_519, %get3A_520] {strides = array<i32>} : memref<32x8x64xf32, #tpu.memory_space<vmem>>, vector<16xf32>,
      tpu.vector_store_idx %arg14[%add3A_88, %broadcast_in_dim3A_509], %get3A_521 : memref<64x128xf32, #tpu.memory_space<vmem>>[vector<16xi32>, vector<16xi32>], vector<16xf32>,
      %get3A_522 = arith.index_cast %add3A_506 : i32 to index
      %get3A_523 = arith.index_cast %and3A_502 : i32 to index
      %get3A_524 = arith.constant 48 : index
      %get3A_525 = tpu.vector_load %arg13[%get3A_522, %get3A_523, %get3A_524] {strides = array<i32>} : memref<32x8x64xf32, #tpu.memory_space<vmem>>, vector<16xf32>,
      tpu.vector_store_idx %arg14[%add3A_92, %broadcast_in_dim3A_509], %get3A_525 : memref<64x128xf32, #tpu.memory_space<vmem>>[vector<16xi32>, vector<16xi32>], vector<16xf32>,
      %slice3A_526 = vector.extract_strided_slice %get3A_178 {offsets = [13], sizes = [1], strides = [1]} : vector<16xi32> to vector<1xi32>
      %squeeze3A_527 = vector.extract %slice3A_526[0] : i32 from vector<1xi32>
      %and3A_528 = arith.constant 7 : i32
      %and3A_529 = arith.andi %squeeze3A_527, %and3A_528 : i32
      %mul3A_530 = arith.constant 16 : i32
      %mul3A_531 = arith.muli %scan3A_172, %mul3A_530 : i32
      %add3A_532 = arith.constant 13 : i32
      %add3A_533 = arith.addi %mul3A_531, %add3A_532 : i32
      %add3A_534 = arith.constant 13 : i32
      %add3A_535 = arith.addi %add3A_176, %add3A_534 : i32
      %broadcast_in_dim3A_536 = vector.broadcast %add3A_535 : i32 to vector<16xi32>
      %get3A_537 = arith.index_cast %add3A_533 : i32 to index
      %get3A_538 = arith.index_cast %and3A_529 : i32 to index
      %get3A_539 = arith.constant 0 : index
      %get3A_540 = tpu.vector_load %arg13[%get3A_537, %get3A_538, %get3A_539] {strides = array<i32>} : memref<32x8x64xf32, #tpu.memory_space<vmem>>, vector<16xf32>,
      tpu.vector_store_idx %arg14[%add3A_80, %broadcast_in_dim3A_536], %get3A_540 : memref<64x128xf32, #tpu.memory_space<vmem>>[vector<16xi32>, vector<16xi32>], vector<16xf32>,
      %get3A_541 = arith.index_cast %add3A_533 : i32 to index
      %get3A_542 = arith.index_cast %and3A_529 : i32 to index
      %get3A_543 = arith.constant 16 : index
      %get3A_544 = tpu.vector_load %arg13[%get3A_541, %get3A_542, %get3A_543] {strides = array<i32>} : memref<32x8x64xf32, #tpu.memory_space<vmem>>, vector<16xf32>,
      tpu.vector_store_idx %arg14[%add3A_84, %broadcast_in_dim3A_536], %get3A_544 : memref<64x128xf32, #tpu.memory_space<vmem>>[vector<16xi32>, vector<16xi32>], vector<16xf32>,
      %get3A_545 = arith.index_cast %add3A_533 : i32 to index
      %get3A_546 = arith.index_cast %and3A_529 : i32 to index
      %get3A_547 = arith.constant 32 : index
      %get3A_548 = tpu.vector_load %arg13[%get3A_545, %get3A_546, %get3A_547] {strides = array<i32>} : memref<32x8x64xf32, #tpu.memory_space<vmem>>, vector<16xf32>,
      tpu.vector_store_idx %arg14[%add3A_88, %broadcast_in_dim3A_536], %get3A_548 : memref<64x128xf32, #tpu.memory_space<vmem>>[vector<16xi32>, vector<16xi32>], vector<16xf32>,
      %get3A_549 = arith.index_cast %add3A_533 : i32 to index
      %get3A_550 = arith.index_cast %and3A_529 : i32 to index
      %get3A_551 = arith.constant 48 : index
      %get3A_552 = tpu.vector_load %arg13[%get3A_549, %get3A_550, %get3A_551] {strides = array<i32>} : memref<32x8x64xf32, #tpu.memory_space<vmem>>, vector<16xf32>,
      tpu.vector_store_idx %arg14[%add3A_92, %broadcast_in_dim3A_536], %get3A_552 : memref<64x128xf32, #tpu.memory_space<vmem>>[vector<16xi32>, vector<16xi32>], vector<16xf32>,
      %slice3A_553 = vector.extract_strided_slice %get3A_178 {offsets = [14], sizes = [1], strides = [1]} : vector<16xi32> to vector<1xi32>
      %squeeze3A_554 = vector.extract %slice3A_553[0] : i32 from vector<1xi32>
      %and3A_555 = arith.constant 7 : i32
      %and3A_556 = arith.andi %squeeze3A_554, %and3A_555 : i32
      %mul3A_557 = arith.constant 16 : i32
      %mul3A_558 = arith.muli %scan3A_172, %mul3A_557 : i32
      %add3A_559 = arith.constant 14 : i32
      %add3A_560 = arith.addi %mul3A_558, %add3A_559 : i32
      %add3A_561 = arith.constant 14 : i32
      %add3A_562 = arith.addi %add3A_176, %add3A_561 : i32
      %broadcast_in_dim3A_563 = vector.broadcast %add3A_562 : i32 to vector<16xi32>
      %get3A_564 = arith.index_cast %add3A_560 : i32 to index
      %get3A_565 = arith.index_cast %and3A_556 : i32 to index
      %get3A_566 = arith.constant 0 : index
      %get3A_567 = tpu.vector_load %arg13[%get3A_564, %get3A_565, %get3A_566] {strides = array<i32>} : memref<32x8x64xf32, #tpu.memory_space<vmem>>, vector<16xf32>,
      tpu.vector_store_idx %arg14[%add3A_80, %broadcast_in_dim3A_563], %get3A_567 : memref<64x128xf32, #tpu.memory_space<vmem>>[vector<16xi32>, vector<16xi32>], vector<16xf32>,
      %get3A_568 = arith.index_cast %add3A_560 : i32 to index
      %get3A_569 = arith.index_cast %and3A_556 : i32 to index
      %get3A_570 = arith.constant 16 : index
      %get3A_571 = tpu.vector_load %arg13[%get3A_568, %get3A_569, %get3A_570] {strides = array<i32>} : memref<32x8x64xf32, #tpu.memory_space<vmem>>, vector<16xf32>,
      tpu.vector_store_idx %arg14[%add3A_84, %broadcast_in_dim3A_563], %get3A_571 : memref<64x128xf32, #tpu.memory_space<vmem>>[vector<16xi32>, vector<16xi32>], vector<16xf32>,
      %get3A_572 = arith.index_cast %add3A_560 : i32 to index
      %get3A_573 = arith.index_cast %and3A_556 : i32 to index
      %get3A_574 = arith.constant 32 : index
      %get3A_575 = tpu.vector_load %arg13[%get3A_572, %get3A_573, %get3A_574] {strides = array<i32>} : memref<32x8x64xf32, #tpu.memory_space<vmem>>, vector<16xf32>,
      tpu.vector_store_idx %arg14[%add3A_88, %broadcast_in_dim3A_563], %get3A_575 : memref<64x128xf32, #tpu.memory_space<vmem>>[vector<16xi32>, vector<16xi32>], vector<16xf32>,
      %get3A_576 = arith.index_cast %add3A_560 : i32 to index
      %get3A_577 = arith.index_cast %and3A_556 : i32 to index
      %get3A_578 = arith.constant 48 : index
      %get3A_579 = tpu.vector_load %arg13[%get3A_576, %get3A_577, %get3A_578] {strides = array<i32>} : memref<32x8x64xf32, #tpu.memory_space<vmem>>, vector<16xf32>,
      tpu.vector_store_idx %arg14[%add3A_92, %broadcast_in_dim3A_563], %get3A_579 : memref<64x128xf32, #tpu.memory_space<vmem>>[vector<16xi32>, vector<16xi32>], vector<16xf32>,
      %slice3A_580 = vector.extract_strided_slice %get3A_178 {offsets = [15], sizes = [1], strides = [1]} : vector<16xi32> to vector<1xi32>
      %squeeze3A_581 = vector.extract %slice3A_580[0] : i32 from vector<1xi32>
      %and3A_582 = arith.constant 7 : i32
      %and3A_583 = arith.andi %squeeze3A_581, %and3A_582 : i32
      %mul3A_584 = arith.constant 16 : i32
      %mul3A_585 = arith.muli %scan3A_172, %mul3A_584 : i32
      %add3A_586 = arith.constant 15 : i32
      %add3A_587 = arith.addi %mul3A_585, %add3A_586 : i32
      %add3A_588 = arith.constant 15 : i32
      %add3A_589 = arith.addi %add3A_176, %add3A_588 : i32
      %broadcast_in_dim3A_590 = vector.broadcast %add3A_589 : i32 to vector<16xi32>
      %get3A_591 = arith.index_cast %add3A_587 : i32 to index
      %get3A_592 = arith.index_cast %and3A_583 : i32 to index
      %get3A_593 = arith.constant 0 : index
      %get3A_594 = tpu.vector_load %arg13[%get3A_591, %get3A_592, %get3A_593] {strides = array<i32>} : memref<32x8x64xf32, #tpu.memory_space<vmem>>, vector<16xf32>,
      tpu.vector_store_idx %arg14[%add3A_80, %broadcast_in_dim3A_590], %get3A_594 : memref<64x128xf32, #tpu.memory_space<vmem>>[vector<16xi32>, vector<16xi32>], vector<16xf32>,
      %get3A_595 = arith.index_cast %add3A_587 : i32 to index
      %get3A_596 = arith.index_cast %and3A_583 : i32 to index
      %get3A_597 = arith.constant 16 : index
      %get3A_598 = tpu.vector_load %arg13[%get3A_595, %get3A_596, %get3A_597] {strides = array<i32>} : memref<32x8x64xf32, #tpu.memory_space<vmem>>, vector<16xf32>,
      tpu.vector_store_idx %arg14[%add3A_84, %broadcast_in_dim3A_590], %get3A_598 : memref<64x128xf32, #tpu.memory_space<vmem>>[vector<16xi32>, vector<16xi32>], vector<16xf32>,
      %get3A_599 = arith.index_cast %add3A_587 : i32 to index
      %get3A_600 = arith.index_cast %and3A_583 : i32 to index
      %get3A_601 = arith.constant 32 : index
      %get3A_602 = tpu.vector_load %arg13[%get3A_599, %get3A_600, %get3A_601] {strides = array<i32>} : memref<32x8x64xf32, #tpu.memory_space<vmem>>, vector<16xf32>,
      tpu.vector_store_idx %arg14[%add3A_88, %broadcast_in_dim3A_590], %get3A_602 : memref<64x128xf32, #tpu.memory_space<vmem>>[vector<16xi32>, vector<16xi32>], vector<16xf32>,
      %get3A_603 = arith.index_cast %add3A_587 : i32 to index
      %get3A_604 = arith.index_cast %and3A_583 : i32 to index
      %get3A_605 = arith.constant 48 : index
      %get3A_606 = tpu.vector_load %arg13[%get3A_603, %get3A_604, %get3A_605] {strides = array<i32>} : memref<32x8x64xf32, #tpu.memory_space<vmem>>, vector<16xf32>,
      tpu.vector_store_idx %arg14[%add3A_92, %broadcast_in_dim3A_590], %get3A_606 : memref<64x128xf32, #tpu.memory_space<vmem>>[vector<16xi32>, vector<16xi32>], vector<16xf32>,
    }
    %scan3A_157 = arith.constant 2 : i32
    %dma_wait3A_158 = arith.constant 0 : i32
    %dma_wait3A_159 = arith.constant 0 : i32
    %dma_wait3A_160 = arith.constant 0 : i32
    %dma_wait3A_161 = tpu.memref_slice %arg5[%dma_wait3A_158, %dma_wait3A_159, %dma_wait3A_160] : memref<12500x8x64xf32, #tpu.memory_space<hbm>> -> memref<32x8x64xf32, #tpu.memory_space<hbm>>
    %dma_wait3A_162 = arith.constant 0 : i32
    %dma_wait3A_163 = arith.constant 0 : i32
    %dma_wait3A_164 = arith.constant 0 : i32
    %dma_wait3A_165 = tpu.memref_slice %arg5[%dma_wait3A_162, %dma_wait3A_163, %dma_wait3A_164] : memref<12500x8x64xf32, #tpu.memory_space<hbm>> -> memref<32x8x64xf32, #tpu.memory_space<hbm>>
    tpu.wait_dma2 semaphore(%arg15 : memref<!tpu.dma_semaphore, #tpu.memory_space<semaphore_mem>>) src(%dma_wait3A_165 : memref<32x8x64xf32, #tpu.memory_space<hbm>>) dst(%arg11 : memref<32x8x64xf32, #tpu.memory_space<vmem>>)
    %scan3A_166 = arith.constant 0 : i32
    %scan3A_167 = arith.constant 0 : i32
    %scan3A_168 = arith.constant 2 : i32
    %scan3A_169 = arith.addi %scan3A_167, %scan3A_168 : i32
    %scan3A_170 = arith.constant 1 : i32
    scf.for %scan3A_172 = %scan3A_167 to %scan3A_169 step %scan3A_170  : i32 {
      %mul3A_173 = arith.constant 16 : i32
      %mul3A_174 = arith.muli %scan3A_172, %mul3A_173 : i32
      %add3A_175 = arith.constant 96 : i32
      %add3A_176 = arith.addi %add3A_175, %mul3A_174 : i32
      %get3A_177 = arith.index_cast %add3A_176 : i32 to index
      %get3A_178 = tpu.vector_load %arg9[%get3A_177] {strides = array<i32>} : memref<128xi32, #tpu.memory_space<vmem>>, vector<16xi32>,
      %slice3A = vector.extract_strided_slice %get3A_178 {offsets = [0], sizes = [1], strides = [1]} : vector<16xi32> to vector<1xi32>
      %squeeze3A = vector.extract %slice3A[0] : i32 from vector<1xi32>
      %and3A = arith.constant 7 : i32
      %and3A_179 = arith.andi %squeeze3A, %and3A : i32
      %mul3A_180 = arith.constant 16 : i32
      %mul3A_181 = arith.muli %scan3A_172, %mul3A_180 : i32
      %add3A_182 = arith.constant 0 : i32
      %add3A_183 = arith.addi %mul3A_181, %add3A_182 : i32
      %add3A_184 = arith.constant 0 : i32
      %add3A_185 = arith.addi %add3A_176, %add3A_184 : i32
      %broadcast_in_dim3A = vector.broadcast %add3A_185 : i32 to vector<16xi32>
      %get3A_186 = arith.index_cast %add3A_183 : i32 to index
      %get3A_187 = arith.index_cast %and3A_179 : i32 to index
      %get3A_188 = arith.constant 0 : index
      %get3A_189 = tpu.vector_load %arg11[%get3A_186, %get3A_187, %get3A_188] {strides = array<i32>} : memref<32x8x64xf32, #tpu.memory_space<vmem>>, vector<16xf32>,
      tpu.vector_store_idx %arg14[%add3A_80, %broadcast_in_dim3A], %get3A_189 : memref<64x128xf32, #tpu.memory_space<vmem>>[vector<16xi32>, vector<16xi32>], vector<16xf32>,
      %get3A_190 = arith.index_cast %add3A_183 : i32 to index
      %get3A_191 = arith.index_cast %and3A_179 : i32 to index
      %get3A_192 = arith.constant 16 : index
      %get3A_193 = tpu.vector_load %arg11[%get3A_190, %get3A_191, %get3A_192] {strides = array<i32>} : memref<32x8x64xf32, #tpu.memory_space<vmem>>, vector<16xf32>,
      tpu.vector_store_idx %arg14[%add3A_84, %broadcast_in_dim3A], %get3A_193 : memref<64x128xf32, #tpu.memory_space<vmem>>[vector<16xi32>, vector<16xi32>], vector<16xf32>,
      %get3A_194 = arith.index_cast %add3A_183 : i32 to index
      %get3A_195 = arith.index_cast %and3A_179 : i32 to index
      %get3A_196 = arith.constant 32 : index
      %get3A_197 = tpu.vector_load %arg11[%get3A_194, %get3A_195, %get3A_196] {strides = array<i32>} : memref<32x8x64xf32, #tpu.memory_space<vmem>>, vector<16xf32>,
      tpu.vector_store_idx %arg14[%add3A_88, %broadcast_in_dim3A], %get3A_197 : memref<64x128xf32, #tpu.memory_space<vmem>>[vector<16xi32>, vector<16xi32>], vector<16xf32>,
      %get3A_198 = arith.index_cast %add3A_183 : i32 to index
      %get3A_199 = arith.index_cast %and3A_179 : i32 to index
      %get3A_200 = arith.constant 48 : index
      %get3A_201 = tpu.vector_load %arg11[%get3A_198, %get3A_199, %get3A_200] {strides = array<i32>} : memref<32x8x64xf32, #tpu.memory_space<vmem>>, vector<16xf32>,
      tpu.vector_store_idx %arg14[%add3A_92, %broadcast_in_dim3A], %get3A_201 : memref<64x128xf32, #tpu.memory_space<vmem>>[vector<16xi32>, vector<16xi32>], vector<16xf32>,
      %slice3A_202 = vector.extract_strided_slice %get3A_178 {offsets = [1], sizes = [1], strides = [1]} : vector<16xi32> to vector<1xi32>
      %squeeze3A_203 = vector.extract %slice3A_202[0] : i32 from vector<1xi32>
      %and3A_204 = arith.constant 7 : i32
      %and3A_205 = arith.andi %squeeze3A_203, %and3A_204 : i32
      %mul3A_206 = arith.constant 16 : i32
      %mul3A_207 = arith.muli %scan3A_172, %mul3A_206 : i32
      %add3A_208 = arith.constant 1 : i32
      %add3A_209 = arith.addi %mul3A_207, %add3A_208 : i32
      %add3A_210 = arith.constant 1 : i32
      %add3A_211 = arith.addi %add3A_176, %add3A_210 : i32
      %broadcast_in_dim3A_212 = vector.broadcast %add3A_211 : i32 to vector<16xi32>
      %get3A_213 = arith.index_cast %add3A_209 : i32 to index
      %get3A_214 = arith.index_cast %and3A_205 : i32 to index
      %get3A_215 = arith.constant 0 : index
      %get3A_216 = tpu.vector_load %arg11[%get3A_213, %get3A_214, %get3A_215] {strides = array<i32>} : memref<32x8x64xf32, #tpu.memory_space<vmem>>, vector<16xf32>,
      tpu.vector_store_idx %arg14[%add3A_80, %broadcast_in_dim3A_212], %get3A_216 : memref<64x128xf32, #tpu.memory_space<vmem>>[vector<16xi32>, vector<16xi32>], vector<16xf32>,
      %get3A_217 = arith.index_cast %add3A_209 : i32 to index
      %get3A_218 = arith.index_cast %and3A_205 : i32 to index
      %get3A_219 = arith.constant 16 : index
      %get3A_220 = tpu.vector_load %arg11[%get3A_217, %get3A_218, %get3A_219] {strides = array<i32>} : memref<32x8x64xf32, #tpu.memory_space<vmem>>, vector<16xf32>,
      tpu.vector_store_idx %arg14[%add3A_84, %broadcast_in_dim3A_212], %get3A_220 : memref<64x128xf32, #tpu.memory_space<vmem>>[vector<16xi32>, vector<16xi32>], vector<16xf32>,
      %get3A_221 = arith.index_cast %add3A_209 : i32 to index
      %get3A_222 = arith.index_cast %and3A_205 : i32 to index
      %get3A_223 = arith.constant 32 : index
      %get3A_224 = tpu.vector_load %arg11[%get3A_221, %get3A_222, %get3A_223] {strides = array<i32>} : memref<32x8x64xf32, #tpu.memory_space<vmem>>, vector<16xf32>,
      tpu.vector_store_idx %arg14[%add3A_88, %broadcast_in_dim3A_212], %get3A_224 : memref<64x128xf32, #tpu.memory_space<vmem>>[vector<16xi32>, vector<16xi32>], vector<16xf32>,
      %get3A_225 = arith.index_cast %add3A_209 : i32 to index
      %get3A_226 = arith.index_cast %and3A_205 : i32 to index
      %get3A_227 = arith.constant 48 : index
      %get3A_228 = tpu.vector_load %arg11[%get3A_225, %get3A_226, %get3A_227] {strides = array<i32>} : memref<32x8x64xf32, #tpu.memory_space<vmem>>, vector<16xf32>,
      tpu.vector_store_idx %arg14[%add3A_92, %broadcast_in_dim3A_212], %get3A_228 : memref<64x128xf32, #tpu.memory_space<vmem>>[vector<16xi32>, vector<16xi32>], vector<16xf32>,
      %slice3A_229 = vector.extract_strided_slice %get3A_178 {offsets = [2], sizes = [1], strides = [1]} : vector<16xi32> to vector<1xi32>
      %squeeze3A_230 = vector.extract %slice3A_229[0] : i32 from vector<1xi32>
      %and3A_231 = arith.constant 7 : i32
      %and3A_232 = arith.andi %squeeze3A_230, %and3A_231 : i32
      %mul3A_233 = arith.constant 16 : i32
      %mul3A_234 = arith.muli %scan3A_172, %mul3A_233 : i32
      %add3A_235 = arith.constant 2 : i32
      %add3A_236 = arith.addi %mul3A_234, %add3A_235 : i32
      %add3A_237 = arith.constant 2 : i32
      %add3A_238 = arith.addi %add3A_176, %add3A_237 : i32
      %broadcast_in_dim3A_239 = vector.broadcast %add3A_238 : i32 to vector<16xi32>
      %get3A_240 = arith.index_cast %add3A_236 : i32 to index
      %get3A_241 = arith.index_cast %and3A_232 : i32 to index
      %get3A_242 = arith.constant 0 : index
      %get3A_243 = tpu.vector_load %arg11[%get3A_240, %get3A_241, %get3A_242] {strides = array<i32>} : memref<32x8x64xf32, #tpu.memory_space<vmem>>, vector<16xf32>,
      tpu.vector_store_idx %arg14[%add3A_80, %broadcast_in_dim3A_239], %get3A_243 : memref<64x128xf32, #tpu.memory_space<vmem>>[vector<16xi32>, vector<16xi32>], vector<16xf32>,
      %get3A_244 = arith.index_cast %add3A_236 : i32 to index
      %get3A_245 = arith.index_cast %and3A_232 : i32 to index
      %get3A_246 = arith.constant 16 : index
      %get3A_247 = tpu.vector_load %arg11[%get3A_244, %get3A_245, %get3A_246] {strides = array<i32>} : memref<32x8x64xf32, #tpu.memory_space<vmem>>, vector<16xf32>,
      tpu.vector_store_idx %arg14[%add3A_84, %broadcast_in_dim3A_239], %get3A_247 : memref<64x128xf32, #tpu.memory_space<vmem>>[vector<16xi32>, vector<16xi32>], vector<16xf32>,
      %get3A_248 = arith.index_cast %add3A_236 : i32 to index
      %get3A_249 = arith.index_cast %and3A_232 : i32 to index
      %get3A_250 = arith.constant 32 : index
      %get3A_251 = tpu.vector_load %arg11[%get3A_248, %get3A_249, %get3A_250] {strides = array<i32>} : memref<32x8x64xf32, #tpu.memory_space<vmem>>, vector<16xf32>,
      tpu.vector_store_idx %arg14[%add3A_88, %broadcast_in_dim3A_239], %get3A_251 : memref<64x128xf32, #tpu.memory_space<vmem>>[vector<16xi32>, vector<16xi32>], vector<16xf32>,
      %get3A_252 = arith.index_cast %add3A_236 : i32 to index
      %get3A_253 = arith.index_cast %and3A_232 : i32 to index
      %get3A_254 = arith.constant 48 : index
      %get3A_255 = tpu.vector_load %arg11[%get3A_252, %get3A_253, %get3A_254] {strides = array<i32>} : memref<32x8x64xf32, #tpu.memory_space<vmem>>, vector<16xf32>,
      tpu.vector_store_idx %arg14[%add3A_92, %broadcast_in_dim3A_239], %get3A_255 : memref<64x128xf32, #tpu.memory_space<vmem>>[vector<16xi32>, vector<16xi32>], vector<16xf32>,
      %slice3A_256 = vector.extract_strided_slice %get3A_178 {offsets = [3], sizes = [1], strides = [1]} : vector<16xi32> to vector<1xi32>
      %squeeze3A_257 = vector.extract %slice3A_256[0] : i32 from vector<1xi32>
      %and3A_258 = arith.constant 7 : i32
      %and3A_259 = arith.andi %squeeze3A_257, %and3A_258 : i32
      %mul3A_260 = arith.constant 16 : i32
      %mul3A_261 = arith.muli %scan3A_172, %mul3A_260 : i32
      %add3A_262 = arith.constant 3 : i32
      %add3A_263 = arith.addi %mul3A_261, %add3A_262 : i32
      %add3A_264 = arith.constant 3 : i32
      %add3A_265 = arith.addi %add3A_176, %add3A_264 : i32
      %broadcast_in_dim3A_266 = vector.broadcast %add3A_265 : i32 to vector<16xi32>
      %get3A_267 = arith.index_cast %add3A_263 : i32 to index
      %get3A_268 = arith.index_cast %and3A_259 : i32 to index
      %get3A_269 = arith.constant 0 : index
      %get3A_270 = tpu.vector_load %arg11[%get3A_267, %get3A_268, %get3A_269] {strides = array<i32>} : memref<32x8x64xf32, #tpu.memory_space<vmem>>, vector<16xf32>,
      tpu.vector_store_idx %arg14[%add3A_80, %broadcast_in_dim3A_266], %get3A_270 : memref<64x128xf32, #tpu.memory_space<vmem>>[vector<16xi32>, vector<16xi32>], vector<16xf32>,
      %get3A_271 = arith.index_cast %add3A_263 : i32 to index
      %get3A_272 = arith.index_cast %and3A_259 : i32 to index
      %get3A_273 = arith.constant 16 : index
      %get3A_274 = tpu.vector_load %arg11[%get3A_271, %get3A_272, %get3A_273] {strides = array<i32>} : memref<32x8x64xf32, #tpu.memory_space<vmem>>, vector<16xf32>,
      tpu.vector_store_idx %arg14[%add3A_84, %broadcast_in_dim3A_266], %get3A_274 : memref<64x128xf32, #tpu.memory_space<vmem>>[vector<16xi32>, vector<16xi32>], vector<16xf32>,
      %get3A_275 = arith.index_cast %add3A_263 : i32 to index
      %get3A_276 = arith.index_cast %and3A_259 : i32 to index
      %get3A_277 = arith.constant 32 : index
      %get3A_278 = tpu.vector_load %arg11[%get3A_275, %get3A_276, %get3A_277] {strides = array<i32>} : memref<32x8x64xf32, #tpu.memory_space<vmem>>, vector<16xf32>,
      tpu.vector_store_idx %arg14[%add3A_88, %broadcast_in_dim3A_266], %get3A_278 : memref<64x128xf32, #tpu.memory_space<vmem>>[vector<16xi32>, vector<16xi32>], vector<16xf32>,
      %get3A_279 = arith.index_cast %add3A_263 : i32 to index
      %get3A_280 = arith.index_cast %and3A_259 : i32 to index
      %get3A_281 = arith.constant 48 : index
      %get3A_282 = tpu.vector_load %arg11[%get3A_279, %get3A_280, %get3A_281] {strides = array<i32>} : memref<32x8x64xf32, #tpu.memory_space<vmem>>, vector<16xf32>,
      tpu.vector_store_idx %arg14[%add3A_92, %broadcast_in_dim3A_266], %get3A_282 : memref<64x128xf32, #tpu.memory_space<vmem>>[vector<16xi32>, vector<16xi32>], vector<16xf32>,
      %slice3A_283 = vector.extract_strided_slice %get3A_178 {offsets = [4], sizes = [1], strides = [1]} : vector<16xi32> to vector<1xi32>
      %squeeze3A_284 = vector.extract %slice3A_283[0] : i32 from vector<1xi32>
      %and3A_285 = arith.constant 7 : i32
      %and3A_286 = arith.andi %squeeze3A_284, %and3A_285 : i32
      %mul3A_287 = arith.constant 16 : i32
      %mul3A_288 = arith.muli %scan3A_172, %mul3A_287 : i32
      %add3A_289 = arith.constant 4 : i32
      %add3A_290 = arith.addi %mul3A_288, %add3A_289 : i32
      %add3A_291 = arith.constant 4 : i32
      %add3A_292 = arith.addi %add3A_176, %add3A_291 : i32
      %broadcast_in_dim3A_293 = vector.broadcast %add3A_292 : i32 to vector<16xi32>
      %get3A_294 = arith.index_cast %add3A_290 : i32 to index
      %get3A_295 = arith.index_cast %and3A_286 : i32 to index
      %get3A_296 = arith.constant 0 : index
      %get3A_297 = tpu.vector_load %arg11[%get3A_294, %get3A_295, %get3A_296] {strides = array<i32>} : memref<32x8x64xf32, #tpu.memory_space<vmem>>, vector<16xf32>,
      tpu.vector_store_idx %arg14[%add3A_80, %broadcast_in_dim3A_293], %get3A_297 : memref<64x128xf32, #tpu.memory_space<vmem>>[vector<16xi32>, vector<16xi32>], vector<16xf32>,
      %get3A_298 = arith.index_cast %add3A_290 : i32 to index
      %get3A_299 = arith.index_cast %and3A_286 : i32 to index
      %get3A_300 = arith.constant 16 : index
      %get3A_301 = tpu.vector_load %arg11[%get3A_298, %get3A_299, %get3A_300] {strides = array<i32>} : memref<32x8x64xf32, #tpu.memory_space<vmem>>, vector<16xf32>,
      tpu.vector_store_idx %arg14[%add3A_84, %broadcast_in_dim3A_293], %get3A_301 : memref<64x128xf32, #tpu.memory_space<vmem>>[vector<16xi32>, vector<16xi32>], vector<16xf32>,
      %get3A_302 = arith.index_cast %add3A_290 : i32 to index
      %get3A_303 = arith.index_cast %and3A_286 : i32 to index
      %get3A_304 = arith.constant 32 : index
      %get3A_305 = tpu.vector_load %arg11[%get3A_302, %get3A_303, %get3A_304] {strides = array<i32>} : memref<32x8x64xf32, #tpu.memory_space<vmem>>, vector<16xf32>,
      tpu.vector_store_idx %arg14[%add3A_88, %broadcast_in_dim3A_293], %get3A_305 : memref<64x128xf32, #tpu.memory_space<vmem>>[vector<16xi32>, vector<16xi32>], vector<16xf32>,
      %get3A_306 = arith.index_cast %add3A_290 : i32 to index
      %get3A_307 = arith.index_cast %and3A_286 : i32 to index
      %get3A_308 = arith.constant 48 : index
      %get3A_309 = tpu.vector_load %arg11[%get3A_306, %get3A_307, %get3A_308] {strides = array<i32>} : memref<32x8x64xf32, #tpu.memory_space<vmem>>, vector<16xf32>,
      tpu.vector_store_idx %arg14[%add3A_92, %broadcast_in_dim3A_293], %get3A_309 : memref<64x128xf32, #tpu.memory_space<vmem>>[vector<16xi32>, vector<16xi32>], vector<16xf32>,
      %slice3A_310 = vector.extract_strided_slice %get3A_178 {offsets = [5], sizes = [1], strides = [1]} : vector<16xi32> to vector<1xi32>
      %squeeze3A_311 = vector.extract %slice3A_310[0] : i32 from vector<1xi32>
      %and3A_312 = arith.constant 7 : i32
      %and3A_313 = arith.andi %squeeze3A_311, %and3A_312 : i32
      %mul3A_314 = arith.constant 16 : i32
      %mul3A_315 = arith.muli %scan3A_172, %mul3A_314 : i32
      %add3A_316 = arith.constant 5 : i32
      %add3A_317 = arith.addi %mul3A_315, %add3A_316 : i32
      %add3A_318 = arith.constant 5 : i32
      %add3A_319 = arith.addi %add3A_176, %add3A_318 : i32
      %broadcast_in_dim3A_320 = vector.broadcast %add3A_319 : i32 to vector<16xi32>
      %get3A_321 = arith.index_cast %add3A_317 : i32 to index
      %get3A_322 = arith.index_cast %and3A_313 : i32 to index
      %get3A_323 = arith.constant 0 : index
      %get3A_324 = tpu.vector_load %arg11[%get3A_321, %get3A_322, %get3A_323] {strides = array<i32>} : memref<32x8x64xf32, #tpu.memory_space<vmem>>, vector<16xf32>,
      tpu.vector_store_idx %arg14[%add3A_80, %broadcast_in_dim3A_320], %get3A_324 : memref<64x128xf32, #tpu.memory_space<vmem>>[vector<16xi32>, vector<16xi32>], vector<16xf32>,
      %get3A_325 = arith.index_cast %add3A_317 : i32 to index
      %get3A_326 = arith.index_cast %and3A_313 : i32 to index
      %get3A_327 = arith.constant 16 : index
      %get3A_328 = tpu.vector_load %arg11[%get3A_325, %get3A_326, %get3A_327] {strides = array<i32>} : memref<32x8x64xf32, #tpu.memory_space<vmem>>, vector<16xf32>,
      tpu.vector_store_idx %arg14[%add3A_84, %broadcast_in_dim3A_320], %get3A_328 : memref<64x128xf32, #tpu.memory_space<vmem>>[vector<16xi32>, vector<16xi32>], vector<16xf32>,
      %get3A_329 = arith.index_cast %add3A_317 : i32 to index
      %get3A_330 = arith.index_cast %and3A_313 : i32 to index
      %get3A_331 = arith.constant 32 : index
      %get3A_332 = tpu.vector_load %arg11[%get3A_329, %get3A_330, %get3A_331] {strides = array<i32>} : memref<32x8x64xf32, #tpu.memory_space<vmem>>, vector<16xf32>,
      tpu.vector_store_idx %arg14[%add3A_88, %broadcast_in_dim3A_320], %get3A_332 : memref<64x128xf32, #tpu.memory_space<vmem>>[vector<16xi32>, vector<16xi32>], vector<16xf32>,
      %get3A_333 = arith.index_cast %add3A_317 : i32 to index
      %get3A_334 = arith.index_cast %and3A_313 : i32 to index
      %get3A_335 = arith.constant 48 : index
      %get3A_336 = tpu.vector_load %arg11[%get3A_333, %get3A_334, %get3A_335] {strides = array<i32>} : memref<32x8x64xf32, #tpu.memory_space<vmem>>, vector<16xf32>,
      tpu.vector_store_idx %arg14[%add3A_92, %broadcast_in_dim3A_320], %get3A_336 : memref<64x128xf32, #tpu.memory_space<vmem>>[vector<16xi32>, vector<16xi32>], vector<16xf32>,
      %slice3A_337 = vector.extract_strided_slice %get3A_178 {offsets = [6], sizes = [1], strides = [1]} : vector<16xi32> to vector<1xi32>
      %squeeze3A_338 = vector.extract %slice3A_337[0] : i32 from vector<1xi32>
      %and3A_339 = arith.constant 7 : i32
      %and3A_340 = arith.andi %squeeze3A_338, %and3A_339 : i32
      %mul3A_341 = arith.constant 16 : i32
      %mul3A_342 = arith.muli %scan3A_172, %mul3A_341 : i32
      %add3A_343 = arith.constant 6 : i32
      %add3A_344 = arith.addi %mul3A_342, %add3A_343 : i32
      %add3A_345 = arith.constant 6 : i32
      %add3A_346 = arith.addi %add3A_176, %add3A_345 : i32
      %broadcast_in_dim3A_347 = vector.broadcast %add3A_346 : i32 to vector<16xi32>
      %get3A_348 = arith.index_cast %add3A_344 : i32 to index
      %get3A_349 = arith.index_cast %and3A_340 : i32 to index
      %get3A_350 = arith.constant 0 : index
      %get3A_351 = tpu.vector_load %arg11[%get3A_348, %get3A_349, %get3A_350] {strides = array<i32>} : memref<32x8x64xf32, #tpu.memory_space<vmem>>, vector<16xf32>,
      tpu.vector_store_idx %arg14[%add3A_80, %broadcast_in_dim3A_347], %get3A_351 : memref<64x128xf32, #tpu.memory_space<vmem>>[vector<16xi32>, vector<16xi32>], vector<16xf32>,
      %get3A_352 = arith.index_cast %add3A_344 : i32 to index
      %get3A_353 = arith.index_cast %and3A_340 : i32 to index
      %get3A_354 = arith.constant 16 : index
      %get3A_355 = tpu.vector_load %arg11[%get3A_352, %get3A_353, %get3A_354] {strides = array<i32>} : memref<32x8x64xf32, #tpu.memory_space<vmem>>, vector<16xf32>,
      tpu.vector_store_idx %arg14[%add3A_84, %broadcast_in_dim3A_347], %get3A_355 : memref<64x128xf32, #tpu.memory_space<vmem>>[vector<16xi32>, vector<16xi32>], vector<16xf32>,
      %get3A_356 = arith.index_cast %add3A_344 : i32 to index
      %get3A_357 = arith.index_cast %and3A_340 : i32 to index
      %get3A_358 = arith.constant 32 : index
      %get3A_359 = tpu.vector_load %arg11[%get3A_356, %get3A_357, %get3A_358] {strides = array<i32>} : memref<32x8x64xf32, #tpu.memory_space<vmem>>, vector<16xf32>,
      tpu.vector_store_idx %arg14[%add3A_88, %broadcast_in_dim3A_347], %get3A_359 : memref<64x128xf32, #tpu.memory_space<vmem>>[vector<16xi32>, vector<16xi32>], vector<16xf32>,
      %get3A_360 = arith.index_cast %add3A_344 : i32 to index
      %get3A_361 = arith.index_cast %and3A_340 : i32 to index
      %get3A_362 = arith.constant 48 : index
      %get3A_363 = tpu.vector_load %arg11[%get3A_360, %get3A_361, %get3A_362] {strides = array<i32>} : memref<32x8x64xf32, #tpu.memory_space<vmem>>, vector<16xf32>,
      tpu.vector_store_idx %arg14[%add3A_92, %broadcast_in_dim3A_347], %get3A_363 : memref<64x128xf32, #tpu.memory_space<vmem>>[vector<16xi32>, vector<16xi32>], vector<16xf32>,
      %slice3A_364 = vector.extract_strided_slice %get3A_178 {offsets = [7], sizes = [1], strides = [1]} : vector<16xi32> to vector<1xi32>
      %squeeze3A_365 = vector.extract %slice3A_364[0] : i32 from vector<1xi32>
      %and3A_366 = arith.constant 7 : i32
      %and3A_367 = arith.andi %squeeze3A_365, %and3A_366 : i32
      %mul3A_368 = arith.constant 16 : i32
      %mul3A_369 = arith.muli %scan3A_172, %mul3A_368 : i32
      %add3A_370 = arith.constant 7 : i32
      %add3A_371 = arith.addi %mul3A_369, %add3A_370 : i32
      %add3A_372 = arith.constant 7 : i32
      %add3A_373 = arith.addi %add3A_176, %add3A_372 : i32
      %broadcast_in_dim3A_374 = vector.broadcast %add3A_373 : i32 to vector<16xi32>
      %get3A_375 = arith.index_cast %add3A_371 : i32 to index
      %get3A_376 = arith.index_cast %and3A_367 : i32 to index
      %get3A_377 = arith.constant 0 : index
      %get3A_378 = tpu.vector_load %arg11[%get3A_375, %get3A_376, %get3A_377] {strides = array<i32>} : memref<32x8x64xf32, #tpu.memory_space<vmem>>, vector<16xf32>,
      tpu.vector_store_idx %arg14[%add3A_80, %broadcast_in_dim3A_374], %get3A_378 : memref<64x128xf32, #tpu.memory_space<vmem>>[vector<16xi32>, vector<16xi32>], vector<16xf32>,
      %get3A_379 = arith.index_cast %add3A_371 : i32 to index
      %get3A_380 = arith.index_cast %and3A_367 : i32 to index
      %get3A_381 = arith.constant 16 : index
      %get3A_382 = tpu.vector_load %arg11[%get3A_379, %get3A_380, %get3A_381] {strides = array<i32>} : memref<32x8x64xf32, #tpu.memory_space<vmem>>, vector<16xf32>,
      tpu.vector_store_idx %arg14[%add3A_84, %broadcast_in_dim3A_374], %get3A_382 : memref<64x128xf32, #tpu.memory_space<vmem>>[vector<16xi32>, vector<16xi32>], vector<16xf32>,
      %get3A_383 = arith.index_cast %add3A_371 : i32 to index
      %get3A_384 = arith.index_cast %and3A_367 : i32 to index
      %get3A_385 = arith.constant 32 : index
      %get3A_386 = tpu.vector_load %arg11[%get3A_383, %get3A_384, %get3A_385] {strides = array<i32>} : memref<32x8x64xf32, #tpu.memory_space<vmem>>, vector<16xf32>,
      tpu.vector_store_idx %arg14[%add3A_88, %broadcast_in_dim3A_374], %get3A_386 : memref<64x128xf32, #tpu.memory_space<vmem>>[vector<16xi32>, vector<16xi32>], vector<16xf32>,
      %get3A_387 = arith.index_cast %add3A_371 : i32 to index
      %get3A_388 = arith.index_cast %and3A_367 : i32 to index
      %get3A_389 = arith.constant 48 : index
      %get3A_390 = tpu.vector_load %arg11[%get3A_387, %get3A_388, %get3A_389] {strides = array<i32>} : memref<32x8x64xf32, #tpu.memory_space<vmem>>, vector<16xf32>,
      tpu.vector_store_idx %arg14[%add3A_92, %broadcast_in_dim3A_374], %get3A_390 : memref<64x128xf32, #tpu.memory_space<vmem>>[vector<16xi32>, vector<16xi32>], vector<16xf32>,
      %slice3A_391 = vector.extract_strided_slice %get3A_178 {offsets = [8], sizes = [1], strides = [1]} : vector<16xi32> to vector<1xi32>
      %squeeze3A_392 = vector.extract %slice3A_391[0] : i32 from vector<1xi32>
      %and3A_393 = arith.constant 7 : i32
      %and3A_394 = arith.andi %squeeze3A_392, %and3A_393 : i32
      %mul3A_395 = arith.constant 16 : i32
      %mul3A_396 = arith.muli %scan3A_172, %mul3A_395 : i32
      %add3A_397 = arith.constant 8 : i32
      %add3A_398 = arith.addi %mul3A_396, %add3A_397 : i32
      %add3A_399 = arith.constant 8 : i32
      %add3A_400 = arith.addi %add3A_176, %add3A_399 : i32
      %broadcast_in_dim3A_401 = vector.broadcast %add3A_400 : i32 to vector<16xi32>
      %get3A_402 = arith.index_cast %add3A_398 : i32 to index
      %get3A_403 = arith.index_cast %and3A_394 : i32 to index
      %get3A_404 = arith.constant 0 : index
      %get3A_405 = tpu.vector_load %arg11[%get3A_402, %get3A_403, %get3A_404] {strides = array<i32>} : memref<32x8x64xf32, #tpu.memory_space<vmem>>, vector<16xf32>,
      tpu.vector_store_idx %arg14[%add3A_80, %broadcast_in_dim3A_401], %get3A_405 : memref<64x128xf32, #tpu.memory_space<vmem>>[vector<16xi32>, vector<16xi32>], vector<16xf32>,
      %get3A_406 = arith.index_cast %add3A_398 : i32 to index
      %get3A_407 = arith.index_cast %and3A_394 : i32 to index
      %get3A_408 = arith.constant 16 : index
      %get3A_409 = tpu.vector_load %arg11[%get3A_406, %get3A_407, %get3A_408] {strides = array<i32>} : memref<32x8x64xf32, #tpu.memory_space<vmem>>, vector<16xf32>,
      tpu.vector_store_idx %arg14[%add3A_84, %broadcast_in_dim3A_401], %get3A_409 : memref<64x128xf32, #tpu.memory_space<vmem>>[vector<16xi32>, vector<16xi32>], vector<16xf32>,
      %get3A_410 = arith.index_cast %add3A_398 : i32 to index
      %get3A_411 = arith.index_cast %and3A_394 : i32 to index
      %get3A_412 = arith.constant 32 : index
      %get3A_413 = tpu.vector_load %arg11[%get3A_410, %get3A_411, %get3A_412] {strides = array<i32>} : memref<32x8x64xf32, #tpu.memory_space<vmem>>, vector<16xf32>,
      tpu.vector_store_idx %arg14[%add3A_88, %broadcast_in_dim3A_401], %get3A_413 : memref<64x128xf32, #tpu.memory_space<vmem>>[vector<16xi32>, vector<16xi32>], vector<16xf32>,
      %get3A_414 = arith.index_cast %add3A_398 : i32 to index
      %get3A_415 = arith.index_cast %and3A_394 : i32 to index
      %get3A_416 = arith.constant 48 : index
      %get3A_417 = tpu.vector_load %arg11[%get3A_414, %get3A_415, %get3A_416] {strides = array<i32>} : memref<32x8x64xf32, #tpu.memory_space<vmem>>, vector<16xf32>,
      tpu.vector_store_idx %arg14[%add3A_92, %broadcast_in_dim3A_401], %get3A_417 : memref<64x128xf32, #tpu.memory_space<vmem>>[vector<16xi32>, vector<16xi32>], vector<16xf32>,
      %slice3A_418 = vector.extract_strided_slice %get3A_178 {offsets = [9], sizes = [1], strides = [1]} : vector<16xi32> to vector<1xi32>
      %squeeze3A_419 = vector.extract %slice3A_418[0] : i32 from vector<1xi32>
      %and3A_420 = arith.constant 7 : i32
      %and3A_421 = arith.andi %squeeze3A_419, %and3A_420 : i32
      %mul3A_422 = arith.constant 16 : i32
      %mul3A_423 = arith.muli %scan3A_172, %mul3A_422 : i32
      %add3A_424 = arith.constant 9 : i32
      %add3A_425 = arith.addi %mul3A_423, %add3A_424 : i32
      %add3A_426 = arith.constant 9 : i32
      %add3A_427 = arith.addi %add3A_176, %add3A_426 : i32
      %broadcast_in_dim3A_428 = vector.broadcast %add3A_427 : i32 to vector<16xi32>
      %get3A_429 = arith.index_cast %add3A_425 : i32 to index
      %get3A_430 = arith.index_cast %and3A_421 : i32 to index
      %get3A_431 = arith.constant 0 : index
      %get3A_432 = tpu.vector_load %arg11[%get3A_429, %get3A_430, %get3A_431] {strides = array<i32>} : memref<32x8x64xf32, #tpu.memory_space<vmem>>, vector<16xf32>,
      tpu.vector_store_idx %arg14[%add3A_80, %broadcast_in_dim3A_428], %get3A_432 : memref<64x128xf32, #tpu.memory_space<vmem>>[vector<16xi32>, vector<16xi32>], vector<16xf32>,
      %get3A_433 = arith.index_cast %add3A_425 : i32 to index
      %get3A_434 = arith.index_cast %and3A_421 : i32 to index
      %get3A_435 = arith.constant 16 : index
      %get3A_436 = tpu.vector_load %arg11[%get3A_433, %get3A_434, %get3A_435] {strides = array<i32>} : memref<32x8x64xf32, #tpu.memory_space<vmem>>, vector<16xf32>,
      tpu.vector_store_idx %arg14[%add3A_84, %broadcast_in_dim3A_428], %get3A_436 : memref<64x128xf32, #tpu.memory_space<vmem>>[vector<16xi32>, vector<16xi32>], vector<16xf32>,
      %get3A_437 = arith.index_cast %add3A_425 : i32 to index
      %get3A_438 = arith.index_cast %and3A_421 : i32 to index
      %get3A_439 = arith.constant 32 : index
      %get3A_440 = tpu.vector_load %arg11[%get3A_437, %get3A_438, %get3A_439] {strides = array<i32>} : memref<32x8x64xf32, #tpu.memory_space<vmem>>, vector<16xf32>,
      tpu.vector_store_idx %arg14[%add3A_88, %broadcast_in_dim3A_428], %get3A_440 : memref<64x128xf32, #tpu.memory_space<vmem>>[vector<16xi32>, vector<16xi32>], vector<16xf32>,
      %get3A_441 = arith.index_cast %add3A_425 : i32 to index
      %get3A_442 = arith.index_cast %and3A_421 : i32 to index
      %get3A_443 = arith.constant 48 : index
      %get3A_444 = tpu.vector_load %arg11[%get3A_441, %get3A_442, %get3A_443] {strides = array<i32>} : memref<32x8x64xf32, #tpu.memory_space<vmem>>, vector<16xf32>,
      tpu.vector_store_idx %arg14[%add3A_92, %broadcast_in_dim3A_428], %get3A_444 : memref<64x128xf32, #tpu.memory_space<vmem>>[vector<16xi32>, vector<16xi32>], vector<16xf32>,
      %slice3A_445 = vector.extract_strided_slice %get3A_178 {offsets = [10], sizes = [1], strides = [1]} : vector<16xi32> to vector<1xi32>
      %squeeze3A_446 = vector.extract %slice3A_445[0] : i32 from vector<1xi32>
      %and3A_447 = arith.constant 7 : i32
      %and3A_448 = arith.andi %squeeze3A_446, %and3A_447 : i32
      %mul3A_449 = arith.constant 16 : i32
      %mul3A_450 = arith.muli %scan3A_172, %mul3A_449 : i32
      %add3A_451 = arith.constant 10 : i32
      %add3A_452 = arith.addi %mul3A_450, %add3A_451 : i32
      %add3A_453 = arith.constant 10 : i32
      %add3A_454 = arith.addi %add3A_176, %add3A_453 : i32
      %broadcast_in_dim3A_455 = vector.broadcast %add3A_454 : i32 to vector<16xi32>
      %get3A_456 = arith.index_cast %add3A_452 : i32 to index
      %get3A_457 = arith.index_cast %and3A_448 : i32 to index
      %get3A_458 = arith.constant 0 : index
      %get3A_459 = tpu.vector_load %arg11[%get3A_456, %get3A_457, %get3A_458] {strides = array<i32>} : memref<32x8x64xf32, #tpu.memory_space<vmem>>, vector<16xf32>,
      tpu.vector_store_idx %arg14[%add3A_80, %broadcast_in_dim3A_455], %get3A_459 : memref<64x128xf32, #tpu.memory_space<vmem>>[vector<16xi32>, vector<16xi32>], vector<16xf32>,
      %get3A_460 = arith.index_cast %add3A_452 : i32 to index
      %get3A_461 = arith.index_cast %and3A_448 : i32 to index
      %get3A_462 = arith.constant 16 : index
      %get3A_463 = tpu.vector_load %arg11[%get3A_460, %get3A_461, %get3A_462] {strides = array<i32>} : memref<32x8x64xf32, #tpu.memory_space<vmem>>, vector<16xf32>,
      tpu.vector_store_idx %arg14[%add3A_84, %broadcast_in_dim3A_455], %get3A_463 : memref<64x128xf32, #tpu.memory_space<vmem>>[vector<16xi32>, vector<16xi32>], vector<16xf32>,
      %get3A_464 = arith.index_cast %add3A_452 : i32 to index
      %get3A_465 = arith.index_cast %and3A_448 : i32 to index
      %get3A_466 = arith.constant 32 : index
      %get3A_467 = tpu.vector_load %arg11[%get3A_464, %get3A_465, %get3A_466] {strides = array<i32>} : memref<32x8x64xf32, #tpu.memory_space<vmem>>, vector<16xf32>,
      tpu.vector_store_idx %arg14[%add3A_88, %broadcast_in_dim3A_455], %get3A_467 : memref<64x128xf32, #tpu.memory_space<vmem>>[vector<16xi32>, vector<16xi32>], vector<16xf32>,
      %get3A_468 = arith.index_cast %add3A_452 : i32 to index
      %get3A_469 = arith.index_cast %and3A_448 : i32 to index
      %get3A_470 = arith.constant 48 : index
      %get3A_471 = tpu.vector_load %arg11[%get3A_468, %get3A_469, %get3A_470] {strides = array<i32>} : memref<32x8x64xf32, #tpu.memory_space<vmem>>, vector<16xf32>,
      tpu.vector_store_idx %arg14[%add3A_92, %broadcast_in_dim3A_455], %get3A_471 : memref<64x128xf32, #tpu.memory_space<vmem>>[vector<16xi32>, vector<16xi32>], vector<16xf32>,
      %slice3A_472 = vector.extract_strided_slice %get3A_178 {offsets = [11], sizes = [1], strides = [1]} : vector<16xi32> to vector<1xi32>
      %squeeze3A_473 = vector.extract %slice3A_472[0] : i32 from vector<1xi32>
      %and3A_474 = arith.constant 7 : i32
      %and3A_475 = arith.andi %squeeze3A_473, %and3A_474 : i32
      %mul3A_476 = arith.constant 16 : i32
      %mul3A_477 = arith.muli %scan3A_172, %mul3A_476 : i32
      %add3A_478 = arith.constant 11 : i32
      %add3A_479 = arith.addi %mul3A_477, %add3A_478 : i32
      %add3A_480 = arith.constant 11 : i32
      %add3A_481 = arith.addi %add3A_176, %add3A_480 : i32
      %broadcast_in_dim3A_482 = vector.broadcast %add3A_481 : i32 to vector<16xi32>
      %get3A_483 = arith.index_cast %add3A_479 : i32 to index
      %get3A_484 = arith.index_cast %and3A_475 : i32 to index
      %get3A_485 = arith.constant 0 : index
      %get3A_486 = tpu.vector_load %arg11[%get3A_483, %get3A_484, %get3A_485] {strides = array<i32>} : memref<32x8x64xf32, #tpu.memory_space<vmem>>, vector<16xf32>,
      tpu.vector_store_idx %arg14[%add3A_80, %broadcast_in_dim3A_482], %get3A_486 : memref<64x128xf32, #tpu.memory_space<vmem>>[vector<16xi32>, vector<16xi32>], vector<16xf32>,
      %get3A_487 = arith.index_cast %add3A_479 : i32 to index
      %get3A_488 = arith.index_cast %and3A_475 : i32 to index
      %get3A_489 = arith.constant 16 : index
      %get3A_490 = tpu.vector_load %arg11[%get3A_487, %get3A_488, %get3A_489] {strides = array<i32>} : memref<32x8x64xf32, #tpu.memory_space<vmem>>, vector<16xf32>,
      tpu.vector_store_idx %arg14[%add3A_84, %broadcast_in_dim3A_482], %get3A_490 : memref<64x128xf32, #tpu.memory_space<vmem>>[vector<16xi32>, vector<16xi32>], vector<16xf32>,
      %get3A_491 = arith.index_cast %add3A_479 : i32 to index
      %get3A_492 = arith.index_cast %and3A_475 : i32 to index
      %get3A_493 = arith.constant 32 : index
      %get3A_494 = tpu.vector_load %arg11[%get3A_491, %get3A_492, %get3A_493] {strides = array<i32>} : memref<32x8x64xf32, #tpu.memory_space<vmem>>, vector<16xf32>,
      tpu.vector_store_idx %arg14[%add3A_88, %broadcast_in_dim3A_482], %get3A_494 : memref<64x128xf32, #tpu.memory_space<vmem>>[vector<16xi32>, vector<16xi32>], vector<16xf32>,
      %get3A_495 = arith.index_cast %add3A_479 : i32 to index
      %get3A_496 = arith.index_cast %and3A_475 : i32 to index
      %get3A_497 = arith.constant 48 : index
      %get3A_498 = tpu.vector_load %arg11[%get3A_495, %get3A_496, %get3A_497] {strides = array<i32>} : memref<32x8x64xf32, #tpu.memory_space<vmem>>, vector<16xf32>,
      tpu.vector_store_idx %arg14[%add3A_92, %broadcast_in_dim3A_482], %get3A_498 : memref<64x128xf32, #tpu.memory_space<vmem>>[vector<16xi32>, vector<16xi32>], vector<16xf32>,
      %slice3A_499 = vector.extract_strided_slice %get3A_178 {offsets = [12], sizes = [1], strides = [1]} : vector<16xi32> to vector<1xi32>
      %squeeze3A_500 = vector.extract %slice3A_499[0] : i32 from vector<1xi32>
      %and3A_501 = arith.constant 7 : i32
      %and3A_502 = arith.andi %squeeze3A_500, %and3A_501 : i32
      %mul3A_503 = arith.constant 16 : i32
      %mul3A_504 = arith.muli %scan3A_172, %mul3A_503 : i32
      %add3A_505 = arith.constant 12 : i32
      %add3A_506 = arith.addi %mul3A_504, %add3A_505 : i32
      %add3A_507 = arith.constant 12 : i32
      %add3A_508 = arith.addi %add3A_176, %add3A_507 : i32
      %broadcast_in_dim3A_509 = vector.broadcast %add3A_508 : i32 to vector<16xi32>
      %get3A_510 = arith.index_cast %add3A_506 : i32 to index
      %get3A_511 = arith.index_cast %and3A_502 : i32 to index
      %get3A_512 = arith.constant 0 : index
      %get3A_513 = tpu.vector_load %arg11[%get3A_510, %get3A_511, %get3A_512] {strides = array<i32>} : memref<32x8x64xf32, #tpu.memory_space<vmem>>, vector<16xf32>,
      tpu.vector_store_idx %arg14[%add3A_80, %broadcast_in_dim3A_509], %get3A_513 : memref<64x128xf32, #tpu.memory_space<vmem>>[vector<16xi32>, vector<16xi32>], vector<16xf32>,
      %get3A_514 = arith.index_cast %add3A_506 : i32 to index
      %get3A_515 = arith.index_cast %and3A_502 : i32 to index
      %get3A_516 = arith.constant 16 : index
      %get3A_517 = tpu.vector_load %arg11[%get3A_514, %get3A_515, %get3A_516] {strides = array<i32>} : memref<32x8x64xf32, #tpu.memory_space<vmem>>, vector<16xf32>,
      tpu.vector_store_idx %arg14[%add3A_84, %broadcast_in_dim3A_509], %get3A_517 : memref<64x128xf32, #tpu.memory_space<vmem>>[vector<16xi32>, vector<16xi32>], vector<16xf32>,
      %get3A_518 = arith.index_cast %add3A_506 : i32 to index
      %get3A_519 = arith.index_cast %and3A_502 : i32 to index
      %get3A_520 = arith.constant 32 : index
      %get3A_521 = tpu.vector_load %arg11[%get3A_518, %get3A_519, %get3A_520] {strides = array<i32>} : memref<32x8x64xf32, #tpu.memory_space<vmem>>, vector<16xf32>,
      tpu.vector_store_idx %arg14[%add3A_88, %broadcast_in_dim3A_509], %get3A_521 : memref<64x128xf32, #tpu.memory_space<vmem>>[vector<16xi32>, vector<16xi32>], vector<16xf32>,
      %get3A_522 = arith.index_cast %add3A_506 : i32 to index
      %get3A_523 = arith.index_cast %and3A_502 : i32 to index
      %get3A_524 = arith.constant 48 : index
      %get3A_525 = tpu.vector_load %arg11[%get3A_522, %get3A_523, %get3A_524] {strides = array<i32>} : memref<32x8x64xf32, #tpu.memory_space<vmem>>, vector<16xf32>,
      tpu.vector_store_idx %arg14[%add3A_92, %broadcast_in_dim3A_509], %get3A_525 : memref<64x128xf32, #tpu.memory_space<vmem>>[vector<16xi32>, vector<16xi32>], vector<16xf32>,
      %slice3A_526 = vector.extract_strided_slice %get3A_178 {offsets = [13], sizes = [1], strides = [1]} : vector<16xi32> to vector<1xi32>
      %squeeze3A_527 = vector.extract %slice3A_526[0] : i32 from vector<1xi32>
      %and3A_528 = arith.constant 7 : i32
      %and3A_529 = arith.andi %squeeze3A_527, %and3A_528 : i32
      %mul3A_530 = arith.constant 16 : i32
      %mul3A_531 = arith.muli %scan3A_172, %mul3A_530 : i32
      %add3A_532 = arith.constant 13 : i32
      %add3A_533 = arith.addi %mul3A_531, %add3A_532 : i32
      %add3A_534 = arith.constant 13 : i32
      %add3A_535 = arith.addi %add3A_176, %add3A_534 : i32
      %broadcast_in_dim3A_536 = vector.broadcast %add3A_535 : i32 to vector<16xi32>
      %get3A_537 = arith.index_cast %add3A_533 : i32 to index
      %get3A_538 = arith.index_cast %and3A_529 : i32 to index
      %get3A_539 = arith.constant 0 : index
      %get3A_540 = tpu.vector_load %arg11[%get3A_537, %get3A_538, %get3A_539] {strides = array<i32>} : memref<32x8x64xf32, #tpu.memory_space<vmem>>, vector<16xf32>,
      tpu.vector_store_idx %arg14[%add3A_80, %broadcast_in_dim3A_536], %get3A_540 : memref<64x128xf32, #tpu.memory_space<vmem>>[vector<16xi32>, vector<16xi32>], vector<16xf32>,
      %get3A_541 = arith.index_cast %add3A_533 : i32 to index
      %get3A_542 = arith.index_cast %and3A_529 : i32 to index
      %get3A_543 = arith.constant 16 : index
      %get3A_544 = tpu.vector_load %arg11[%get3A_541, %get3A_542, %get3A_543] {strides = array<i32>} : memref<32x8x64xf32, #tpu.memory_space<vmem>>, vector<16xf32>,
      tpu.vector_store_idx %arg14[%add3A_84, %broadcast_in_dim3A_536], %get3A_544 : memref<64x128xf32, #tpu.memory_space<vmem>>[vector<16xi32>, vector<16xi32>], vector<16xf32>,
      %get3A_545 = arith.index_cast %add3A_533 : i32 to index
      %get3A_546 = arith.index_cast %and3A_529 : i32 to index
      %get3A_547 = arith.constant 32 : index
      %get3A_548 = tpu.vector_load %arg11[%get3A_545, %get3A_546, %get3A_547] {strides = array<i32>} : memref<32x8x64xf32, #tpu.memory_space<vmem>>, vector<16xf32>,
      tpu.vector_store_idx %arg14[%add3A_88, %broadcast_in_dim3A_536], %get3A_548 : memref<64x128xf32, #tpu.memory_space<vmem>>[vector<16xi32>, vector<16xi32>], vector<16xf32>,
      %get3A_549 = arith.index_cast %add3A_533 : i32 to index
      %get3A_550 = arith.index_cast %and3A_529 : i32 to index
      %get3A_551 = arith.constant 48 : index
      %get3A_552 = tpu.vector_load %arg11[%get3A_549, %get3A_550, %get3A_551] {strides = array<i32>} : memref<32x8x64xf32, #tpu.memory_space<vmem>>, vector<16xf32>,
      tpu.vector_store_idx %arg14[%add3A_92, %broadcast_in_dim3A_536], %get3A_552 : memref<64x128xf32, #tpu.memory_space<vmem>>[vector<16xi32>, vector<16xi32>], vector<16xf32>,
      %slice3A_553 = vector.extract_strided_slice %get3A_178 {offsets = [14], sizes = [1], strides = [1]} : vector<16xi32> to vector<1xi32>
      %squeeze3A_554 = vector.extract %slice3A_553[0] : i32 from vector<1xi32>
      %and3A_555 = arith.constant 7 : i32
      %and3A_556 = arith.andi %squeeze3A_554, %and3A_555 : i32
      %mul3A_557 = arith.constant 16 : i32
      %mul3A_558 = arith.muli %scan3A_172, %mul3A_557 : i32
      %add3A_559 = arith.constant 14 : i32
      %add3A_560 = arith.addi %mul3A_558, %add3A_559 : i32
      %add3A_561 = arith.constant 14 : i32
      %add3A_562 = arith.addi %add3A_176, %add3A_561 : i32
      %broadcast_in_dim3A_563 = vector.broadcast %add3A_562 : i32 to vector<16xi32>
      %get3A_564 = arith.index_cast %add3A_560 : i32 to index
      %get3A_565 = arith.index_cast %and3A_556 : i32 to index
      %get3A_566 = arith.constant 0 : index
      %get3A_567 = tpu.vector_load %arg11[%get3A_564, %get3A_565, %get3A_566] {strides = array<i32>} : memref<32x8x64xf32, #tpu.memory_space<vmem>>, vector<16xf32>,
      tpu.vector_store_idx %arg14[%add3A_80, %broadcast_in_dim3A_563], %get3A_567 : memref<64x128xf32, #tpu.memory_space<vmem>>[vector<16xi32>, vector<16xi32>], vector<16xf32>,
      %get3A_568 = arith.index_cast %add3A_560 : i32 to index
      %get3A_569 = arith.index_cast %and3A_556 : i32 to index
      %get3A_570 = arith.constant 16 : index
      %get3A_571 = tpu.vector_load %arg11[%get3A_568, %get3A_569, %get3A_570] {strides = array<i32>} : memref<32x8x64xf32, #tpu.memory_space<vmem>>, vector<16xf32>,
      tpu.vector_store_idx %arg14[%add3A_84, %broadcast_in_dim3A_563], %get3A_571 : memref<64x128xf32, #tpu.memory_space<vmem>>[vector<16xi32>, vector<16xi32>], vector<16xf32>,
      %get3A_572 = arith.index_cast %add3A_560 : i32 to index
      %get3A_573 = arith.index_cast %and3A_556 : i32 to index
      %get3A_574 = arith.constant 32 : index
      %get3A_575 = tpu.vector_load %arg11[%get3A_572, %get3A_573, %get3A_574] {strides = array<i32>} : memref<32x8x64xf32, #tpu.memory_space<vmem>>, vector<16xf32>,
      tpu.vector_store_idx %arg14[%add3A_88, %broadcast_in_dim3A_563], %get3A_575 : memref<64x128xf32, #tpu.memory_space<vmem>>[vector<16xi32>, vector<16xi32>], vector<16xf32>,
      %get3A_576 = arith.index_cast %add3A_560 : i32 to index
      %get3A_577 = arith.index_cast %and3A_556 : i32 to index
      %get3A_578 = arith.constant 48 : index
      %get3A_579 = tpu.vector_load %arg11[%get3A_576, %get3A_577, %get3A_578] {strides = array<i32>} : memref<32x8x64xf32, #tpu.memory_space<vmem>>, vector<16xf32>,
      tpu.vector_store_idx %arg14[%add3A_92, %broadcast_in_dim3A_563], %get3A_579 : memref<64x128xf32, #tpu.memory_space<vmem>>[vector<16xi32>, vector<16xi32>], vector<16xf32>,
      %slice3A_580 = vector.extract_strided_slice %get3A_178 {offsets = [15], sizes = [1], strides = [1]} : vector<16xi32> to vector<1xi32>
      %squeeze3A_581 = vector.extract %slice3A_580[0] : i32 from vector<1xi32>
      %and3A_582 = arith.constant 7 : i32
      %and3A_583 = arith.andi %squeeze3A_581, %and3A_582 : i32
      %mul3A_584 = arith.constant 16 : i32
      %mul3A_585 = arith.muli %scan3A_172, %mul3A_584 : i32
      %add3A_586 = arith.constant 15 : i32
      %add3A_587 = arith.addi %mul3A_585, %add3A_586 : i32
      %add3A_588 = arith.constant 15 : i32
      %add3A_589 = arith.addi %add3A_176, %add3A_588 : i32
      %broadcast_in_dim3A_590 = vector.broadcast %add3A_589 : i32 to vector<16xi32>
      %get3A_591 = arith.index_cast %add3A_587 : i32 to index
      %get3A_592 = arith.index_cast %and3A_583 : i32 to index
      %get3A_593 = arith.constant 0 : index
      %get3A_594 = tpu.vector_load %arg11[%get3A_591, %get3A_592, %get3A_593] {strides = array<i32>} : memref<32x8x64xf32, #tpu.memory_space<vmem>>, vector<16xf32>,
      tpu.vector_store_idx %arg14[%add3A_80, %broadcast_in_dim3A_590], %get3A_594 : memref<64x128xf32, #tpu.memory_space<vmem>>[vector<16xi32>, vector<16xi32>], vector<16xf32>,
      %get3A_595 = arith.index_cast %add3A_587 : i32 to index
      %get3A_596 = arith.index_cast %and3A_583 : i32 to index
      %get3A_597 = arith.constant 16 : index
      %get3A_598 = tpu.vector_load %arg11[%get3A_595, %get3A_596, %get3A_597] {strides = array<i32>} : memref<32x8x64xf32, #tpu.memory_space<vmem>>, vector<16xf32>,
      tpu.vector_store_idx %arg14[%add3A_84, %broadcast_in_dim3A_590], %get3A_598 : memref<64x128xf32, #tpu.memory_space<vmem>>[vector<16xi32>, vector<16xi32>], vector<16xf32>,
      %get3A_599 = arith.index_cast %add3A_587 : i32 to index
      %get3A_600 = arith.index_cast %and3A_583 : i32 to index
      %get3A_601 = arith.constant 32 : index
      %get3A_602 = tpu.vector_load %arg11[%get3A_599, %get3A_600, %get3A_601] {strides = array<i32>} : memref<32x8x64xf32, #tpu.memory_space<vmem>>, vector<16xf32>,
      tpu.vector_store_idx %arg14[%add3A_88, %broadcast_in_dim3A_590], %get3A_602 : memref<64x128xf32, #tpu.memory_space<vmem>>[vector<16xi32>, vector<16xi32>], vector<16xf32>,
      %get3A_603 = arith.index_cast %add3A_587 : i32 to index
      %get3A_604 = arith.index_cast %and3A_583 : i32 to index
      %get3A_605 = arith.constant 48 : index
      %get3A_606 = tpu.vector_load %arg11[%get3A_603, %get3A_604, %get3A_605] {strides = array<i32>} : memref<32x8x64xf32, #tpu.memory_space<vmem>>, vector<16xf32>,
      tpu.vector_store_idx %arg14[%add3A_92, %broadcast_in_dim3A_590], %get3A_606 : memref<64x128xf32, #tpu.memory_space<vmem>>[vector<16xi32>, vector<16xi32>], vector<16xf32>,
    }
    %scan3A_171 = arith.constant 2 : i32
    "tpu.region"() ({
      %run_scoped3A = tpu.sem_alloc : memref<!tpu.dma_semaphore, #tpu.memory_space<semaphore_mem>>
      %dma_start3A_172 = arith.constant 0 : i32
      %dma_start3A_173 = tpu.memref_slice %arg6[%dma_start3A_172, %mul3A_2] : memref<64x4096xf32, #tpu.memory_space<hbm>> -> memref<64x128xf32, #tpu.memory_space<hbm>>
      %dma_start3A_174 = arith.constant 0 : i32
      %dma_start3A_175 = tpu.memref_slice %arg6[%dma_start3A_174, %mul3A_2] : memref<64x4096xf32, #tpu.memory_space<hbm>> -> memref<64x128xf32, #tpu.memory_space<hbm>>
      tpu.enqueue_dma source(%arg14 : memref<64x128xf32, #tpu.memory_space<vmem>>) target(%dma_start3A_175 : memref<64x128xf32, #tpu.memory_space<hbm>>) target_semaphore(%run_scoped3A : memref<!tpu.dma_semaphore, #tpu.memory_space<semaphore_mem>>)
      %dma_wait3A_176 = arith.constant 0 : i32
      %dma_wait3A_177 = tpu.memref_slice %arg6[%dma_wait3A_176, %mul3A_2] : memref<64x4096xf32, #tpu.memory_space<hbm>> -> memref<64x128xf32, #tpu.memory_space<hbm>>
      %dma_wait3A_178 = arith.constant 0 : i32
      %dma_wait3A_179 = tpu.memref_slice %arg6[%dma_wait3A_178, %mul3A_2] : memref<64x4096xf32, #tpu.memory_space<hbm>> -> memref<64x128xf32, #tpu.memory_space<hbm>>
      tpu.wait_dma2 semaphore(%run_scoped3A : memref<!tpu.dma_semaphore, #tpu.memory_space<semaphore_mem>>) src(%arg14 : memref<64x128xf32, #tpu.memory_space<vmem>>) dst(%dma_wait3A_179 : memref<64x128xf32, #tpu.memory_space<hbm>>)
      tpu.yield
    }) : () -> ()
    return
  }
}

</mosaic_0001>

<sc_bundles>
// kernel: kernel.3.cloned.1.call-start
scs
__scs_entry_jumppad:
0x0: {  	(pc) =	sbr.rel $0x88, $3  }
0x1: {  	(tag) =	ssettag $0x0;
	lr =	simm.s32 $0x1  }
0x2: {  	[smem:$0x3F9D] =	sst lr;
	_ =	strace $0xD0000000  }
0x3: {  	_ = 	snop  }
0x4: {  	_ = 	snop  }
0x5: {  	_ = 	snop  }
0x6: {  	_ = 	snop  }
0x7: {  	_ = 	snop  }
__scs_overlays_trampoline_lowered:
0x8: {  	[smem:$0x3FAC] =	sst s0  }
0x9: {  	[smem:$0x3FAD] =	sst s1  }
0xa: {  	[smem:$0x3FAE] =	sst s2  }
0xb: {  	[smem:$0x3FAF] =	sst s3  }
0xc: {  	[smem:$0x3FB0] =	sst s4  }
0xd: {  	[smem:$0x3FB1] =	sst s5  }
0xe: {  	[smem:$0x3FB2] =	sst s6  }
0xf: {  	[smem:$0x3FB3] =	sst s7  }
0x10: {  	[smem:$0x3FB4] =	sst s8  }
0x11: {  	[smem:$0x3FB5] =	sst s9;
	s0 =	simm.s32 @!p0 $0x0  }
0x12: {  	s1 =	sld [smem:$0x3F9B];
	s0 =	simm.s32 @p0 $0x1  }
0x13: {  	[smem:$0x3FB6] =	sst s0;
	s0 =	simm.s32 @!p1 $0x0  }
0x14: {  	s2 =	sld [smem:$0x3F9A];
	s0 =	simm.s32 @p1 $0x1  }
0x15: {  	[smem:$0x3FB7] =	sst s0;
	s0 =	simm.s32 @!p2 $0x0  }
0x16: {  	s3 =	sld [smem:$0x3FDB];
	s0 =	simm.s32 @p2 $0x1  }
0x17: {  	s4 =	simm.s32 $0x1BF5;
	[smem:$0x3FB9] =	sst s0  }
0x18: {  	s0 =	sld [smem:$0x3F9C];
	_ =	swait.ge [sflag:s4], $0x0  }
0x19: {  	s7 =	sld [smem:$0x3F9D]  }
0x1a: {  	s8 =	sadd.s32 $0xFFFFE003, lr  }
0x1b: {  	s9 =	sadd.s32 $0xFFFFFEF7, lr;
	s5 =	simm.s32 $0xFFFFFFFF;
	p2 =	slt.u32 s8, $0xFFFFF086  }
0x1c: {  	p1 =	slt.u32 s9, $0xF7A;
	s5 =	simm.s32 @!p2 $0x0  }
0x1d: {  	s5 =	simm.s32 @p1 $0x1;
	p0 =	seq.s32 s7, s2  }
0x1e: {  	s7 =	smul.u32 @!p0 $0xF7A, s2;
	p2 =	seq.s32 @!p0 s5, $0x0  }
0x1f: {  	s9 =	smul.u32 $0xF7A, s1;
	s8 =	simm.s32 @!p0 $0x1BF5;
	p2 =	por !p2, p0  }
0x20: {  	[sflag:s8] =	ssyncset.s32 @!p0 $0xFFFFF086;
	s6 =	sadd.s32 @!p0 s3, s7;
	s7 =	simm.s32 @!p0 $0x108  }
0x21: {  	s3 =	sadd.s32 s3, s9;
	s6 =	sadd.s32 @!p0 $0x88, s6;
	s7 =	simm.s32 @p2 $0x1082  }
0x22: {  	[simem:s7], [sflag:s8] =	dma.local @!p0 [hbm:s6], $0xF7A  }
0x23: {  	s9 =	sor.u32 $0xD0000000, s2;
	s6 =	simm.s32 $0x108;
	_ =	swait.ge @!p0 [sflag:s8], $0x0  }
0x24: {  	s3 =	sadd.s32 $0x88, s3;
	s6 =	simm.s32 @!p1 $0x1082;
	[sflag:s4] =	ssyncset.s32 $0xFFFFF086  }
0x25: {  	[simem:s6], [sflag:s4] =	dma.local [hbm:s3], $0xF7A  }
0x26: {  	[smem:$0x3F9D] =	sst s1;
	(tag) =	ssettag s2;
	_ =	strace s9  }
0x27: {  	s1 =	sld [smem:$0x3FAD]  }
0x28: {  	s2 =	sld [smem:$0x3FAE]  }
0x29: {  	s4 =	sld [smem:$0x3FB0]  }
0x2a: {  	p0 =	seq.s32 s5, $0x0;
	s5 =	sld [smem:$0x3FB1]  }
0x2b: {  	s6 =	sld [smem:$0x3FB2]  }
0x2c: {  	s7 =	sld [smem:$0x3FB3]  }
0x2d: {  	s3 =	simm.s32 $0x108;
	s8 =	sld [smem:$0x3FB4]  }
0x2e: {  	s3 =	simm.s32 @!p0 $0x1082;
	s9 =	sld [smem:$0x3FB5]  }
0x2f: {  	lr =	sadd.s32 s0, s3;
	s0 =	sld [smem:$0x3FAC]  }
0x30: {  	s3 =	sld [smem:$0x3FAF]  }
0x31: {  	[smem:$0x3FB8] =	sst s10  }
0x32: {  	s10 =	sld [smem:$0x3FB6];
	_ =	sdelay $0x3  }
0x33: {  	p0 =	seq.s32 s10, $0x1;
	s10 =	sld [smem:$0x3FB8];
	_ =	sdelay $0x3  }
0x34: {  	[smem:$0x3FB8] =	sst s10  }
0x35: {  	s10 =	sld [smem:$0x3FB7];
	_ =	sdelay $0x3  }
0x36: {  	p1 =	seq.s32 s10, $0x1;
	s10 =	sld [smem:$0x3FB8];
	_ =	sdelay $0x3  }
0x37: {  	[smem:$0x3FB8] =	sst s10  }
0x38: {  	s10 =	sld [smem:$0x3FB9]  }
0x39: {  	_ = 	snop;
	(pc) =	sbr.ind lr, $3  }
0x3a: {  	_ = 	snop  }
0x3b: {  	_ = 	snop  }
0x3c: {  	p2 =	seq.s32 s10, $0x1;
	s10 =	sld [smem:$0x3FB8]  }
0x3d: {  	_ =	shalt  }
0x3e: {  	_ =	shalt  }
0x3f: {  	_ =	shalt  }
0x40: {  	_ =	shalt  }
0x41: {  	_ =	shalt  }
0x42: {  	_ =	shalt  }
0x43: {  	_ =	shalt  }
0x44: {  	_ =	shalt  }
0x45: {  	_ =	shalt  }
0x46: {  	_ =	shalt  }
0x47: {  	_ =	shalt  }
0x48: {  	_ =	shalt  }
0x49: {  	_ =	shalt  }
0x4a: {  	_ =	shalt  }
0x4b: {  	_ =	shalt  }
0x4c: {  	_ =	shalt  }
0x4d: {  	_ =	shalt  }
0x4e: {  	_ =	shalt  }
0x4f: {  	_ =	shalt  }
0x50: {  	_ =	shalt  }
0x51: {  	_ =	shalt  }
0x52: {  	_ =	shalt  }
0x53: {  	_ =	shalt  }
0x54: {  	_ =	shalt  }
0x55: {  	_ =	shalt  }
0x56: {  	_ =	shalt  }
0x57: {  	_ =	shalt  }
0x58: {  	_ =	shalt  }
0x59: {  	_ =	shalt  }
0x5a: {  	_ =	shalt  }
0x5b: {  	_ =	shalt  }
0x5c: {  	_ =	shalt  }
0x5d: {  	_ =	shalt  }
0x5e: {  	_ =	shalt  }
0x5f: {  	_ =	shalt  }
0x60: {  	_ =	shalt  }
0x61: {  	_ =	shalt  }
0x62: {  	_ =	shalt  }
0x63: {  	_ =	shalt  }
0x64: {  	_ =	shalt  }
0x65: {  	_ =	shalt  }
0x66: {  	_ =	shalt  }
0x67: {  	_ =	shalt  }
0x68: {  	_ =	shalt  }
0x69: {  	_ =	shalt  }
0x6a: {  	_ =	shalt  }
0x6b: {  	_ =	shalt  }
0x6c: {  	_ =	shalt  }
0x6d: {  	_ =	shalt  }
0x6e: {  	_ =	shalt  }
0x6f: {  	_ =	shalt  }
0x70: {  	_ =	shalt  }
0x71: {  	_ =	shalt  }
0x72: {  	_ =	shalt  }
0x73: {  	_ =	shalt  }
0x74: {  	_ =	shalt  }
0x75: {  	_ =	shalt  }
0x76: {  	_ =	shalt  }
0x77: {  	_ =	shalt  }
0x78: {  	_ =	shalt  }
0x79: {  	_ =	shalt  }
0x7a: {  	_ =	shalt  }
0x7b: {  	_ =	shalt  }
0x7c: {  	_ =	shalt  }
0x7d: {  	_ =	shalt  }
0x7e: {  	_ =	shalt  }
0x7f: {  	_ =	shalt  }
0x80: {  	_ =	shalt  }
0x81: {  	_ =	shalt  }
0x82: {  	_ =	shalt  }
0x83: {  	_ =	shalt  }
0x84: {  	_ =	shalt  }
0x85: {  	_ =	shalt  }
0x86: {  	_ =	shalt  }
0x87: {  	_ =	shalt  }
.Lfunc_end0:
.L_simem_size_0:
called_computation_lowered:
.L_overlay_start_0:
0x88: {  	s2 =	sld [smem:$0x3FD9]  }
0x89: {  	s3 =	sld [smem:$0x3FFE];
	_ =	sdelay $0x1  }
0x8a: {  	s1 =	srdreg.scid  }
0x8b: {  	s0 =	sand.u32 $0x1, s1  }
0x8c: {  	s17 =	sshll.u32 s0, $0xA;
	s2 =	sadd.s32 s3, s2  }
0x8d: {  	s2 =	sadd.s32 s2, s17  }
0x8e: {  	[smem:$0x3FC4] =	sst s2  }
0x8f: {  	_ = 	snop  }
0x90: {  	s2 =	sld [smem:$0x3FC9]  }
0x91: {  	s18 =	sld [smem:$0x3FC8]  }
0x92: {  	s4 =	sld [smem:$0x3FC7]  }
0x93: {  	s5 =	sld [smem:$0x3FD0];
	(tm) =	ssettm $0x1  }
0x94: {  	s6 =	sld [smem:$0x3FFB];
	_ =	sdelay $0x3  }
0x95: {  	_ =	strace s6  }
0x96: {  	s6 =	sld [smem:$0x3FFC];
	_ =	sdelay $0x3  }
0x97: {  	_ =	strace s6  }
0x98: {  	s6 =	sld [smem:$0x3FFD];
	_ =	sdelay $0x3  }
0x99: {  	_ =	strace s6  }
0x9a: {  	_ =	strace $0x8FFFFFFF  }
0x9b: {  	s19 =	sld [smem:$0x3FDB];
	_ =	sdelay $0x1  }
0x9c: {  	s7 =	simm.s32 $_scs_section_size  }
0x9d: {  	s8 =	simm.s32 $_size__tile_overlayer_lowered;
	s9 =	simm.s32 $_tile_overlayer_lowered  }
0x9e: {  	s22 =	simm.s32 $0x1BFF;
	s21 =	sshll.u32 s9, $0x1;
	s6 =	sadd.s32 s7, s19  }
0x9f: {  	s10 =	simm.s32 $0x0;
	s20 =	sshll.u32 s8, $0x1;
	s8 =	sadd.s32 s21, s6  }
0xa0: {  	[timem:s10], [sflag:s22] =	dma.local [hbm:s8], s20  }
0xa1: {  	_ =	swait.ge [sflag:s22], s20  }
0xa2: {  	s7 =	ssub.s32 $0x0, s20;
	[sflag:s22] =	ssyncset.done $0x0  }
0xa3: {  	[sflag:s22] =	ssyncadd.s32 s7;
	_ =	sdelay $0x1  }
0xa4: {  	s23 =	simm.s32 $0x1B8B  }
0xa5: {  	_ =	swait.ge [sflag:s23], $0x1  }
0xa6: {  	[sflag:s23] =	ssyncset.done $0x0  }
0xa7: {  	s25 =	simm.s32 $0x1B8E;
	s24 =	sld [smem:$0x3FFE];
	[sflag:s23] =	ssyncadd.s32 $0xFFFFFFFF  }
0xa8: {  	s26 =	simm.s32 $execute0_lowered;
	[smem:$0x3FD2] =	sst s25  }
0xa9: {  	s8 =	sshll.u32 s26, $0x1;
	_ =	strace $0x80000046;
	[dreg:$0x1] =	wrdreg $0xFFFFFFFF  }
0xaa: {  	s28 =	simm.s32 $_size_execute0_lowered;
	s6 =	sadd.s32 s6, s8;
	[dreg:$0x0] =	wrdreg $0x0  }
0xab: {  	s8 =	sshll.u32 s28, $0x1;
	[dreg:$0x2] =	wrdreg s6  }
0xac: {  	[dreg:$0x3] =	wrdreg s8  }
0xad: {  	[dreg:$0x4] =	wrdreg $0xC0  }
0xae: {  	_ =	task [dreg:s10], $0x5FFFF  }
0xaf: {  	[dreg:$0x1] =	wrdreg $0xFFFFFFFF  }
0xb0: {  	[dreg:$0x0] =	wrdreg $0x60  }
0xb1: {  	[dreg:$0x2] =	wrdreg s2  }
0xb2: {  	[dreg:$0x3] =	wrdreg s18  }
0xb3: {  	[dreg:$0x4] =	wrdreg s4  }
0xb4: {  	[dreg:$0x5] =	wrdreg s24  }
0xb5: {  	[dreg:$0x6] =	wrdreg s5  }
0xb6: {  	[dreg:$0x7] =	wrdreg $0x9  }
0xb7: {  	_ =	task.clear_ibuf [dreg:s10], $0x8FFFF;
	_ =	strace $0x90000046  }
0xb8: {  	s29 =	simm.s32 $0x9;
	_ =	strace $0x80000048  }
0xb9: {  	_ =	swait.ge [sflag:s29], $0x1  }
0xba: {  	[sflag:s29] =	ssyncadd.s32 $0xFFFFFFFF  }
0xbb: {  	_ =	strace $0x90000048  }
0xbc: {  	_ =	sfence  }
0xbd: {  	s30 =	sld [smem:$0x0];
	_ =	sdelay $0x2  }
0xbe: {  	s31 =	sshll.u32 s1, $0xD;
	s1 =	sshrl.u32 s1, $0x2  }
0xbf: {  	s3 =	sand.u32 $0x4000, s31;
	s1 =	sadd.s32 s1, s30  }
0xc0: {  	s0 =	sor.u32 s3, s0;
	s1 =	sshll.u32 s1, $0x11  }
0xc1: {  	s0 =	sor.u32 s1, s0  }
0xc2: {  	s0 =	sadd.s32 $0x8F2B, s0  }
0xc3: {  	[sflag:s0] =	ssyncadd.remote.s32 $0x1  }
0xc4: {  	_ =	sfence.sel $0xFFFF  }
0xc5: {  	[dreg:$0x0] =	wrdreg $0xFFFFFFFF;
	(pc) =	sbr.abs _section_cstart, $3  }
0xc6: {  	[dreg:$0x1] =	wrdreg $0xFFFFFFFF  }
0xc7: {  	_ =	task.clear_ibuf [dreg:s10], $0x2FFFF;
	_ =	strace $0x9FFFFFFF  }
0xc8: {  	(tm) =	ssettm $0x7FFFFFFF  }
0xc9: {  	_ =	shalt  }
tec
execute0_lowered:
.L_overlay_start_1:
0x0: {  	(tag) =	ssettag $0x1  }
0x1: {  	s5 =	rddreg [dreg:$0x0]  }
0x2: {  	s6 =	rddreg [dreg:$0x1]  }
0x3: {  	s1 =	rddreg [dreg:$0x2]  }
0x4: {  	s4 =	rddreg [dreg:$0x3]  }
0x5: {  	s7 =	rddreg [dreg:$0x4]  }
0x6: {  	s0 =	rddreg [dreg:$0x5];
	s8 =	srdreg.scid  }
0x7: {  	s3 =	simm.s32 $0x0;
	s2 =	stileid.u32;
	s12 =	simm.s32 $0x2  }
0x8: {  	s13 =	simm.s32 $0x3;
	s14 =	simm.s32 $0x18200;
	s15 =	simm.s32 $0x400  }
0x9: {  	s16 =	simm.s32 $0x8000;
	s17 =	simm.s32 $0x4;
	s18 =	simm.s32 $0x0  }
0xa: {  	s8 =	sand.u32 $0x1, s8;
	[smem:$0x7FF] =	sst s3;
	s10 =	sshll.u32 s2, $0x1  }
0xb: {  	s4 =	sadd.s32 $0x400, s4;
	s9 =	ssub.s32 $0x2, s8;
	s8 =	sor.u32 s8, s10  }
0xc: {  	v0 =	vlaneseq.u32;
	_ =	strace $0x80000047;
	s11 =	sshrl.u32 s9, $0x1;
	s10 =	sshll.u32 s8, $0x4  }
0xd: {  	v0 =	vmul.u32 $0x80, v0;
	s8 =	sshll.u32 s8, $0x7;
	s9 =	ssub.s32 s9, s11;
	s5 =	sadd.s32 s5, s10  }
0xe: {  	s6 =	sadd.s32 s6, s10;
	s7 =	sadd.s32 s7, s8;
	s10 =	simm.s32 $0x180  }
0xf: {  	v1 =	vor.u32 $0x800, v0;
	v2 =	vor.u32 $0x1000, v0;
	v3 =	vor.u32 $0x1800, v0;
	s11 =	simm.s32 $0x1;
	s8 =	smax.u32 s9, $0x1;
	s9 =	simm.s32 $0x80  }
.LBB2_1:
0x10: {  	[tilespmem:s3], [sflag:$0x1] =	stream.linear.gather [hbm4b:s5+s3], $0x80, $0x38;
	[tilespmem:$0x1A200] =	vst v63  }
0x11: {  	_ = 	snop  }
0x12: {  	[tilespmem:s9], [sflag:$0x2] =	stream.linear.gather [hbm4b:s6+s3], $0x80, $0x38;
	[tilespmem:$0x1A200] =	vst v63  }
0x13: {  	_ = 	snop  }
0x14: {  	[tilespmem:s10], [sflag:$0x3] =	stream.linear.gather [hbm4b:s1+s3], $0x64, $0x38;
	[tilespmem:$0x1A200] =	vst v63  }
0x15: {  	_ =	swait.ge [sflag:s11], $0x80  }
0x16: {  	[sflag:s11] =	ssyncset.done $0x0  }
0x17: {  	[sflag:s11] =	ssyncadd.s32 $0xFFFFFF80  }
0x18: {  	_ =	swait.ge [sflag:s12], $0x80  }
0x19: {  	[sflag:s12] =	ssyncset.done $0x0  }
0x1a: {  	[sflag:s12] =	ssyncadd.s32 $0xFFFFFF80  }
0x1b: {  	_ =	swait.ge [sflag:s13], $0x64  }
0x1c: {  	[sflag:s13] =	ssyncset.done $0x0  }
0x1d: {  	[sflag:s13] =	ssyncadd.s32 $0xFFFFFF9C  }
0x1e: {  	v4 =	vld [tilespmem:$0x0];
	_ =	sdelay $0x5  }
0x1f: {  	v5 =	vld [tilespmem:$0x10]  }
0x20: {  	v6 =	vld [tilespmem:$0x80]  }
0x21: {  	v4 =	vld.idx.msk [tilespmem:v4+s10+$0x0], $0xffff;
	_ =	sdelay $0x4  }
0x22: {  	v4 =	vadd.s32 v4, v6  }
0x23: {  	[tilespmem:$0x100] =	vst v4  }
0x24: {  	v4 =	vld.idx.msk [tilespmem:v5+s10+$0x0], $0xffff  }
0x25: {  	v5 =	vld [tilespmem:$0x20]  }
0x26: {  	v58 =	vld [tilespmem:$0x90];
	_ =	sdelay $0x4  }
0x27: {  	v4 =	vadd.s32 v4, v58  }
0x28: {  	[tilespmem:$0x110] =	vst v4  }
0x29: {  	v4 =	vld.idx.msk [tilespmem:v5+s10+$0x0], $0xffff  }
0x2a: {  	v5 =	vld [tilespmem:$0x30]  }
0x2b: {  	v59 =	vld [tilespmem:$0xA0];
	_ =	sdelay $0x4  }
0x2c: {  	v4 =	vadd.s32 v4, v59  }
0x2d: {  	[tilespmem:$0x120] =	vst v4  }
0x2e: {  	v4 =	vld.idx.msk [tilespmem:v5+s10+$0x0], $0xffff  }
0x2f: {  	v5 =	vld [tilespmem:$0x40]  }
0x30: {  	v60 =	vld [tilespmem:$0xB0];
	_ =	sdelay $0x4  }
0x31: {  	v4 =	vadd.s32 v4, v60  }
0x32: {  	[tilespmem:$0x130] =	vst v4  }
0x33: {  	v4 =	vld.idx.msk [tilespmem:v5+s10+$0x0], $0xffff  }
0x34: {  	v5 =	vld [tilespmem:$0x50]  }
0x35: {  	v61 =	vld [tilespmem:$0xC0];
	_ =	sdelay $0x4  }
0x36: {  	v4 =	vadd.s32 v4, v61  }
0x37: {  	[tilespmem:$0x140] =	vst v4  }
0x38: {  	v4 =	vld.idx.msk [tilespmem:v5+s10+$0x0], $0xffff  }
0x39: {  	v5 =	vld [tilespmem:$0x60]  }
0x3a: {  	v62 =	vld [tilespmem:$0xD0];
	_ =	sdelay $0x4  }
0x3b: {  	v4 =	vadd.s32 v4, v62  }
0x3c: {  	[tilespmem:$0x150] =	vst v4  }
0x3d: {  	v4 =	vld.idx.msk [tilespmem:v5+s10+$0x0], $0xffff  }
0x3e: {  	v5 =	vld [tilespmem:$0x70]  }
0x3f: {  	v63 =	vld [tilespmem:$0xE0];
	_ =	sdelay $0x4  }
0x40: {  	v4 =	vadd.s32 v4, v63  }
0x41: {  	[tilespmem:$0x160] =	vst v4  }
0x42: {  	v4 =	vld.idx.msk [tilespmem:v5+s10+$0x0], $0xffff  }
0x43: {  	v5 =	vld [tilespmem:$0xF0];
	_ =	sdelay $0x4  }
0x44: {  	v4 =	vadd.s32 v4, v5  }
0x45: {  	p0 =	por $0x1, $0x1;
	p1 =	por $0x1, $0x1;
	s20 =	simm.s32 $0x0;
	[tilespmem:$0x170] =	vst v4  }
.LBB2_2:
0x46: {  	s19 =	sshll.u32 s20, $0x4  }
0x47: {  	s19 =	sand.u32 $0x3FFFFFF0, s19  }
0x48: {  	v4 =	vld [tilespmem:s19+$0x100];
	_ =	sdelay $0x4  }
0x49: {  	v4 =	vshll.u32 v4, $0x4  }
0x4a: {  	(v2sf) =	vpush v4, $0x0;
	_ =	sdelay $0x1  }
0x4b: {  	(v2sf) =	vpush v4, $0x1;
	_ =	sdelay $0x1  }
0x4c: {  	(v2sf) =	vpush v4, $0x2;
	_ =	sdelay $0x4  }
0x4d: {  	(v2sf) =	vpush v4, $0x3;
	_ =	sdelay $0x5  }
0x4e: {  	s21 =	spop (v2sf);
	(v2sf) =	vpush v4, $0x4;
	_ =	sdelay $0x1  }
0x4f: {  	s28 =	spop (v2sf);
	(v2sf) =	vpush v4, $0x5;
	_ =	sdelay $0x1  }
0x50: {  	s30 =	spop (v2sf);
	(v2sf) =	vpush v4, $0x6  }
0x51: {  	s24 =	sshll.u32 s20, $0xE  }
0x52: {  	s20 =	sand.u32 $0x3FFFC000, s24;
	s25 =	sand.u32 $0x1FFFFF80, s21  }
0x53: {  	s26 =	sor.u32 $0x200, s20;
	s19 =	simm.s32 $0x0;
	s22 =	sadd.s32 s4, s25  }
0x54: {  	[tilespmem:s26], [sflag:$0x1] =	stream.linear.gather [hbm4b:s22+s19], $0x400, $0x38;
	[tilespmem:$0x1A200] =	vst v63  }
0x55: {  	s21 =	sand.u32 $0x1FFFFF80, s28;
	s23 =	spop (v2sf);
	(v2sf) =	vpush v4, $0x7  }
0x56: {  	s29 =	sor.u32 $0x600, s20;
	s21 =	sadd.s32 s4, s21  }
0x57: {  	[tilespmem:s29], [sflag:$0x1] =	stream.linear.gather [hbm4b:s21+s19], $0x400, $0x38;
	[tilespmem:$0x1A200] =	vst v63  }
0x58: {  	s21 =	sand.u32 $0x1FFFFF80, s30  }
0x59: {  	s31 =	sor.u32 $0xA00, s20;
	s21 =	sadd.s32 s4, s21  }
0x5a: {  	[tilespmem:s31], [sflag:$0x1] =	stream.linear.gather [hbm4b:s21+s19], $0x400, $0x38;
	[tilespmem:$0x1A200] =	vst v63  }
0x5b: {  	s25 =	spop (v2sf);
	(v2sf) =	vpush v4, $0x8  }
0x5c: {  	s21 =	sand.u32 $0x1FFFFF80, s23  }
0x5d: {  	s24 =	sor.u32 $0xE00, s20;
	s21 =	sadd.s32 s4, s21;
	s28 =	spop (v2sf);
	(v2sf) =	vpush v4, $0x9  }
0x5e: {  	[tilespmem:s24], [sflag:$0x1] =	stream.linear.gather [hbm4b:s21+s19], $0x400, $0x38;
	[tilespmem:$0x1A200] =	vst v63  }
0x5f: {  	s30 =	spop (v2sf);
	(v2sf) =	vpush v4, $0xA  }
0x60: {  	s21 =	sand.u32 $0x1FFFFF80, s25  }
0x61: {  	s26 =	sor.u32 $0x1200, s20;
	s21 =	sadd.s32 s4, s21  }
0x62: {  	[tilespmem:s26], [sflag:$0x1] =	stream.linear.gather [hbm4b:s21+s19], $0x400, $0x38;
	[tilespmem:$0x1A200] =	vst v63  }
0x63: {  	s21 =	sand.u32 $0x1FFFFF80, s28  }
0x64: {  	s29 =	sor.u32 $0x1600, s20;
	s23 =	spop (v2sf);
	s21 =	sadd.s32 s4, s21  }
0x65: {  	(v2sf) =	vpush v4, $0xB;
	[tilespmem:s29], [sflag:$0x1] =	stream.linear.gather [hbm4b:s21+s19], $0x400, $0x38;
	[tilespmem:$0x1A200] =	vst v63  }
0x66: {  	s21 =	sand.u32 $0x1FFFFF80, s30  }
0x67: {  	s31 =	sor.u32 $0x1A00, s20;
	s21 =	sadd.s32 s4, s21  }
0x68: {  	[tilespmem:s31], [sflag:$0x1] =	stream.linear.gather [hbm4b:s21+s19], $0x400, $0x38;
	[tilespmem:$0x1A200] =	vst v63  }
0x69: {  	s21 =	sand.u32 $0x1FFFFF80, s23  }
0x6a: {  	s24 =	sor.u32 $0x1E00, s20;
	s21 =	sadd.s32 s4, s21;
	s25 =	spop (v2sf);
	(v2sf) =	vpush v4, $0xC  }
0x6b: {  	[tilespmem:s24], [sflag:$0x1] =	stream.linear.gather [hbm4b:s21+s19], $0x400, $0x38;
	[tilespmem:$0x1A200] =	vst v63  }
0x6c: {  	s28 =	spop (v2sf);
	(v2sf) =	vpush v4, $0xD  }
0x6d: {  	s21 =	sand.u32 $0x1FFFFF80, s25  }
0x6e: {  	s26 =	sor.u32 $0x2200, s20;
	s21 =	sadd.s32 s4, s21;
	s30 =	spop (v2sf)  }
0x6f: {  	(v2sf) =	vpush v4, $0xE;
	[tilespmem:s26], [sflag:$0x1] =	stream.linear.gather [hbm4b:s21+s19], $0x400, $0x38;
	[tilespmem:$0x1A200] =	vst v63  }
0x70: {  	s21 =	sand.u32 $0x1FFFFF80, s28  }
0x71: {  	s29 =	sor.u32 $0x2600, s20;
	s21 =	sadd.s32 s4, s21  }
0x72: {  	[tilespmem:s29], [sflag:$0x1] =	stream.linear.gather [hbm4b:s21+s19], $0x400, $0x38;
	[tilespmem:$0x1A200] =	vst v63  }
0x73: {  	s21 =	sand.u32 $0x1FFFFF80, s30  }
0x74: {  	s31 =	sor.u32 $0x2A00, s20;
	s22 =	spop (v2sf);
	(v2sf) =	vpush v4, $0xF;
	s21 =	sadd.s32 s4, s21  }
0x75: {  	[tilespmem:s31], [sflag:$0x1] =	stream.linear.gather [hbm4b:s21+s19], $0x400, $0x38;
	[tilespmem:$0x1A200] =	vst v63  }
0x76: {  	s21 =	sand.u32 $0x1FFFFF80, s22  }
0x77: {  	s23 =	sor.u32 $0x2E00, s20;
	s21 =	sadd.s32 s4, s21  }
0x78: {  	[tilespmem:s23], [sflag:$0x1] =	stream.linear.gather [hbm4b:s21+s19], $0x400, $0x38;
	[tilespmem:$0x1A200] =	vst v63  }
0x79: {  	s24 =	spop (v2sf)  }
0x7a: {  	s21 =	sand.u32 $0x1FFFFF80, s24  }
0x7b: {  	s25 =	sor.u32 $0x3200, s20;
	s26 =	spop (v2sf);
	s21 =	sadd.s32 s4, s21  }
0x7c: {  	[tilespmem:s25], [sflag:$0x1] =	stream.linear.gather [hbm4b:s21+s19], $0x400, $0x38;
	[tilespmem:$0x1A200] =	vst v63  }
0x7d: {  	s21 =	sand.u32 $0x1FFFFF80, s26  }
0x7e: {  	s28 =	sor.u32 $0x3600, s20;
	s29 =	spop (v2sf);
	s21 =	sadd.s32 s4, s21  }
0x7f: {  	[tilespmem:s28], [sflag:$0x1] =	stream.linear.gather [hbm4b:s21+s19], $0x400, $0x38;
	[tilespmem:$0x1A200] =	vst v63  }
0x80: {  	s21 =	sand.u32 $0x1FFFFF80, s29  }
0x81: {  	p2 =	por p1, p1;
	s30 =	sor.u32 $0x3A00, s20;
	s21 =	sadd.s32 s4, s21  }
0x82: {  	[tilespmem:s30], [sflag:$0x1] =	stream.linear.gather [hbm4b:s21+s19], $0x400, $0x38;
	[tilespmem:$0x1A200] =	vst v63  }
.Ltmp0:
0x83: {  	s31 =	spop (v2sf);
	(pc) =	sbr.rel @p2 .LBB2_2-.Ltmp0, $4  }
0x84: {  	s21 =	sand.u32 $0x1FFFFF80, s31  }
0x85: {  	s20 =	sor.u32 $0x3E00, s20;
	s21 =	sadd.s32 s4, s21  }
0x86: {  	[tilespmem:s20], [sflag:$0x1] =	stream.linear.gather [hbm4b:s21+s19], $0x400, $0x38;
	[tilespmem:$0x1A200] =	vst v63  }
0x87: {  	p1 =	por $0x0, $0x0;
	s20 =	simm.s32 $0x1  }
0x88: {  	s20 =	simm.s32 $0x0  }
.LBB2_4:
0x89: {  	s21 =	sshll.u32 s20, $0x4  }
0x8a: {  	s21 =	sand.u32 $0x3FFFFFF0, s21  }
0x8b: {  	v4 =	vld [tilespmem:s21+$0x120];
	_ =	sdelay $0x4  }
0x8c: {  	v4 =	vshll.u32 v4, $0x4  }
0x8d: {  	(v2sf) =	vpush v4, $0x0;
	_ =	sdelay $0x1  }
0x8e: {  	(v2sf) =	vpush v4, $0x1;
	_ =	sdelay $0x1  }
0x8f: {  	(v2sf) =	vpush v4, $0x2;
	_ =	sdelay $0x4  }
0x90: {  	(v2sf) =	vpush v4, $0x3;
	_ =	sdelay $0x5  }
0x91: {  	s26 =	spop (v2sf);
	(v2sf) =	vpush v4, $0x4;
	_ =	sdelay $0x1  }
0x92: {  	s28 =	spop (v2sf);
	(v2sf) =	vpush v4, $0x5;
	_ =	sdelay $0x1  }
0x93: {  	s30 =	spop (v2sf);
	(v2sf) =	vpush v4, $0x6  }
0x94: {  	s25 =	sshll.u32 s20, $0xE  }
0x95: {  	s20 =	sand.u32 $0x3FFFC000, s25;
	s21 =	sand.u32 $0x1FFFFF80, s26  }
0x96: {  	s22 =	sadd.s32 $0x8200, s20;
	s21 =	sadd.s32 s4, s21  }
0x97: {  	[tilespmem:s22], [sflag:$0x2] =	stream.linear.gather [hbm4b:s21+s19], $0x400, $0x38;
	[tilespmem:$0x1A200] =	vst v63  }
0x98: {  	s21 =	sand.u32 $0x1FFFFF80, s28;
	s23 =	spop (v2sf);
	(v2sf) =	vpush v4, $0x7  }
0x99: {  	s29 =	sadd.s32 $0x8600, s20;
	s21 =	sadd.s32 s4, s21  }
0x9a: {  	[tilespmem:s29], [sflag:$0x2] =	stream.linear.gather [hbm4b:s21+s19], $0x400, $0x38;
	[tilespmem:$0x1A200] =	vst v63  }
0x9b: {  	s21 =	sand.u32 $0x1FFFFF80, s30  }
0x9c: {  	s31 =	sadd.s32 $0x8A00, s20;
	s21 =	sadd.s32 s4, s21  }
0x9d: {  	[tilespmem:s31], [sflag:$0x2] =	stream.linear.gather [hbm4b:s21+s19], $0x400, $0x38;
	[tilespmem:$0x1A200] =	vst v63  }
0x9e: {  	s25 =	spop (v2sf);
	(v2sf) =	vpush v4, $0x8  }
0x9f: {  	s21 =	sand.u32 $0x1FFFFF80, s23  }
0xa0: {  	s24 =	sadd.s32 $0x8E00, s20;
	s21 =	sadd.s32 s4, s21;
	s28 =	spop (v2sf);
	(v2sf) =	vpush v4, $0x9  }
0xa1: {  	[tilespmem:s24], [sflag:$0x2] =	stream.linear.gather [hbm4b:s21+s19], $0x400, $0x38;
	[tilespmem:$0x1A200] =	vst v63  }
0xa2: {  	s30 =	spop (v2sf);
	(v2sf) =	vpush v4, $0xA  }
0xa3: {  	s21 =	sand.u32 $0x1FFFFF80, s25  }
0xa4: {  	s26 =	sadd.s32 $0x9200, s20;
	s21 =	sadd.s32 s4, s21  }
0xa5: {  	[tilespmem:s26], [sflag:$0x2] =	stream.linear.gather [hbm4b:s21+s19], $0x400, $0x38;
	[tilespmem:$0x1A200] =	vst v63  }
0xa6: {  	s21 =	sand.u32 $0x1FFFFF80, s28  }
0xa7: {  	s29 =	sadd.s32 $0x9600, s20;
	s23 =	spop (v2sf);
	s21 =	sadd.s32 s4, s21  }
0xa8: {  	(v2sf) =	vpush v4, $0xB;
	[tilespmem:s29], [sflag:$0x2] =	stream.linear.gather [hbm4b:s21+s19], $0x400, $0x38;
	[tilespmem:$0x1A200] =	vst v63  }
0xa9: {  	s21 =	sand.u32 $0x1FFFFF80, s30  }
0xaa: {  	s31 =	sadd.s32 $0x9A00, s20;
	s21 =	sadd.s32 s4, s21  }
0xab: {  	[tilespmem:s31], [sflag:$0x2] =	stream.linear.gather [hbm4b:s21+s19], $0x400, $0x38;
	[tilespmem:$0x1A200] =	vst v63  }
0xac: {  	s21 =	sand.u32 $0x1FFFFF80, s23  }
0xad: {  	s24 =	sadd.s32 $0x9E00, s20;
	s21 =	sadd.s32 s4, s21;
	s25 =	spop (v2sf);
	(v2sf) =	vpush v4, $0xC  }
0xae: {  	[tilespmem:s24], [sflag:$0x2] =	stream.linear.gather [hbm4b:s21+s19], $0x400, $0x38;
	[tilespmem:$0x1A200] =	vst v63  }
0xaf: {  	s28 =	spop (v2sf);
	(v2sf) =	vpush v4, $0xD  }
0xb0: {  	s21 =	sand.u32 $0x1FFFFF80, s25  }
0xb1: {  	s26 =	sadd.s32 $0xA200, s20;
	s21 =	sadd.s32 s4, s21;
	s30 =	spop (v2sf)  }
0xb2: {  	(v2sf) =	vpush v4, $0xE;
	[tilespmem:s26], [sflag:$0x2] =	stream.linear.gather [hbm4b:s21+s19], $0x400, $0x38;
	[tilespmem:$0x1A200] =	vst v63  }
0xb3: {  	s21 =	sand.u32 $0x1FFFFF80, s28  }
0xb4: {  	s29 =	sadd.s32 $0xA600, s20;
	s21 =	sadd.s32 s4, s21  }
0xb5: {  	[tilespmem:s29], [sflag:$0x2] =	stream.linear.gather [hbm4b:s21+s19], $0x400, $0x38;
	[tilespmem:$0x1A200] =	vst v63  }
0xb6: {  	s21 =	sand.u32 $0x1FFFFF80, s30  }
0xb7: {  	s31 =	sadd.s32 $0xAA00, s20;
	s22 =	spop (v2sf);
	(v2sf) =	vpush v4, $0xF;
	s21 =	sadd.s32 s4, s21  }
0xb8: {  	[tilespmem:s31], [sflag:$0x2] =	stream.linear.gather [hbm4b:s21+s19], $0x400, $0x38;
	[tilespmem:$0x1A200] =	vst v63  }
0xb9: {  	s21 =	sand.u32 $0x1FFFFF80, s22  }
0xba: {  	s23 =	sadd.s32 $0xAE00, s20;
	s21 =	sadd.s32 s4, s21  }
0xbb: {  	[tilespmem:s23], [sflag:$0x2] =	stream.linear.gather [hbm4b:s21+s19], $0x400, $0x38;
	[tilespmem:$0x1A200] =	vst v63  }
0xbc: {  	s24 =	spop (v2sf)  }
0xbd: {  	s21 =	sand.u32 $0x1FFFFF80, s24  }
0xbe: {  	s25 =	sadd.s32 $0xB200, s20;
	s26 =	spop (v2sf);
	s21 =	sadd.s32 s4, s21  }
0xbf: {  	[tilespmem:s25], [sflag:$0x2] =	stream.linear.gather [hbm4b:s21+s19], $0x400, $0x38;
	[tilespmem:$0x1A200] =	vst v63  }
0xc0: {  	s21 =	sand.u32 $0x1FFFFF80, s26  }
0xc1: {  	s28 =	sadd.s32 $0xB600, s20;
	s29 =	spop (v2sf);
	s21 =	sadd.s32 s4, s21  }
0xc2: {  	[tilespmem:s28], [sflag:$0x2] =	stream.linear.gather [hbm4b:s21+s19], $0x400, $0x38;
	[tilespmem:$0x1A200] =	vst v63  }
0xc3: {  	s21 =	sand.u32 $0x1FFFFF80, s29  }
0xc4: {  	p2 =	por p0, p0;
	s30 =	sadd.s32 $0xBA00, s20;
	s21 =	sadd.s32 s4, s21  }
0xc5: {  	[tilespmem:s30], [sflag:$0x2] =	stream.linear.gather [hbm4b:s21+s19], $0x400, $0x38;
	[tilespmem:$0x1A200] =	vst v63  }
.Ltmp1:
0xc6: {  	s31 =	spop (v2sf);
	(pc) =	sbr.rel @p2 .LBB2_4-.Ltmp1, $4  }
0xc7: {  	s21 =	sand.u32 $0x1FFFFF80, s31  }
0xc8: {  	s20 =	sadd.s32 $0xBE00, s20;
	s21 =	sadd.s32 s4, s21  }
0xc9: {  	[tilespmem:s20], [sflag:$0x2] =	stream.linear.gather [hbm4b:s21+s19], $0x400, $0x38;
	[tilespmem:$0x1A200] =	vst v63  }
0xca: {  	p1 =	por $0x1, $0x1;
	p0 =	por $0x0, $0x0;
	s20 =	simm.s32 $0x1  }
.LBB2_5:
0xcb: {  	s20 =	sshll.u32 s19, $0x4  }
0xcc: {  	s20 =	sand.u32 $0x3FFFFFF0, s20  }
0xcd: {  	v4 =	vld [tilespmem:s20+$0x140];
	_ =	sdelay $0x4  }
0xce: {  	v4 =	vshll.u32 v4, $0x4  }
0xcf: {  	(v2sf) =	vpush v4, $0x0;
	_ =	sdelay $0x3  }
0xd0: {  	(v2sf) =	vpush v4, $0x1;
	_ =	sdelay $0x1  }
0xd1: {  	(v2sf) =	vpush v4, $0x2;
	_ =	sdelay $0x3  }
0xd2: {  	(v2sf) =	vpush v4, $0x3;
	_ =	sdelay $0x4  }
0xd3: {  	s30 =	sshll.u32 s19, $0xE;
	s31 =	spop (v2sf);
	(v2sf) =	vpush v4, $0x4  }
0xd4: {  	s19 =	sand.u32 $0x3FFFC000, s30;
	s20 =	sand.u32 $0x1FFFFF80, s31  }
0xd5: {  	s21 =	sadd.s32 $0x10200, s19;
	s20 =	sadd.s32 s4, s20  }
0xd6: {  	[tilespmem:s21], [sflag:$0x3] =	stream.linear.gather [hbm4b:s20+s3], $0x400, $0x38;
	[tilespmem:$0x1A200] =	vst v63  }
0xd7: {  	s21 =	spop (v2sf);
	(v2sf) =	vpush v4, $0x5;
	_ =	sdelay $0x1  }
0xd8: {  	s23 =	spop (v2sf);
	(v2sf) =	vpush v4, $0x6;
	_ =	sdelay $0x3  }
0xd9: {  	s25 =	spop (v2sf);
	(v2sf) =	vpush v4, $0x7;
	_ =	sdelay $0x1  }
0xda: {  	s20 =	sand.u32 $0x1FFFFF80, s21  }
0xdb: {  	s22 =	sadd.s32 $0x10600, s19;
	s20 =	sadd.s32 s4, s20  }
0xdc: {  	[tilespmem:s22], [sflag:$0x3] =	stream.linear.gather [hbm4b:s20+s3], $0x400, $0x38;
	[tilespmem:$0x1A200] =	vst v63  }
0xdd: {  	s20 =	sand.u32 $0x1FFFFF80, s23;
	s28 =	spop (v2sf);
	(v2sf) =	vpush v4, $0x8  }
0xde: {  	s24 =	sadd.s32 $0x10A00, s19;
	s20 =	sadd.s32 s4, s20  }
0xdf: {  	[tilespmem:s24], [sflag:$0x3] =	stream.linear.gather [hbm4b:s20+s3], $0x400, $0x38;
	[tilespmem:$0x1A200] =	vst v63  }
0xe0: {  	s20 =	sand.u32 $0x1FFFFF80, s25  }
0xe1: {  	s26 =	sadd.s32 $0x10E00, s19;
	s20 =	sadd.s32 s4, s20;
	s30 =	spop (v2sf);
	(v2sf) =	vpush v4, $0x9  }
0xe2: {  	[tilespmem:s26], [sflag:$0x3] =	stream.linear.gather [hbm4b:s20+s3], $0x400, $0x38;
	[tilespmem:$0x1A200] =	vst v63  }
0xe3: {  	s20 =	sand.u32 $0x1FFFFF80, s28;
	s21 =	spop (v2sf);
	(v2sf) =	vpush v4, $0xA  }
0xe4: {  	s29 =	sadd.s32 $0x11200, s19;
	s20 =	sadd.s32 s4, s20  }
0xe5: {  	[tilespmem:s29], [sflag:$0x3] =	stream.linear.gather [hbm4b:s20+s3], $0x400, $0x38;
	[tilespmem:$0x1A200] =	vst v63  }
0xe6: {  	s20 =	sand.u32 $0x1FFFFF80, s30  }
0xe7: {  	s31 =	sadd.s32 $0x11600, s19;
	s20 =	sadd.s32 s4, s20;
	s23 =	spop (v2sf);
	(v2sf) =	vpush v4, $0xB  }
0xe8: {  	[tilespmem:s31], [sflag:$0x3] =	stream.linear.gather [hbm4b:s20+s3], $0x400, $0x38;
	[tilespmem:$0x1A200] =	vst v63  }
0xe9: {  	s20 =	sand.u32 $0x1FFFFF80, s21  }
0xea: {  	s22 =	sadd.s32 $0x11A00, s19;
	s20 =	sadd.s32 s4, s20  }
0xeb: {  	[tilespmem:s22], [sflag:$0x3] =	stream.linear.gather [hbm4b:s20+s3], $0x400, $0x38;
	[tilespmem:$0x1A200] =	vst v63  }
0xec: {  	s20 =	sand.u32 $0x1FFFFF80, s23;
	s25 =	spop (v2sf);
	(v2sf) =	vpush v4, $0xC  }
0xed: {  	s24 =	sadd.s32 $0x11E00, s19;
	s20 =	sadd.s32 s4, s20  }
0xee: {  	[tilespmem:s24], [sflag:$0x3] =	stream.linear.gather [hbm4b:s20+s3], $0x400, $0x38;
	[tilespmem:$0x1A200] =	vst v63  }
0xef: {  	s20 =	sand.u32 $0x1FFFFF80, s25  }
0xf0: {  	s26 =	sadd.s32 $0x12200, s19;
	s20 =	sadd.s32 s4, s20;
	s28 =	spop (v2sf);
	(v2sf) =	vpush v4, $0xD  }
0xf1: {  	[tilespmem:s26], [sflag:$0x3] =	stream.linear.gather [hbm4b:s20+s3], $0x400, $0x38;
	[tilespmem:$0x1A200] =	vst v63  }
0xf2: {  	s20 =	sand.u32 $0x1FFFFF80, s28;
	s30 =	spop (v2sf);
	(v2sf) =	vpush v4, $0xE  }
0xf3: {  	s29 =	sadd.s32 $0x12600, s19;
	s20 =	sadd.s32 s4, s20  }
0xf4: {  	[tilespmem:s29], [sflag:$0x3] =	stream.linear.gather [hbm4b:s20+s3], $0x400, $0x38;
	[tilespmem:$0x1A200] =	vst v63  }
0xf5: {  	s20 =	sand.u32 $0x1FFFFF80, s30  }
0xf6: {  	s31 =	sadd.s32 $0x12A00, s19;
	s22 =	spop (v2sf);
	s20 =	sadd.s32 s4, s20  }
0xf7: {  	(v2sf) =	vpush v4, $0xF;
	[tilespmem:s31], [sflag:$0x3] =	stream.linear.gather [hbm4b:s20+s3], $0x400, $0x38;
	[tilespmem:$0x1A200] =	vst v63  }
0xf8: {  	s20 =	sand.u32 $0x1FFFFF80, s22  }
0xf9: {  	s23 =	sadd.s32 $0x12E00, s19;
	s20 =	sadd.s32 s4, s20  }
0xfa: {  	[tilespmem:s23], [sflag:$0x3] =	stream.linear.gather [hbm4b:s20+s3], $0x400, $0x38;
	[tilespmem:$0x1A200] =	vst v63  }
0xfb: {  	s24 =	spop (v2sf)  }
0xfc: {  	s20 =	sand.u32 $0x1FFFFF80, s24  }
0xfd: {  	s25 =	sadd.s32 $0x13200, s19;
	s20 =	sadd.s32 s4, s20  }
0xfe: {  	[tilespmem:s25], [sflag:$0x3] =	stream.linear.gather [hbm4b:s20+s3], $0x400, $0x38;
	[tilespmem:$0x1A200] =	vst v63  }
0xff: {  	s26 =	spop (v2sf)  }
0x100: {  	s20 =	sand.u32 $0x1FFFFF80, s26  }
0x101: {  	s28 =	sadd.s32 $0x13600, s19;
	s29 =	spop (v2sf);
	s20 =	sadd.s32 s4, s20  }
0x102: {  	[tilespmem:s28], [sflag:$0x3] =	stream.linear.gather [hbm4b:s20+s3], $0x400, $0x38;
	[tilespmem:$0x1A200] =	vst v63  }
0x103: {  	s20 =	sand.u32 $0x1FFFFF80, s29  }
0x104: {  	p0 =	por p1, p1;
	s30 =	sadd.s32 $0x13A00, s19;
	s20 =	sadd.s32 s4, s20  }
0x105: {  	[tilespmem:s30], [sflag:$0x3] =	stream.linear.gather [hbm4b:s20+s3], $0x400, $0x38;
	[tilespmem:$0x1A200] =	vst v63  }
.Ltmp2:
0x106: {  	s31 =	spop (v2sf);
	(pc) =	sbr.rel @p0 .LBB2_5-.Ltmp2, $4  }
0x107: {  	s20 =	sand.u32 $0x1FFFFF80, s31  }
0x108: {  	s19 =	sadd.s32 $0x13E00, s19;
	s20 =	sadd.s32 s4, s20  }
0x109: {  	[tilespmem:s19], [sflag:$0x3] =	stream.linear.gather [hbm4b:s20+s3], $0x400, $0x38;
	[tilespmem:$0x1A200] =	vst v63  }
0x10a: {  	p1 =	por $0x0, $0x0;
	s19 =	simm.s32 $0x1  }
0x10b: {  	_ =	swait.ge [sflag:s11], $0x8000  }
0x10c: {  	s19 =	simm.s32 $0x0;
	p0 =	por $0x1, $0x1;
	[sflag:s11] =	ssyncset.done $0x0  }
0x10d: {  	p1 =	por $0x1, $0x1;
	s20 =	simm.s32 $0x0;
	[sflag:s11] =	ssyncadd.s32 $0xFFFF8000  }
.LBB2_7:
0x10e: {  	s21 =	sshll.u32 s20, $0x4  }
0x10f: {  	s21 =	sand.u32 $0x3FFFFFF0, s21  }
0x110: {  	v4 =	vld [tilespmem:s21+$0x160];
	_ =	sdelay $0x4  }
0x111: {  	v4 =	vshll.u32 v4, $0x4  }
0x112: {  	(v2sf) =	vpush v4, $0x0;
	_ =	sdelay $0x1  }
0x113: {  	(v2sf) =	vpush v4, $0x1;
	_ =	sdelay $0x1  }
0x114: {  	(v2sf) =	vpush v4, $0x2;
	_ =	sdelay $0x4  }
0x115: {  	(v2sf) =	vpush v4, $0x3;
	_ =	sdelay $0x5  }
0x116: {  	s26 =	spop (v2sf);
	(v2sf) =	vpush v4, $0x4;
	_ =	sdelay $0x1  }
0x117: {  	s28 =	spop (v2sf);
	(v2sf) =	vpush v4, $0x5;
	_ =	sdelay $0x1  }
0x118: {  	s30 =	spop (v2sf);
	(v2sf) =	vpush v4, $0x6  }
0x119: {  	s25 =	sshll.u32 s20, $0xE  }
0x11a: {  	s20 =	sand.u32 $0x3FFFC000, s25;
	s21 =	sand.u32 $0x1FFFFF80, s26  }
0x11b: {  	s22 =	sor.u32 $0x200, s20;
	s21 =	sadd.s32 s4, s21  }
0x11c: {  	[tilespmem:s22], [sflag:$0x1] =	stream.linear.gather [hbm4b:s21+s19], $0x400, $0x38;
	[tilespmem:$0x1A200] =	vst v63  }
0x11d: {  	s21 =	sand.u32 $0x1FFFFF80, s28;
	s23 =	spop (v2sf);
	(v2sf) =	vpush v4, $0x7  }
0x11e: {  	s29 =	sor.u32 $0x600, s20;
	s21 =	sadd.s32 s4, s21  }
0x11f: {  	[tilespmem:s29], [sflag:$0x1] =	stream.linear.gather [hbm4b:s21+s19], $0x400, $0x38;
	[tilespmem:$0x1A200] =	vst v63  }
0x120: {  	s21 =	sand.u32 $0x1FFFFF80, s30  }
0x121: {  	s31 =	sor.u32 $0xA00, s20;
	s21 =	sadd.s32 s4, s21  }
0x122: {  	[tilespmem:s31], [sflag:$0x1] =	stream.linear.gather [hbm4b:s21+s19], $0x400, $0x38;
	[tilespmem:$0x1A200] =	vst v63  }
0x123: {  	s25 =	spop (v2sf);
	(v2sf) =	vpush v4, $0x8  }
0x124: {  	s21 =	sand.u32 $0x1FFFFF80, s23  }
0x125: {  	s24 =	sor.u32 $0xE00, s20;
	s21 =	sadd.s32 s4, s21;
	s28 =	spop (v2sf);
	(v2sf) =	vpush v4, $0x9  }
0x126: {  	[tilespmem:s24], [sflag:$0x1] =	stream.linear.gather [hbm4b:s21+s19], $0x400, $0x38;
	[tilespmem:$0x1A200] =	vst v63  }
0x127: {  	s30 =	spop (v2sf);
	(v2sf) =	vpush v4, $0xA  }
0x128: {  	s21 =	sand.u32 $0x1FFFFF80, s25  }
0x129: {  	s26 =	sor.u32 $0x1200, s20;
	s21 =	sadd.s32 s4, s21  }
0x12a: {  	[tilespmem:s26], [sflag:$0x1] =	stream.linear.gather [hbm4b:s21+s19], $0x400, $0x38;
	[tilespmem:$0x1A200] =	vst v63  }
0x12b: {  	s21 =	sand.u32 $0x1FFFFF80, s28  }
0x12c: {  	s29 =	sor.u32 $0x1600, s20;
	s23 =	spop (v2sf);
	s21 =	sadd.s32 s4, s21  }
0x12d: {  	(v2sf) =	vpush v4, $0xB;
	[tilespmem:s29], [sflag:$0x1] =	stream.linear.gather [hbm4b:s21+s19], $0x400, $0x38;
	[tilespmem:$0x1A200] =	vst v63  }
0x12e: {  	s21 =	sand.u32 $0x1FFFFF80, s30  }
0x12f: {  	s31 =	sor.u32 $0x1A00, s20;
	s21 =	sadd.s32 s4, s21  }
0x130: {  	[tilespmem:s31], [sflag:$0x1] =	stream.linear.gather [hbm4b:s21+s19], $0x400, $0x38;
	[tilespmem:$0x1A200] =	vst v63  }
0x131: {  	s21 =	sand.u32 $0x1FFFFF80, s23  }
0x132: {  	s24 =	sor.u32 $0x1E00, s20;
	s21 =	sadd.s32 s4, s21;
	s25 =	spop (v2sf);
	(v2sf) =	vpush v4, $0xC  }
0x133: {  	[tilespmem:s24], [sflag:$0x1] =	stream.linear.gather [hbm4b:s21+s19], $0x400, $0x38;
	[tilespmem:$0x1A200] =	vst v63  }
0x134: {  	s28 =	spop (v2sf);
	(v2sf) =	vpush v4, $0xD  }
0x135: {  	s21 =	sand.u32 $0x1FFFFF80, s25  }
0x136: {  	s26 =	sor.u32 $0x2200, s20;
	s21 =	sadd.s32 s4, s21;
	s30 =	spop (v2sf)  }
0x137: {  	(v2sf) =	vpush v4, $0xE;
	[tilespmem:s26], [sflag:$0x1] =	stream.linear.gather [hbm4b:s21+s19], $0x400, $0x38;
	[tilespmem:$0x1A200] =	vst v63  }
0x138: {  	s21 =	sand.u32 $0x1FFFFF80, s28  }
0x139: {  	s29 =	sor.u32 $0x2600, s20;
	s21 =	sadd.s32 s4, s21  }
0x13a: {  	[tilespmem:s29], [sflag:$0x1] =	stream.linear.gather [hbm4b:s21+s19], $0x400, $0x38;
	[tilespmem:$0x1A200] =	vst v63  }
0x13b: {  	s21 =	sand.u32 $0x1FFFFF80, s30  }
0x13c: {  	s31 =	sor.u32 $0x2A00, s20;
	s22 =	spop (v2sf);
	(v2sf) =	vpush v4, $0xF;
	s21 =	sadd.s32 s4, s21  }
0x13d: {  	[tilespmem:s31], [sflag:$0x1] =	stream.linear.gather [hbm4b:s21+s19], $0x400, $0x38;
	[tilespmem:$0x1A200] =	vst v63  }
0x13e: {  	s21 =	sand.u32 $0x1FFFFF80, s22  }
0x13f: {  	s23 =	sor.u32 $0x2E00, s20;
	s21 =	sadd.s32 s4, s21  }
0x140: {  	[tilespmem:s23], [sflag:$0x1] =	stream.linear.gather [hbm4b:s21+s19], $0x400, $0x38;
	[tilespmem:$0x1A200] =	vst v63  }
0x141: {  	s24 =	spop (v2sf)  }
0x142: {  	s21 =	sand.u32 $0x1FFFFF80, s24  }
0x143: {  	s25 =	sor.u32 $0x3200, s20;
	s26 =	spop (v2sf);
	s21 =	sadd.s32 s4, s21  }
0x144: {  	[tilespmem:s25], [sflag:$0x1] =	stream.linear.gather [hbm4b:s21+s19], $0x400, $0x38;
	[tilespmem:$0x1A200] =	vst v63  }
0x145: {  	s21 =	sand.u32 $0x1FFFFF80, s26  }
0x146: {  	s28 =	sor.u32 $0x3600, s20;
	s29 =	spop (v2sf);
	s21 =	sadd.s32 s4, s21  }
0x147: {  	[tilespmem:s28], [sflag:$0x1] =	stream.linear.gather [hbm4b:s21+s19], $0x400, $0x38;
	[tilespmem:$0x1A200] =	vst v63  }
0x148: {  	s21 =	sand.u32 $0x1FFFFF80, s29  }
0x149: {  	p2 =	por p1, p1;
	s30 =	sor.u32 $0x3A00, s20;
	s21 =	sadd.s32 s4, s21  }
0x14a: {  	[tilespmem:s30], [sflag:$0x1] =	stream.linear.gather [hbm4b:s21+s19], $0x400, $0x38;
	[tilespmem:$0x1A200] =	vst v63  }
.Ltmp3:
0x14b: {  	s31 =	spop (v2sf);
	(pc) =	sbr.rel @p2 .LBB2_7-.Ltmp3, $4  }
0x14c: {  	s21 =	sand.u32 $0x1FFFFF80, s31  }
0x14d: {  	s20 =	sor.u32 $0x3E00, s20;
	s21 =	sadd.s32 s4, s21  }
0x14e: {  	[tilespmem:s20], [sflag:$0x1] =	stream.linear.gather [hbm4b:s21+s19], $0x400, $0x38;
	[tilespmem:$0x1A200] =	vst v63  }
0x14f: {  	p1 =	por $0x0, $0x0;
	s20 =	simm.s32 $0x1  }
.LBB2_8:
0x150: {  	s20 =	sshll.u32 s19, $0x4  }
0x151: {  	v4 =	vld [tilespmem:s20+$0x100];
	_ =	sdelay $0x4  }
0x152: {  	v4 =	vshll.u32 v4, $0x7  }
0x153: {  	(v2sf) =	vpush v4, $0x0;
	_ =	sdelay $0xd  }
0x154: {  	v5 =	vmov s20  }
0x155: {  	s22 =	sshll.u32 s19, $0xE;
	v5 =	vand.u32 $0x70, v5;
	s21 =	spop (v2sf)  }
0x156: {  	s22 =	sand.u32 $0x3FFFC000, s22;
	v5 =	vbroadcast v5, $0x0;
	s21 =	sand.u32 $0x380, s21  }
0x157: {  	s21 =	sor.u32 s21, s22  }
0x158: {  	v7 =	vor.u32 v0, v5;
	v6 =	vld [tilespmem:s21+$0x200];
	_ =	sdelay $0x4  }
0x159: {  	[tilespmem:v7+s14+$0x0] =	vst.idx.msk $0xffff, v6  }
0x15a: {  	v48 =	vor.u32 v1, v5;
	(v2sf) =	vpush v4, $0x1;
	v6 =	vld [tilespmem:s21+$0x210];
	_ =	sdelay $0x4  }
0x15b: {  	[tilespmem:v48+s14+$0x0] =	vst.idx.msk $0xffff, v6  }
0x15c: {  	v49 =	vor.u32 v2, v5;
	v6 =	vld [tilespmem:s21+$0x220];
	_ =	sdelay $0x4  }
0x15d: {  	[tilespmem:v49+s14+$0x0] =	vst.idx.msk $0xffff, v6  }
0x15e: {  	v5 =	vor.u32 v3, v5;
	v6 =	vld [tilespmem:s21+$0x230]  }
0x15f: {  	s28 =	sor.u32 $0x1, s20  }
0x160: {  	v50 =	vmov s28  }
0x161: {  	v7 =	vand.u32 $0x71, v50;
	s29 =	spop (v2sf);
	s21 =	sshll.u32 s28, $0xA  }
0x162: {  	v7 =	vbroadcast v7, $0x0;
	s22 =	sand.u32 $0x380, s29;
	s21 =	sand.u32 $0x3FFFC400, s21  }
0x163: {  	s21 =	sor.u32 s22, s21;
	[tilespmem:v5+s14+$0x0] =	vst.idx.msk $0xffff, v6  }
0x164: {  	v51 =	vor.u32 v0, v7;
	v5 =	vld [tilespmem:s21+$0x200];
	_ =	sdelay $0x4  }
0x165: {  	[tilespmem:v51+s14+$0x0] =	vst.idx.msk $0xffff, v5  }
0x166: {  	v52 =	vor.u32 v1, v7;
	(v2sf) =	vpush v4, $0x2;
	v5 =	vld [tilespmem:s21+$0x210];
	_ =	sdelay $0x4  }
0x167: {  	[tilespmem:v52+s14+$0x0] =	vst.idx.msk $0xffff, v5  }
0x168: {  	v53 =	vor.u32 v2, v7;
	v5 =	vld [tilespmem:s21+$0x220];
	_ =	sdelay $0x4  }
0x169: {  	[tilespmem:v53+s14+$0x0] =	vst.idx.msk $0xffff, v5  }
0x16a: {  	v54 =	vor.u32 v3, v7;
	v5 =	vld [tilespmem:s21+$0x230]  }
0x16b: {  	s30 =	sor.u32 $0x2, s20  }
0x16c: {  	v55 =	vmov s30  }
0x16d: {  	v7 =	vand.u32 $0x72, v55;
	s31 =	spop (v2sf);
	s21 =	sshll.u32 s30, $0xA  }
0x16e: {  	v7 =	vbroadcast v7, $0x0;
	s22 =	sand.u32 $0x380, s31;
	s21 =	sand.u32 $0x3FFFC800, s21  }
0x16f: {  	s21 =	sor.u32 s22, s21;
	[tilespmem:v54+s14+$0x0] =	vst.idx.msk $0xffff, v5  }
0x170: {  	v56 =	vor.u32 v0, v7;
	v5 =	vld [tilespmem:s21+$0x200];
	_ =	sdelay $0x4  }
0x171: {  	[tilespmem:v56+s14+$0x0] =	vst.idx.msk $0xffff, v5  }
0x172: {  	v57 =	vor.u32 v1, v7;
	(v2sf) =	vpush v4, $0x3;
	v5 =	vld [tilespmem:s21+$0x210];
	_ =	sdelay $0x4  }
0x173: {  	[tilespmem:v57+s14+$0x0] =	vst.idx.msk $0xffff, v5  }
0x174: {  	v58 =	vor.u32 v2, v7;
	v5 =	vld [tilespmem:s21+$0x220];
	_ =	sdelay $0x4  }
0x175: {  	[tilespmem:v58+s14+$0x0] =	vst.idx.msk $0xffff, v5  }
0x176: {  	v59 =	vor.u32 v3, v7;
	v5 =	vld [tilespmem:s21+$0x230]  }
0x177: {  	s23 =	sor.u32 $0x3, s20  }
0x178: {  	v60 =	vmov s23  }
0x179: {  	v7 =	vand.u32 $0x73, v60;
	s24 =	spop (v2sf);
	s21 =	sshll.u32 s23, $0xA  }
0x17a: {  	v7 =	vbroadcast v7, $0x0;
	s22 =	sand.u32 $0x380, s24;
	s21 =	sand.u32 $0x3FFFCC00, s21  }
0x17b: {  	s21 =	sor.u32 s22, s21;
	[tilespmem:v59+s14+$0x0] =	vst.idx.msk $0xffff, v5  }
0x17c: {  	v61 =	vor.u32 v0, v7;
	v5 =	vld [tilespmem:s21+$0x200];
	_ =	sdelay $0x4  }
0x17d: {  	[tilespmem:v61+s14+$0x0] =	vst.idx.msk $0xffff, v5  }
0x17e: {  	v62 =	vor.u32 v1, v7;
	(v2sf) =	vpush v4, $0x4;
	v5 =	vld [tilespmem:s21+$0x210];
	_ =	sdelay $0x4  }
0x17f: {  	[tilespmem:v62+s14+$0x0] =	vst.idx.msk $0xffff, v5  }
0x180: {  	v63 =	vor.u32 v2, v7;
	v5 =	vld [tilespmem:s21+$0x220];
	_ =	sdelay $0x4  }
0x181: {  	[tilespmem:v63+s14+$0x0] =	vst.idx.msk $0xffff, v5  }
0x182: {  	v9 =	vor.u32 v3, v7;
	v5 =	vld [tilespmem:s21+$0x230]  }
0x183: {  	s25 =	sor.u32 $0x4, s20  }
0x184: {  	v10 =	vmov s25  }
0x185: {  	v7 =	vand.u32 $0x74, v10;
	s26 =	spop (v2sf);
	s21 =	sshll.u32 s25, $0xA  }
0x186: {  	v7 =	vbroadcast v7, $0x0;
	s22 =	sand.u32 $0x380, s26;
	s21 =	sand.u32 $0x3FFFD000, s21  }
0x187: {  	s21 =	sor.u32 s22, s21;
	[tilespmem:v9+s14+$0x0] =	vst.idx.msk $0xffff, v5  }
0x188: {  	v11 =	vor.u32 v0, v7;
	v5 =	vld [tilespmem:s21+$0x200];
	_ =	sdelay $0x4  }
0x189: {  	[tilespmem:v11+s14+$0x0] =	vst.idx.msk $0xffff, v5  }
0x18a: {  	v12 =	vor.u32 v1, v7;
	(v2sf) =	vpush v4, $0x5;
	v5 =	vld [tilespmem:s21+$0x210];
	_ =	sdelay $0x4  }
0x18b: {  	[tilespmem:v12+s14+$0x0] =	vst.idx.msk $0xffff, v5  }
0x18c: {  	v13 =	vor.u32 v2, v7;
	v5 =	vld [tilespmem:s21+$0x220];
	_ =	sdelay $0x4  }
0x18d: {  	[tilespmem:v13+s14+$0x0] =	vst.idx.msk $0xffff, v5  }
0x18e: {  	v14 =	vor.u32 v3, v7;
	v5 =	vld [tilespmem:s21+$0x230]  }
0x18f: {  	s28 =	sor.u32 $0x5, s20  }
0x190: {  	v15 =	vmov s28  }
0x191: {  	v7 =	vand.u32 $0x75, v15;
	s29 =	spop (v2sf);
	s21 =	sshll.u32 s28, $0xA  }
0x192: {  	v7 =	vbroadcast v7, $0x0;
	s22 =	sand.u32 $0x380, s29;
	s21 =	sand.u32 $0x3FFFD400, s21  }
0x193: {  	s21 =	sor.u32 s22, s21;
	[tilespmem:v14+s14+$0x0] =	vst.idx.msk $0xffff, v5  }
0x194: {  	v16 =	vor.u32 v0, v7;
	v5 =	vld [tilespmem:s21+$0x200];
	_ =	sdelay $0x4  }
0x195: {  	[tilespmem:v16+s14+$0x0] =	vst.idx.msk $0xffff, v5  }
0x196: {  	v17 =	vor.u32 v1, v7;
	(v2sf) =	vpush v4, $0x6;
	v5 =	vld [tilespmem:s21+$0x210];
	_ =	sdelay $0x4  }
0x197: {  	[tilespmem:v17+s14+$0x0] =	vst.idx.msk $0xffff, v5  }
0x198: {  	v18 =	vor.u32 v2, v7;
	v5 =	vld [tilespmem:s21+$0x220];
	_ =	sdelay $0x4  }
0x199: {  	[tilespmem:v18+s14+$0x0] =	vst.idx.msk $0xffff, v5  }
0x19a: {  	v19 =	vor.u32 v3, v7;
	v5 =	vld [tilespmem:s21+$0x230]  }
0x19b: {  	s30 =	sor.u32 $0x6, s20  }
0x19c: {  	v20 =	vmov s30  }
0x19d: {  	v7 =	vand.u32 $0x76, v20;
	s31 =	spop (v2sf);
	s21 =	sshll.u32 s30, $0xA  }
0x19e: {  	v7 =	vbroadcast v7, $0x0;
	s22 =	sand.u32 $0x380, s31;
	s21 =	sand.u32 $0x3FFFD800, s21  }
0x19f: {  	s21 =	sor.u32 s22, s21;
	[tilespmem:v19+s14+$0x0] =	vst.idx.msk $0xffff, v5  }
0x1a0: {  	v21 =	vor.u32 v0, v7;
	v5 =	vld [tilespmem:s21+$0x200];
	_ =	sdelay $0x4  }
0x1a1: {  	[tilespmem:v21+s14+$0x0] =	vst.idx.msk $0xffff, v5  }
0x1a2: {  	v22 =	vor.u32 v1, v7;
	(v2sf) =	vpush v4, $0x7;
	v5 =	vld [tilespmem:s21+$0x210];
	_ =	sdelay $0x4  }
0x1a3: {  	[tilespmem:v22+s14+$0x0] =	vst.idx.msk $0xffff, v5  }
0x1a4: {  	v23 =	vor.u32 v2, v7;
	v5 =	vld [tilespmem:s21+$0x220];
	_ =	sdelay $0x4  }
0x1a5: {  	[tilespmem:v23+s14+$0x0] =	vst.idx.msk $0xffff, v5  }
0x1a6: {  	v24 =	vor.u32 v3, v7;
	v5 =	vld [tilespmem:s21+$0x230]  }
0x1a7: {  	s23 =	sor.u32 $0x7, s20  }
0x1a8: {  	v25 =	vmov s23  }
0x1a9: {  	v7 =	vand.u32 $0x77, v25;
	s24 =	spop (v2sf);
	s21 =	sshll.u32 s23, $0xA  }
0x1aa: {  	v7 =	vbroadcast v7, $0x0;
	s22 =	sand.u32 $0x380, s24;
	s21 =	sand.u32 $0x3FFFDC00, s21  }
0x1ab: {  	s21 =	sor.u32 s22, s21;
	[tilespmem:v24+s14+$0x0] =	vst.idx.msk $0xffff, v5  }
0x1ac: {  	v26 =	vor.u32 v0, v7;
	v5 =	vld [tilespmem:s21+$0x200];
	_ =	sdelay $0x4  }
0x1ad: {  	[tilespmem:v26+s14+$0x0] =	vst.idx.msk $0xffff, v5  }
0x1ae: {  	v27 =	vor.u32 v1, v7;
	(v2sf) =	vpush v4, $0x8;
	v5 =	vld [tilespmem:s21+$0x210];
	_ =	sdelay $0x4  }
0x1af: {  	[tilespmem:v27+s14+$0x0] =	vst.idx.msk $0xffff, v5  }
0x1b0: {  	v28 =	vor.u32 v2, v7;
	v5 =	vld [tilespmem:s21+$0x220];
	_ =	sdelay $0x4  }
0x1b1: {  	[tilespmem:v28+s14+$0x0] =	vst.idx.msk $0xffff, v5  }
0x1b2: {  	v29 =	vor.u32 v3, v7;
	v5 =	vld [tilespmem:s21+$0x230]  }
0x1b3: {  	s25 =	sor.u32 $0x8, s20  }
0x1b4: {  	v30 =	vmov s25  }
0x1b5: {  	v7 =	vand.u32 $0x78, v30;
	s26 =	spop (v2sf);
	s21 =	sshll.u32 s25, $0xA  }
0x1b6: {  	v7 =	vbroadcast v7, $0x0;
	s22 =	sand.u32 $0x380, s26;
	s21 =	sand.u32 $0x3FFFE000, s21  }
0x1b7: {  	s21 =	sor.u32 s22, s21;
	[tilespmem:v29+s14+$0x0] =	vst.idx.msk $0xffff, v5  }
0x1b8: {  	v31 =	vor.u32 v0, v7;
	v5 =	vld [tilespmem:s21+$0x200];
	_ =	sdelay $0x4  }
0x1b9: {  	[tilespmem:v31+s14+$0x0] =	vst.idx.msk $0xffff, v5  }
0x1ba: {  	v32 =	vor.u32 v1, v7;
	(v2sf) =	vpush v4, $0x9;
	v5 =	vld [tilespmem:s21+$0x210];
	_ =	sdelay $0x4  }
0x1bb: {  	[tilespmem:v32+s14+$0x0] =	vst.idx.msk $0xffff, v5  }
0x1bc: {  	v33 =	vor.u32 v2, v7;
	v5 =	vld [tilespmem:s21+$0x220];
	_ =	sdelay $0x4  }
0x1bd: {  	[tilespmem:v33+s14+$0x0] =	vst.idx.msk $0xffff, v5  }
0x1be: {  	v34 =	vor.u32 v3, v7;
	v5 =	vld [tilespmem:s21+$0x230]  }
0x1bf: {  	s28 =	sor.u32 $0x9, s20  }
0x1c0: {  	v35 =	vmov s28  }
0x1c1: {  	v7 =	vand.u32 $0x79, v35;
	s29 =	spop (v2sf);
	s21 =	sshll.u32 s28, $0xA  }
0x1c2: {  	v7 =	vbroadcast v7, $0x0;
	s22 =	sand.u32 $0x380, s29;
	s21 =	sand.u32 $0x3FFFE400, s21  }
0x1c3: {  	s21 =	sor.u32 s22, s21;
	[tilespmem:v34+s14+$0x0] =	vst.idx.msk $0xffff, v5  }
0x1c4: {  	v36 =	vor.u32 v0, v7;
	v5 =	vld [tilespmem:s21+$0x200];
	_ =	sdelay $0x4  }
0x1c5: {  	[tilespmem:v36+s14+$0x0] =	vst.idx.msk $0xffff, v5  }
0x1c6: {  	v37 =	vor.u32 v1, v7;
	(v2sf) =	vpush v4, $0xA;
	v5 =	vld [tilespmem:s21+$0x210];
	_ =	sdelay $0x4  }
0x1c7: {  	[tilespmem:v37+s14+$0x0] =	vst.idx.msk $0xffff, v5  }
0x1c8: {  	v38 =	vor.u32 v2, v7;
	v5 =	vld [tilespmem:s21+$0x220];
	_ =	sdelay $0x4  }
0x1c9: {  	[tilespmem:v38+s14+$0x0] =	vst.idx.msk $0xffff, v5  }
0x1ca: {  	v39 =	vor.u32 v3, v7;
	v5 =	vld [tilespmem:s21+$0x230]  }
0x1cb: {  	s30 =	sor.u32 $0xA, s20  }
0x1cc: {  	v40 =	vmov s30  }
0x1cd: {  	v7 =	vand.u32 $0x7A, v40;
	s31 =	spop (v2sf);
	s21 =	sshll.u32 s30, $0xA  }
0x1ce: {  	v7 =	vbroadcast v7, $0x0;
	s22 =	sand.u32 $0x380, s31;
	s21 =	sand.u32 $0x3FFFE800, s21  }
0x1cf: {  	s21 =	sor.u32 s22, s21;
	[tilespmem:v39+s14+$0x0] =	vst.idx.msk $0xffff, v5  }
0x1d0: {  	v41 =	vor.u32 v0, v7;
	v5 =	vld [tilespmem:s21+$0x200];
	_ =	sdelay $0x4  }
0x1d1: {  	[tilespmem:v41+s14+$0x0] =	vst.idx.msk $0xffff, v5  }
0x1d2: {  	v42 =	vor.u32 v1, v7;
	(v2sf) =	vpush v4, $0xB;
	v5 =	vld [tilespmem:s21+$0x210];
	_ =	sdelay $0x4  }
0x1d3: {  	[tilespmem:v42+s14+$0x0] =	vst.idx.msk $0xffff, v5  }
0x1d4: {  	v43 =	vor.u32 v2, v7;
	v5 =	vld [tilespmem:s21+$0x220];
	_ =	sdelay $0x4  }
0x1d5: {  	[tilespmem:v43+s14+$0x0] =	vst.idx.msk $0xffff, v5  }
0x1d6: {  	v44 =	vor.u32 v3, v7;
	v5 =	vld [tilespmem:s21+$0x230]  }
0x1d7: {  	s22 =	sor.u32 $0xB, s20  }
0x1d8: {  	v45 =	vmov s22  }
0x1d9: {  	s23 =	spop (v2sf);
	v7 =	vand.u32 $0x7B, v45;
	s21 =	sshll.u32 s22, $0xA  }
0x1da: {  	v7 =	vbroadcast v7, $0x0;
	s22 =	sand.u32 $0x380, s23;
	s21 =	sand.u32 $0x3FFFEC00, s21  }
0x1db: {  	s21 =	sor.u32 s22, s21;
	[tilespmem:v44+s14+$0x0] =	vst.idx.msk $0xffff, v5  }
0x1dc: {  	v46 =	vor.u32 v0, v7;
	v5 =	vld [tilespmem:s21+$0x200];
	_ =	sdelay $0x4  }
0x1dd: {  	[tilespmem:v46+s14+$0x0] =	vst.idx.msk $0xffff, v5  }
0x1de: {  	(v2sf) =	vpush v4, $0xC;
	v47 =	vor.u32 v1, v7;
	v5 =	vld [tilespmem:s21+$0x210];
	_ =	sdelay $0x4  }
0x1df: {  	[tilespmem:v47+s14+$0x0] =	vst.idx.msk $0xffff, v5  }
0x1e0: {  	v48 =	vor.u32 v2, v7;
	v5 =	vld [tilespmem:s21+$0x220];
	_ =	sdelay $0x4  }
0x1e1: {  	[tilespmem:v48+s14+$0x0] =	vst.idx.msk $0xffff, v5  }
0x1e2: {  	v49 =	vor.u32 v3, v7;
	v5 =	vld [tilespmem:s21+$0x230]  }
0x1e3: {  	s24 =	sor.u32 $0xC, s20  }
0x1e4: {  	v50 =	vmov s24  }
0x1e5: {  	s25 =	spop (v2sf);
	v7 =	vand.u32 $0x7C, v50;
	s21 =	sshll.u32 s24, $0xA  }
0x1e6: {  	v7 =	vbroadcast v7, $0x0;
	s22 =	sand.u32 $0x380, s25;
	s21 =	sand.u32 $0x3FFFF000, s21  }
0x1e7: {  	s21 =	sor.u32 s22, s21;
	[tilespmem:v49+s14+$0x0] =	vst.idx.msk $0xffff, v5  }
0x1e8: {  	v51 =	vor.u32 v0, v7;
	v5 =	vld [tilespmem:s21+$0x200];
	_ =	sdelay $0x4  }
0x1e9: {  	[tilespmem:v51+s14+$0x0] =	vst.idx.msk $0xffff, v5  }
0x1ea: {  	(v2sf) =	vpush v4, $0xD;
	v52 =	vor.u32 v1, v7;
	v5 =	vld [tilespmem:s21+$0x210];
	_ =	sdelay $0x4  }
0x1eb: {  	[tilespmem:v52+s14+$0x0] =	vst.idx.msk $0xffff, v5  }
0x1ec: {  	v53 =	vor.u32 v2, v7;
	v5 =	vld [tilespmem:s21+$0x220];
	_ =	sdelay $0x4  }
0x1ed: {  	[tilespmem:v53+s14+$0x0] =	vst.idx.msk $0xffff, v5  }
0x1ee: {  	v54 =	vor.u32 v3, v7;
	v5 =	vld [tilespmem:s21+$0x230]  }
0x1ef: {  	s26 =	sor.u32 $0xD, s20  }
0x1f0: {  	v55 =	vmov s26  }
0x1f1: {  	s28 =	spop (v2sf);
	v7 =	vand.u32 $0x7D, v55;
	s21 =	sshll.u32 s26, $0xA  }
0x1f2: {  	v7 =	vbroadcast v7, $0x0;
	s22 =	sand.u32 $0x380, s28;
	s21 =	sand.u32 $0x3FFFF400, s21  }
0x1f3: {  	s21 =	sor.u32 s22, s21;
	[tilespmem:v54+s14+$0x0] =	vst.idx.msk $0xffff, v5  }
0x1f4: {  	v56 =	vor.u32 v0, v7;
	v5 =	vld [tilespmem:s21+$0x200];
	_ =	sdelay $0x4  }
0x1f5: {  	[tilespmem:v56+s14+$0x0] =	vst.idx.msk $0xffff, v5  }
0x1f6: {  	(v2sf) =	vpush v4, $0xE;
	v57 =	vor.u32 v1, v7;
	v5 =	vld [tilespmem:s21+$0x210];
	_ =	sdelay $0x4  }
0x1f7: {  	[tilespmem:v57+s14+$0x0] =	vst.idx.msk $0xffff, v5  }
0x1f8: {  	v58 =	vor.u32 v2, v7;
	v5 =	vld [tilespmem:s21+$0x220];
	_ =	sdelay $0x4  }
0x1f9: {  	[tilespmem:v58+s14+$0x0] =	vst.idx.msk $0xffff, v5  }
0x1fa: {  	v59 =	vor.u32 v3, v7;
	v5 =	vld [tilespmem:s21+$0x230]  }
0x1fb: {  	s20 =	sor.u32 $0xE, s20  }
0x1fc: {  	v60 =	vmov s20  }
0x1fd: {  	s29 =	spop (v2sf);
	s20 =	sshll.u32 s20, $0xA;
	v7 =	vand.u32 $0x7E, v60  }
0x1fe: {  	s20 =	sand.u32 $0x3FFFF800, s20;
	v7 =	vbroadcast v7, $0x0;
	s21 =	sand.u32 $0x380, s29  }
0x1ff: {  	s20 =	sor.u32 s21, s20;
	[tilespmem:v59+s14+$0x0] =	vst.idx.msk $0xffff, v5  }
0x200: {  	v61 =	vor.u32 v0, v7;
	v5 =	vld [tilespmem:s20+$0x200];
	_ =	sdelay $0x4  }
0x201: {  	[tilespmem:v61+s14+$0x0] =	vst.idx.msk $0xffff, v5  }
0x202: {  	(v2sf) =	vpush v4, $0xF;
	v62 =	vor.u32 v1, v7;
	v5 =	vld [tilespmem:s20+$0x210];
	_ =	sdelay $0x4  }
0x203: {  	[tilespmem:v62+s14+$0x0] =	vst.idx.msk $0xffff, v5  }
0x204: {  	v5 =	vor.u32 v2, v7;
	v4 =	vld [tilespmem:s20+$0x220];
	_ =	sdelay $0x4  }
0x205: {  	[tilespmem:v5+s14+$0x0] =	vst.idx.msk $0xffff, v4  }
0x206: {  	v5 =	vor.u32 v3, v7;
	v4 =	vld [tilespmem:s20+$0x230]  }
0x207: {  	s30 =	sshllo.u32 s19, $0x4  }
0x208: {  	v63 =	vmov s30  }
0x209: {  	s19 =	sshll.u32 s30, $0xA;
	v6 =	vand.u32 $0x7F, v63;
	s31 =	spop (v2sf)  }
0x20a: {  	s19 =	sand.u32 $0x3FFFFC00, s19;
	v6 =	vbroadcast v6, $0x0;
	s20 =	sand.u32 $0x380, s31  }
0x20b: {  	s19 =	sor.u32 s20, s19;
	[tilespmem:v5+s14+$0x0] =	vst.idx.msk $0xffff, v4  }
0x20c: {  	v5 =	vor.u32 v0, v6;
	v4 =	vld [tilespmem:s19+$0x200];
	_ =	sdelay $0x4  }
0x20d: {  	[tilespmem:v5+s14+$0x0] =	vst.idx.msk $0xffff, v4  }
0x20e: {  	v5 =	vor.u32 v1, v6;
	v4 =	vld [tilespmem:s19+$0x210];
	_ =	sdelay $0x4  }
0x20f: {  	[tilespmem:v5+s14+$0x0] =	vst.idx.msk $0xffff, v4  }
0x210: {  	v5 =	vor.u32 v2, v6;
	v4 =	vld [tilespmem:s19+$0x220];
	_ =	sdelay $0x4  }
0x211: {  	[tilespmem:v5+s14+$0x0] =	vst.idx.msk $0xffff, v4  }
0x212: {  	p1 =	por p0, p0;
	v5 =	vor.u32 v3, v6;
	v4 =	vld [tilespmem:s19+$0x230]  }
.Ltmp4:
0x213: {  	_ = 	snop;
	(pc) =	sbr.rel @p1 .LBB2_8-.Ltmp4, $2  }
0x214: {  	_ =	sdelay $0x2  }
0x215: {  	p0 =	por $0x0, $0x0;
	s19 =	simm.s32 $0x1;
	[tilespmem:v5+s14+$0x0] =	vst.idx.msk $0xffff, v4  }
0x216: {  	_ =	swait.ge [sflag:s12], $0x8000  }
0x217: {  	[sflag:s12] =	ssyncset.done $0x0  }
0x218: {  	s20 =	simm.s32 $0x0;
	p0 =	por $0x1, $0x1;
	[sflag:s12] =	ssyncadd.s32 $0xFFFF8000  }
.LBB2_10:
0x219: {  	s19 =	sshll.u32 s20, $0x4  }
0x21a: {  	v4 =	vld [tilespmem:s19+$0x120];
	_ =	sdelay $0x4  }
0x21b: {  	v4 =	vshll.u32 v4, $0x7  }
0x21c: {  	(v2sf) =	vpush v4, $0x0;
	_ =	sdelay $0xc  }
0x21d: {  	s21 =	sor.u32 $0x20, s19  }
0x21e: {  	s28 =	sshll.u32 s20, $0xE;
	v5 =	vmov s21  }
0x21f: {  	s20 =	sand.u32 $0x3FFFC000, s28;
	v5 =	vand.u32 $0x70, v5;
	s29 =	spop (v2sf)  }
0x220: {  	s20 =	sadd.s32 $0x8200, s20;
	v5 =	vbroadcast v5, $0x0;
	s21 =	sand.u32 $0x380, s29  }
0x221: {  	s21 =	sadd.s32 s21, s20  }
0x222: {  	v7 =	vor.u32 v0, v5;
	v6 =	vld [tilespmem:s21+$0x0];
	_ =	sdelay $0x4  }
0x223: {  	[tilespmem:v7+s14+$0x0] =	vst.idx.msk $0xffff, v6  }
0x224: {  	v48 =	vor.u32 v1, v5;
	(v2sf) =	vpush v4, $0x1;
	v6 =	vld [tilespmem:s21+$0x10];
	_ =	sdelay $0x4  }
0x225: {  	[tilespmem:v48+s14+$0x0] =	vst.idx.msk $0xffff, v6  }
0x226: {  	v49 =	vor.u32 v2, v5;
	v6 =	vld [tilespmem:s21+$0x20];
	_ =	sdelay $0x4  }
0x227: {  	[tilespmem:v49+s14+$0x0] =	vst.idx.msk $0xffff, v6  }
0x228: {  	v5 =	vor.u32 v3, v5;
	v6 =	vld [tilespmem:s21+$0x30]  }
0x229: {  	s30 =	sor.u32 $0x21, s19  }
0x22a: {  	v50 =	vmov s30  }
0x22b: {  	v7 =	vand.u32 $0x71, v50;
	s31 =	spop (v2sf)  }
0x22c: {  	v7 =	vbroadcast v7, $0x0;
	s21 =	sand.u32 $0x380, s31  }
0x22d: {  	s21 =	sadd.s32 s21, s20;
	[tilespmem:v5+s14+$0x0] =	vst.idx.msk $0xffff, v6  }
0x22e: {  	v51 =	vor.u32 v0, v7;
	v5 =	vld [tilespmem:s21+$0x400];
	_ =	sdelay $0x4  }
0x22f: {  	[tilespmem:v51+s14+$0x0] =	vst.idx.msk $0xffff, v5  }
0x230: {  	v52 =	vor.u32 v1, v7;
	(v2sf) =	vpush v4, $0x2;
	v5 =	vld [tilespmem:s21+$0x410];
	_ =	sdelay $0x4  }
0x231: {  	[tilespmem:v52+s14+$0x0] =	vst.idx.msk $0xffff, v5  }
0x232: {  	v53 =	vor.u32 v2, v7;
	v5 =	vld [tilespmem:s21+$0x420];
	_ =	sdelay $0x4  }
0x233: {  	[tilespmem:v53+s14+$0x0] =	vst.idx.msk $0xffff, v5  }
0x234: {  	v54 =	vor.u32 v3, v7;
	v5 =	vld [tilespmem:s21+$0x430]  }
0x235: {  	s22 =	sor.u32 $0x22, s19  }
0x236: {  	v55 =	vmov s22  }
0x237: {  	v7 =	vand.u32 $0x72, v55;
	s23 =	spop (v2sf)  }
0x238: {  	v7 =	vbroadcast v7, $0x0;
	s21 =	sand.u32 $0x380, s23  }
0x239: {  	s21 =	sadd.s32 s21, s20;
	[tilespmem:v54+s14+$0x0] =	vst.idx.msk $0xffff, v5  }
0x23a: {  	v56 =	vor.u32 v0, v7;
	v5 =	vld [tilespmem:s21+$0x800];
	_ =	sdelay $0x4  }
0x23b: {  	[tilespmem:v56+s14+$0x0] =	vst.idx.msk $0xffff, v5  }
0x23c: {  	v57 =	vor.u32 v1, v7;
	(v2sf) =	vpush v4, $0x3;
	v5 =	vld [tilespmem:s21+$0x810];
	_ =	sdelay $0x4  }
0x23d: {  	[tilespmem:v57+s14+$0x0] =	vst.idx.msk $0xffff, v5  }
0x23e: {  	v58 =	vor.u32 v2, v7;
	v5 =	vld [tilespmem:s21+$0x820];
	_ =	sdelay $0x4  }
0x23f: {  	[tilespmem:v58+s14+$0x0] =	vst.idx.msk $0xffff, v5  }
0x240: {  	v59 =	vor.u32 v3, v7;
	v5 =	vld [tilespmem:s21+$0x830]  }
0x241: {  	s24 =	sor.u32 $0x23, s19  }
0x242: {  	v60 =	vmov s24  }
0x243: {  	v7 =	vand.u32 $0x73, v60;
	s25 =	spop (v2sf)  }
0x244: {  	v7 =	vbroadcast v7, $0x0;
	s21 =	sand.u32 $0x380, s25  }
0x245: {  	s21 =	sadd.s32 s21, s20;
	[tilespmem:v59+s14+$0x0] =	vst.idx.msk $0xffff, v5  }
0x246: {  	v61 =	vor.u32 v0, v7;
	v5 =	vld [tilespmem:s21+$0xC00];
	_ =	sdelay $0x4  }
0x247: {  	[tilespmem:v61+s14+$0x0] =	vst.idx.msk $0xffff, v5  }
0x248: {  	v62 =	vor.u32 v1, v7;
	(v2sf) =	vpush v4, $0x4;
	v5 =	vld [tilespmem:s21+$0xC10];
	_ =	sdelay $0x4  }
0x249: {  	[tilespmem:v62+s14+$0x0] =	vst.idx.msk $0xffff, v5  }
0x24a: {  	v63 =	vor.u32 v2, v7;
	v5 =	vld [tilespmem:s21+$0xC20];
	_ =	sdelay $0x4  }
0x24b: {  	[tilespmem:v63+s14+$0x0] =	vst.idx.msk $0xffff, v5  }
0x24c: {  	v9 =	vor.u32 v3, v7;
	v5 =	vld [tilespmem:s21+$0xC30]  }
0x24d: {  	s26 =	sor.u32 $0x24, s19  }
0x24e: {  	v10 =	vmov s26  }
0x24f: {  	v7 =	vand.u32 $0x74, v10;
	s28 =	spop (v2sf)  }
0x250: {  	v7 =	vbroadcast v7, $0x0;
	s21 =	sand.u32 $0x380, s28  }
0x251: {  	s21 =	sadd.s32 s21, s20;
	[tilespmem:v9+s14+$0x0] =	vst.idx.msk $0xffff, v5  }
0x252: {  	v11 =	vor.u32 v0, v7;
	v5 =	vld [tilespmem:s21+$0x1000];
	_ =	sdelay $0x4  }
0x253: {  	[tilespmem:v11+s14+$0x0] =	vst.idx.msk $0xffff, v5  }
0x254: {  	v12 =	vor.u32 v1, v7;
	(v2sf) =	vpush v4, $0x5;
	v5 =	vld [tilespmem:s21+$0x1010];
	_ =	sdelay $0x4  }
0x255: {  	[tilespmem:v12+s14+$0x0] =	vst.idx.msk $0xffff, v5  }
0x256: {  	v13 =	vor.u32 v2, v7;
	v5 =	vld [tilespmem:s21+$0x1020];
	_ =	sdelay $0x4  }
0x257: {  	[tilespmem:v13+s14+$0x0] =	vst.idx.msk $0xffff, v5  }
0x258: {  	v14 =	vor.u32 v3, v7;
	v5 =	vld [tilespmem:s21+$0x1030]  }
0x259: {  	s29 =	sor.u32 $0x25, s19  }
0x25a: {  	v15 =	vmov s29  }
0x25b: {  	v7 =	vand.u32 $0x75, v15;
	s30 =	spop (v2sf)  }
0x25c: {  	v7 =	vbroadcast v7, $0x0;
	s21 =	sand.u32 $0x380, s30  }
0x25d: {  	s21 =	sadd.s32 s21, s20;
	[tilespmem:v14+s14+$0x0] =	vst.idx.msk $0xffff, v5  }
0x25e: {  	v16 =	vor.u32 v0, v7;
	v5 =	vld [tilespmem:s21+$0x1400];
	_ =	sdelay $0x4  }
0x25f: {  	[tilespmem:v16+s14+$0x0] =	vst.idx.msk $0xffff, v5  }
0x260: {  	v17 =	vor.u32 v1, v7;
	(v2sf) =	vpush v4, $0x6;
	v5 =	vld [tilespmem:s21+$0x1410];
	_ =	sdelay $0x4  }
0x261: {  	[tilespmem:v17+s14+$0x0] =	vst.idx.msk $0xffff, v5  }
0x262: {  	v18 =	vor.u32 v2, v7;
	v5 =	vld [tilespmem:s21+$0x1420];
	_ =	sdelay $0x4  }
0x263: {  	[tilespmem:v18+s14+$0x0] =	vst.idx.msk $0xffff, v5  }
0x264: {  	v19 =	vor.u32 v3, v7;
	v5 =	vld [tilespmem:s21+$0x1430]  }
0x265: {  	s31 =	sor.u32 $0x26, s19  }
0x266: {  	v20 =	vmov s31  }
0x267: {  	v7 =	vand.u32 $0x76, v20;
	s22 =	spop (v2sf)  }
0x268: {  	v7 =	vbroadcast v7, $0x0;
	s21 =	sand.u32 $0x380, s22  }
0x269: {  	s21 =	sadd.s32 s21, s20;
	[tilespmem:v19+s14+$0x0] =	vst.idx.msk $0xffff, v5  }
0x26a: {  	v21 =	vor.u32 v0, v7;
	v5 =	vld [tilespmem:s21+$0x1800];
	_ =	sdelay $0x4  }
0x26b: {  	[tilespmem:v21+s14+$0x0] =	vst.idx.msk $0xffff, v5  }
0x26c: {  	v22 =	vor.u32 v1, v7;
	(v2sf) =	vpush v4, $0x7;
	v5 =	vld [tilespmem:s21+$0x1810];
	_ =	sdelay $0x4  }
0x26d: {  	[tilespmem:v22+s14+$0x0] =	vst.idx.msk $0xffff, v5  }
0x26e: {  	v23 =	vor.u32 v2, v7;
	v5 =	vld [tilespmem:s21+$0x1820];
	_ =	sdelay $0x4  }
0x26f: {  	[tilespmem:v23+s14+$0x0] =	vst.idx.msk $0xffff, v5  }
0x270: {  	v24 =	vor.u32 v3, v7;
	v5 =	vld [tilespmem:s21+$0x1830]  }
0x271: {  	s23 =	sor.u32 $0x27, s19  }
0x272: {  	v25 =	vmov s23  }
0x273: {  	v7 =	vand.u32 $0x77, v25;
	s24 =	spop (v2sf)  }
0x274: {  	v7 =	vbroadcast v7, $0x0;
	s21 =	sand.u32 $0x380, s24  }
0x275: {  	s21 =	sadd.s32 s21, s20;
	[tilespmem:v24+s14+$0x0] =	vst.idx.msk $0xffff, v5  }
0x276: {  	v26 =	vor.u32 v0, v7;
	v5 =	vld [tilespmem:s21+$0x1C00];
	_ =	sdelay $0x4  }
0x277: {  	[tilespmem:v26+s14+$0x0] =	vst.idx.msk $0xffff, v5  }
0x278: {  	v27 =	vor.u32 v1, v7;
	(v2sf) =	vpush v4, $0x8;
	v5 =	vld [tilespmem:s21+$0x1C10];
	_ =	sdelay $0x4  }
0x279: {  	[tilespmem:v27+s14+$0x0] =	vst.idx.msk $0xffff, v5  }
0x27a: {  	v28 =	vor.u32 v2, v7;
	v5 =	vld [tilespmem:s21+$0x1C20];
	_ =	sdelay $0x4  }
0x27b: {  	[tilespmem:v28+s14+$0x0] =	vst.idx.msk $0xffff, v5  }
0x27c: {  	v29 =	vor.u32 v3, v7;
	v5 =	vld [tilespmem:s21+$0x1C30]  }
0x27d: {  	s25 =	sor.u32 $0x28, s19  }
0x27e: {  	v30 =	vmov s25  }
0x27f: {  	v7 =	vand.u32 $0x78, v30;
	s26 =	spop (v2sf)  }
0x280: {  	v7 =	vbroadcast v7, $0x0;
	s21 =	sand.u32 $0x380, s26  }
0x281: {  	s21 =	sadd.s32 s21, s20;
	[tilespmem:v29+s14+$0x0] =	vst.idx.msk $0xffff, v5  }
0x282: {  	v31 =	vor.u32 v0, v7;
	v5 =	vld [tilespmem:s21+$0x2000];
	_ =	sdelay $0x4  }
0x283: {  	[tilespmem:v31+s14+$0x0] =	vst.idx.msk $0xffff, v5  }
0x284: {  	v32 =	vor.u32 v1, v7;
	(v2sf) =	vpush v4, $0x9;
	v5 =	vld [tilespmem:s21+$0x2010];
	_ =	sdelay $0x4  }
0x285: {  	[tilespmem:v32+s14+$0x0] =	vst.idx.msk $0xffff, v5  }
0x286: {  	v33 =	vor.u32 v2, v7;
	v5 =	vld [tilespmem:s21+$0x2020];
	_ =	sdelay $0x4  }
0x287: {  	[tilespmem:v33+s14+$0x0] =	vst.idx.msk $0xffff, v5  }
0x288: {  	v34 =	vor.u32 v3, v7;
	v5 =	vld [tilespmem:s21+$0x2030]  }
0x289: {  	s28 =	sor.u32 $0x29, s19  }
0x28a: {  	v35 =	vmov s28  }
0x28b: {  	v7 =	vand.u32 $0x79, v35;
	s29 =	spop (v2sf)  }
0x28c: {  	v7 =	vbroadcast v7, $0x0;
	s21 =	sand.u32 $0x380, s29  }
0x28d: {  	s21 =	sadd.s32 s21, s20;
	[tilespmem:v34+s14+$0x0] =	vst.idx.msk $0xffff, v5  }
0x28e: {  	v36 =	vor.u32 v0, v7;
	v5 =	vld [tilespmem:s21+$0x2400];
	_ =	sdelay $0x4  }
0x28f: {  	[tilespmem:v36+s14+$0x0] =	vst.idx.msk $0xffff, v5  }
0x290: {  	v37 =	vor.u32 v1, v7;
	(v2sf) =	vpush v4, $0xA;
	v5 =	vld [tilespmem:s21+$0x2410];
	_ =	sdelay $0x4  }
0x291: {  	[tilespmem:v37+s14+$0x0] =	vst.idx.msk $0xffff, v5  }
0x292: {  	v38 =	vor.u32 v2, v7;
	v5 =	vld [tilespmem:s21+$0x2420];
	_ =	sdelay $0x4  }
0x293: {  	[tilespmem:v38+s14+$0x0] =	vst.idx.msk $0xffff, v5  }
0x294: {  	v39 =	vor.u32 v3, v7;
	v5 =	vld [tilespmem:s21+$0x2430]  }
0x295: {  	s30 =	sor.u32 $0x2A, s19  }
0x296: {  	v40 =	vmov s30  }
0x297: {  	v7 =	vand.u32 $0x7A, v40;
	s31 =	spop (v2sf)  }
0x298: {  	v7 =	vbroadcast v7, $0x0;
	s21 =	sand.u32 $0x380, s31  }
0x299: {  	s21 =	sadd.s32 s21, s20;
	[tilespmem:v39+s14+$0x0] =	vst.idx.msk $0xffff, v5  }
0x29a: {  	v41 =	vor.u32 v0, v7;
	v5 =	vld [tilespmem:s21+$0x2800];
	_ =	sdelay $0x4  }
0x29b: {  	[tilespmem:v41+s14+$0x0] =	vst.idx.msk $0xffff, v5  }
0x29c: {  	v42 =	vor.u32 v1, v7;
	(v2sf) =	vpush v4, $0xB;
	v5 =	vld [tilespmem:s21+$0x2810];
	_ =	sdelay $0x4  }
0x29d: {  	[tilespmem:v42+s14+$0x0] =	vst.idx.msk $0xffff, v5  }
0x29e: {  	v43 =	vor.u32 v2, v7;
	v5 =	vld [tilespmem:s21+$0x2820];
	_ =	sdelay $0x4  }
0x29f: {  	[tilespmem:v43+s14+$0x0] =	vst.idx.msk $0xffff, v5  }
0x2a0: {  	v44 =	vor.u32 v3, v7;
	v5 =	vld [tilespmem:s21+$0x2830]  }
0x2a1: {  	s22 =	sor.u32 $0x2B, s19  }
0x2a2: {  	v45 =	vmov s22  }
0x2a3: {  	v7 =	vand.u32 $0x7B, v45;
	s23 =	spop (v2sf)  }
0x2a4: {  	v7 =	vbroadcast v7, $0x0;
	s21 =	sand.u32 $0x380, s23  }
0x2a5: {  	s21 =	sadd.s32 s21, s20;
	[tilespmem:v44+s14+$0x0] =	vst.idx.msk $0xffff, v5  }
0x2a6: {  	v46 =	vor.u32 v0, v7;
	v5 =	vld [tilespmem:s21+$0x2C00];
	_ =	sdelay $0x4  }
0x2a7: {  	[tilespmem:v46+s14+$0x0] =	vst.idx.msk $0xffff, v5  }
0x2a8: {  	v47 =	vor.u32 v1, v7;
	(v2sf) =	vpush v4, $0xC;
	v5 =	vld [tilespmem:s21+$0x2C10];
	_ =	sdelay $0x4  }
0x2a9: {  	[tilespmem:v47+s14+$0x0] =	vst.idx.msk $0xffff, v5  }
0x2aa: {  	v48 =	vor.u32 v2, v7;
	v5 =	vld [tilespmem:s21+$0x2C20];
	_ =	sdelay $0x4  }
0x2ab: {  	[tilespmem:v48+s14+$0x0] =	vst.idx.msk $0xffff, v5  }
0x2ac: {  	v49 =	vor.u32 v3, v7;
	v5 =	vld [tilespmem:s21+$0x2C30]  }
0x2ad: {  	s24 =	sor.u32 $0x2C, s19  }
0x2ae: {  	v50 =	vmov s24  }
0x2af: {  	v7 =	vand.u32 $0x7C, v50;
	s25 =	spop (v2sf)  }
0x2b0: {  	v7 =	vbroadcast v7, $0x0;
	s21 =	sand.u32 $0x380, s25  }
0x2b1: {  	s21 =	sadd.s32 s21, s20;
	[tilespmem:v49+s14+$0x0] =	vst.idx.msk $0xffff, v5  }
0x2b2: {  	v51 =	vor.u32 v0, v7;
	v5 =	vld [tilespmem:s21+$0x3000];
	_ =	sdelay $0x4  }
0x2b3: {  	[tilespmem:v51+s14+$0x0] =	vst.idx.msk $0xffff, v5  }
0x2b4: {  	v52 =	vor.u32 v1, v7;
	(v2sf) =	vpush v4, $0xD;
	v5 =	vld [tilespmem:s21+$0x3010];
	_ =	sdelay $0x4  }
0x2b5: {  	[tilespmem:v52+s14+$0x0] =	vst.idx.msk $0xffff, v5  }
0x2b6: {  	v53 =	vor.u32 v2, v7;
	v5 =	vld [tilespmem:s21+$0x3020];
	_ =	sdelay $0x4  }
0x2b7: {  	[tilespmem:v53+s14+$0x0] =	vst.idx.msk $0xffff, v5  }
0x2b8: {  	v54 =	vor.u32 v3, v7;
	v5 =	vld [tilespmem:s21+$0x3030]  }
0x2b9: {  	s26 =	sor.u32 $0x2D, s19  }
0x2ba: {  	v55 =	vmov s26  }
0x2bb: {  	v7 =	vand.u32 $0x7D, v55;
	s28 =	spop (v2sf)  }
0x2bc: {  	v7 =	vbroadcast v7, $0x0;
	s21 =	sand.u32 $0x380, s28  }
0x2bd: {  	s21 =	sadd.s32 s21, s20;
	[tilespmem:v54+s14+$0x0] =	vst.idx.msk $0xffff, v5  }
0x2be: {  	v56 =	vor.u32 v0, v7;
	v5 =	vld [tilespmem:s21+$0x3400];
	_ =	sdelay $0x4  }
0x2bf: {  	[tilespmem:v56+s14+$0x0] =	vst.idx.msk $0xffff, v5  }
0x2c0: {  	v57 =	vor.u32 v1, v7;
	(v2sf) =	vpush v4, $0xE;
	v5 =	vld [tilespmem:s21+$0x3410];
	_ =	sdelay $0x4  }
0x2c1: {  	[tilespmem:v57+s14+$0x0] =	vst.idx.msk $0xffff, v5  }
0x2c2: {  	v58 =	vor.u32 v2, v7;
	v5 =	vld [tilespmem:s21+$0x3420];
	_ =	sdelay $0x4  }
0x2c3: {  	[tilespmem:v58+s14+$0x0] =	vst.idx.msk $0xffff, v5  }
0x2c4: {  	v59 =	vor.u32 v3, v7;
	v5 =	vld [tilespmem:s21+$0x3430]  }
0x2c5: {  	s29 =	sor.u32 $0x2E, s19  }
0x2c6: {  	v60 =	vmov s29  }
0x2c7: {  	s30 =	spop (v2sf);
	v7 =	vand.u32 $0x7E, v60  }
0x2c8: {  	v7 =	vbroadcast v7, $0x0;
	s21 =	sand.u32 $0x380, s30  }
0x2c9: {  	s21 =	sadd.s32 s21, s20;
	[tilespmem:v59+s14+$0x0] =	vst.idx.msk $0xffff, v5  }
0x2ca: {  	v61 =	vor.u32 v0, v7;
	v5 =	vld [tilespmem:s21+$0x3800];
	_ =	sdelay $0x4  }
0x2cb: {  	[tilespmem:v61+s14+$0x0] =	vst.idx.msk $0xffff, v5  }
0x2cc: {  	(v2sf) =	vpush v4, $0xF;
	v62 =	vor.u32 v1, v7;
	v5 =	vld [tilespmem:s21+$0x3810];
	_ =	sdelay $0x4  }
0x2cd: {  	[tilespmem:v62+s14+$0x0] =	vst.idx.msk $0xffff, v5  }
0x2ce: {  	v5 =	vor.u32 v2, v7;
	v4 =	vld [tilespmem:s21+$0x3820];
	_ =	sdelay $0x4  }
0x2cf: {  	[tilespmem:v5+s14+$0x0] =	vst.idx.msk $0xffff, v4  }
0x2d0: {  	v5 =	vor.u32 v3, v7;
	v4 =	vld [tilespmem:s21+$0x3830]  }
0x2d1: {  	s19 =	sor.u32 $0x2F, s19  }
0x2d2: {  	v63 =	vmov s19  }
0x2d3: {  	v6 =	vand.u32 $0x7F, v63;
	s31 =	spop (v2sf)  }
0x2d4: {  	v6 =	vbroadcast v6, $0x0;
	s19 =	sand.u32 $0x380, s31  }
0x2d5: {  	s19 =	sadd.s32 s19, s20;
	[tilespmem:v5+s14+$0x0] =	vst.idx.msk $0xffff, v4  }
0x2d6: {  	v5 =	vor.u32 v0, v6;
	v4 =	vld [tilespmem:s19+$0x3C00];
	_ =	sdelay $0x4  }
0x2d7: {  	[tilespmem:v5+s14+$0x0] =	vst.idx.msk $0xffff, v4  }
0x2d8: {  	v5 =	vor.u32 v1, v6;
	v4 =	vld [tilespmem:s19+$0x3C10];
	_ =	sdelay $0x4  }
0x2d9: {  	[tilespmem:v5+s14+$0x0] =	vst.idx.msk $0xffff, v4  }
0x2da: {  	v5 =	vor.u32 v2, v6;
	v4 =	vld [tilespmem:s19+$0x3C20];
	_ =	sdelay $0x4  }
0x2db: {  	[tilespmem:v5+s14+$0x0] =	vst.idx.msk $0xffff, v4  }
0x2dc: {  	p1 =	por p0, p0;
	v5 =	vor.u32 v3, v6;
	v4 =	vld [tilespmem:s19+$0x3C30]  }
.Ltmp5:
0x2dd: {  	_ = 	snop;
	(pc) =	sbr.rel @p1 .LBB2_10-.Ltmp5, $2  }
0x2de: {  	_ =	sdelay $0x2  }
0x2df: {  	p0 =	por $0x0, $0x0;
	s20 =	simm.s32 $0x1;
	[tilespmem:v5+s14+$0x0] =	vst.idx.msk $0xffff, v4  }
0x2e0: {  	_ =	swait.ge [sflag:s13], $0x8000  }
0x2e1: {  	[sflag:s13] =	ssyncset.done $0x0  }
0x2e2: {  	s20 =	simm.s32 $0x0;
	p0 =	por $0x1, $0x1;
	[sflag:s13] =	ssyncadd.s32 $0xFFFF8000  }
.LBB2_12:
0x2e3: {  	s19 =	sshll.u32 s20, $0x4  }
0x2e4: {  	v4 =	vld [tilespmem:s19+$0x140];
	_ =	sdelay $0x4  }
0x2e5: {  	v4 =	vshll.u32 v4, $0x7  }
0x2e6: {  	(v2sf) =	vpush v4, $0x0;
	_ =	sdelay $0xc  }
0x2e7: {  	s21 =	sor.u32 $0x40, s19  }
0x2e8: {  	s28 =	sshll.u32 s20, $0xE;
	v5 =	vmov s21  }
0x2e9: {  	s20 =	sand.u32 $0x3FFFC000, s28;
	v5 =	vand.u32 $0x70, v5;
	s29 =	spop (v2sf)  }
0x2ea: {  	s20 =	sadd.s32 $0x10200, s20;
	v5 =	vbroadcast v5, $0x0;
	s21 =	sand.u32 $0x380, s29  }
0x2eb: {  	s21 =	sadd.s32 s21, s20  }
0x2ec: {  	v7 =	vor.u32 v0, v5;
	v6 =	vld [tilespmem:s21+$0x0];
	_ =	sdelay $0x4  }
0x2ed: {  	[tilespmem:v7+s14+$0x0] =	vst.idx.msk $0xffff, v6  }
0x2ee: {  	v48 =	vor.u32 v1, v5;
	(v2sf) =	vpush v4, $0x1;
	v6 =	vld [tilespmem:s21+$0x10];
	_ =	sdelay $0x4  }
0x2ef: {  	[tilespmem:v48+s14+$0x0] =	vst.idx.msk $0xffff, v6  }
0x2f0: {  	v49 =	vor.u32 v2, v5;
	v6 =	vld [tilespmem:s21+$0x20];
	_ =	sdelay $0x4  }
0x2f1: {  	[tilespmem:v49+s14+$0x0] =	vst.idx.msk $0xffff, v6  }
0x2f2: {  	v5 =	vor.u32 v3, v5;
	v6 =	vld [tilespmem:s21+$0x30]  }
0x2f3: {  	s30 =	sor.u32 $0x41, s19  }
0x2f4: {  	v50 =	vmov s30  }
0x2f5: {  	v7 =	vand.u32 $0x71, v50;
	s31 =	spop (v2sf)  }
0x2f6: {  	v7 =	vbroadcast v7, $0x0;
	s21 =	sand.u32 $0x380, s31  }
0x2f7: {  	s21 =	sadd.s32 s21, s20;
	[tilespmem:v5+s14+$0x0] =	vst.idx.msk $0xffff, v6  }
0x2f8: {  	v51 =	vor.u32 v0, v7;
	v5 =	vld [tilespmem:s21+$0x400];
	_ =	sdelay $0x4  }
0x2f9: {  	[tilespmem:v51+s14+$0x0] =	vst.idx.msk $0xffff, v5  }
0x2fa: {  	v52 =	vor.u32 v1, v7;
	(v2sf) =	vpush v4, $0x2;
	v5 =	vld [tilespmem:s21+$0x410];
	_ =	sdelay $0x4  }
0x2fb: {  	[tilespmem:v52+s14+$0x0] =	vst.idx.msk $0xffff, v5  }
0x2fc: {  	v53 =	vor.u32 v2, v7;
	v5 =	vld [tilespmem:s21+$0x420];
	_ =	sdelay $0x4  }
0x2fd: {  	[tilespmem:v53+s14+$0x0] =	vst.idx.msk $0xffff, v5  }
0x2fe: {  	v54 =	vor.u32 v3, v7;
	v5 =	vld [tilespmem:s21+$0x430]  }
0x2ff: {  	s22 =	sor.u32 $0x42, s19  }
0x300: {  	v55 =	vmov s22  }
0x301: {  	v7 =	vand.u32 $0x72, v55;
	s23 =	spop (v2sf)  }
0x302: {  	v7 =	vbroadcast v7, $0x0;
	s21 =	sand.u32 $0x380, s23  }
0x303: {  	s21 =	sadd.s32 s21, s20;
	[tilespmem:v54+s14+$0x0] =	vst.idx.msk $0xffff, v5  }
0x304: {  	v56 =	vor.u32 v0, v7;
	v5 =	vld [tilespmem:s21+$0x800];
	_ =	sdelay $0x4  }
0x305: {  	[tilespmem:v56+s14+$0x0] =	vst.idx.msk $0xffff, v5  }
0x306: {  	v57 =	vor.u32 v1, v7;
	(v2sf) =	vpush v4, $0x3;
	v5 =	vld [tilespmem:s21+$0x810];
	_ =	sdelay $0x4  }
0x307: {  	[tilespmem:v57+s14+$0x0] =	vst.idx.msk $0xffff, v5  }
0x308: {  	v58 =	vor.u32 v2, v7;
	v5 =	vld [tilespmem:s21+$0x820];
	_ =	sdelay $0x4  }
0x309: {  	[tilespmem:v58+s14+$0x0] =	vst.idx.msk $0xffff, v5  }
0x30a: {  	v59 =	vor.u32 v3, v7;
	v5 =	vld [tilespmem:s21+$0x830]  }
0x30b: {  	s24 =	sor.u32 $0x43, s19  }
0x30c: {  	v60 =	vmov s24  }
0x30d: {  	v7 =	vand.u32 $0x73, v60;
	s25 =	spop (v2sf)  }
0x30e: {  	v7 =	vbroadcast v7, $0x0;
	s21 =	sand.u32 $0x380, s25  }
0x30f: {  	s21 =	sadd.s32 s21, s20;
	[tilespmem:v59+s14+$0x0] =	vst.idx.msk $0xffff, v5  }
0x310: {  	v61 =	vor.u32 v0, v7;
	v5 =	vld [tilespmem:s21+$0xC00];
	_ =	sdelay $0x4  }
0x311: {  	[tilespmem:v61+s14+$0x0] =	vst.idx.msk $0xffff, v5  }
0x312: {  	v62 =	vor.u32 v1, v7;
	(v2sf) =	vpush v4, $0x4;
	v5 =	vld [tilespmem:s21+$0xC10];
	_ =	sdelay $0x4  }
0x313: {  	[tilespmem:v62+s14+$0x0] =	vst.idx.msk $0xffff, v5  }
0x314: {  	v63 =	vor.u32 v2, v7;
	v5 =	vld [tilespmem:s21+$0xC20];
	_ =	sdelay $0x4  }
0x315: {  	[tilespmem:v63+s14+$0x0] =	vst.idx.msk $0xffff, v5  }
0x316: {  	v9 =	vor.u32 v3, v7;
	v5 =	vld [tilespmem:s21+$0xC30]  }
0x317: {  	s26 =	sor.u32 $0x44, s19  }
0x318: {  	v10 =	vmov s26  }
0x319: {  	v7 =	vand.u32 $0x74, v10;
	s28 =	spop (v2sf)  }
0x31a: {  	v7 =	vbroadcast v7, $0x0;
	s21 =	sand.u32 $0x380, s28  }
0x31b: {  	s21 =	sadd.s32 s21, s20;
	[tilespmem:v9+s14+$0x0] =	vst.idx.msk $0xffff, v5  }
0x31c: {  	v11 =	vor.u32 v0, v7;
	v5 =	vld [tilespmem:s21+$0x1000];
	_ =	sdelay $0x4  }
0x31d: {  	[tilespmem:v11+s14+$0x0] =	vst.idx.msk $0xffff, v5  }
0x31e: {  	v12 =	vor.u32 v1, v7;
	(v2sf) =	vpush v4, $0x5;
	v5 =	vld [tilespmem:s21+$0x1010];
	_ =	sdelay $0x4  }
0x31f: {  	[tilespmem:v12+s14+$0x0] =	vst.idx.msk $0xffff, v5  }
0x320: {  	v13 =	vor.u32 v2, v7;
	v5 =	vld [tilespmem:s21+$0x1020];
	_ =	sdelay $0x4  }
0x321: {  	[tilespmem:v13+s14+$0x0] =	vst.idx.msk $0xffff, v5  }
0x322: {  	v14 =	vor.u32 v3, v7;
	v5 =	vld [tilespmem:s21+$0x1030]  }
0x323: {  	s29 =	sor.u32 $0x45, s19  }
0x324: {  	v15 =	vmov s29  }
0x325: {  	v7 =	vand.u32 $0x75, v15;
	s30 =	spop (v2sf)  }
0x326: {  	v7 =	vbroadcast v7, $0x0;
	s21 =	sand.u32 $0x380, s30  }
0x327: {  	s21 =	sadd.s32 s21, s20;
	[tilespmem:v14+s14+$0x0] =	vst.idx.msk $0xffff, v5  }
0x328: {  	v16 =	vor.u32 v0, v7;
	v5 =	vld [tilespmem:s21+$0x1400];
	_ =	sdelay $0x4  }
0x329: {  	[tilespmem:v16+s14+$0x0] =	vst.idx.msk $0xffff, v5  }
0x32a: {  	v17 =	vor.u32 v1, v7;
	(v2sf) =	vpush v4, $0x6;
	v5 =	vld [tilespmem:s21+$0x1410];
	_ =	sdelay $0x4  }
0x32b: {  	[tilespmem:v17+s14+$0x0] =	vst.idx.msk $0xffff, v5  }
0x32c: {  	v18 =	vor.u32 v2, v7;
	v5 =	vld [tilespmem:s21+$0x1420];
	_ =	sdelay $0x4  }
0x32d: {  	[tilespmem:v18+s14+$0x0] =	vst.idx.msk $0xffff, v5  }
0x32e: {  	v19 =	vor.u32 v3, v7;
	v5 =	vld [tilespmem:s21+$0x1430]  }
0x32f: {  	s31 =	sor.u32 $0x46, s19  }
0x330: {  	v20 =	vmov s31  }
0x331: {  	v7 =	vand.u32 $0x76, v20;
	s22 =	spop (v2sf)  }
0x332: {  	v7 =	vbroadcast v7, $0x0;
	s21 =	sand.u32 $0x380, s22  }
0x333: {  	s21 =	sadd.s32 s21, s20;
	[tilespmem:v19+s14+$0x0] =	vst.idx.msk $0xffff, v5  }
0x334: {  	v21 =	vor.u32 v0, v7;
	v5 =	vld [tilespmem:s21+$0x1800];
	_ =	sdelay $0x4  }
0x335: {  	[tilespmem:v21+s14+$0x0] =	vst.idx.msk $0xffff, v5  }
0x336: {  	v22 =	vor.u32 v1, v7;
	(v2sf) =	vpush v4, $0x7;
	v5 =	vld [tilespmem:s21+$0x1810];
	_ =	sdelay $0x4  }
0x337: {  	[tilespmem:v22+s14+$0x0] =	vst.idx.msk $0xffff, v5  }
0x338: {  	v23 =	vor.u32 v2, v7;
	v5 =	vld [tilespmem:s21+$0x1820];
	_ =	sdelay $0x4  }
0x339: {  	[tilespmem:v23+s14+$0x0] =	vst.idx.msk $0xffff, v5  }
0x33a: {  	v24 =	vor.u32 v3, v7;
	v5 =	vld [tilespmem:s21+$0x1830]  }
0x33b: {  	s23 =	sor.u32 $0x47, s19  }
0x33c: {  	v25 =	vmov s23  }
0x33d: {  	v7 =	vand.u32 $0x77, v25;
	s24 =	spop (v2sf)  }
0x33e: {  	v7 =	vbroadcast v7, $0x0;
	s21 =	sand.u32 $0x380, s24  }
0x33f: {  	s21 =	sadd.s32 s21, s20;
	[tilespmem:v24+s14+$0x0] =	vst.idx.msk $0xffff, v5  }
0x340: {  	v26 =	vor.u32 v0, v7;
	v5 =	vld [tilespmem:s21+$0x1C00];
	_ =	sdelay $0x4  }
0x341: {  	[tilespmem:v26+s14+$0x0] =	vst.idx.msk $0xffff, v5  }
0x342: {  	v27 =	vor.u32 v1, v7;
	(v2sf) =	vpush v4, $0x8;
	v5 =	vld [tilespmem:s21+$0x1C10];
	_ =	sdelay $0x4  }
0x343: {  	[tilespmem:v27+s14+$0x0] =	vst.idx.msk $0xffff, v5  }
0x344: {  	v28 =	vor.u32 v2, v7;
	v5 =	vld [tilespmem:s21+$0x1C20];
	_ =	sdelay $0x4  }
0x345: {  	[tilespmem:v28+s14+$0x0] =	vst.idx.msk $0xffff, v5  }
0x346: {  	v29 =	vor.u32 v3, v7;
	v5 =	vld [tilespmem:s21+$0x1C30]  }
0x347: {  	s25 =	sor.u32 $0x48, s19  }
0x348: {  	v30 =	vmov s25  }
0x349: {  	v7 =	vand.u32 $0x78, v30;
	s26 =	spop (v2sf)  }
0x34a: {  	v7 =	vbroadcast v7, $0x0;
	s21 =	sand.u32 $0x380, s26  }
0x34b: {  	s21 =	sadd.s32 s21, s20;
	[tilespmem:v29+s14+$0x0] =	vst.idx.msk $0xffff, v5  }
0x34c: {  	v31 =	vor.u32 v0, v7;
	v5 =	vld [tilespmem:s21+$0x2000];
	_ =	sdelay $0x4  }
0x34d: {  	[tilespmem:v31+s14+$0x0] =	vst.idx.msk $0xffff, v5  }
0x34e: {  	v32 =	vor.u32 v1, v7;
	(v2sf) =	vpush v4, $0x9;
	v5 =	vld [tilespmem:s21+$0x2010];
	_ =	sdelay $0x4  }
0x34f: {  	[tilespmem:v32+s14+$0x0] =	vst.idx.msk $0xffff, v5  }
0x350: {  	v33 =	vor.u32 v2, v7;
	v5 =	vld [tilespmem:s21+$0x2020];
	_ =	sdelay $0x4  }
0x351: {  	[tilespmem:v33+s14+$0x0] =	vst.idx.msk $0xffff, v5  }
0x352: {  	v34 =	vor.u32 v3, v7;
	v5 =	vld [tilespmem:s21+$0x2030]  }
0x353: {  	s28 =	sor.u32 $0x49, s19  }
0x354: {  	v35 =	vmov s28  }
0x355: {  	v7 =	vand.u32 $0x79, v35;
	s29 =	spop (v2sf)  }
0x356: {  	v7 =	vbroadcast v7, $0x0;
	s21 =	sand.u32 $0x380, s29  }
0x357: {  	s21 =	sadd.s32 s21, s20;
	[tilespmem:v34+s14+$0x0] =	vst.idx.msk $0xffff, v5  }
0x358: {  	v36 =	vor.u32 v0, v7;
	v5 =	vld [tilespmem:s21+$0x2400];
	_ =	sdelay $0x4  }
0x359: {  	[tilespmem:v36+s14+$0x0] =	vst.idx.msk $0xffff, v5  }
0x35a: {  	v37 =	vor.u32 v1, v7;
	(v2sf) =	vpush v4, $0xA;
	v5 =	vld [tilespmem:s21+$0x2410];
	_ =	sdelay $0x4  }
0x35b: {  	[tilespmem:v37+s14+$0x0] =	vst.idx.msk $0xffff, v5  }
0x35c: {  	v38 =	vor.u32 v2, v7;
	v5 =	vld [tilespmem:s21+$0x2420];
	_ =	sdelay $0x4  }
0x35d: {  	[tilespmem:v38+s14+$0x0] =	vst.idx.msk $0xffff, v5  }
0x35e: {  	v39 =	vor.u32 v3, v7;
	v5 =	vld [tilespmem:s21+$0x2430]  }
0x35f: {  	s30 =	sor.u32 $0x4A, s19  }
0x360: {  	v40 =	vmov s30  }
0x361: {  	v7 =	vand.u32 $0x7A, v40;
	s31 =	spop (v2sf)  }
0x362: {  	v7 =	vbroadcast v7, $0x0;
	s21 =	sand.u32 $0x380, s31  }
0x363: {  	s21 =	sadd.s32 s21, s20;
	[tilespmem:v39+s14+$0x0] =	vst.idx.msk $0xffff, v5  }
0x364: {  	v41 =	vor.u32 v0, v7;
	v5 =	vld [tilespmem:s21+$0x2800];
	_ =	sdelay $0x4  }
0x365: {  	[tilespmem:v41+s14+$0x0] =	vst.idx.msk $0xffff, v5  }
0x366: {  	v42 =	vor.u32 v1, v7;
	(v2sf) =	vpush v4, $0xB;
	v5 =	vld [tilespmem:s21+$0x2810];
	_ =	sdelay $0x4  }
0x367: {  	[tilespmem:v42+s14+$0x0] =	vst.idx.msk $0xffff, v5  }
0x368: {  	v43 =	vor.u32 v2, v7;
	v5 =	vld [tilespmem:s21+$0x2820];
	_ =	sdelay $0x4  }
0x369: {  	[tilespmem:v43+s14+$0x0] =	vst.idx.msk $0xffff, v5  }
0x36a: {  	v44 =	vor.u32 v3, v7;
	v5 =	vld [tilespmem:s21+$0x2830]  }
0x36b: {  	s22 =	sor.u32 $0x4B, s19  }
0x36c: {  	v45 =	vmov s22  }
0x36d: {  	v7 =	vand.u32 $0x7B, v45;
	s23 =	spop (v2sf)  }
0x36e: {  	v7 =	vbroadcast v7, $0x0;
	s21 =	sand.u32 $0x380, s23  }
0x36f: {  	s21 =	sadd.s32 s21, s20;
	[tilespmem:v44+s14+$0x0] =	vst.idx.msk $0xffff, v5  }
0x370: {  	v46 =	vor.u32 v0, v7;
	v5 =	vld [tilespmem:s21+$0x2C00];
	_ =	sdelay $0x4  }
0x371: {  	[tilespmem:v46+s14+$0x0] =	vst.idx.msk $0xffff, v5  }
0x372: {  	v47 =	vor.u32 v1, v7;
	(v2sf) =	vpush v4, $0xC;
	v5 =	vld [tilespmem:s21+$0x2C10];
	_ =	sdelay $0x4  }
0x373: {  	[tilespmem:v47+s14+$0x0] =	vst.idx.msk $0xffff, v5  }
0x374: {  	v48 =	vor.u32 v2, v7;
	v5 =	vld [tilespmem:s21+$0x2C20];
	_ =	sdelay $0x4  }
0x375: {  	[tilespmem:v48+s14+$0x0] =	vst.idx.msk $0xffff, v5  }
0x376: {  	v49 =	vor.u32 v3, v7;
	v5 =	vld [tilespmem:s21+$0x2C30]  }
0x377: {  	s24 =	sor.u32 $0x4C, s19  }
0x378: {  	v50 =	vmov s24  }
0x379: {  	v7 =	vand.u32 $0x7C, v50;
	s25 =	spop (v2sf)  }
0x37a: {  	v7 =	vbroadcast v7, $0x0;
	s21 =	sand.u32 $0x380, s25  }
0x37b: {  	s21 =	sadd.s32 s21, s20;
	[tilespmem:v49+s14+$0x0] =	vst.idx.msk $0xffff, v5  }
0x37c: {  	v51 =	vor.u32 v0, v7;
	v5 =	vld [tilespmem:s21+$0x3000];
	_ =	sdelay $0x4  }
0x37d: {  	[tilespmem:v51+s14+$0x0] =	vst.idx.msk $0xffff, v5  }
0x37e: {  	v52 =	vor.u32 v1, v7;
	(v2sf) =	vpush v4, $0xD;
	v5 =	vld [tilespmem:s21+$0x3010];
	_ =	sdelay $0x4  }
0x37f: {  	[tilespmem:v52+s14+$0x0] =	vst.idx.msk $0xffff, v5  }
0x380: {  	v53 =	vor.u32 v2, v7;
	v5 =	vld [tilespmem:s21+$0x3020];
	_ =	sdelay $0x4  }
0x381: {  	[tilespmem:v53+s14+$0x0] =	vst.idx.msk $0xffff, v5  }
0x382: {  	v54 =	vor.u32 v3, v7;
	v5 =	vld [tilespmem:s21+$0x3030]  }
0x383: {  	s26 =	sor.u32 $0x4D, s19  }
0x384: {  	v55 =	vmov s26  }
0x385: {  	v7 =	vand.u32 $0x7D, v55;
	s28 =	spop (v2sf)  }
0x386: {  	v7 =	vbroadcast v7, $0x0;
	s21 =	sand.u32 $0x380, s28  }
0x387: {  	s21 =	sadd.s32 s21, s20;
	[tilespmem:v54+s14+$0x0] =	vst.idx.msk $0xffff, v5  }
0x388: {  	v56 =	vor.u32 v0, v7;
	v5 =	vld [tilespmem:s21+$0x3400];
	_ =	sdelay $0x4  }
0x389: {  	[tilespmem:v56+s14+$0x0] =	vst.idx.msk $0xffff, v5  }
0x38a: {  	v57 =	vor.u32 v1, v7;
	(v2sf) =	vpush v4, $0xE;
	v5 =	vld [tilespmem:s21+$0x3410];
	_ =	sdelay $0x4  }
0x38b: {  	[tilespmem:v57+s14+$0x0] =	vst.idx.msk $0xffff, v5  }
0x38c: {  	v58 =	vor.u32 v2, v7;
	v5 =	vld [tilespmem:s21+$0x3420];
	_ =	sdelay $0x4  }
0x38d: {  	[tilespmem:v58+s14+$0x0] =	vst.idx.msk $0xffff, v5  }
0x38e: {  	v59 =	vor.u32 v3, v7;
	v5 =	vld [tilespmem:s21+$0x3430]  }
0x38f: {  	s29 =	sor.u32 $0x4E, s19  }
0x390: {  	v60 =	vmov s29  }
0x391: {  	s30 =	spop (v2sf);
	v7 =	vand.u32 $0x7E, v60  }
0x392: {  	v7 =	vbroadcast v7, $0x0;
	s21 =	sand.u32 $0x380, s30  }
0x393: {  	s21 =	sadd.s32 s21, s20;
	[tilespmem:v59+s14+$0x0] =	vst.idx.msk $0xffff, v5  }
0x394: {  	v61 =	vor.u32 v0, v7;
	v5 =	vld [tilespmem:s21+$0x3800];
	_ =	sdelay $0x4  }
0x395: {  	[tilespmem:v61+s14+$0x0] =	vst.idx.msk $0xffff, v5  }
0x396: {  	(v2sf) =	vpush v4, $0xF;
	v62 =	vor.u32 v1, v7;
	v5 =	vld [tilespmem:s21+$0x3810];
	_ =	sdelay $0x4  }
0x397: {  	[tilespmem:v62+s14+$0x0] =	vst.idx.msk $0xffff, v5  }
0x398: {  	v5 =	vor.u32 v2, v7;
	v4 =	vld [tilespmem:s21+$0x3820];
	_ =	sdelay $0x4  }
0x399: {  	[tilespmem:v5+s14+$0x0] =	vst.idx.msk $0xffff, v4  }
0x39a: {  	v5 =	vor.u32 v3, v7;
	v4 =	vld [tilespmem:s21+$0x3830]  }
0x39b: {  	s19 =	sor.u32 $0x4F, s19  }
0x39c: {  	v63 =	vmov s19  }
0x39d: {  	v6 =	vand.u32 $0x7F, v63;
	s31 =	spop (v2sf)  }
0x39e: {  	v6 =	vbroadcast v6, $0x0;
	s19 =	sand.u32 $0x380, s31  }
0x39f: {  	s19 =	sadd.s32 s19, s20;
	[tilespmem:v5+s14+$0x0] =	vst.idx.msk $0xffff, v4  }
0x3a0: {  	v5 =	vor.u32 v0, v6;
	v4 =	vld [tilespmem:s19+$0x3C00];
	_ =	sdelay $0x4  }
0x3a1: {  	[tilespmem:v5+s14+$0x0] =	vst.idx.msk $0xffff, v4  }
0x3a2: {  	v5 =	vor.u32 v1, v6;
	v4 =	vld [tilespmem:s19+$0x3C10];
	_ =	sdelay $0x4  }
0x3a3: {  	[tilespmem:v5+s14+$0x0] =	vst.idx.msk $0xffff, v4  }
0x3a4: {  	v5 =	vor.u32 v2, v6;
	v4 =	vld [tilespmem:s19+$0x3C20];
	_ =	sdelay $0x4  }
0x3a5: {  	[tilespmem:v5+s14+$0x0] =	vst.idx.msk $0xffff, v4  }
0x3a6: {  	p1 =	por p0, p0;
	v5 =	vor.u32 v3, v6;
	v4 =	vld [tilespmem:s19+$0x3C30]  }
.Ltmp6:
0x3a7: {  	_ = 	snop;
	(pc) =	sbr.rel @p1 .LBB2_12-.Ltmp6, $2  }
0x3a8: {  	_ =	sdelay $0x2  }
0x3a9: {  	p0 =	por $0x0, $0x0;
	s20 =	simm.s32 $0x1;
	[tilespmem:v5+s14+$0x0] =	vst.idx.msk $0xffff, v4  }
0x3aa: {  	_ =	swait.ge [sflag:s11], $0x8000  }
0x3ab: {  	[sflag:s11] =	ssyncset.done $0x0  }
0x3ac: {  	s20 =	simm.s32 $0x0;
	p0 =	por $0x1, $0x1;
	[sflag:s11] =	ssyncadd.s32 $0xFFFF8000  }
.LBB2_14:
0x3ad: {  	s19 =	sshll.u32 s20, $0x4  }
0x3ae: {  	v4 =	vld [tilespmem:s19+$0x160];
	_ =	sdelay $0x4  }
0x3af: {  	v4 =	vshll.u32 v4, $0x7  }
0x3b0: {  	(v2sf) =	vpush v4, $0x0;
	_ =	sdelay $0xc  }
0x3b1: {  	s21 =	sor.u32 $0x60, s19  }
0x3b2: {  	s28 =	sshll.u32 s20, $0xE;
	v5 =	vmov s21  }
0x3b3: {  	s20 =	sand.u32 $0x3FFFC000, s28;
	v5 =	vand.u32 $0x70, v5;
	s29 =	spop (v2sf)  }
0x3b4: {  	s20 =	sor.u32 $0x200, s20;
	v5 =	vbroadcast v5, $0x0;
	s21 =	sand.u32 $0x380, s29  }
0x3b5: {  	s21 =	sadd.s32 s21, s20  }
0x3b6: {  	v7 =	vor.u32 v0, v5;
	v6 =	vld [tilespmem:s21+$0x0];
	_ =	sdelay $0x4  }
0x3b7: {  	[tilespmem:v7+s14+$0x0] =	vst.idx.msk $0xffff, v6  }
0x3b8: {  	v48 =	vor.u32 v1, v5;
	(v2sf) =	vpush v4, $0x1;
	v6 =	vld [tilespmem:s21+$0x10];
	_ =	sdelay $0x4  }
0x3b9: {  	[tilespmem:v48+s14+$0x0] =	vst.idx.msk $0xffff, v6  }
0x3ba: {  	v49 =	vor.u32 v2, v5;
	v6 =	vld [tilespmem:s21+$0x20];
	_ =	sdelay $0x4  }
0x3bb: {  	[tilespmem:v49+s14+$0x0] =	vst.idx.msk $0xffff, v6  }
0x3bc: {  	v5 =	vor.u32 v3, v5;
	v6 =	vld [tilespmem:s21+$0x30]  }
0x3bd: {  	s30 =	sor.u32 $0x61, s19  }
0x3be: {  	v50 =	vmov s30  }
0x3bf: {  	v7 =	vand.u32 $0x71, v50;
	s31 =	spop (v2sf)  }
0x3c0: {  	v7 =	vbroadcast v7, $0x0;
	s21 =	sand.u32 $0x380, s31  }
0x3c1: {  	s21 =	sadd.s32 s21, s20;
	[tilespmem:v5+s14+$0x0] =	vst.idx.msk $0xffff, v6  }
0x3c2: {  	v51 =	vor.u32 v0, v7;
	v5 =	vld [tilespmem:s21+$0x400];
	_ =	sdelay $0x4  }
0x3c3: {  	[tilespmem:v51+s14+$0x0] =	vst.idx.msk $0xffff, v5  }
0x3c4: {  	v52 =	vor.u32 v1, v7;
	(v2sf) =	vpush v4, $0x2;
	v5 =	vld [tilespmem:s21+$0x410];
	_ =	sdelay $0x4  }
0x3c5: {  	[tilespmem:v52+s14+$0x0] =	vst.idx.msk $0xffff, v5  }
0x3c6: {  	v53 =	vor.u32 v2, v7;
	v5 =	vld [tilespmem:s21+$0x420];
	_ =	sdelay $0x4  }
0x3c7: {  	[tilespmem:v53+s14+$0x0] =	vst.idx.msk $0xffff, v5  }
0x3c8: {  	v54 =	vor.u32 v3, v7;
	v5 =	vld [tilespmem:s21+$0x430]  }
0x3c9: {  	s22 =	sor.u32 $0x62, s19  }
0x3ca: {  	v55 =	vmov s22  }
0x3cb: {  	v7 =	vand.u32 $0x72, v55;
	s23 =	spop (v2sf)  }
0x3cc: {  	v7 =	vbroadcast v7, $0x0;
	s21 =	sand.u32 $0x380, s23  }
0x3cd: {  	s21 =	sadd.s32 s21, s20;
	[tilespmem:v54+s14+$0x0] =	vst.idx.msk $0xffff, v5  }
0x3ce: {  	v56 =	vor.u32 v0, v7;
	v5 =	vld [tilespmem:s21+$0x800];
	_ =	sdelay $0x4  }
0x3cf: {  	[tilespmem:v56+s14+$0x0] =	vst.idx.msk $0xffff, v5  }
0x3d0: {  	v57 =	vor.u32 v1, v7;
	(v2sf) =	vpush v4, $0x3;
	v5 =	vld [tilespmem:s21+$0x810];
	_ =	sdelay $0x4  }
0x3d1: {  	[tilespmem:v57+s14+$0x0] =	vst.idx.msk $0xffff, v5  }
0x3d2: {  	v58 =	vor.u32 v2, v7;
	v5 =	vld [tilespmem:s21+$0x820];
	_ =	sdelay $0x4  }
0x3d3: {  	[tilespmem:v58+s14+$0x0] =	vst.idx.msk $0xffff, v5  }
0x3d4: {  	v59 =	vor.u32 v3, v7;
	v5 =	vld [tilespmem:s21+$0x830]  }
0x3d5: {  	s24 =	sor.u32 $0x63, s19  }
0x3d6: {  	v60 =	vmov s24  }
0x3d7: {  	v7 =	vand.u32 $0x73, v60;
	s25 =	spop (v2sf)  }
0x3d8: {  	v7 =	vbroadcast v7, $0x0;
	s21 =	sand.u32 $0x380, s25  }
0x3d9: {  	s21 =	sadd.s32 s21, s20;
	[tilespmem:v59+s14+$0x0] =	vst.idx.msk $0xffff, v5  }
0x3da: {  	v61 =	vor.u32 v0, v7;
	v5 =	vld [tilespmem:s21+$0xC00];
	_ =	sdelay $0x4  }
0x3db: {  	[tilespmem:v61+s14+$0x0] =	vst.idx.msk $0xffff, v5  }
0x3dc: {  	v62 =	vor.u32 v1, v7;
	(v2sf) =	vpush v4, $0x4;
	v5 =	vld [tilespmem:s21+$0xC10];
	_ =	sdelay $0x4  }
0x3dd: {  	[tilespmem:v62+s14+$0x0] =	vst.idx.msk $0xffff, v5  }
0x3de: {  	v63 =	vor.u32 v2, v7;
	v5 =	vld [tilespmem:s21+$0xC20];
	_ =	sdelay $0x4  }
0x3df: {  	[tilespmem:v63+s14+$0x0] =	vst.idx.msk $0xffff, v5  }
0x3e0: {  	v9 =	vor.u32 v3, v7;
	v5 =	vld [tilespmem:s21+$0xC30]  }
0x3e1: {  	s26 =	sor.u32 $0x64, s19  }
0x3e2: {  	v10 =	vmov s26  }
0x3e3: {  	v7 =	vand.u32 $0x74, v10;
	s28 =	spop (v2sf)  }
0x3e4: {  	v7 =	vbroadcast v7, $0x0;
	s21 =	sand.u32 $0x380, s28  }
0x3e5: {  	s21 =	sadd.s32 s21, s20;
	[tilespmem:v9+s14+$0x0] =	vst.idx.msk $0xffff, v5  }
0x3e6: {  	v11 =	vor.u32 v0, v7;
	v5 =	vld [tilespmem:s21+$0x1000];
	_ =	sdelay $0x4  }
0x3e7: {  	[tilespmem:v11+s14+$0x0] =	vst.idx.msk $0xffff, v5  }
0x3e8: {  	v12 =	vor.u32 v1, v7;
	(v2sf) =	vpush v4, $0x5;
	v5 =	vld [tilespmem:s21+$0x1010];
	_ =	sdelay $0x4  }
0x3e9: {  	[tilespmem:v12+s14+$0x0] =	vst.idx.msk $0xffff, v5  }
0x3ea: {  	v13 =	vor.u32 v2, v7;
	v5 =	vld [tilespmem:s21+$0x1020];
	_ =	sdelay $0x4  }
0x3eb: {  	[tilespmem:v13+s14+$0x0] =	vst.idx.msk $0xffff, v5  }
0x3ec: {  	v14 =	vor.u32 v3, v7;
	v5 =	vld [tilespmem:s21+$0x1030]  }
0x3ed: {  	s29 =	sor.u32 $0x65, s19  }
0x3ee: {  	v15 =	vmov s29  }
0x3ef: {  	v7 =	vand.u32 $0x75, v15;
	s30 =	spop (v2sf)  }
0x3f0: {  	v7 =	vbroadcast v7, $0x0;
	s21 =	sand.u32 $0x380, s30  }
0x3f1: {  	s21 =	sadd.s32 s21, s20;
	[tilespmem:v14+s14+$0x0] =	vst.idx.msk $0xffff, v5  }
0x3f2: {  	v16 =	vor.u32 v0, v7;
	v5 =	vld [tilespmem:s21+$0x1400];
	_ =	sdelay $0x4  }
0x3f3: {  	[tilespmem:v16+s14+$0x0] =	vst.idx.msk $0xffff, v5  }
0x3f4: {  	v17 =	vor.u32 v1, v7;
	(v2sf) =	vpush v4, $0x6;
	v5 =	vld [tilespmem:s21+$0x1410];
	_ =	sdelay $0x4  }
0x3f5: {  	[tilespmem:v17+s14+$0x0] =	vst.idx.msk $0xffff, v5  }
0x3f6: {  	v18 =	vor.u32 v2, v7;
	v5 =	vld [tilespmem:s21+$0x1420];
	_ =	sdelay $0x4  }
0x3f7: {  	[tilespmem:v18+s14+$0x0] =	vst.idx.msk $0xffff, v5  }
0x3f8: {  	v19 =	vor.u32 v3, v7;
	v5 =	vld [tilespmem:s21+$0x1430]  }
0x3f9: {  	s31 =	sor.u32 $0x66, s19  }
0x3fa: {  	v20 =	vmov s31  }
0x3fb: {  	v7 =	vand.u32 $0x76, v20;
	s22 =	spop (v2sf)  }
0x3fc: {  	v7 =	vbroadcast v7, $0x0;
	s21 =	sand.u32 $0x380, s22  }
0x3fd: {  	s21 =	sadd.s32 s21, s20;
	[tilespmem:v19+s14+$0x0] =	vst.idx.msk $0xffff, v5  }
0x3fe: {  	v21 =	vor.u32 v0, v7;
	v5 =	vld [tilespmem:s21+$0x1800];
	_ =	sdelay $0x4  }
0x3ff: {  	[tilespmem:v21+s14+$0x0] =	vst.idx.msk $0xffff, v5  }
0x400: {  	v22 =	vor.u32 v1, v7;
	(v2sf) =	vpush v4, $0x7;
	v5 =	vld [tilespmem:s21+$0x1810];
	_ =	sdelay $0x4  }
0x401: {  	[tilespmem:v22+s14+$0x0] =	vst.idx.msk $0xffff, v5  }
0x402: {  	v23 =	vor.u32 v2, v7;
	v5 =	vld [tilespmem:s21+$0x1820];
	_ =	sdelay $0x4  }
0x403: {  	[tilespmem:v23+s14+$0x0] =	vst.idx.msk $0xffff, v5  }
0x404: {  	v24 =	vor.u32 v3, v7;
	v5 =	vld [tilespmem:s21+$0x1830]  }
0x405: {  	s23 =	sor.u32 $0x67, s19  }
0x406: {  	v25 =	vmov s23  }
0x407: {  	v7 =	vand.u32 $0x77, v25;
	s24 =	spop (v2sf)  }
0x408: {  	v7 =	vbroadcast v7, $0x0;
	s21 =	sand.u32 $0x380, s24  }
0x409: {  	s21 =	sadd.s32 s21, s20;
	[tilespmem:v24+s14+$0x0] =	vst.idx.msk $0xffff, v5  }
0x40a: {  	v26 =	vor.u32 v0, v7;
	v5 =	vld [tilespmem:s21+$0x1C00];
	_ =	sdelay $0x4  }
0x40b: {  	[tilespmem:v26+s14+$0x0] =	vst.idx.msk $0xffff, v5  }
0x40c: {  	v27 =	vor.u32 v1, v7;
	(v2sf) =	vpush v4, $0x8;
	v5 =	vld [tilespmem:s21+$0x1C10];
	_ =	sdelay $0x4  }
0x40d: {  	[tilespmem:v27+s14+$0x0] =	vst.idx.msk $0xffff, v5  }
0x40e: {  	v28 =	vor.u32 v2, v7;
	v5 =	vld [tilespmem:s21+$0x1C20];
	_ =	sdelay $0x4  }
0x40f: {  	[tilespmem:v28+s14+$0x0] =	vst.idx.msk $0xffff, v5  }
0x410: {  	v29 =	vor.u32 v3, v7;
	v5 =	vld [tilespmem:s21+$0x1C30]  }
0x411: {  	s25 =	sor.u32 $0x68, s19  }
0x412: {  	v30 =	vmov s25  }
0x413: {  	v7 =	vand.u32 $0x78, v30;
	s26 =	spop (v2sf)  }
0x414: {  	v7 =	vbroadcast v7, $0x0;
	s21 =	sand.u32 $0x380, s26  }
0x415: {  	s21 =	sadd.s32 s21, s20;
	[tilespmem:v29+s14+$0x0] =	vst.idx.msk $0xffff, v5  }
0x416: {  	v31 =	vor.u32 v0, v7;
	v5 =	vld [tilespmem:s21+$0x2000];
	_ =	sdelay $0x4  }
0x417: {  	[tilespmem:v31+s14+$0x0] =	vst.idx.msk $0xffff, v5  }
0x418: {  	v32 =	vor.u32 v1, v7;
	(v2sf) =	vpush v4, $0x9;
	v5 =	vld [tilespmem:s21+$0x2010];
	_ =	sdelay $0x4  }
0x419: {  	[tilespmem:v32+s14+$0x0] =	vst.idx.msk $0xffff, v5  }
0x41a: {  	v33 =	vor.u32 v2, v7;
	v5 =	vld [tilespmem:s21+$0x2020];
	_ =	sdelay $0x4  }
0x41b: {  	[tilespmem:v33+s14+$0x0] =	vst.idx.msk $0xffff, v5  }
0x41c: {  	v34 =	vor.u32 v3, v7;
	v5 =	vld [tilespmem:s21+$0x2030]  }
0x41d: {  	s28 =	sor.u32 $0x69, s19  }
0x41e: {  	v35 =	vmov s28  }
0x41f: {  	v7 =	vand.u32 $0x79, v35;
	s29 =	spop (v2sf)  }
0x420: {  	v7 =	vbroadcast v7, $0x0;
	s21 =	sand.u32 $0x380, s29  }
0x421: {  	s21 =	sadd.s32 s21, s20;
	[tilespmem:v34+s14+$0x0] =	vst.idx.msk $0xffff, v5  }
0x422: {  	v36 =	vor.u32 v0, v7;
	v5 =	vld [tilespmem:s21+$0x2400];
	_ =	sdelay $0x4  }
0x423: {  	[tilespmem:v36+s14+$0x0] =	vst.idx.msk $0xffff, v5  }
0x424: {  	v37 =	vor.u32 v1, v7;
	(v2sf) =	vpush v4, $0xA;
	v5 =	vld [tilespmem:s21+$0x2410];
	_ =	sdelay $0x4  }
0x425: {  	[tilespmem:v37+s14+$0x0] =	vst.idx.msk $0xffff, v5  }
0x426: {  	v38 =	vor.u32 v2, v7;
	v5 =	vld [tilespmem:s21+$0x2420];
	_ =	sdelay $0x4  }
0x427: {  	[tilespmem:v38+s14+$0x0] =	vst.idx.msk $0xffff, v5  }
0x428: {  	v39 =	vor.u32 v3, v7;
	v5 =	vld [tilespmem:s21+$0x2430]  }
0x429: {  	s30 =	sor.u32 $0x6A, s19  }
0x42a: {  	v40 =	vmov s30  }
0x42b: {  	v7 =	vand.u32 $0x7A, v40;
	s31 =	spop (v2sf)  }
0x42c: {  	v7 =	vbroadcast v7, $0x0;
	s21 =	sand.u32 $0x380, s31  }
0x42d: {  	s21 =	sadd.s32 s21, s20;
	[tilespmem:v39+s14+$0x0] =	vst.idx.msk $0xffff, v5  }
0x42e: {  	v41 =	vor.u32 v0, v7;
	v5 =	vld [tilespmem:s21+$0x2800];
	_ =	sdelay $0x4  }
0x42f: {  	[tilespmem:v41+s14+$0x0] =	vst.idx.msk $0xffff, v5  }
0x430: {  	v42 =	vor.u32 v1, v7;
	(v2sf) =	vpush v4, $0xB;
	v5 =	vld [tilespmem:s21+$0x2810];
	_ =	sdelay $0x4  }
0x431: {  	[tilespmem:v42+s14+$0x0] =	vst.idx.msk $0xffff, v5  }
0x432: {  	v43 =	vor.u32 v2, v7;
	v5 =	vld [tilespmem:s21+$0x2820];
	_ =	sdelay $0x4  }
0x433: {  	[tilespmem:v43+s14+$0x0] =	vst.idx.msk $0xffff, v5  }
0x434: {  	v44 =	vor.u32 v3, v7;
	v5 =	vld [tilespmem:s21+$0x2830]  }
0x435: {  	s22 =	sor.u32 $0x6B, s19  }
0x436: {  	v45 =	vmov s22  }
0x437: {  	v7 =	vand.u32 $0x7B, v45;
	s23 =	spop (v2sf)  }
0x438: {  	v7 =	vbroadcast v7, $0x0;
	s21 =	sand.u32 $0x380, s23  }
0x439: {  	s21 =	sadd.s32 s21, s20;
	[tilespmem:v44+s14+$0x0] =	vst.idx.msk $0xffff, v5  }
0x43a: {  	v46 =	vor.u32 v0, v7;
	v5 =	vld [tilespmem:s21+$0x2C00];
	_ =	sdelay $0x4  }
0x43b: {  	[tilespmem:v46+s14+$0x0] =	vst.idx.msk $0xffff, v5  }
0x43c: {  	v47 =	vor.u32 v1, v7;
	(v2sf) =	vpush v4, $0xC;
	v5 =	vld [tilespmem:s21+$0x2C10];
	_ =	sdelay $0x4  }
0x43d: {  	[tilespmem:v47+s14+$0x0] =	vst.idx.msk $0xffff, v5  }
0x43e: {  	v48 =	vor.u32 v2, v7;
	v5 =	vld [tilespmem:s21+$0x2C20];
	_ =	sdelay $0x4  }
0x43f: {  	[tilespmem:v48+s14+$0x0] =	vst.idx.msk $0xffff, v5  }
0x440: {  	v49 =	vor.u32 v3, v7;
	v5 =	vld [tilespmem:s21+$0x2C30]  }
0x441: {  	s24 =	sor.u32 $0x6C, s19  }
0x442: {  	v50 =	vmov s24  }
0x443: {  	v7 =	vand.u32 $0x7C, v50;
	s25 =	spop (v2sf)  }
0x444: {  	v7 =	vbroadcast v7, $0x0;
	s21 =	sand.u32 $0x380, s25  }
0x445: {  	s21 =	sadd.s32 s21, s20;
	[tilespmem:v49+s14+$0x0] =	vst.idx.msk $0xffff, v5  }
0x446: {  	v51 =	vor.u32 v0, v7;
	v5 =	vld [tilespmem:s21+$0x3000];
	_ =	sdelay $0x4  }
0x447: {  	[tilespmem:v51+s14+$0x0] =	vst.idx.msk $0xffff, v5  }
0x448: {  	v52 =	vor.u32 v1, v7;
	(v2sf) =	vpush v4, $0xD;
	v5 =	vld [tilespmem:s21+$0x3010];
	_ =	sdelay $0x4  }
0x449: {  	[tilespmem:v52+s14+$0x0] =	vst.idx.msk $0xffff, v5  }
0x44a: {  	v53 =	vor.u32 v2, v7;
	v5 =	vld [tilespmem:s21+$0x3020];
	_ =	sdelay $0x4  }
0x44b: {  	[tilespmem:v53+s14+$0x0] =	vst.idx.msk $0xffff, v5  }
0x44c: {  	v54 =	vor.u32 v3, v7;
	v5 =	vld [tilespmem:s21+$0x3030]  }
0x44d: {  	s26 =	sor.u32 $0x6D, s19  }
0x44e: {  	v55 =	vmov s26  }
0x44f: {  	v7 =	vand.u32 $0x7D, v55;
	s28 =	spop (v2sf)  }
0x450: {  	v7 =	vbroadcast v7, $0x0;
	s21 =	sand.u32 $0x380, s28  }
0x451: {  	s21 =	sadd.s32 s21, s20;
	[tilespmem:v54+s14+$0x0] =	vst.idx.msk $0xffff, v5  }
0x452: {  	v56 =	vor.u32 v0, v7;
	v5 =	vld [tilespmem:s21+$0x3400];
	_ =	sdelay $0x4  }
0x453: {  	[tilespmem:v56+s14+$0x0] =	vst.idx.msk $0xffff, v5  }
0x454: {  	v57 =	vor.u32 v1, v7;
	(v2sf) =	vpush v4, $0xE;
	v5 =	vld [tilespmem:s21+$0x3410];
	_ =	sdelay $0x4  }
0x455: {  	[tilespmem:v57+s14+$0x0] =	vst.idx.msk $0xffff, v5  }
0x456: {  	v58 =	vor.u32 v2, v7;
	v5 =	vld [tilespmem:s21+$0x3420];
	_ =	sdelay $0x4  }
0x457: {  	[tilespmem:v58+s14+$0x0] =	vst.idx.msk $0xffff, v5  }
0x458: {  	v59 =	vor.u32 v3, v7;
	v5 =	vld [tilespmem:s21+$0x3430]  }
0x459: {  	s29 =	sor.u32 $0x6E, s19  }
0x45a: {  	v60 =	vmov s29  }
0x45b: {  	s30 =	spop (v2sf);
	v7 =	vand.u32 $0x7E, v60  }
0x45c: {  	v7 =	vbroadcast v7, $0x0;
	s21 =	sand.u32 $0x380, s30  }
0x45d: {  	s21 =	sadd.s32 s21, s20;
	[tilespmem:v59+s14+$0x0] =	vst.idx.msk $0xffff, v5  }
0x45e: {  	v61 =	vor.u32 v0, v7;
	v5 =	vld [tilespmem:s21+$0x3800];
	_ =	sdelay $0x4  }
0x45f: {  	[tilespmem:v61+s14+$0x0] =	vst.idx.msk $0xffff, v5  }
0x460: {  	(v2sf) =	vpush v4, $0xF;
	v62 =	vor.u32 v1, v7;
	v5 =	vld [tilespmem:s21+$0x3810];
	_ =	sdelay $0x4  }
0x461: {  	[tilespmem:v62+s14+$0x0] =	vst.idx.msk $0xffff, v5  }
0x462: {  	v5 =	vor.u32 v2, v7;
	v4 =	vld [tilespmem:s21+$0x3820];
	_ =	sdelay $0x4  }
0x463: {  	[tilespmem:v5+s14+$0x0] =	vst.idx.msk $0xffff, v4  }
0x464: {  	v5 =	vor.u32 v3, v7;
	v4 =	vld [tilespmem:s21+$0x3830]  }
0x465: {  	s19 =	sor.u32 $0x6F, s19  }
0x466: {  	v63 =	vmov s19  }
0x467: {  	v6 =	vand.u32 $0x7F, v63;
	s31 =	spop (v2sf)  }
0x468: {  	v6 =	vbroadcast v6, $0x0;
	s19 =	sand.u32 $0x380, s31  }
0x469: {  	s19 =	sadd.s32 s19, s20;
	[tilespmem:v5+s14+$0x0] =	vst.idx.msk $0xffff, v4  }
0x46a: {  	v5 =	vor.u32 v0, v6;
	v4 =	vld [tilespmem:s19+$0x3C00];
	_ =	sdelay $0x4  }
0x46b: {  	[tilespmem:v5+s14+$0x0] =	vst.idx.msk $0xffff, v4  }
0x46c: {  	v5 =	vor.u32 v1, v6;
	v4 =	vld [tilespmem:s19+$0x3C10];
	_ =	sdelay $0x4  }
0x46d: {  	[tilespmem:v5+s14+$0x0] =	vst.idx.msk $0xffff, v4  }
0x46e: {  	v5 =	vor.u32 v2, v6;
	v4 =	vld [tilespmem:s19+$0x3C20];
	_ =	sdelay $0x4  }
0x46f: {  	[tilespmem:v5+s14+$0x0] =	vst.idx.msk $0xffff, v4  }
0x470: {  	p1 =	por p0, p0;
	v5 =	vor.u32 v3, v6;
	v4 =	vld [tilespmem:s19+$0x3C30]  }
.Ltmp7:
0x471: {  	_ = 	snop;
	(pc) =	sbr.rel @p1 .LBB2_14-.Ltmp7, $2  }
0x472: {  	_ =	sdelay $0x2  }
0x473: {  	p0 =	por $0x0, $0x0;
	s20 =	simm.s32 $0x1;
	[tilespmem:v5+s14+$0x0] =	vst.idx.msk $0xffff, v4  }
0x474: {  	s18 =	sadd.s32 $0x1, s18  }
0x475: {  	p0 =	sne.s32 s18, s8  }
.Ltmp8:
0x476: {  	_ = 	snop;
	(pc) =	sbr.rel @p0 .LBB2_1-.Ltmp8, $4  }
0x477: {  	[hbm4b:s7+s15] =	stream.strided.scatter [tilespmem:s14], [sflag:$0x4], $0x2000, s16, s15, $0x38;
	[tilespmem:$0x1A200] =	vst v63  }
0x478: {  	_ =	swait.ge [sflag:s17], $0x2000  }
0x479: {  	[sflag:s17] =	ssyncset.done $0x0  }
0x47a: {  	[sflag:s17] =	ssyncadd.s32 $0xFFFFE000  }
0x47b: {  	_ =	sfence.sel $0x180000  }
0x47c: {  	[bflag:$0x0] =	sbarrier.arrive $0xFFFF  }
0x47d: {  	p0 =	sne.s32 s2, $0x0;
	_ =	strace $0x90000047  }
0x47e: {  	s0 =	sadd.s32 @!p0 $0x100000, s0;
	[bflag:$0x2] =	sbarrier.arrive $0xFFFF  }
0x47f: {  	[sflag:s0] =	ssyncadd.tile.s32 @!p0 $0x1;
	_ =	shalt  }
.Lfunc_end2:
_tile_overlayer_lowered:
.L_overlay_start_2:
0x480: {  	(tag) =	ssettag $0x2  }
0x481: {  	s0 =	rddreg [dreg:$0x0];
	s2 =	stileid.u32  }
0x482: {  	s1 =	rddreg [dreg:$0x1];
	p0 =	sne.s32 s2, $0x0  }
0x483: {  	s3 =	rddreg [dreg:$0x2];
	[bflag:$0x3] =	sbarrier.arrive $0xFFFF;
	s2 =	simm.s32 @!p0 $0x1C04  }
0x484: {  	[timem:s3], [sflag:s2] =	dma.local @!p0 [hbm:s0], s1  }
0x485: {  	s0 =	simm.s32 @!p0 $0x4  }
0x486: {  	_ =	swait.ge @!p0 [sflag:s0], s1  }
0x487: {  	s1 =	ssub.s32 @!p0 $0x0, s1;
	[sflag:s0] =	ssyncset.done @!p0 $0x0  }
0x488: {  	[sflag:s0] =	ssyncadd.s32 @!p0 s1  }
0x489: {  	[bflag:$0x3] =	sbarrier.arrive $0xFFFF  }
0x48a: {  	_ =	shalt  }

</sc_bundles>
